<compile_context>
chip_gen: v7x
topology: tpu7x:2x2x1
jax: 0.10.2.dev20260603
libtpu: 0.0.44.dev20260713+nightly
codegen_flags: <defaults>
</compile_context>

<pallas_src>
import functools

import jax
import jax.numpy as jnp
from jax import lax
from jax.experimental import pallas as pl
from jax.experimental.pallas import tpu as pltpu
from jax.experimental.pallas import tpu_sc as plsc

B = 16384
D = 64

_info = plsc.get_sparse_core_info()
_NC, _NS = _info.num_cores, _info.num_subcores
NW = _NC * _NS
BPW = B // NW
NG = BPW // 16


def _sc_gather_body(ui, mi, ugt, mgt, umt, mmt,
                    ug_o, mg_o, um_o, mm_o, uiv, miv, ob0, ob1,
                    gs0, gs1, ws0, ws1):
    wid = lax.axis_index("s") * _NC + lax.axis_index("c")
    base = wid * BPW
    pltpu.sync_copy(ui.at[pl.ds(wid * NG, NG)], uiv)
    pltpu.sync_copy(mi.at[pl.ds(wid * NG, NG)], miv)

    obs = (ob0, ob1)
    gsems = (gs0, gs1)
    wsems = (ws0, ws1)
    CH = BPW // 2
    NGC = CH // 16
    units = []
    for tbl, ivv, out in ((ugt, uiv, ug_o), (mgt, miv, mg_o),
                          (umt, uiv, um_o), (mmt, miv, mm_o)):
        for h in range(2):
            units.append((tbl, ivv, out, h))
    nu = len(units)
    for k in range(nu + 1):
        if k < nu:
            tbl, ivv, out, h = units[k]
            b = k % 2
            if k >= 2:
                pout = units[k - 2][2]
                pltpu.make_async_copy(
                    obs[b], pout.at[pl.ds(base, CH)], wsems[b]).wait()

            def body(g, carry, tbl=tbl, ivv=ivv, h=h, b=b):
                v = ivv[h * NGC + g, :]
                ob = g * 16
                for l in range(16):
                    pltpu.async_copy(tbl.at[pl.ds(v[l], 1)],
                                     obs[b].at[pl.ds(ob + l, 1)], gsems[b])
                return carry
            lax.fori_loop(0, NGC, body, 0)
        j = k - 1
        if j >= 0:
            tbl, ivv, out, h = units[j]
            bj = j % 2
            pltpu.make_async_copy(tbl.at[pl.ds(0, CH)], obs[bj],
                                  gsems[bj]).wait()
            pltpu.async_copy(obs[bj],
                             out.at[pl.ds(base + h * CH, CH)], wsems[bj])
    out = units[nu - 1][2]
    pltpu.make_async_copy(obs[1], out.at[pl.ds(base, CH)], wsems[1]).wait()
    pltpu.make_async_copy(obs[0], out.at[pl.ds(base, CH)], wsems[0]).wait()


def _sc_gather(ui, mi, ugt, mgt, umt, mmt):
    mesh = plsc.VectorSubcoreMesh(core_axis_name="c", subcore_axis_name="s")
    f = functools.partial(
        pl.kernel,
        mesh=mesh,
        out_type=[jax.ShapeDtypeStruct((B, D), jnp.float32)] * 4,
        scratch_types=[
            pltpu.VMEM((NG, 16), jnp.int32),
            pltpu.VMEM((NG, 16), jnp.int32),
            pltpu.VMEM((BPW // 2, D), jnp.float32),
            pltpu.VMEM((BPW // 2, D), jnp.float32),
        ] + [pltpu.SemaphoreType.DMA] * 4,
    )(_sc_gather_body)
    return f(ui, mi, ugt, mgt, umt, mmt)


def _tc_dense_body(ug_ref, mg_ref, um_ref, mm_ref, w1u_ref, w1m_ref, b1_ref,
                   w2_ref, b2_ref, wfg_ref, wfm_ref, bf_ref, o_ref):
    um = um_ref[...]
    mm = mm_ref[...]
    h = jnp.maximum(
        jnp.dot(um, w1u_ref[...], preferred_element_type=jnp.float32)
        + jnp.dot(mm, w1m_ref[...], preferred_element_type=jnp.float32)
        + b1_ref[...][None, :], 0.0)
    m = jnp.maximum(
        jnp.dot(h, w2_ref[...], preferred_element_type=jnp.float32)
        + b2_ref[...][None, :], 0.0)
    g = ug_ref[...] * mg_ref[...]
    pred = (jnp.sum(g * wfg_ref[...][None, :], axis=-1)
            + jnp.sum(m * wfm_ref[...][None, :], axis=-1) + bf_ref[0])
    o_ref[...] = pred


def _tc_dense(ug, mg, um, mm, w1u, w1m, b1, w2t, b2, wfg, wfm, bf):
    bb = 2048
    grid = (B // bb,)
    row = lambda i: (i, 0)
    full2 = lambda i: (0, 0)
    full1 = lambda i: (0,)
    return pl.pallas_call(
        _tc_dense_body,
        grid=grid,
        in_specs=[
            pl.BlockSpec((bb, D), row),
            pl.BlockSpec((bb, D), row),
            pl.BlockSpec((bb, D), row),
            pl.BlockSpec((bb, D), row),
            pl.BlockSpec((D, D), full2),
            pl.BlockSpec((D, D), full2),
            pl.BlockSpec((D,), full1),
            pl.BlockSpec((D, D // 2), full2),
            pl.BlockSpec((D // 2,), full1),
            pl.BlockSpec((D,), full1),
            pl.BlockSpec((D // 2,), full1),
            pl.BlockSpec((1,), full1),
        ],
        out_specs=pl.BlockSpec((bb,), lambda i: (i,)),
        out_shape=jax.ShapeDtypeStruct((B,), jnp.float32),
    )(ug, mg, um, mm, w1u, w1m, b1, w2t, b2, wfg, wfm, bf)


def kernel(user_indices, movie_indices, user_gmf_table, movie_gmf_table,
           user_mlp_table, movie_mlp_table, W1, b1, W2, b2, Wf, bf):
    ui = user_indices.astype(jnp.int32).reshape(B // 16, 16)
    mi = movie_indices.astype(jnp.int32).reshape(B // 16, 16)
    ug, mg, um, mm = _sc_gather(ui, mi, user_gmf_table, movie_gmf_table,
                                user_mlp_table, movie_mlp_table)
    w1u = W1[:, :D].T
    w1m = W1[:, D:].T
    w2t = W2.T
    wfg = Wf[0, :D]
    wfm = Wf[0, D:]
    return _tc_dense(ug, mg, um, mm, w1u, w1m, b1, w2t, b2, wfg, wfm, bf)

# --- scband reference (transcript-rebuilt; emitter-appended) ---
"""Pipeline reference for scband-ncf-88038239633962 (READ-ONLY COPY).

The authoritative reference and input builder live on the scoring server;
editing this copy changes nothing except your own understanding.
"""

import jax, jax.numpy as jnp
import numpy as np

NUM_USERS = 1000000
NUM_MOVIES = 100000
D = 64
B = 16384

def setup_inputs(seed: int = 0) -> dict:
    key = jax.random.key(seed)
    ks = jax.random.split(key, 12)
    user_indices = jax.random.randint(ks[0], (B,), 0, NUM_USERS, dtype=jnp.int64 if jax.config.jax_enable_x64 else jnp.int32)
    movie_indices = jax.random.randint(ks[1], (B,), 0, NUM_MOVIES, dtype=jnp.int64 if jax.config.jax_enable_x64 else jnp.int32)
    user_gmf_table = jax.random.normal(ks[2], (NUM_USERS, D), dtype=jnp.float32) * 0.02
    movie_gmf_table = jax.random.normal(ks[3], (NUM_MOVIES, D), dtype=jnp.float32) * 0.02
    user_mlp_table = jax.random.normal(ks[4], (NUM_USERS, D), dtype=jnp.float32) * 0.02
    movie_mlp_table = jax.random.normal(ks[5], (NUM_MOVIES, D), dtype=jnp.float32) * 0.02
    W1 = jax.random.normal(ks[6], (D, 2 * D), dtype=jnp.float32) * (1.0 / np.sqrt(2 * D))
    b1 = jnp.zeros((D,), dtype=jnp.float32)
    W2 = jax.random.normal(ks[7], (D // 2, D), dtype=jnp.float32) * (1.0 / np.sqrt(D))
    b2 = jnp.zeros((D // 2,), dtype=jnp.float32)
    Wf = jax.random.normal(ks[8], (1, D + D // 2), dtype=jnp.float32) * (1.0 / np.sqrt(D + D // 2))
    bf = jnp.zeros((1,), dtype=jnp.float32)
    return {
        'user_indices': user_indices,
        'movie_indices': movie_indices,
        'user_gmf_table': user_gmf_table,
        'movie_gmf_table': movie_gmf_table,
        'user_mlp_table': user_mlp_table,
        'movie_mlp_table': movie_mlp_table,
        'W1': W1, 'b1': b1, 'W2': W2, 'b2': b2, 'Wf': Wf, 'bf': bf,
    }

def reference(user_indices, movie_indices, user_gmf_table, movie_gmf_table,
              user_mlp_table, movie_mlp_table, W1, b1, W2, b2, Wf, bf):
    user_gmf = jnp.take(user_gmf_table, user_indices, axis=0)
    movie_gmf = jnp.take(movie_gmf_table, movie_indices, axis=0)
    gmf_output = user_gmf * movie_gmf
    user_mlp = jnp.take(user_mlp_table, user_indices, axis=0)
    movie_mlp = jnp.take(movie_mlp_table, movie_indices, axis=0)
    mlp_input = jnp.concatenate([user_mlp, movie_mlp], axis=-1)
    h = jax.nn.relu(mlp_input @ W1.T + b1)
    mlp_output = jax.nn.relu(h @ W2.T + b2)
    combined = jnp.concatenate([gmf_output, mlp_output], axis=-1)
    prediction = combined @ Wf.T + bf
    return jnp.squeeze(prediction, axis=-1)

if __name__ == "__main__":
    import jax
    _d = setup_inputs()
    print(jax.jit(kernel)(*tuple(_d.values())))

</pallas_src>

<mosaic_0001>
#map = affine_map<(d0, d1) -> (0, 0)>
module attributes {stable_mosaic.version = 14 : i64} {
  func.func @_sc_gather_body(%arg0: i32, %arg1: i32, %arg2: memref<1024x16xi32, #tpu.memory_space<hbm>>, %arg3: memref<1024x16xi32, #tpu.memory_space<hbm>>, %arg4: memref<1000000x64xf32, #tpu.memory_space<hbm>>, %arg5: memref<100000x64xf32, #tpu.memory_space<hbm>>, %arg6: memref<1000000x64xf32, #tpu.memory_space<hbm>>, %arg7: memref<100000x64xf32, #tpu.memory_space<hbm>>, %arg8: memref<16384x64xf32, #tpu.memory_space<hbm>>, %arg9: memref<16384x64xf32, #tpu.memory_space<hbm>>, %arg10: memref<16384x64xf32, #tpu.memory_space<hbm>>, %arg11: memref<16384x64xf32, #tpu.memory_space<hbm>>, %arg12: memref<32x16xi32, #tpu.memory_space<vmem>>, %arg13: memref<32x16xi32, #tpu.memory_space<vmem>>, %arg14: memref<256x64xf32, #tpu.memory_space<vmem>>, %arg15: memref<256x64xf32, #tpu.memory_space<vmem>>, %arg16: memref<!tpu.dma_semaphore, #tpu.memory_space<semaphore_mem>>, %arg17: memref<!tpu.dma_semaphore, #tpu.memory_space<semaphore_mem>>, %arg18: memref<!tpu.dma_semaphore, #tpu.memory_space<semaphore_mem>>, %arg19: memref<!tpu.dma_semaphore, #tpu.memory_space<semaphore_mem>>) attributes {dimension_semantics = [#tpu.dimension_semantics<core_parallel>, #tpu.dimension_semantics<subcore_parallel>], iteration_bounds = array<i64: 2, 16>, scalar_prefetch = 0 : i64, scratch_operands = 8 : i64, tpu.core_type = #tpu.core_type<sc_vector_subcore>, window_params = [{transform_indices = #map}, {transform_indices = #map}, {transform_indices = #map}, {transform_indices = #map}, {transform_indices = #map}, {transform_indices = #map}, {transform_indices = #map}, {transform_indices = #map}, {transform_indices = #map}, {transform_indices = #map}]} {
    %mul3A = arith.constant 2 : i32
    %mul3A_0 = arith.muli %arg1, %mul3A : i32
    %add3A = arith.addi %mul3A_0, %arg0 : i32
    %mul3A_1 = arith.constant 512 : i32
    %mul3A_2 = arith.muli %add3A, %mul3A_1 : i32
    %mul3A_3 = arith.constant 32 : i32
    %mul3A_4 = arith.muli %add3A, %mul3A_3 : i32
    "tpu.region"() ({
      %run_scoped3A = tpu.sem_alloc : memref<!tpu.dma_semaphore, #tpu.memory_space<semaphore_mem>>
      %dma_start3A_180 = arith.constant 0 : i32
      %dma_start3A_181 = tpu.memref_slice %arg2[%mul3A_4, %dma_start3A_180] : memref<1024x16xi32, #tpu.memory_space<hbm>> -> memref<32x16xi32, #tpu.memory_space<hbm>>
      %dma_start3A_182 = arith.constant 0 : i32
      %dma_start3A_183 = tpu.memref_slice %arg2[%mul3A_4, %dma_start3A_182] : memref<1024x16xi32, #tpu.memory_space<hbm>> -> memref<32x16xi32, #tpu.memory_space<hbm>>
      tpu.enqueue_dma source(%dma_start3A_183 : memref<32x16xi32, #tpu.memory_space<hbm>>) target(%arg12 : memref<32x16xi32, #tpu.memory_space<vmem>>) target_semaphore(%run_scoped3A : memref<!tpu.dma_semaphore, #tpu.memory_space<semaphore_mem>>)
      %dma_wait3A_184 = arith.constant 0 : i32
      %dma_wait3A_185 = tpu.memref_slice %arg2[%mul3A_4, %dma_wait3A_184] : memref<1024x16xi32, #tpu.memory_space<hbm>> -> memref<32x16xi32, #tpu.memory_space<hbm>>
      %dma_wait3A_186 = arith.constant 0 : i32
      %dma_wait3A_187 = tpu.memref_slice %arg2[%mul3A_4, %dma_wait3A_186] : memref<1024x16xi32, #tpu.memory_space<hbm>> -> memref<32x16xi32, #tpu.memory_space<hbm>>
      tpu.wait_dma2 semaphore(%run_scoped3A : memref<!tpu.dma_semaphore, #tpu.memory_space<semaphore_mem>>) src(%dma_wait3A_187 : memref<32x16xi32, #tpu.memory_space<hbm>>) dst(%arg12 : memref<32x16xi32, #tpu.memory_space<vmem>>)
      tpu.yield
    }) : () -> ()
    %mul3A_5 = arith.constant 32 : i32
    %mul3A_6 = arith.muli %add3A, %mul3A_5 : i32
    "tpu.region"() ({
      %run_scoped3A = tpu.sem_alloc : memref<!tpu.dma_semaphore, #tpu.memory_space<semaphore_mem>>
      %dma_start3A_180 = arith.constant 0 : i32
      %dma_start3A_181 = tpu.memref_slice %arg3[%mul3A_6, %dma_start3A_180] : memref<1024x16xi32, #tpu.memory_space<hbm>> -> memref<32x16xi32, #tpu.memory_space<hbm>>
      %dma_start3A_182 = arith.constant 0 : i32
      %dma_start3A_183 = tpu.memref_slice %arg3[%mul3A_6, %dma_start3A_182] : memref<1024x16xi32, #tpu.memory_space<hbm>> -> memref<32x16xi32, #tpu.memory_space<hbm>>
      tpu.enqueue_dma source(%dma_start3A_183 : memref<32x16xi32, #tpu.memory_space<hbm>>) target(%arg13 : memref<32x16xi32, #tpu.memory_space<vmem>>) target_semaphore(%run_scoped3A : memref<!tpu.dma_semaphore, #tpu.memory_space<semaphore_mem>>)
      %dma_wait3A_184 = arith.constant 0 : i32
      %dma_wait3A_185 = tpu.memref_slice %arg3[%mul3A_6, %dma_wait3A_184] : memref<1024x16xi32, #tpu.memory_space<hbm>> -> memref<32x16xi32, #tpu.memory_space<hbm>>
      %dma_wait3A_186 = arith.constant 0 : i32
      %dma_wait3A_187 = tpu.memref_slice %arg3[%mul3A_6, %dma_wait3A_186] : memref<1024x16xi32, #tpu.memory_space<hbm>> -> memref<32x16xi32, #tpu.memory_space<hbm>>
      tpu.wait_dma2 semaphore(%run_scoped3A : memref<!tpu.dma_semaphore, #tpu.memory_space<semaphore_mem>>) src(%dma_wait3A_187 : memref<32x16xi32, #tpu.memory_space<hbm>>) dst(%arg13 : memref<32x16xi32, #tpu.memory_space<vmem>>)
      tpu.yield
    }) : () -> ()
    %scan3A = arith.constant 0 : i32
    %scan3A_7 = arith.constant 0 : i32
    %scan3A_8 = arith.constant 16 : i32
    %scan3A_9 = arith.addi %scan3A_7, %scan3A_8 : i32
    %scan3A_10 = arith.constant 1 : i32
    scf.for %scan3A_180 = %scan3A_7 to %scan3A_9 step %scan3A_10  : i32 {
      %add3A_181 = arith.constant 0 : i32
      %add3A_182 = arith.addi %add3A_181, %scan3A_180 : i32
      %get3A = arith.index_cast %add3A_182 : i32 to index
      %get3A_183 = arith.constant 0 : index
      %get3A_184 = tpu.vector_load %arg12[%get3A, %get3A_183] {strides = array<i32>} : memref<32x16xi32, #tpu.memory_space<vmem>>, vector<1x16xi32>,
      %get3A_185 = vector.shape_cast %get3A_184 : vector<1x16xi32> to vector<16xi32>
      %mul3A_186 = arith.constant 16 : i32
      %mul3A_187 = arith.muli %scan3A_180, %mul3A_186 : i32
      %slice3A = vector.extract_strided_slice %get3A_185 {offsets = [0], sizes = [1], strides = [1]} : vector<16xi32> to vector<1xi32>
      %squeeze3A = vector.extract %slice3A[0] : i32 from vector<1xi32>
      %add3A_188 = arith.constant 0 : i32
      %add3A_189 = arith.addi %mul3A_187, %add3A_188 : i32
      %dma_start3A_190 = arith.constant 0 : i32
      %dma_start3A_191 = tpu.memref_slice %arg14[%add3A_189, %dma_start3A_190] : memref<256x64xf32, #tpu.memory_space<vmem>> -> memref<1x64xf32, #tpu.memory_space<vmem>>
      %dma_start3A_192 = arith.constant 0 : i32
      %dma_start3A_193 = tpu.memref_slice %arg4[%squeeze3A, %dma_start3A_192] : memref<1000000x64xf32, #tpu.memory_space<hbm>> -> memref<1x64xf32, #tpu.memory_space<hbm>>
      %dma_start3A_194 = arith.constant 0 : i32
      %dma_start3A_195 = tpu.memref_slice %arg14[%add3A_189, %dma_start3A_194] : memref<256x64xf32, #tpu.memory_space<vmem>> -> memref<1x64xf32, #tpu.memory_space<vmem>>
      %dma_start3A_196 = arith.constant 0 : i32
      %dma_start3A_197 = tpu.memref_slice %arg4[%squeeze3A, %dma_start3A_196] : memref<1000000x64xf32, #tpu.memory_space<hbm>> -> memref<1x64xf32, #tpu.memory_space<hbm>>
      tpu.enqueue_dma source(%dma_start3A_197 : memref<1x64xf32, #tpu.memory_space<hbm>>) target(%dma_start3A_195 : memref<1x64xf32, #tpu.memory_space<vmem>>) target_semaphore(%arg16 : memref<!tpu.dma_semaphore, #tpu.memory_space<semaphore_mem>>)
      %slice3A_198 = vector.extract_strided_slice %get3A_185 {offsets = [1], sizes = [1], strides = [1]} : vector<16xi32> to vector<1xi32>
      %squeeze3A_199 = vector.extract %slice3A_198[0] : i32 from vector<1xi32>
      %add3A_200 = arith.constant 1 : i32
      %add3A_201 = arith.addi %mul3A_187, %add3A_200 : i32
      %dma_start3A_202 = arith.constant 0 : i32
      %dma_start3A_203 = tpu.memref_slice %arg14[%add3A_201, %dma_start3A_202] : memref<256x64xf32, #tpu.memory_space<vmem>> -> memref<1x64xf32, #tpu.memory_space<vmem>>
      %dma_start3A_204 = arith.constant 0 : i32
      %dma_start3A_205 = tpu.memref_slice %arg4[%squeeze3A_199, %dma_start3A_204] : memref<1000000x64xf32, #tpu.memory_space<hbm>> -> memref<1x64xf32, #tpu.memory_space<hbm>>
      %dma_start3A_206 = arith.constant 0 : i32
      %dma_start3A_207 = tpu.memref_slice %arg14[%add3A_201, %dma_start3A_206] : memref<256x64xf32, #tpu.memory_space<vmem>> -> memref<1x64xf32, #tpu.memory_space<vmem>>
      %dma_start3A_208 = arith.constant 0 : i32
      %dma_start3A_209 = tpu.memref_slice %arg4[%squeeze3A_199, %dma_start3A_208] : memref<1000000x64xf32, #tpu.memory_space<hbm>> -> memref<1x64xf32, #tpu.memory_space<hbm>>
      tpu.enqueue_dma source(%dma_start3A_209 : memref<1x64xf32, #tpu.memory_space<hbm>>) target(%dma_start3A_207 : memref<1x64xf32, #tpu.memory_space<vmem>>) target_semaphore(%arg16 : memref<!tpu.dma_semaphore, #tpu.memory_space<semaphore_mem>>)
      %slice3A_210 = vector.extract_strided_slice %get3A_185 {offsets = [2], sizes = [1], strides = [1]} : vector<16xi32> to vector<1xi32>
      %squeeze3A_211 = vector.extract %slice3A_210[0] : i32 from vector<1xi32>
      %add3A_212 = arith.constant 2 : i32
      %add3A_213 = arith.addi %mul3A_187, %add3A_212 : i32
      %dma_start3A_214 = arith.constant 0 : i32
      %dma_start3A_215 = tpu.memref_slice %arg14[%add3A_213, %dma_start3A_214] : memref<256x64xf32, #tpu.memory_space<vmem>> -> memref<1x64xf32, #tpu.memory_space<vmem>>
      %dma_start3A_216 = arith.constant 0 : i32
      %dma_start3A_217 = tpu.memref_slice %arg4[%squeeze3A_211, %dma_start3A_216] : memref<1000000x64xf32, #tpu.memory_space<hbm>> -> memref<1x64xf32, #tpu.memory_space<hbm>>
      %dma_start3A_218 = arith.constant 0 : i32
      %dma_start3A_219 = tpu.memref_slice %arg14[%add3A_213, %dma_start3A_218] : memref<256x64xf32, #tpu.memory_space<vmem>> -> memref<1x64xf32, #tpu.memory_space<vmem>>
      %dma_start3A_220 = arith.constant 0 : i32
      %dma_start3A_221 = tpu.memref_slice %arg4[%squeeze3A_211, %dma_start3A_220] : memref<1000000x64xf32, #tpu.memory_space<hbm>> -> memref<1x64xf32, #tpu.memory_space<hbm>>
      tpu.enqueue_dma source(%dma_start3A_221 : memref<1x64xf32, #tpu.memory_space<hbm>>) target(%dma_start3A_219 : memref<1x64xf32, #tpu.memory_space<vmem>>) target_semaphore(%arg16 : memref<!tpu.dma_semaphore, #tpu.memory_space<semaphore_mem>>)
      %slice3A_222 = vector.extract_strided_slice %get3A_185 {offsets = [3], sizes = [1], strides = [1]} : vector<16xi32> to vector<1xi32>
      %squeeze3A_223 = vector.extract %slice3A_222[0] : i32 from vector<1xi32>
      %add3A_224 = arith.constant 3 : i32
      %add3A_225 = arith.addi %mul3A_187, %add3A_224 : i32
      %dma_start3A_226 = arith.constant 0 : i32
      %dma_start3A_227 = tpu.memref_slice %arg14[%add3A_225, %dma_start3A_226] : memref<256x64xf32, #tpu.memory_space<vmem>> -> memref<1x64xf32, #tpu.memory_space<vmem>>
      %dma_start3A_228 = arith.constant 0 : i32
      %dma_start3A_229 = tpu.memref_slice %arg4[%squeeze3A_223, %dma_start3A_228] : memref<1000000x64xf32, #tpu.memory_space<hbm>> -> memref<1x64xf32, #tpu.memory_space<hbm>>
      %dma_start3A_230 = arith.constant 0 : i32
      %dma_start3A_231 = tpu.memref_slice %arg14[%add3A_225, %dma_start3A_230] : memref<256x64xf32, #tpu.memory_space<vmem>> -> memref<1x64xf32, #tpu.memory_space<vmem>>
      %dma_start3A_232 = arith.constant 0 : i32
      %dma_start3A_233 = tpu.memref_slice %arg4[%squeeze3A_223, %dma_start3A_232] : memref<1000000x64xf32, #tpu.memory_space<hbm>> -> memref<1x64xf32, #tpu.memory_space<hbm>>
      tpu.enqueue_dma source(%dma_start3A_233 : memref<1x64xf32, #tpu.memory_space<hbm>>) target(%dma_start3A_231 : memref<1x64xf32, #tpu.memory_space<vmem>>) target_semaphore(%arg16 : memref<!tpu.dma_semaphore, #tpu.memory_space<semaphore_mem>>)
      %slice3A_234 = vector.extract_strided_slice %get3A_185 {offsets = [4], sizes = [1], strides = [1]} : vector<16xi32> to vector<1xi32>
      %squeeze3A_235 = vector.extract %slice3A_234[0] : i32 from vector<1xi32>
      %add3A_236 = arith.constant 4 : i32
      %add3A_237 = arith.addi %mul3A_187, %add3A_236 : i32
      %dma_start3A_238 = arith.constant 0 : i32
      %dma_start3A_239 = tpu.memref_slice %arg14[%add3A_237, %dma_start3A_238] : memref<256x64xf32, #tpu.memory_space<vmem>> -> memref<1x64xf32, #tpu.memory_space<vmem>>
      %dma_start3A_240 = arith.constant 0 : i32
      %dma_start3A_241 = tpu.memref_slice %arg4[%squeeze3A_235, %dma_start3A_240] : memref<1000000x64xf32, #tpu.memory_space<hbm>> -> memref<1x64xf32, #tpu.memory_space<hbm>>
      %dma_start3A_242 = arith.constant 0 : i32
      %dma_start3A_243 = tpu.memref_slice %arg14[%add3A_237, %dma_start3A_242] : memref<256x64xf32, #tpu.memory_space<vmem>> -> memref<1x64xf32, #tpu.memory_space<vmem>>
      %dma_start3A_244 = arith.constant 0 : i32
      %dma_start3A_245 = tpu.memref_slice %arg4[%squeeze3A_235, %dma_start3A_244] : memref<1000000x64xf32, #tpu.memory_space<hbm>> -> memref<1x64xf32, #tpu.memory_space<hbm>>
      tpu.enqueue_dma source(%dma_start3A_245 : memref<1x64xf32, #tpu.memory_space<hbm>>) target(%dma_start3A_243 : memref<1x64xf32, #tpu.memory_space<vmem>>) target_semaphore(%arg16 : memref<!tpu.dma_semaphore, #tpu.memory_space<semaphore_mem>>)
      %slice3A_246 = vector.extract_strided_slice %get3A_185 {offsets = [5], sizes = [1], strides = [1]} : vector<16xi32> to vector<1xi32>
      %squeeze3A_247 = vector.extract %slice3A_246[0] : i32 from vector<1xi32>
      %add3A_248 = arith.constant 5 : i32
      %add3A_249 = arith.addi %mul3A_187, %add3A_248 : i32
      %dma_start3A_250 = arith.constant 0 : i32
      %dma_start3A_251 = tpu.memref_slice %arg14[%add3A_249, %dma_start3A_250] : memref<256x64xf32, #tpu.memory_space<vmem>> -> memref<1x64xf32, #tpu.memory_space<vmem>>
      %dma_start3A_252 = arith.constant 0 : i32
      %dma_start3A_253 = tpu.memref_slice %arg4[%squeeze3A_247, %dma_start3A_252] : memref<1000000x64xf32, #tpu.memory_space<hbm>> -> memref<1x64xf32, #tpu.memory_space<hbm>>
      %dma_start3A_254 = arith.constant 0 : i32
      %dma_start3A_255 = tpu.memref_slice %arg14[%add3A_249, %dma_start3A_254] : memref<256x64xf32, #tpu.memory_space<vmem>> -> memref<1x64xf32, #tpu.memory_space<vmem>>
      %dma_start3A_256 = arith.constant 0 : i32
      %dma_start3A_257 = tpu.memref_slice %arg4[%squeeze3A_247, %dma_start3A_256] : memref<1000000x64xf32, #tpu.memory_space<hbm>> -> memref<1x64xf32, #tpu.memory_space<hbm>>
      tpu.enqueue_dma source(%dma_start3A_257 : memref<1x64xf32, #tpu.memory_space<hbm>>) target(%dma_start3A_255 : memref<1x64xf32, #tpu.memory_space<vmem>>) target_semaphore(%arg16 : memref<!tpu.dma_semaphore, #tpu.memory_space<semaphore_mem>>)
      %slice3A_258 = vector.extract_strided_slice %get3A_185 {offsets = [6], sizes = [1], strides = [1]} : vector<16xi32> to vector<1xi32>
      %squeeze3A_259 = vector.extract %slice3A_258[0] : i32 from vector<1xi32>
      %add3A_260 = arith.constant 6 : i32
      %add3A_261 = arith.addi %mul3A_187, %add3A_260 : i32
      %dma_start3A_262 = arith.constant 0 : i32
      %dma_start3A_263 = tpu.memref_slice %arg14[%add3A_261, %dma_start3A_262] : memref<256x64xf32, #tpu.memory_space<vmem>> -> memref<1x64xf32, #tpu.memory_space<vmem>>
      %dma_start3A_264 = arith.constant 0 : i32
      %dma_start3A_265 = tpu.memref_slice %arg4[%squeeze3A_259, %dma_start3A_264] : memref<1000000x64xf32, #tpu.memory_space<hbm>> -> memref<1x64xf32, #tpu.memory_space<hbm>>
      %dma_start3A_266 = arith.constant 0 : i32
      %dma_start3A_267 = tpu.memref_slice %arg14[%add3A_261, %dma_start3A_266] : memref<256x64xf32, #tpu.memory_space<vmem>> -> memref<1x64xf32, #tpu.memory_space<vmem>>
      %dma_start3A_268 = arith.constant 0 : i32
      %dma_start3A_269 = tpu.memref_slice %arg4[%squeeze3A_259, %dma_start3A_268] : memref<1000000x64xf32, #tpu.memory_space<hbm>> -> memref<1x64xf32, #tpu.memory_space<hbm>>
      tpu.enqueue_dma source(%dma_start3A_269 : memref<1x64xf32, #tpu.memory_space<hbm>>) target(%dma_start3A_267 : memref<1x64xf32, #tpu.memory_space<vmem>>) target_semaphore(%arg16 : memref<!tpu.dma_semaphore, #tpu.memory_space<semaphore_mem>>)
      %slice3A_270 = vector.extract_strided_slice %get3A_185 {offsets = [7], sizes = [1], strides = [1]} : vector<16xi32> to vector<1xi32>
      %squeeze3A_271 = vector.extract %slice3A_270[0] : i32 from vector<1xi32>
      %add3A_272 = arith.constant 7 : i32
      %add3A_273 = arith.addi %mul3A_187, %add3A_272 : i32
      %dma_start3A_274 = arith.constant 0 : i32
      %dma_start3A_275 = tpu.memref_slice %arg14[%add3A_273, %dma_start3A_274] : memref<256x64xf32, #tpu.memory_space<vmem>> -> memref<1x64xf32, #tpu.memory_space<vmem>>
      %dma_start3A_276 = arith.constant 0 : i32
      %dma_start3A_277 = tpu.memref_slice %arg4[%squeeze3A_271, %dma_start3A_276] : memref<1000000x64xf32, #tpu.memory_space<hbm>> -> memref<1x64xf32, #tpu.memory_space<hbm>>
      %dma_start3A_278 = arith.constant 0 : i32
      %dma_start3A_279 = tpu.memref_slice %arg14[%add3A_273, %dma_start3A_278] : memref<256x64xf32, #tpu.memory_space<vmem>> -> memref<1x64xf32, #tpu.memory_space<vmem>>
      %dma_start3A_280 = arith.constant 0 : i32
      %dma_start3A_281 = tpu.memref_slice %arg4[%squeeze3A_271, %dma_start3A_280] : memref<1000000x64xf32, #tpu.memory_space<hbm>> -> memref<1x64xf32, #tpu.memory_space<hbm>>
      tpu.enqueue_dma source(%dma_start3A_281 : memref<1x64xf32, #tpu.memory_space<hbm>>) target(%dma_start3A_279 : memref<1x64xf32, #tpu.memory_space<vmem>>) target_semaphore(%arg16 : memref<!tpu.dma_semaphore, #tpu.memory_space<semaphore_mem>>)
      %slice3A_282 = vector.extract_strided_slice %get3A_185 {offsets = [8], sizes = [1], strides = [1]} : vector<16xi32> to vector<1xi32>
      %squeeze3A_283 = vector.extract %slice3A_282[0] : i32 from vector<1xi32>
      %add3A_284 = arith.constant 8 : i32
      %add3A_285 = arith.addi %mul3A_187, %add3A_284 : i32
      %dma_start3A_286 = arith.constant 0 : i32
      %dma_start3A_287 = tpu.memref_slice %arg14[%add3A_285, %dma_start3A_286] : memref<256x64xf32, #tpu.memory_space<vmem>> -> memref<1x64xf32, #tpu.memory_space<vmem>>
      %dma_start3A_288 = arith.constant 0 : i32
      %dma_start3A_289 = tpu.memref_slice %arg4[%squeeze3A_283, %dma_start3A_288] : memref<1000000x64xf32, #tpu.memory_space<hbm>> -> memref<1x64xf32, #tpu.memory_space<hbm>>
      %dma_start3A_290 = arith.constant 0 : i32
      %dma_start3A_291 = tpu.memref_slice %arg14[%add3A_285, %dma_start3A_290] : memref<256x64xf32, #tpu.memory_space<vmem>> -> memref<1x64xf32, #tpu.memory_space<vmem>>
      %dma_start3A_292 = arith.constant 0 : i32
      %dma_start3A_293 = tpu.memref_slice %arg4[%squeeze3A_283, %dma_start3A_292] : memref<1000000x64xf32, #tpu.memory_space<hbm>> -> memref<1x64xf32, #tpu.memory_space<hbm>>
      tpu.enqueue_dma source(%dma_start3A_293 : memref<1x64xf32, #tpu.memory_space<hbm>>) target(%dma_start3A_291 : memref<1x64xf32, #tpu.memory_space<vmem>>) target_semaphore(%arg16 : memref<!tpu.dma_semaphore, #tpu.memory_space<semaphore_mem>>)
      %slice3A_294 = vector.extract_strided_slice %get3A_185 {offsets = [9], sizes = [1], strides = [1]} : vector<16xi32> to vector<1xi32>
      %squeeze3A_295 = vector.extract %slice3A_294[0] : i32 from vector<1xi32>
      %add3A_296 = arith.constant 9 : i32
      %add3A_297 = arith.addi %mul3A_187, %add3A_296 : i32
      %dma_start3A_298 = arith.constant 0 : i32
      %dma_start3A_299 = tpu.memref_slice %arg14[%add3A_297, %dma_start3A_298] : memref<256x64xf32, #tpu.memory_space<vmem>> -> memref<1x64xf32, #tpu.memory_space<vmem>>
      %dma_start3A_300 = arith.constant 0 : i32
      %dma_start3A_301 = tpu.memref_slice %arg4[%squeeze3A_295, %dma_start3A_300] : memref<1000000x64xf32, #tpu.memory_space<hbm>> -> memref<1x64xf32, #tpu.memory_space<hbm>>
      %dma_start3A_302 = arith.constant 0 : i32
      %dma_start3A_303 = tpu.memref_slice %arg14[%add3A_297, %dma_start3A_302] : memref<256x64xf32, #tpu.memory_space<vmem>> -> memref<1x64xf32, #tpu.memory_space<vmem>>
      %dma_start3A_304 = arith.constant 0 : i32
      %dma_start3A_305 = tpu.memref_slice %arg4[%squeeze3A_295, %dma_start3A_304] : memref<1000000x64xf32, #tpu.memory_space<hbm>> -> memref<1x64xf32, #tpu.memory_space<hbm>>
      tpu.enqueue_dma source(%dma_start3A_305 : memref<1x64xf32, #tpu.memory_space<hbm>>) target(%dma_start3A_303 : memref<1x64xf32, #tpu.memory_space<vmem>>) target_semaphore(%arg16 : memref<!tpu.dma_semaphore, #tpu.memory_space<semaphore_mem>>)
      %slice3A_306 = vector.extract_strided_slice %get3A_185 {offsets = [10], sizes = [1], strides = [1]} : vector<16xi32> to vector<1xi32>
      %squeeze3A_307 = vector.extract %slice3A_306[0] : i32 from vector<1xi32>
      %add3A_308 = arith.constant 10 : i32
      %add3A_309 = arith.addi %mul3A_187, %add3A_308 : i32
      %dma_start3A_310 = arith.constant 0 : i32
      %dma_start3A_311 = tpu.memref_slice %arg14[%add3A_309, %dma_start3A_310] : memref<256x64xf32, #tpu.memory_space<vmem>> -> memref<1x64xf32, #tpu.memory_space<vmem>>
      %dma_start3A_312 = arith.constant 0 : i32
      %dma_start3A_313 = tpu.memref_slice %arg4[%squeeze3A_307, %dma_start3A_312] : memref<1000000x64xf32, #tpu.memory_space<hbm>> -> memref<1x64xf32, #tpu.memory_space<hbm>>
      %dma_start3A_314 = arith.constant 0 : i32
      %dma_start3A_315 = tpu.memref_slice %arg14[%add3A_309, %dma_start3A_314] : memref<256x64xf32, #tpu.memory_space<vmem>> -> memref<1x64xf32, #tpu.memory_space<vmem>>
      %dma_start3A_316 = arith.constant 0 : i32
      %dma_start3A_317 = tpu.memref_slice %arg4[%squeeze3A_307, %dma_start3A_316] : memref<1000000x64xf32, #tpu.memory_space<hbm>> -> memref<1x64xf32, #tpu.memory_space<hbm>>
      tpu.enqueue_dma source(%dma_start3A_317 : memref<1x64xf32, #tpu.memory_space<hbm>>) target(%dma_start3A_315 : memref<1x64xf32, #tpu.memory_space<vmem>>) target_semaphore(%arg16 : memref<!tpu.dma_semaphore, #tpu.memory_space<semaphore_mem>>)
      %slice3A_318 = vector.extract_strided_slice %get3A_185 {offsets = [11], sizes = [1], strides = [1]} : vector<16xi32> to vector<1xi32>
      %squeeze3A_319 = vector.extract %slice3A_318[0] : i32 from vector<1xi32>
      %add3A_320 = arith.constant 11 : i32
      %add3A_321 = arith.addi %mul3A_187, %add3A_320 : i32
      %dma_start3A_322 = arith.constant 0 : i32
      %dma_start3A_323 = tpu.memref_slice %arg14[%add3A_321, %dma_start3A_322] : memref<256x64xf32, #tpu.memory_space<vmem>> -> memref<1x64xf32, #tpu.memory_space<vmem>>
      %dma_start3A_324 = arith.constant 0 : i32
      %dma_start3A_325 = tpu.memref_slice %arg4[%squeeze3A_319, %dma_start3A_324] : memref<1000000x64xf32, #tpu.memory_space<hbm>> -> memref<1x64xf32, #tpu.memory_space<hbm>>
      %dma_start3A_326 = arith.constant 0 : i32
      %dma_start3A_327 = tpu.memref_slice %arg14[%add3A_321, %dma_start3A_326] : memref<256x64xf32, #tpu.memory_space<vmem>> -> memref<1x64xf32, #tpu.memory_space<vmem>>
      %dma_start3A_328 = arith.constant 0 : i32
      %dma_start3A_329 = tpu.memref_slice %arg4[%squeeze3A_319, %dma_start3A_328] : memref<1000000x64xf32, #tpu.memory_space<hbm>> -> memref<1x64xf32, #tpu.memory_space<hbm>>
      tpu.enqueue_dma source(%dma_start3A_329 : memref<1x64xf32, #tpu.memory_space<hbm>>) target(%dma_start3A_327 : memref<1x64xf32, #tpu.memory_space<vmem>>) target_semaphore(%arg16 : memref<!tpu.dma_semaphore, #tpu.memory_space<semaphore_mem>>)
      %slice3A_330 = vector.extract_strided_slice %get3A_185 {offsets = [12], sizes = [1], strides = [1]} : vector<16xi32> to vector<1xi32>
      %squeeze3A_331 = vector.extract %slice3A_330[0] : i32 from vector<1xi32>
      %add3A_332 = arith.constant 12 : i32
      %add3A_333 = arith.addi %mul3A_187, %add3A_332 : i32
      %dma_start3A_334 = arith.constant 0 : i32
      %dma_start3A_335 = tpu.memref_slice %arg14[%add3A_333, %dma_start3A_334] : memref<256x64xf32, #tpu.memory_space<vmem>> -> memref<1x64xf32, #tpu.memory_space<vmem>>
      %dma_start3A_336 = arith.constant 0 : i32
      %dma_start3A_337 = tpu.memref_slice %arg4[%squeeze3A_331, %dma_start3A_336] : memref<1000000x64xf32, #tpu.memory_space<hbm>> -> memref<1x64xf32, #tpu.memory_space<hbm>>
      %dma_start3A_338 = arith.constant 0 : i32
      %dma_start3A_339 = tpu.memref_slice %arg14[%add3A_333, %dma_start3A_338] : memref<256x64xf32, #tpu.memory_space<vmem>> -> memref<1x64xf32, #tpu.memory_space<vmem>>
      %dma_start3A_340 = arith.constant 0 : i32
      %dma_start3A_341 = tpu.memref_slice %arg4[%squeeze3A_331, %dma_start3A_340] : memref<1000000x64xf32, #tpu.memory_space<hbm>> -> memref<1x64xf32, #tpu.memory_space<hbm>>
      tpu.enqueue_dma source(%dma_start3A_341 : memref<1x64xf32, #tpu.memory_space<hbm>>) target(%dma_start3A_339 : memref<1x64xf32, #tpu.memory_space<vmem>>) target_semaphore(%arg16 : memref<!tpu.dma_semaphore, #tpu.memory_space<semaphore_mem>>)
      %slice3A_342 = vector.extract_strided_slice %get3A_185 {offsets = [13], sizes = [1], strides = [1]} : vector<16xi32> to vector<1xi32>
      %squeeze3A_343 = vector.extract %slice3A_342[0] : i32 from vector<1xi32>
      %add3A_344 = arith.constant 13 : i32
      %add3A_345 = arith.addi %mul3A_187, %add3A_344 : i32
      %dma_start3A_346 = arith.constant 0 : i32
      %dma_start3A_347 = tpu.memref_slice %arg14[%add3A_345, %dma_start3A_346] : memref<256x64xf32, #tpu.memory_space<vmem>> -> memref<1x64xf32, #tpu.memory_space<vmem>>
      %dma_start3A_348 = arith.constant 0 : i32
      %dma_start3A_349 = tpu.memref_slice %arg4[%squeeze3A_343, %dma_start3A_348] : memref<1000000x64xf32, #tpu.memory_space<hbm>> -> memref<1x64xf32, #tpu.memory_space<hbm>>
      %dma_start3A_350 = arith.constant 0 : i32
      %dma_start3A_351 = tpu.memref_slice %arg14[%add3A_345, %dma_start3A_350] : memref<256x64xf32, #tpu.memory_space<vmem>> -> memref<1x64xf32, #tpu.memory_space<vmem>>
      %dma_start3A_352 = arith.constant 0 : i32
      %dma_start3A_353 = tpu.memref_slice %arg4[%squeeze3A_343, %dma_start3A_352] : memref<1000000x64xf32, #tpu.memory_space<hbm>> -> memref<1x64xf32, #tpu.memory_space<hbm>>
      tpu.enqueue_dma source(%dma_start3A_353 : memref<1x64xf32, #tpu.memory_space<hbm>>) target(%dma_start3A_351 : memref<1x64xf32, #tpu.memory_space<vmem>>) target_semaphore(%arg16 : memref<!tpu.dma_semaphore, #tpu.memory_space<semaphore_mem>>)
      %slice3A_354 = vector.extract_strided_slice %get3A_185 {offsets = [14], sizes = [1], strides = [1]} : vector<16xi32> to vector<1xi32>
      %squeeze3A_355 = vector.extract %slice3A_354[0] : i32 from vector<1xi32>
      %add3A_356 = arith.constant 14 : i32
      %add3A_357 = arith.addi %mul3A_187, %add3A_356 : i32
      %dma_start3A_358 = arith.constant 0 : i32
      %dma_start3A_359 = tpu.memref_slice %arg14[%add3A_357, %dma_start3A_358] : memref<256x64xf32, #tpu.memory_space<vmem>> -> memref<1x64xf32, #tpu.memory_space<vmem>>
      %dma_start3A_360 = arith.constant 0 : i32
      %dma_start3A_361 = tpu.memref_slice %arg4[%squeeze3A_355, %dma_start3A_360] : memref<1000000x64xf32, #tpu.memory_space<hbm>> -> memref<1x64xf32, #tpu.memory_space<hbm>>
      %dma_start3A_362 = arith.constant 0 : i32
      %dma_start3A_363 = tpu.memref_slice %arg14[%add3A_357, %dma_start3A_362] : memref<256x64xf32, #tpu.memory_space<vmem>> -> memref<1x64xf32, #tpu.memory_space<vmem>>
      %dma_start3A_364 = arith.constant 0 : i32
      %dma_start3A_365 = tpu.memref_slice %arg4[%squeeze3A_355, %dma_start3A_364] : memref<1000000x64xf32, #tpu.memory_space<hbm>> -> memref<1x64xf32, #tpu.memory_space<hbm>>
      tpu.enqueue_dma source(%dma_start3A_365 : memref<1x64xf32, #tpu.memory_space<hbm>>) target(%dma_start3A_363 : memref<1x64xf32, #tpu.memory_space<vmem>>) target_semaphore(%arg16 : memref<!tpu.dma_semaphore, #tpu.memory_space<semaphore_mem>>)
      %slice3A_366 = vector.extract_strided_slice %get3A_185 {offsets = [15], sizes = [1], strides = [1]} : vector<16xi32> to vector<1xi32>
      %squeeze3A_367 = vector.extract %slice3A_366[0] : i32 from vector<1xi32>
      %add3A_368 = arith.constant 15 : i32
      %add3A_369 = arith.addi %mul3A_187, %add3A_368 : i32
      %dma_start3A_370 = arith.constant 0 : i32
      %dma_start3A_371 = tpu.memref_slice %arg14[%add3A_369, %dma_start3A_370] : memref<256x64xf32, #tpu.memory_space<vmem>> -> memref<1x64xf32, #tpu.memory_space<vmem>>
      %dma_start3A_372 = arith.constant 0 : i32
      %dma_start3A_373 = tpu.memref_slice %arg4[%squeeze3A_367, %dma_start3A_372] : memref<1000000x64xf32, #tpu.memory_space<hbm>> -> memref<1x64xf32, #tpu.memory_space<hbm>>
      %dma_start3A_374 = arith.constant 0 : i32
      %dma_start3A_375 = tpu.memref_slice %arg14[%add3A_369, %dma_start3A_374] : memref<256x64xf32, #tpu.memory_space<vmem>> -> memref<1x64xf32, #tpu.memory_space<vmem>>
      %dma_start3A_376 = arith.constant 0 : i32
      %dma_start3A_377 = tpu.memref_slice %arg4[%squeeze3A_367, %dma_start3A_376] : memref<1000000x64xf32, #tpu.memory_space<hbm>> -> memref<1x64xf32, #tpu.memory_space<hbm>>
      tpu.enqueue_dma source(%dma_start3A_377 : memref<1x64xf32, #tpu.memory_space<hbm>>) target(%dma_start3A_375 : memref<1x64xf32, #tpu.memory_space<vmem>>) target_semaphore(%arg16 : memref<!tpu.dma_semaphore, #tpu.memory_space<semaphore_mem>>)
    }
    %scan3A_11 = arith.constant 16 : i32
    %scan3A_12 = arith.constant 0 : i32
    %scan3A_13 = arith.constant 0 : i32
    %scan3A_14 = arith.constant 16 : i32
    %scan3A_15 = arith.addi %scan3A_13, %scan3A_14 : i32
    %scan3A_16 = arith.constant 1 : i32
    scf.for %scan3A_180 = %scan3A_13 to %scan3A_15 step %scan3A_16  : i32 {
      %add3A_181 = arith.constant 16 : i32
      %add3A_182 = arith.addi %add3A_181, %scan3A_180 : i32
      %get3A = arith.index_cast %add3A_182 : i32 to index
      %get3A_183 = arith.constant 0 : index
      %get3A_184 = tpu.vector_load %arg12[%get3A, %get3A_183] {strides = array<i32>} : memref<32x16xi32, #tpu.memory_space<vmem>>, vector<1x16xi32>,
      %get3A_185 = vector.shape_cast %get3A_184 : vector<1x16xi32> to vector<16xi32>
      %mul3A_186 = arith.constant 16 : i32
      %mul3A_187 = arith.muli %scan3A_180, %mul3A_186 : i32
      %slice3A = vector.extract_strided_slice %get3A_185 {offsets = [0], sizes = [1], strides = [1]} : vector<16xi32> to vector<1xi32>
      %squeeze3A = vector.extract %slice3A[0] : i32 from vector<1xi32>
      %add3A_188 = arith.constant 0 : i32
      %add3A_189 = arith.addi %mul3A_187, %add3A_188 : i32
      %dma_start3A_190 = arith.constant 0 : i32
      %dma_start3A_191 = tpu.memref_slice %arg15[%add3A_189, %dma_start3A_190] : memref<256x64xf32, #tpu.memory_space<vmem>> -> memref<1x64xf32, #tpu.memory_space<vmem>>
      %dma_start3A_192 = arith.constant 0 : i32
      %dma_start3A_193 = tpu.memref_slice %arg4[%squeeze3A, %dma_start3A_192] : memref<1000000x64xf32, #tpu.memory_space<hbm>> -> memref<1x64xf32, #tpu.memory_space<hbm>>
      %dma_start3A_194 = arith.constant 0 : i32
      %dma_start3A_195 = tpu.memref_slice %arg15[%add3A_189, %dma_start3A_194] : memref<256x64xf32, #tpu.memory_space<vmem>> -> memref<1x64xf32, #tpu.memory_space<vmem>>
      %dma_start3A_196 = arith.constant 0 : i32
      %dma_start3A_197 = tpu.memref_slice %arg4[%squeeze3A, %dma_start3A_196] : memref<1000000x64xf32, #tpu.memory_space<hbm>> -> memref<1x64xf32, #tpu.memory_space<hbm>>
      tpu.enqueue_dma source(%dma_start3A_197 : memref<1x64xf32, #tpu.memory_space<hbm>>) target(%dma_start3A_195 : memref<1x64xf32, #tpu.memory_space<vmem>>) target_semaphore(%arg17 : memref<!tpu.dma_semaphore, #tpu.memory_space<semaphore_mem>>)
      %slice3A_198 = vector.extract_strided_slice %get3A_185 {offsets = [1], sizes = [1], strides = [1]} : vector<16xi32> to vector<1xi32>
      %squeeze3A_199 = vector.extract %slice3A_198[0] : i32 from vector<1xi32>
      %add3A_200 = arith.constant 1 : i32
      %add3A_201 = arith.addi %mul3A_187, %add3A_200 : i32
      %dma_start3A_202 = arith.constant 0 : i32
      %dma_start3A_203 = tpu.memref_slice %arg15[%add3A_201, %dma_start3A_202] : memref<256x64xf32, #tpu.memory_space<vmem>> -> memref<1x64xf32, #tpu.memory_space<vmem>>
      %dma_start3A_204 = arith.constant 0 : i32
      %dma_start3A_205 = tpu.memref_slice %arg4[%squeeze3A_199, %dma_start3A_204] : memref<1000000x64xf32, #tpu.memory_space<hbm>> -> memref<1x64xf32, #tpu.memory_space<hbm>>
      %dma_start3A_206 = arith.constant 0 : i32
      %dma_start3A_207 = tpu.memref_slice %arg15[%add3A_201, %dma_start3A_206] : memref<256x64xf32, #tpu.memory_space<vmem>> -> memref<1x64xf32, #tpu.memory_space<vmem>>
      %dma_start3A_208 = arith.constant 0 : i32
      %dma_start3A_209 = tpu.memref_slice %arg4[%squeeze3A_199, %dma_start3A_208] : memref<1000000x64xf32, #tpu.memory_space<hbm>> -> memref<1x64xf32, #tpu.memory_space<hbm>>
      tpu.enqueue_dma source(%dma_start3A_209 : memref<1x64xf32, #tpu.memory_space<hbm>>) target(%dma_start3A_207 : memref<1x64xf32, #tpu.memory_space<vmem>>) target_semaphore(%arg17 : memref<!tpu.dma_semaphore, #tpu.memory_space<semaphore_mem>>)
      %slice3A_210 = vector.extract_strided_slice %get3A_185 {offsets = [2], sizes = [1], strides = [1]} : vector<16xi32> to vector<1xi32>
      %squeeze3A_211 = vector.extract %slice3A_210[0] : i32 from vector<1xi32>
      %add3A_212 = arith.constant 2 : i32
      %add3A_213 = arith.addi %mul3A_187, %add3A_212 : i32
      %dma_start3A_214 = arith.constant 0 : i32
      %dma_start3A_215 = tpu.memref_slice %arg15[%add3A_213, %dma_start3A_214] : memref<256x64xf32, #tpu.memory_space<vmem>> -> memref<1x64xf32, #tpu.memory_space<vmem>>
      %dma_start3A_216 = arith.constant 0 : i32
      %dma_start3A_217 = tpu.memref_slice %arg4[%squeeze3A_211, %dma_start3A_216] : memref<1000000x64xf32, #tpu.memory_space<hbm>> -> memref<1x64xf32, #tpu.memory_space<hbm>>
      %dma_start3A_218 = arith.constant 0 : i32
      %dma_start3A_219 = tpu.memref_slice %arg15[%add3A_213, %dma_start3A_218] : memref<256x64xf32, #tpu.memory_space<vmem>> -> memref<1x64xf32, #tpu.memory_space<vmem>>
      %dma_start3A_220 = arith.constant 0 : i32
      %dma_start3A_221 = tpu.memref_slice %arg4[%squeeze3A_211, %dma_start3A_220] : memref<1000000x64xf32, #tpu.memory_space<hbm>> -> memref<1x64xf32, #tpu.memory_space<hbm>>
      tpu.enqueue_dma source(%dma_start3A_221 : memref<1x64xf32, #tpu.memory_space<hbm>>) target(%dma_start3A_219 : memref<1x64xf32, #tpu.memory_space<vmem>>) target_semaphore(%arg17 : memref<!tpu.dma_semaphore, #tpu.memory_space<semaphore_mem>>)
      %slice3A_222 = vector.extract_strided_slice %get3A_185 {offsets = [3], sizes = [1], strides = [1]} : vector<16xi32> to vector<1xi32>
      %squeeze3A_223 = vector.extract %slice3A_222[0] : i32 from vector<1xi32>
      %add3A_224 = arith.constant 3 : i32
      %add3A_225 = arith.addi %mul3A_187, %add3A_224 : i32
      %dma_start3A_226 = arith.constant 0 : i32
      %dma_start3A_227 = tpu.memref_slice %arg15[%add3A_225, %dma_start3A_226] : memref<256x64xf32, #tpu.memory_space<vmem>> -> memref<1x64xf32, #tpu.memory_space<vmem>>
      %dma_start3A_228 = arith.constant 0 : i32
      %dma_start3A_229 = tpu.memref_slice %arg4[%squeeze3A_223, %dma_start3A_228] : memref<1000000x64xf32, #tpu.memory_space<hbm>> -> memref<1x64xf32, #tpu.memory_space<hbm>>
      %dma_start3A_230 = arith.constant 0 : i32
      %dma_start3A_231 = tpu.memref_slice %arg15[%add3A_225, %dma_start3A_230] : memref<256x64xf32, #tpu.memory_space<vmem>> -> memref<1x64xf32, #tpu.memory_space<vmem>>
      %dma_start3A_232 = arith.constant 0 : i32
      %dma_start3A_233 = tpu.memref_slice %arg4[%squeeze3A_223, %dma_start3A_232] : memref<1000000x64xf32, #tpu.memory_space<hbm>> -> memref<1x64xf32, #tpu.memory_space<hbm>>
      tpu.enqueue_dma source(%dma_start3A_233 : memref<1x64xf32, #tpu.memory_space<hbm>>) target(%dma_start3A_231 : memref<1x64xf32, #tpu.memory_space<vmem>>) target_semaphore(%arg17 : memref<!tpu.dma_semaphore, #tpu.memory_space<semaphore_mem>>)
      %slice3A_234 = vector.extract_strided_slice %get3A_185 {offsets = [4], sizes = [1], strides = [1]} : vector<16xi32> to vector<1xi32>
      %squeeze3A_235 = vector.extract %slice3A_234[0] : i32 from vector<1xi32>
      %add3A_236 = arith.constant 4 : i32
      %add3A_237 = arith.addi %mul3A_187, %add3A_236 : i32
      %dma_start3A_238 = arith.constant 0 : i32
      %dma_start3A_239 = tpu.memref_slice %arg15[%add3A_237, %dma_start3A_238] : memref<256x64xf32, #tpu.memory_space<vmem>> -> memref<1x64xf32, #tpu.memory_space<vmem>>
      %dma_start3A_240 = arith.constant 0 : i32
      %dma_start3A_241 = tpu.memref_slice %arg4[%squeeze3A_235, %dma_start3A_240] : memref<1000000x64xf32, #tpu.memory_space<hbm>> -> memref<1x64xf32, #tpu.memory_space<hbm>>
      %dma_start3A_242 = arith.constant 0 : i32
      %dma_start3A_243 = tpu.memref_slice %arg15[%add3A_237, %dma_start3A_242] : memref<256x64xf32, #tpu.memory_space<vmem>> -> memref<1x64xf32, #tpu.memory_space<vmem>>
      %dma_start3A_244 = arith.constant 0 : i32
      %dma_start3A_245 = tpu.memref_slice %arg4[%squeeze3A_235, %dma_start3A_244] : memref<1000000x64xf32, #tpu.memory_space<hbm>> -> memref<1x64xf32, #tpu.memory_space<hbm>>
      tpu.enqueue_dma source(%dma_start3A_245 : memref<1x64xf32, #tpu.memory_space<hbm>>) target(%dma_start3A_243 : memref<1x64xf32, #tpu.memory_space<vmem>>) target_semaphore(%arg17 : memref<!tpu.dma_semaphore, #tpu.memory_space<semaphore_mem>>)
      %slice3A_246 = vector.extract_strided_slice %get3A_185 {offsets = [5], sizes = [1], strides = [1]} : vector<16xi32> to vector<1xi32>
      %squeeze3A_247 = vector.extract %slice3A_246[0] : i32 from vector<1xi32>
      %add3A_248 = arith.constant 5 : i32
      %add3A_249 = arith.addi %mul3A_187, %add3A_248 : i32
      %dma_start3A_250 = arith.constant 0 : i32
      %dma_start3A_251 = tpu.memref_slice %arg15[%add3A_249, %dma_start3A_250] : memref<256x64xf32, #tpu.memory_space<vmem>> -> memref<1x64xf32, #tpu.memory_space<vmem>>
      %dma_start3A_252 = arith.constant 0 : i32
      %dma_start3A_253 = tpu.memref_slice %arg4[%squeeze3A_247, %dma_start3A_252] : memref<1000000x64xf32, #tpu.memory_space<hbm>> -> memref<1x64xf32, #tpu.memory_space<hbm>>
      %dma_start3A_254 = arith.constant 0 : i32
      %dma_start3A_255 = tpu.memref_slice %arg15[%add3A_249, %dma_start3A_254] : memref<256x64xf32, #tpu.memory_space<vmem>> -> memref<1x64xf32, #tpu.memory_space<vmem>>
      %dma_start3A_256 = arith.constant 0 : i32
      %dma_start3A_257 = tpu.memref_slice %arg4[%squeeze3A_247, %dma_start3A_256] : memref<1000000x64xf32, #tpu.memory_space<hbm>> -> memref<1x64xf32, #tpu.memory_space<hbm>>
      tpu.enqueue_dma source(%dma_start3A_257 : memref<1x64xf32, #tpu.memory_space<hbm>>) target(%dma_start3A_255 : memref<1x64xf32, #tpu.memory_space<vmem>>) target_semaphore(%arg17 : memref<!tpu.dma_semaphore, #tpu.memory_space<semaphore_mem>>)
      %slice3A_258 = vector.extract_strided_slice %get3A_185 {offsets = [6], sizes = [1], strides = [1]} : vector<16xi32> to vector<1xi32>
      %squeeze3A_259 = vector.extract %slice3A_258[0] : i32 from vector<1xi32>
      %add3A_260 = arith.constant 6 : i32
      %add3A_261 = arith.addi %mul3A_187, %add3A_260 : i32
      %dma_start3A_262 = arith.constant 0 : i32
      %dma_start3A_263 = tpu.memref_slice %arg15[%add3A_261, %dma_start3A_262] : memref<256x64xf32, #tpu.memory_space<vmem>> -> memref<1x64xf32, #tpu.memory_space<vmem>>
      %dma_start3A_264 = arith.constant 0 : i32
      %dma_start3A_265 = tpu.memref_slice %arg4[%squeeze3A_259, %dma_start3A_264] : memref<1000000x64xf32, #tpu.memory_space<hbm>> -> memref<1x64xf32, #tpu.memory_space<hbm>>
      %dma_start3A_266 = arith.constant 0 : i32
      %dma_start3A_267 = tpu.memref_slice %arg15[%add3A_261, %dma_start3A_266] : memref<256x64xf32, #tpu.memory_space<vmem>> -> memref<1x64xf32, #tpu.memory_space<vmem>>
      %dma_start3A_268 = arith.constant 0 : i32
      %dma_start3A_269 = tpu.memref_slice %arg4[%squeeze3A_259, %dma_start3A_268] : memref<1000000x64xf32, #tpu.memory_space<hbm>> -> memref<1x64xf32, #tpu.memory_space<hbm>>
      tpu.enqueue_dma source(%dma_start3A_269 : memref<1x64xf32, #tpu.memory_space<hbm>>) target(%dma_start3A_267 : memref<1x64xf32, #tpu.memory_space<vmem>>) target_semaphore(%arg17 : memref<!tpu.dma_semaphore, #tpu.memory_space<semaphore_mem>>)
      %slice3A_270 = vector.extract_strided_slice %get3A_185 {offsets = [7], sizes = [1], strides = [1]} : vector<16xi32> to vector<1xi32>
      %squeeze3A_271 = vector.extract %slice3A_270[0] : i32 from vector<1xi32>
      %add3A_272 = arith.constant 7 : i32
      %add3A_273 = arith.addi %mul3A_187, %add3A_272 : i32
      %dma_start3A_274 = arith.constant 0 : i32
      %dma_start3A_275 = tpu.memref_slice %arg15[%add3A_273, %dma_start3A_274] : memref<256x64xf32, #tpu.memory_space<vmem>> -> memref<1x64xf32, #tpu.memory_space<vmem>>
      %dma_start3A_276 = arith.constant 0 : i32
      %dma_start3A_277 = tpu.memref_slice %arg4[%squeeze3A_271, %dma_start3A_276] : memref<1000000x64xf32, #tpu.memory_space<hbm>> -> memref<1x64xf32, #tpu.memory_space<hbm>>
      %dma_start3A_278 = arith.constant 0 : i32
      %dma_start3A_279 = tpu.memref_slice %arg15[%add3A_273, %dma_start3A_278] : memref<256x64xf32, #tpu.memory_space<vmem>> -> memref<1x64xf32, #tpu.memory_space<vmem>>
      %dma_start3A_280 = arith.constant 0 : i32
      %dma_start3A_281 = tpu.memref_slice %arg4[%squeeze3A_271, %dma_start3A_280] : memref<1000000x64xf32, #tpu.memory_space<hbm>> -> memref<1x64xf32, #tpu.memory_space<hbm>>
      tpu.enqueue_dma source(%dma_start3A_281 : memref<1x64xf32, #tpu.memory_space<hbm>>) target(%dma_start3A_279 : memref<1x64xf32, #tpu.memory_space<vmem>>) target_semaphore(%arg17 : memref<!tpu.dma_semaphore, #tpu.memory_space<semaphore_mem>>)
      %slice3A_282 = vector.extract_strided_slice %get3A_185 {offsets = [8], sizes = [1], strides = [1]} : vector<16xi32> to vector<1xi32>
      %squeeze3A_283 = vector.extract %slice3A_282[0] : i32 from vector<1xi32>
      %add3A_284 = arith.constant 8 : i32
      %add3A_285 = arith.addi %mul3A_187, %add3A_284 : i32
      %dma_start3A_286 = arith.constant 0 : i32
      %dma_start3A_287 = tpu.memref_slice %arg15[%add3A_285, %dma_start3A_286] : memref<256x64xf32, #tpu.memory_space<vmem>> -> memref<1x64xf32, #tpu.memory_space<vmem>>
      %dma_start3A_288 = arith.constant 0 : i32
      %dma_start3A_289 = tpu.memref_slice %arg4[%squeeze3A_283, %dma_start3A_288] : memref<1000000x64xf32, #tpu.memory_space<hbm>> -> memref<1x64xf32, #tpu.memory_space<hbm>>
      %dma_start3A_290 = arith.constant 0 : i32
      %dma_start3A_291 = tpu.memref_slice %arg15[%add3A_285, %dma_start3A_290] : memref<256x64xf32, #tpu.memory_space<vmem>> -> memref<1x64xf32, #tpu.memory_space<vmem>>
      %dma_start3A_292 = arith.constant 0 : i32
      %dma_start3A_293 = tpu.memref_slice %arg4[%squeeze3A_283, %dma_start3A_292] : memref<1000000x64xf32, #tpu.memory_space<hbm>> -> memref<1x64xf32, #tpu.memory_space<hbm>>
      tpu.enqueue_dma source(%dma_start3A_293 : memref<1x64xf32, #tpu.memory_space<hbm>>) target(%dma_start3A_291 : memref<1x64xf32, #tpu.memory_space<vmem>>) target_semaphore(%arg17 : memref<!tpu.dma_semaphore, #tpu.memory_space<semaphore_mem>>)
      %slice3A_294 = vector.extract_strided_slice %get3A_185 {offsets = [9], sizes = [1], strides = [1]} : vector<16xi32> to vector<1xi32>
      %squeeze3A_295 = vector.extract %slice3A_294[0] : i32 from vector<1xi32>
      %add3A_296 = arith.constant 9 : i32
      %add3A_297 = arith.addi %mul3A_187, %add3A_296 : i32
      %dma_start3A_298 = arith.constant 0 : i32
      %dma_start3A_299 = tpu.memref_slice %arg15[%add3A_297, %dma_start3A_298] : memref<256x64xf32, #tpu.memory_space<vmem>> -> memref<1x64xf32, #tpu.memory_space<vmem>>
      %dma_start3A_300 = arith.constant 0 : i32
      %dma_start3A_301 = tpu.memref_slice %arg4[%squeeze3A_295, %dma_start3A_300] : memref<1000000x64xf32, #tpu.memory_space<hbm>> -> memref<1x64xf32, #tpu.memory_space<hbm>>
      %dma_start3A_302 = arith.constant 0 : i32
      %dma_start3A_303 = tpu.memref_slice %arg15[%add3A_297, %dma_start3A_302] : memref<256x64xf32, #tpu.memory_space<vmem>> -> memref<1x64xf32, #tpu.memory_space<vmem>>
      %dma_start3A_304 = arith.constant 0 : i32
      %dma_start3A_305 = tpu.memref_slice %arg4[%squeeze3A_295, %dma_start3A_304] : memref<1000000x64xf32, #tpu.memory_space<hbm>> -> memref<1x64xf32, #tpu.memory_space<hbm>>
      tpu.enqueue_dma source(%dma_start3A_305 : memref<1x64xf32, #tpu.memory_space<hbm>>) target(%dma_start3A_303 : memref<1x64xf32, #tpu.memory_space<vmem>>) target_semaphore(%arg17 : memref<!tpu.dma_semaphore, #tpu.memory_space<semaphore_mem>>)
      %slice3A_306 = vector.extract_strided_slice %get3A_185 {offsets = [10], sizes = [1], strides = [1]} : vector<16xi32> to vector<1xi32>
      %squeeze3A_307 = vector.extract %slice3A_306[0] : i32 from vector<1xi32>
      %add3A_308 = arith.constant 10 : i32
      %add3A_309 = arith.addi %mul3A_187, %add3A_308 : i32
      %dma_start3A_310 = arith.constant 0 : i32
      %dma_start3A_311 = tpu.memref_slice %arg15[%add3A_309, %dma_start3A_310] : memref<256x64xf32, #tpu.memory_space<vmem>> -> memref<1x64xf32, #tpu.memory_space<vmem>>
      %dma_start3A_312 = arith.constant 0 : i32
      %dma_start3A_313 = tpu.memref_slice %arg4[%squeeze3A_307, %dma_start3A_312] : memref<1000000x64xf32, #tpu.memory_space<hbm>> -> memref<1x64xf32, #tpu.memory_space<hbm>>
      %dma_start3A_314 = arith.constant 0 : i32
      %dma_start3A_315 = tpu.memref_slice %arg15[%add3A_309, %dma_start3A_314] : memref<256x64xf32, #tpu.memory_space<vmem>> -> memref<1x64xf32, #tpu.memory_space<vmem>>
      %dma_start3A_316 = arith.constant 0 : i32
      %dma_start3A_317 = tpu.memref_slice %arg4[%squeeze3A_307, %dma_start3A_316] : memref<1000000x64xf32, #tpu.memory_space<hbm>> -> memref<1x64xf32, #tpu.memory_space<hbm>>
      tpu.enqueue_dma source(%dma_start3A_317 : memref<1x64xf32, #tpu.memory_space<hbm>>) target(%dma_start3A_315 : memref<1x64xf32, #tpu.memory_space<vmem>>) target_semaphore(%arg17 : memref<!tpu.dma_semaphore, #tpu.memory_space<semaphore_mem>>)
      %slice3A_318 = vector.extract_strided_slice %get3A_185 {offsets = [11], sizes = [1], strides = [1]} : vector<16xi32> to vector<1xi32>
      %squeeze3A_319 = vector.extract %slice3A_318[0] : i32 from vector<1xi32>
      %add3A_320 = arith.constant 11 : i32
      %add3A_321 = arith.addi %mul3A_187, %add3A_320 : i32
      %dma_start3A_322 = arith.constant 0 : i32
      %dma_start3A_323 = tpu.memref_slice %arg15[%add3A_321, %dma_start3A_322] : memref<256x64xf32, #tpu.memory_space<vmem>> -> memref<1x64xf32, #tpu.memory_space<vmem>>
      %dma_start3A_324 = arith.constant 0 : i32
      %dma_start3A_325 = tpu.memref_slice %arg4[%squeeze3A_319, %dma_start3A_324] : memref<1000000x64xf32, #tpu.memory_space<hbm>> -> memref<1x64xf32, #tpu.memory_space<hbm>>
      %dma_start3A_326 = arith.constant 0 : i32
      %dma_start3A_327 = tpu.memref_slice %arg15[%add3A_321, %dma_start3A_326] : memref<256x64xf32, #tpu.memory_space<vmem>> -> memref<1x64xf32, #tpu.memory_space<vmem>>
      %dma_start3A_328 = arith.constant 0 : i32
      %dma_start3A_329 = tpu.memref_slice %arg4[%squeeze3A_319, %dma_start3A_328] : memref<1000000x64xf32, #tpu.memory_space<hbm>> -> memref<1x64xf32, #tpu.memory_space<hbm>>
      tpu.enqueue_dma source(%dma_start3A_329 : memref<1x64xf32, #tpu.memory_space<hbm>>) target(%dma_start3A_327 : memref<1x64xf32, #tpu.memory_space<vmem>>) target_semaphore(%arg17 : memref<!tpu.dma_semaphore, #tpu.memory_space<semaphore_mem>>)
      %slice3A_330 = vector.extract_strided_slice %get3A_185 {offsets = [12], sizes = [1], strides = [1]} : vector<16xi32> to vector<1xi32>
      %squeeze3A_331 = vector.extract %slice3A_330[0] : i32 from vector<1xi32>
      %add3A_332 = arith.constant 12 : i32
      %add3A_333 = arith.addi %mul3A_187, %add3A_332 : i32
      %dma_start3A_334 = arith.constant 0 : i32
      %dma_start3A_335 = tpu.memref_slice %arg15[%add3A_333, %dma_start3A_334] : memref<256x64xf32, #tpu.memory_space<vmem>> -> memref<1x64xf32, #tpu.memory_space<vmem>>
      %dma_start3A_336 = arith.constant 0 : i32
      %dma_start3A_337 = tpu.memref_slice %arg4[%squeeze3A_331, %dma_start3A_336] : memref<1000000x64xf32, #tpu.memory_space<hbm>> -> memref<1x64xf32, #tpu.memory_space<hbm>>
      %dma_start3A_338 = arith.constant 0 : i32
      %dma_start3A_339 = tpu.memref_slice %arg15[%add3A_333, %dma_start3A_338] : memref<256x64xf32, #tpu.memory_space<vmem>> -> memref<1x64xf32, #tpu.memory_space<vmem>>
      %dma_start3A_340 = arith.constant 0 : i32
      %dma_start3A_341 = tpu.memref_slice %arg4[%squeeze3A_331, %dma_start3A_340] : memref<1000000x64xf32, #tpu.memory_space<hbm>> -> memref<1x64xf32, #tpu.memory_space<hbm>>
      tpu.enqueue_dma source(%dma_start3A_341 : memref<1x64xf32, #tpu.memory_space<hbm>>) target(%dma_start3A_339 : memref<1x64xf32, #tpu.memory_space<vmem>>) target_semaphore(%arg17 : memref<!tpu.dma_semaphore, #tpu.memory_space<semaphore_mem>>)
      %slice3A_342 = vector.extract_strided_slice %get3A_185 {offsets = [13], sizes = [1], strides = [1]} : vector<16xi32> to vector<1xi32>
      %squeeze3A_343 = vector.extract %slice3A_342[0] : i32 from vector<1xi32>
      %add3A_344 = arith.constant 13 : i32
      %add3A_345 = arith.addi %mul3A_187, %add3A_344 : i32
      %dma_start3A_346 = arith.constant 0 : i32
      %dma_start3A_347 = tpu.memref_slice %arg15[%add3A_345, %dma_start3A_346] : memref<256x64xf32, #tpu.memory_space<vmem>> -> memref<1x64xf32, #tpu.memory_space<vmem>>
      %dma_start3A_348 = arith.constant 0 : i32
      %dma_start3A_349 = tpu.memref_slice %arg4[%squeeze3A_343, %dma_start3A_348] : memref<1000000x64xf32, #tpu.memory_space<hbm>> -> memref<1x64xf32, #tpu.memory_space<hbm>>
      %dma_start3A_350 = arith.constant 0 : i32
      %dma_start3A_351 = tpu.memref_slice %arg15[%add3A_345, %dma_start3A_350] : memref<256x64xf32, #tpu.memory_space<vmem>> -> memref<1x64xf32, #tpu.memory_space<vmem>>
      %dma_start3A_352 = arith.constant 0 : i32
      %dma_start3A_353 = tpu.memref_slice %arg4[%squeeze3A_343, %dma_start3A_352] : memref<1000000x64xf32, #tpu.memory_space<hbm>> -> memref<1x64xf32, #tpu.memory_space<hbm>>
      tpu.enqueue_dma source(%dma_start3A_353 : memref<1x64xf32, #tpu.memory_space<hbm>>) target(%dma_start3A_351 : memref<1x64xf32, #tpu.memory_space<vmem>>) target_semaphore(%arg17 : memref<!tpu.dma_semaphore, #tpu.memory_space<semaphore_mem>>)
      %slice3A_354 = vector.extract_strided_slice %get3A_185 {offsets = [14], sizes = [1], strides = [1]} : vector<16xi32> to vector<1xi32>
      %squeeze3A_355 = vector.extract %slice3A_354[0] : i32 from vector<1xi32>
      %add3A_356 = arith.constant 14 : i32
      %add3A_357 = arith.addi %mul3A_187, %add3A_356 : i32
      %dma_start3A_358 = arith.constant 0 : i32
      %dma_start3A_359 = tpu.memref_slice %arg15[%add3A_357, %dma_start3A_358] : memref<256x64xf32, #tpu.memory_space<vmem>> -> memref<1x64xf32, #tpu.memory_space<vmem>>
      %dma_start3A_360 = arith.constant 0 : i32
      %dma_start3A_361 = tpu.memref_slice %arg4[%squeeze3A_355, %dma_start3A_360] : memref<1000000x64xf32, #tpu.memory_space<hbm>> -> memref<1x64xf32, #tpu.memory_space<hbm>>
      %dma_start3A_362 = arith.constant 0 : i32
      %dma_start3A_363 = tpu.memref_slice %arg15[%add3A_357, %dma_start3A_362] : memref<256x64xf32, #tpu.memory_space<vmem>> -> memref<1x64xf32, #tpu.memory_space<vmem>>
      %dma_start3A_364 = arith.constant 0 : i32
      %dma_start3A_365 = tpu.memref_slice %arg4[%squeeze3A_355, %dma_start3A_364] : memref<1000000x64xf32, #tpu.memory_space<hbm>> -> memref<1x64xf32, #tpu.memory_space<hbm>>
      tpu.enqueue_dma source(%dma_start3A_365 : memref<1x64xf32, #tpu.memory_space<hbm>>) target(%dma_start3A_363 : memref<1x64xf32, #tpu.memory_space<vmem>>) target_semaphore(%arg17 : memref<!tpu.dma_semaphore, #tpu.memory_space<semaphore_mem>>)
      %slice3A_366 = vector.extract_strided_slice %get3A_185 {offsets = [15], sizes = [1], strides = [1]} : vector<16xi32> to vector<1xi32>
      %squeeze3A_367 = vector.extract %slice3A_366[0] : i32 from vector<1xi32>
      %add3A_368 = arith.constant 15 : i32
      %add3A_369 = arith.addi %mul3A_187, %add3A_368 : i32
      %dma_start3A_370 = arith.constant 0 : i32
      %dma_start3A_371 = tpu.memref_slice %arg15[%add3A_369, %dma_start3A_370] : memref<256x64xf32, #tpu.memory_space<vmem>> -> memref<1x64xf32, #tpu.memory_space<vmem>>
      %dma_start3A_372 = arith.constant 0 : i32
      %dma_start3A_373 = tpu.memref_slice %arg4[%squeeze3A_367, %dma_start3A_372] : memref<1000000x64xf32, #tpu.memory_space<hbm>> -> memref<1x64xf32, #tpu.memory_space<hbm>>
      %dma_start3A_374 = arith.constant 0 : i32
      %dma_start3A_375 = tpu.memref_slice %arg15[%add3A_369, %dma_start3A_374] : memref<256x64xf32, #tpu.memory_space<vmem>> -> memref<1x64xf32, #tpu.memory_space<vmem>>
      %dma_start3A_376 = arith.constant 0 : i32
      %dma_start3A_377 = tpu.memref_slice %arg4[%squeeze3A_367, %dma_start3A_376] : memref<1000000x64xf32, #tpu.memory_space<hbm>> -> memref<1x64xf32, #tpu.memory_space<hbm>>
      tpu.enqueue_dma source(%dma_start3A_377 : memref<1x64xf32, #tpu.memory_space<hbm>>) target(%dma_start3A_375 : memref<1x64xf32, #tpu.memory_space<vmem>>) target_semaphore(%arg17 : memref<!tpu.dma_semaphore, #tpu.memory_space<semaphore_mem>>)
    }
    %scan3A_17 = arith.constant 16 : i32
    %dma_wait3A = arith.constant 0 : i32
    %dma_wait3A_18 = arith.constant 0 : i32
    %dma_wait3A_19 = tpu.memref_slice %arg4[%dma_wait3A, %dma_wait3A_18] : memref<1000000x64xf32, #tpu.memory_space<hbm>> -> memref<256x64xf32, #tpu.memory_space<hbm>>
    %dma_wait3A_20 = arith.constant 0 : i32
    %dma_wait3A_21 = arith.constant 0 : i32
    %dma_wait3A_22 = tpu.memref_slice %arg4[%dma_wait3A_20, %dma_wait3A_21] : memref<1000000x64xf32, #tpu.memory_space<hbm>> -> memref<256x64xf32, #tpu.memory_space<hbm>>
    tpu.wait_dma2 semaphore(%arg16 : memref<!tpu.dma_semaphore, #tpu.memory_space<semaphore_mem>>) src(%dma_wait3A_22 : memref<256x64xf32, #tpu.memory_space<hbm>>) dst(%arg14 : memref<256x64xf32, #tpu.memory_space<vmem>>)
    %add3A_23 = arith.constant 0 : i32
    %add3A_24 = arith.addi %mul3A_2, %add3A_23 : i32
    %dma_start3A = arith.constant 0 : i32
    %dma_start3A_25 = tpu.memref_slice %arg8[%add3A_24, %dma_start3A] : memref<16384x64xf32, #tpu.memory_space<hbm>> -> memref<256x64xf32, #tpu.memory_space<hbm>>
    %dma_start3A_26 = arith.constant 0 : i32
    %dma_start3A_27 = tpu.memref_slice %arg8[%add3A_24, %dma_start3A_26] : memref<16384x64xf32, #tpu.memory_space<hbm>> -> memref<256x64xf32, #tpu.memory_space<hbm>>
    tpu.enqueue_dma source(%arg14 : memref<256x64xf32, #tpu.memory_space<vmem>>) target(%dma_start3A_27 : memref<256x64xf32, #tpu.memory_space<hbm>>) target_semaphore(%arg18 : memref<!tpu.dma_semaphore, #tpu.memory_space<semaphore_mem>>)
    %dma_wait3A_28 = arith.constant 0 : i32
    %dma_wait3A_29 = tpu.memref_slice %arg8[%mul3A_2, %dma_wait3A_28] : memref<16384x64xf32, #tpu.memory_space<hbm>> -> memref<256x64xf32, #tpu.memory_space<hbm>>
    %dma_wait3A_30 = arith.constant 0 : i32
    %dma_wait3A_31 = tpu.memref_slice %arg8[%mul3A_2, %dma_wait3A_30] : memref<16384x64xf32, #tpu.memory_space<hbm>> -> memref<256x64xf32, #tpu.memory_space<hbm>>
    tpu.wait_dma2 semaphore(%arg18 : memref<!tpu.dma_semaphore, #tpu.memory_space<semaphore_mem>>) src(%arg14 : memref<256x64xf32, #tpu.memory_space<vmem>>) dst(%dma_wait3A_31 : memref<256x64xf32, #tpu.memory_space<hbm>>)
    %scan3A_32 = arith.constant 0 : i32
    %scan3A_33 = arith.constant 0 : i32
    %scan3A_34 = arith.constant 16 : i32
    %scan3A_35 = arith.addi %scan3A_33, %scan3A_34 : i32
    %scan3A_36 = arith.constant 1 : i32
    scf.for %scan3A_180 = %scan3A_33 to %scan3A_35 step %scan3A_36  : i32 {
      %add3A_181 = arith.constant 0 : i32
      %add3A_182 = arith.addi %add3A_181, %scan3A_180 : i32
      %get3A = arith.index_cast %add3A_182 : i32 to index
      %get3A_183 = arith.constant 0 : index
      %get3A_184 = tpu.vector_load %arg13[%get3A, %get3A_183] {strides = array<i32>} : memref<32x16xi32, #tpu.memory_space<vmem>>, vector<1x16xi32>,
      %get3A_185 = vector.shape_cast %get3A_184 : vector<1x16xi32> to vector<16xi32>
      %mul3A_186 = arith.constant 16 : i32
      %mul3A_187 = arith.muli %scan3A_180, %mul3A_186 : i32
      %slice3A = vector.extract_strided_slice %get3A_185 {offsets = [0], sizes = [1], strides = [1]} : vector<16xi32> to vector<1xi32>
      %squeeze3A = vector.extract %slice3A[0] : i32 from vector<1xi32>
      %add3A_188 = arith.constant 0 : i32
      %add3A_189 = arith.addi %mul3A_187, %add3A_188 : i32
      %dma_start3A_190 = arith.constant 0 : i32
      %dma_start3A_191 = tpu.memref_slice %arg14[%add3A_189, %dma_start3A_190] : memref<256x64xf32, #tpu.memory_space<vmem>> -> memref<1x64xf32, #tpu.memory_space<vmem>>
      %dma_start3A_192 = arith.constant 0 : i32
      %dma_start3A_193 = tpu.memref_slice %arg5[%squeeze3A, %dma_start3A_192] : memref<100000x64xf32, #tpu.memory_space<hbm>> -> memref<1x64xf32, #tpu.memory_space<hbm>>
      %dma_start3A_194 = arith.constant 0 : i32
      %dma_start3A_195 = tpu.memref_slice %arg14[%add3A_189, %dma_start3A_194] : memref<256x64xf32, #tpu.memory_space<vmem>> -> memref<1x64xf32, #tpu.memory_space<vmem>>
      %dma_start3A_196 = arith.constant 0 : i32
      %dma_start3A_197 = tpu.memref_slice %arg5[%squeeze3A, %dma_start3A_196] : memref<100000x64xf32, #tpu.memory_space<hbm>> -> memref<1x64xf32, #tpu.memory_space<hbm>>
      tpu.enqueue_dma source(%dma_start3A_197 : memref<1x64xf32, #tpu.memory_space<hbm>>) target(%dma_start3A_195 : memref<1x64xf32, #tpu.memory_space<vmem>>) target_semaphore(%arg16 : memref<!tpu.dma_semaphore, #tpu.memory_space<semaphore_mem>>)
      %slice3A_198 = vector.extract_strided_slice %get3A_185 {offsets = [1], sizes = [1], strides = [1]} : vector<16xi32> to vector<1xi32>
      %squeeze3A_199 = vector.extract %slice3A_198[0] : i32 from vector<1xi32>
      %add3A_200 = arith.constant 1 : i32
      %add3A_201 = arith.addi %mul3A_187, %add3A_200 : i32
      %dma_start3A_202 = arith.constant 0 : i32
      %dma_start3A_203 = tpu.memref_slice %arg14[%add3A_201, %dma_start3A_202] : memref<256x64xf32, #tpu.memory_space<vmem>> -> memref<1x64xf32, #tpu.memory_space<vmem>>
      %dma_start3A_204 = arith.constant 0 : i32
      %dma_start3A_205 = tpu.memref_slice %arg5[%squeeze3A_199, %dma_start3A_204] : memref<100000x64xf32, #tpu.memory_space<hbm>> -> memref<1x64xf32, #tpu.memory_space<hbm>>
      %dma_start3A_206 = arith.constant 0 : i32
      %dma_start3A_207 = tpu.memref_slice %arg14[%add3A_201, %dma_start3A_206] : memref<256x64xf32, #tpu.memory_space<vmem>> -> memref<1x64xf32, #tpu.memory_space<vmem>>
      %dma_start3A_208 = arith.constant 0 : i32
      %dma_start3A_209 = tpu.memref_slice %arg5[%squeeze3A_199, %dma_start3A_208] : memref<100000x64xf32, #tpu.memory_space<hbm>> -> memref<1x64xf32, #tpu.memory_space<hbm>>
      tpu.enqueue_dma source(%dma_start3A_209 : memref<1x64xf32, #tpu.memory_space<hbm>>) target(%dma_start3A_207 : memref<1x64xf32, #tpu.memory_space<vmem>>) target_semaphore(%arg16 : memref<!tpu.dma_semaphore, #tpu.memory_space<semaphore_mem>>)
      %slice3A_210 = vector.extract_strided_slice %get3A_185 {offsets = [2], sizes = [1], strides = [1]} : vector<16xi32> to vector<1xi32>
      %squeeze3A_211 = vector.extract %slice3A_210[0] : i32 from vector<1xi32>
      %add3A_212 = arith.constant 2 : i32
      %add3A_213 = arith.addi %mul3A_187, %add3A_212 : i32
      %dma_start3A_214 = arith.constant 0 : i32
      %dma_start3A_215 = tpu.memref_slice %arg14[%add3A_213, %dma_start3A_214] : memref<256x64xf32, #tpu.memory_space<vmem>> -> memref<1x64xf32, #tpu.memory_space<vmem>>
      %dma_start3A_216 = arith.constant 0 : i32
      %dma_start3A_217 = tpu.memref_slice %arg5[%squeeze3A_211, %dma_start3A_216] : memref<100000x64xf32, #tpu.memory_space<hbm>> -> memref<1x64xf32, #tpu.memory_space<hbm>>
      %dma_start3A_218 = arith.constant 0 : i32
      %dma_start3A_219 = tpu.memref_slice %arg14[%add3A_213, %dma_start3A_218] : memref<256x64xf32, #tpu.memory_space<vmem>> -> memref<1x64xf32, #tpu.memory_space<vmem>>
      %dma_start3A_220 = arith.constant 0 : i32
      %dma_start3A_221 = tpu.memref_slice %arg5[%squeeze3A_211, %dma_start3A_220] : memref<100000x64xf32, #tpu.memory_space<hbm>> -> memref<1x64xf32, #tpu.memory_space<hbm>>
      tpu.enqueue_dma source(%dma_start3A_221 : memref<1x64xf32, #tpu.memory_space<hbm>>) target(%dma_start3A_219 : memref<1x64xf32, #tpu.memory_space<vmem>>) target_semaphore(%arg16 : memref<!tpu.dma_semaphore, #tpu.memory_space<semaphore_mem>>)
      %slice3A_222 = vector.extract_strided_slice %get3A_185 {offsets = [3], sizes = [1], strides = [1]} : vector<16xi32> to vector<1xi32>
      %squeeze3A_223 = vector.extract %slice3A_222[0] : i32 from vector<1xi32>
      %add3A_224 = arith.constant 3 : i32
      %add3A_225 = arith.addi %mul3A_187, %add3A_224 : i32
      %dma_start3A_226 = arith.constant 0 : i32
      %dma_start3A_227 = tpu.memref_slice %arg14[%add3A_225, %dma_start3A_226] : memref<256x64xf32, #tpu.memory_space<vmem>> -> memref<1x64xf32, #tpu.memory_space<vmem>>
      %dma_start3A_228 = arith.constant 0 : i32
      %dma_start3A_229 = tpu.memref_slice %arg5[%squeeze3A_223, %dma_start3A_228] : memref<100000x64xf32, #tpu.memory_space<hbm>> -> memref<1x64xf32, #tpu.memory_space<hbm>>
      %dma_start3A_230 = arith.constant 0 : i32
      %dma_start3A_231 = tpu.memref_slice %arg14[%add3A_225, %dma_start3A_230] : memref<256x64xf32, #tpu.memory_space<vmem>> -> memref<1x64xf32, #tpu.memory_space<vmem>>
      %dma_start3A_232 = arith.constant 0 : i32
      %dma_start3A_233 = tpu.memref_slice %arg5[%squeeze3A_223, %dma_start3A_232] : memref<100000x64xf32, #tpu.memory_space<hbm>> -> memref<1x64xf32, #tpu.memory_space<hbm>>
      tpu.enqueue_dma source(%dma_start3A_233 : memref<1x64xf32, #tpu.memory_space<hbm>>) target(%dma_start3A_231 : memref<1x64xf32, #tpu.memory_space<vmem>>) target_semaphore(%arg16 : memref<!tpu.dma_semaphore, #tpu.memory_space<semaphore_mem>>)
      %slice3A_234 = vector.extract_strided_slice %get3A_185 {offsets = [4], sizes = [1], strides = [1]} : vector<16xi32> to vector<1xi32>
      %squeeze3A_235 = vector.extract %slice3A_234[0] : i32 from vector<1xi32>
      %add3A_236 = arith.constant 4 : i32
      %add3A_237 = arith.addi %mul3A_187, %add3A_236 : i32
      %dma_start3A_238 = arith.constant 0 : i32
      %dma_start3A_239 = tpu.memref_slice %arg14[%add3A_237, %dma_start3A_238] : memref<256x64xf32, #tpu.memory_space<vmem>> -> memref<1x64xf32, #tpu.memory_space<vmem>>
      %dma_start3A_240 = arith.constant 0 : i32
      %dma_start3A_241 = tpu.memref_slice %arg5[%squeeze3A_235, %dma_start3A_240] : memref<100000x64xf32, #tpu.memory_space<hbm>> -> memref<1x64xf32, #tpu.memory_space<hbm>>
      %dma_start3A_242 = arith.constant 0 : i32
      %dma_start3A_243 = tpu.memref_slice %arg14[%add3A_237, %dma_start3A_242] : memref<256x64xf32, #tpu.memory_space<vmem>> -> memref<1x64xf32, #tpu.memory_space<vmem>>
      %dma_start3A_244 = arith.constant 0 : i32
      %dma_start3A_245 = tpu.memref_slice %arg5[%squeeze3A_235, %dma_start3A_244] : memref<100000x64xf32, #tpu.memory_space<hbm>> -> memref<1x64xf32, #tpu.memory_space<hbm>>
      tpu.enqueue_dma source(%dma_start3A_245 : memref<1x64xf32, #tpu.memory_space<hbm>>) target(%dma_start3A_243 : memref<1x64xf32, #tpu.memory_space<vmem>>) target_semaphore(%arg16 : memref<!tpu.dma_semaphore, #tpu.memory_space<semaphore_mem>>)
      %slice3A_246 = vector.extract_strided_slice %get3A_185 {offsets = [5], sizes = [1], strides = [1]} : vector<16xi32> to vector<1xi32>
      %squeeze3A_247 = vector.extract %slice3A_246[0] : i32 from vector<1xi32>
      %add3A_248 = arith.constant 5 : i32
      %add3A_249 = arith.addi %mul3A_187, %add3A_248 : i32
      %dma_start3A_250 = arith.constant 0 : i32
      %dma_start3A_251 = tpu.memref_slice %arg14[%add3A_249, %dma_start3A_250] : memref<256x64xf32, #tpu.memory_space<vmem>> -> memref<1x64xf32, #tpu.memory_space<vmem>>
      %dma_start3A_252 = arith.constant 0 : i32
      %dma_start3A_253 = tpu.memref_slice %arg5[%squeeze3A_247, %dma_start3A_252] : memref<100000x64xf32, #tpu.memory_space<hbm>> -> memref<1x64xf32, #tpu.memory_space<hbm>>
      %dma_start3A_254 = arith.constant 0 : i32
      %dma_start3A_255 = tpu.memref_slice %arg14[%add3A_249, %dma_start3A_254] : memref<256x64xf32, #tpu.memory_space<vmem>> -> memref<1x64xf32, #tpu.memory_space<vmem>>
      %dma_start3A_256 = arith.constant 0 : i32
      %dma_start3A_257 = tpu.memref_slice %arg5[%squeeze3A_247, %dma_start3A_256] : memref<100000x64xf32, #tpu.memory_space<hbm>> -> memref<1x64xf32, #tpu.memory_space<hbm>>
      tpu.enqueue_dma source(%dma_start3A_257 : memref<1x64xf32, #tpu.memory_space<hbm>>) target(%dma_start3A_255 : memref<1x64xf32, #tpu.memory_space<vmem>>) target_semaphore(%arg16 : memref<!tpu.dma_semaphore, #tpu.memory_space<semaphore_mem>>)
      %slice3A_258 = vector.extract_strided_slice %get3A_185 {offsets = [6], sizes = [1], strides = [1]} : vector<16xi32> to vector<1xi32>
      %squeeze3A_259 = vector.extract %slice3A_258[0] : i32 from vector<1xi32>
      %add3A_260 = arith.constant 6 : i32
      %add3A_261 = arith.addi %mul3A_187, %add3A_260 : i32
      %dma_start3A_262 = arith.constant 0 : i32
      %dma_start3A_263 = tpu.memref_slice %arg14[%add3A_261, %dma_start3A_262] : memref<256x64xf32, #tpu.memory_space<vmem>> -> memref<1x64xf32, #tpu.memory_space<vmem>>
      %dma_start3A_264 = arith.constant 0 : i32
      %dma_start3A_265 = tpu.memref_slice %arg5[%squeeze3A_259, %dma_start3A_264] : memref<100000x64xf32, #tpu.memory_space<hbm>> -> memref<1x64xf32, #tpu.memory_space<hbm>>
      %dma_start3A_266 = arith.constant 0 : i32
      %dma_start3A_267 = tpu.memref_slice %arg14[%add3A_261, %dma_start3A_266] : memref<256x64xf32, #tpu.memory_space<vmem>> -> memref<1x64xf32, #tpu.memory_space<vmem>>
      %dma_start3A_268 = arith.constant 0 : i32
      %dma_start3A_269 = tpu.memref_slice %arg5[%squeeze3A_259, %dma_start3A_268] : memref<100000x64xf32, #tpu.memory_space<hbm>> -> memref<1x64xf32, #tpu.memory_space<hbm>>
      tpu.enqueue_dma source(%dma_start3A_269 : memref<1x64xf32, #tpu.memory_space<hbm>>) target(%dma_start3A_267 : memref<1x64xf32, #tpu.memory_space<vmem>>) target_semaphore(%arg16 : memref<!tpu.dma_semaphore, #tpu.memory_space<semaphore_mem>>)
      %slice3A_270 = vector.extract_strided_slice %get3A_185 {offsets = [7], sizes = [1], strides = [1]} : vector<16xi32> to vector<1xi32>
      %squeeze3A_271 = vector.extract %slice3A_270[0] : i32 from vector<1xi32>
      %add3A_272 = arith.constant 7 : i32
      %add3A_273 = arith.addi %mul3A_187, %add3A_272 : i32
      %dma_start3A_274 = arith.constant 0 : i32
      %dma_start3A_275 = tpu.memref_slice %arg14[%add3A_273, %dma_start3A_274] : memref<256x64xf32, #tpu.memory_space<vmem>> -> memref<1x64xf32, #tpu.memory_space<vmem>>
      %dma_start3A_276 = arith.constant 0 : i32
      %dma_start3A_277 = tpu.memref_slice %arg5[%squeeze3A_271, %dma_start3A_276] : memref<100000x64xf32, #tpu.memory_space<hbm>> -> memref<1x64xf32, #tpu.memory_space<hbm>>
      %dma_start3A_278 = arith.constant 0 : i32
      %dma_start3A_279 = tpu.memref_slice %arg14[%add3A_273, %dma_start3A_278] : memref<256x64xf32, #tpu.memory_space<vmem>> -> memref<1x64xf32, #tpu.memory_space<vmem>>
      %dma_start3A_280 = arith.constant 0 : i32
      %dma_start3A_281 = tpu.memref_slice %arg5[%squeeze3A_271, %dma_start3A_280] : memref<100000x64xf32, #tpu.memory_space<hbm>> -> memref<1x64xf32, #tpu.memory_space<hbm>>
      tpu.enqueue_dma source(%dma_start3A_281 : memref<1x64xf32, #tpu.memory_space<hbm>>) target(%dma_start3A_279 : memref<1x64xf32, #tpu.memory_space<vmem>>) target_semaphore(%arg16 : memref<!tpu.dma_semaphore, #tpu.memory_space<semaphore_mem>>)
      %slice3A_282 = vector.extract_strided_slice %get3A_185 {offsets = [8], sizes = [1], strides = [1]} : vector<16xi32> to vector<1xi32>
      %squeeze3A_283 = vector.extract %slice3A_282[0] : i32 from vector<1xi32>
      %add3A_284 = arith.constant 8 : i32
      %add3A_285 = arith.addi %mul3A_187, %add3A_284 : i32
      %dma_start3A_286 = arith.constant 0 : i32
      %dma_start3A_287 = tpu.memref_slice %arg14[%add3A_285, %dma_start3A_286] : memref<256x64xf32, #tpu.memory_space<vmem>> -> memref<1x64xf32, #tpu.memory_space<vmem>>
      %dma_start3A_288 = arith.constant 0 : i32
      %dma_start3A_289 = tpu.memref_slice %arg5[%squeeze3A_283, %dma_start3A_288] : memref<100000x64xf32, #tpu.memory_space<hbm>> -> memref<1x64xf32, #tpu.memory_space<hbm>>
      %dma_start3A_290 = arith.constant 0 : i32
      %dma_start3A_291 = tpu.memref_slice %arg14[%add3A_285, %dma_start3A_290] : memref<256x64xf32, #tpu.memory_space<vmem>> -> memref<1x64xf32, #tpu.memory_space<vmem>>
      %dma_start3A_292 = arith.constant 0 : i32
      %dma_start3A_293 = tpu.memref_slice %arg5[%squeeze3A_283, %dma_start3A_292] : memref<100000x64xf32, #tpu.memory_space<hbm>> -> memref<1x64xf32, #tpu.memory_space<hbm>>
      tpu.enqueue_dma source(%dma_start3A_293 : memref<1x64xf32, #tpu.memory_space<hbm>>) target(%dma_start3A_291 : memref<1x64xf32, #tpu.memory_space<vmem>>) target_semaphore(%arg16 : memref<!tpu.dma_semaphore, #tpu.memory_space<semaphore_mem>>)
      %slice3A_294 = vector.extract_strided_slice %get3A_185 {offsets = [9], sizes = [1], strides = [1]} : vector<16xi32> to vector<1xi32>
      %squeeze3A_295 = vector.extract %slice3A_294[0] : i32 from vector<1xi32>
      %add3A_296 = arith.constant 9 : i32
      %add3A_297 = arith.addi %mul3A_187, %add3A_296 : i32
      %dma_start3A_298 = arith.constant 0 : i32
      %dma_start3A_299 = tpu.memref_slice %arg14[%add3A_297, %dma_start3A_298] : memref<256x64xf32, #tpu.memory_space<vmem>> -> memref<1x64xf32, #tpu.memory_space<vmem>>
      %dma_start3A_300 = arith.constant 0 : i32
      %dma_start3A_301 = tpu.memref_slice %arg5[%squeeze3A_295, %dma_start3A_300] : memref<100000x64xf32, #tpu.memory_space<hbm>> -> memref<1x64xf32, #tpu.memory_space<hbm>>
      %dma_start3A_302 = arith.constant 0 : i32
      %dma_start3A_303 = tpu.memref_slice %arg14[%add3A_297, %dma_start3A_302] : memref<256x64xf32, #tpu.memory_space<vmem>> -> memref<1x64xf32, #tpu.memory_space<vmem>>
      %dma_start3A_304 = arith.constant 0 : i32
      %dma_start3A_305 = tpu.memref_slice %arg5[%squeeze3A_295, %dma_start3A_304] : memref<100000x64xf32, #tpu.memory_space<hbm>> -> memref<1x64xf32, #tpu.memory_space<hbm>>
      tpu.enqueue_dma source(%dma_start3A_305 : memref<1x64xf32, #tpu.memory_space<hbm>>) target(%dma_start3A_303 : memref<1x64xf32, #tpu.memory_space<vmem>>) target_semaphore(%arg16 : memref<!tpu.dma_semaphore, #tpu.memory_space<semaphore_mem>>)
      %slice3A_306 = vector.extract_strided_slice %get3A_185 {offsets = [10], sizes = [1], strides = [1]} : vector<16xi32> to vector<1xi32>
      %squeeze3A_307 = vector.extract %slice3A_306[0] : i32 from vector<1xi32>
      %add3A_308 = arith.constant 10 : i32
      %add3A_309 = arith.addi %mul3A_187, %add3A_308 : i32
      %dma_start3A_310 = arith.constant 0 : i32
      %dma_start3A_311 = tpu.memref_slice %arg14[%add3A_309, %dma_start3A_310] : memref<256x64xf32, #tpu.memory_space<vmem>> -> memref<1x64xf32, #tpu.memory_space<vmem>>
      %dma_start3A_312 = arith.constant 0 : i32
      %dma_start3A_313 = tpu.memref_slice %arg5[%squeeze3A_307, %dma_start3A_312] : memref<100000x64xf32, #tpu.memory_space<hbm>> -> memref<1x64xf32, #tpu.memory_space<hbm>>
      %dma_start3A_314 = arith.constant 0 : i32
      %dma_start3A_315 = tpu.memref_slice %arg14[%add3A_309, %dma_start3A_314] : memref<256x64xf32, #tpu.memory_space<vmem>> -> memref<1x64xf32, #tpu.memory_space<vmem>>
      %dma_start3A_316 = arith.constant 0 : i32
      %dma_start3A_317 = tpu.memref_slice %arg5[%squeeze3A_307, %dma_start3A_316] : memref<100000x64xf32, #tpu.memory_space<hbm>> -> memref<1x64xf32, #tpu.memory_space<hbm>>
      tpu.enqueue_dma source(%dma_start3A_317 : memref<1x64xf32, #tpu.memory_space<hbm>>) target(%dma_start3A_315 : memref<1x64xf32, #tpu.memory_space<vmem>>) target_semaphore(%arg16 : memref<!tpu.dma_semaphore, #tpu.memory_space<semaphore_mem>>)
      %slice3A_318 = vector.extract_strided_slice %get3A_185 {offsets = [11], sizes = [1], strides = [1]} : vector<16xi32> to vector<1xi32>
      %squeeze3A_319 = vector.extract %slice3A_318[0] : i32 from vector<1xi32>
      %add3A_320 = arith.constant 11 : i32
      %add3A_321 = arith.addi %mul3A_187, %add3A_320 : i32
      %dma_start3A_322 = arith.constant 0 : i32
      %dma_start3A_323 = tpu.memref_slice %arg14[%add3A_321, %dma_start3A_322] : memref<256x64xf32, #tpu.memory_space<vmem>> -> memref<1x64xf32, #tpu.memory_space<vmem>>
      %dma_start3A_324 = arith.constant 0 : i32
      %dma_start3A_325 = tpu.memref_slice %arg5[%squeeze3A_319, %dma_start3A_324] : memref<100000x64xf32, #tpu.memory_space<hbm>> -> memref<1x64xf32, #tpu.memory_space<hbm>>
      %dma_start3A_326 = arith.constant 0 : i32
      %dma_start3A_327 = tpu.memref_slice %arg14[%add3A_321, %dma_start3A_326] : memref<256x64xf32, #tpu.memory_space<vmem>> -> memref<1x64xf32, #tpu.memory_space<vmem>>
      %dma_start3A_328 = arith.constant 0 : i32
      %dma_start3A_329 = tpu.memref_slice %arg5[%squeeze3A_319, %dma_start3A_328] : memref<100000x64xf32, #tpu.memory_space<hbm>> -> memref<1x64xf32, #tpu.memory_space<hbm>>
      tpu.enqueue_dma source(%dma_start3A_329 : memref<1x64xf32, #tpu.memory_space<hbm>>) target(%dma_start3A_327 : memref<1x64xf32, #tpu.memory_space<vmem>>) target_semaphore(%arg16 : memref<!tpu.dma_semaphore, #tpu.memory_space<semaphore_mem>>)
      %slice3A_330 = vector.extract_strided_slice %get3A_185 {offsets = [12], sizes = [1], strides = [1]} : vector<16xi32> to vector<1xi32>
      %squeeze3A_331 = vector.extract %slice3A_330[0] : i32 from vector<1xi32>
      %add3A_332 = arith.constant 12 : i32
      %add3A_333 = arith.addi %mul3A_187, %add3A_332 : i32
      %dma_start3A_334 = arith.constant 0 : i32
      %dma_start3A_335 = tpu.memref_slice %arg14[%add3A_333, %dma_start3A_334] : memref<256x64xf32, #tpu.memory_space<vmem>> -> memref<1x64xf32, #tpu.memory_space<vmem>>
      %dma_start3A_336 = arith.constant 0 : i32
      %dma_start3A_337 = tpu.memref_slice %arg5[%squeeze3A_331, %dma_start3A_336] : memref<100000x64xf32, #tpu.memory_space<hbm>> -> memref<1x64xf32, #tpu.memory_space<hbm>>
      %dma_start3A_338 = arith.constant 0 : i32
      %dma_start3A_339 = tpu.memref_slice %arg14[%add3A_333, %dma_start3A_338] : memref<256x64xf32, #tpu.memory_space<vmem>> -> memref<1x64xf32, #tpu.memory_space<vmem>>
      %dma_start3A_340 = arith.constant 0 : i32
      %dma_start3A_341 = tpu.memref_slice %arg5[%squeeze3A_331, %dma_start3A_340] : memref<100000x64xf32, #tpu.memory_space<hbm>> -> memref<1x64xf32, #tpu.memory_space<hbm>>
      tpu.enqueue_dma source(%dma_start3A_341 : memref<1x64xf32, #tpu.memory_space<hbm>>) target(%dma_start3A_339 : memref<1x64xf32, #tpu.memory_space<vmem>>) target_semaphore(%arg16 : memref<!tpu.dma_semaphore, #tpu.memory_space<semaphore_mem>>)
      %slice3A_342 = vector.extract_strided_slice %get3A_185 {offsets = [13], sizes = [1], strides = [1]} : vector<16xi32> to vector<1xi32>
      %squeeze3A_343 = vector.extract %slice3A_342[0] : i32 from vector<1xi32>
      %add3A_344 = arith.constant 13 : i32
      %add3A_345 = arith.addi %mul3A_187, %add3A_344 : i32
      %dma_start3A_346 = arith.constant 0 : i32
      %dma_start3A_347 = tpu.memref_slice %arg14[%add3A_345, %dma_start3A_346] : memref<256x64xf32, #tpu.memory_space<vmem>> -> memref<1x64xf32, #tpu.memory_space<vmem>>
      %dma_start3A_348 = arith.constant 0 : i32
      %dma_start3A_349 = tpu.memref_slice %arg5[%squeeze3A_343, %dma_start3A_348] : memref<100000x64xf32, #tpu.memory_space<hbm>> -> memref<1x64xf32, #tpu.memory_space<hbm>>
      %dma_start3A_350 = arith.constant 0 : i32
      %dma_start3A_351 = tpu.memref_slice %arg14[%add3A_345, %dma_start3A_350] : memref<256x64xf32, #tpu.memory_space<vmem>> -> memref<1x64xf32, #tpu.memory_space<vmem>>
      %dma_start3A_352 = arith.constant 0 : i32
      %dma_start3A_353 = tpu.memref_slice %arg5[%squeeze3A_343, %dma_start3A_352] : memref<100000x64xf32, #tpu.memory_space<hbm>> -> memref<1x64xf32, #tpu.memory_space<hbm>>
      tpu.enqueue_dma source(%dma_start3A_353 : memref<1x64xf32, #tpu.memory_space<hbm>>) target(%dma_start3A_351 : memref<1x64xf32, #tpu.memory_space<vmem>>) target_semaphore(%arg16 : memref<!tpu.dma_semaphore, #tpu.memory_space<semaphore_mem>>)
      %slice3A_354 = vector.extract_strided_slice %get3A_185 {offsets = [14], sizes = [1], strides = [1]} : vector<16xi32> to vector<1xi32>
      %squeeze3A_355 = vector.extract %slice3A_354[0] : i32 from vector<1xi32>
      %add3A_356 = arith.constant 14 : i32
      %add3A_357 = arith.addi %mul3A_187, %add3A_356 : i32
      %dma_start3A_358 = arith.constant 0 : i32
      %dma_start3A_359 = tpu.memref_slice %arg14[%add3A_357, %dma_start3A_358] : memref<256x64xf32, #tpu.memory_space<vmem>> -> memref<1x64xf32, #tpu.memory_space<vmem>>
      %dma_start3A_360 = arith.constant 0 : i32
      %dma_start3A_361 = tpu.memref_slice %arg5[%squeeze3A_355, %dma_start3A_360] : memref<100000x64xf32, #tpu.memory_space<hbm>> -> memref<1x64xf32, #tpu.memory_space<hbm>>
      %dma_start3A_362 = arith.constant 0 : i32
      %dma_start3A_363 = tpu.memref_slice %arg14[%add3A_357, %dma_start3A_362] : memref<256x64xf32, #tpu.memory_space<vmem>> -> memref<1x64xf32, #tpu.memory_space<vmem>>
      %dma_start3A_364 = arith.constant 0 : i32
      %dma_start3A_365 = tpu.memref_slice %arg5[%squeeze3A_355, %dma_start3A_364] : memref<100000x64xf32, #tpu.memory_space<hbm>> -> memref<1x64xf32, #tpu.memory_space<hbm>>
      tpu.enqueue_dma source(%dma_start3A_365 : memref<1x64xf32, #tpu.memory_space<hbm>>) target(%dma_start3A_363 : memref<1x64xf32, #tpu.memory_space<vmem>>) target_semaphore(%arg16 : memref<!tpu.dma_semaphore, #tpu.memory_space<semaphore_mem>>)
      %slice3A_366 = vector.extract_strided_slice %get3A_185 {offsets = [15], sizes = [1], strides = [1]} : vector<16xi32> to vector<1xi32>
      %squeeze3A_367 = vector.extract %slice3A_366[0] : i32 from vector<1xi32>
      %add3A_368 = arith.constant 15 : i32
      %add3A_369 = arith.addi %mul3A_187, %add3A_368 : i32
      %dma_start3A_370 = arith.constant 0 : i32
      %dma_start3A_371 = tpu.memref_slice %arg14[%add3A_369, %dma_start3A_370] : memref<256x64xf32, #tpu.memory_space<vmem>> -> memref<1x64xf32, #tpu.memory_space<vmem>>
      %dma_start3A_372 = arith.constant 0 : i32
      %dma_start3A_373 = tpu.memref_slice %arg5[%squeeze3A_367, %dma_start3A_372] : memref<100000x64xf32, #tpu.memory_space<hbm>> -> memref<1x64xf32, #tpu.memory_space<hbm>>
      %dma_start3A_374 = arith.constant 0 : i32
      %dma_start3A_375 = tpu.memref_slice %arg14[%add3A_369, %dma_start3A_374] : memref<256x64xf32, #tpu.memory_space<vmem>> -> memref<1x64xf32, #tpu.memory_space<vmem>>
      %dma_start3A_376 = arith.constant 0 : i32
      %dma_start3A_377 = tpu.memref_slice %arg5[%squeeze3A_367, %dma_start3A_376] : memref<100000x64xf32, #tpu.memory_space<hbm>> -> memref<1x64xf32, #tpu.memory_space<hbm>>
      tpu.enqueue_dma source(%dma_start3A_377 : memref<1x64xf32, #tpu.memory_space<hbm>>) target(%dma_start3A_375 : memref<1x64xf32, #tpu.memory_space<vmem>>) target_semaphore(%arg16 : memref<!tpu.dma_semaphore, #tpu.memory_space<semaphore_mem>>)
    }
    %scan3A_37 = arith.constant 16 : i32
    %dma_wait3A_38 = arith.constant 0 : i32
    %dma_wait3A_39 = arith.constant 0 : i32
    %dma_wait3A_40 = tpu.memref_slice %arg4[%dma_wait3A_38, %dma_wait3A_39] : memref<1000000x64xf32, #tpu.memory_space<hbm>> -> memref<256x64xf32, #tpu.memory_space<hbm>>
    %dma_wait3A_41 = arith.constant 0 : i32
    %dma_wait3A_42 = arith.constant 0 : i32
    %dma_wait3A_43 = tpu.memref_slice %arg4[%dma_wait3A_41, %dma_wait3A_42] : memref<1000000x64xf32, #tpu.memory_space<hbm>> -> memref<256x64xf32, #tpu.memory_space<hbm>>
    tpu.wait_dma2 semaphore(%arg17 : memref<!tpu.dma_semaphore, #tpu.memory_space<semaphore_mem>>) src(%dma_wait3A_43 : memref<256x64xf32, #tpu.memory_space<hbm>>) dst(%arg15 : memref<256x64xf32, #tpu.memory_space<vmem>>)
    %add3A_44 = arith.constant 256 : i32
    %add3A_45 = arith.addi %mul3A_2, %add3A_44 : i32
    %dma_start3A_46 = arith.constant 0 : i32
    %dma_start3A_47 = tpu.memref_slice %arg8[%add3A_45, %dma_start3A_46] : memref<16384x64xf32, #tpu.memory_space<hbm>> -> memref<256x64xf32, #tpu.memory_space<hbm>>
    %dma_start3A_48 = arith.constant 0 : i32
    %dma_start3A_49 = tpu.memref_slice %arg8[%add3A_45, %dma_start3A_48] : memref<16384x64xf32, #tpu.memory_space<hbm>> -> memref<256x64xf32, #tpu.memory_space<hbm>>
    tpu.enqueue_dma source(%arg15 : memref<256x64xf32, #tpu.memory_space<vmem>>) target(%dma_start3A_49 : memref<256x64xf32, #tpu.memory_space<hbm>>) target_semaphore(%arg19 : memref<!tpu.dma_semaphore, #tpu.memory_space<semaphore_mem>>)
    %dma_wait3A_50 = arith.constant 0 : i32
    %dma_wait3A_51 = tpu.memref_slice %arg8[%mul3A_2, %dma_wait3A_50] : memref<16384x64xf32, #tpu.memory_space<hbm>> -> memref<256x64xf32, #tpu.memory_space<hbm>>
    %dma_wait3A_52 = arith.constant 0 : i32
    %dma_wait3A_53 = tpu.memref_slice %arg8[%mul3A_2, %dma_wait3A_52] : memref<16384x64xf32, #tpu.memory_space<hbm>> -> memref<256x64xf32, #tpu.memory_space<hbm>>
    tpu.wait_dma2 semaphore(%arg19 : memref<!tpu.dma_semaphore, #tpu.memory_space<semaphore_mem>>) src(%arg15 : memref<256x64xf32, #tpu.memory_space<vmem>>) dst(%dma_wait3A_53 : memref<256x64xf32, #tpu.memory_space<hbm>>)
    %scan3A_54 = arith.constant 0 : i32
    %scan3A_55 = arith.constant 0 : i32
    %scan3A_56 = arith.constant 16 : i32
    %scan3A_57 = arith.addi %scan3A_55, %scan3A_56 : i32
    %scan3A_58 = arith.constant 1 : i32
    scf.for %scan3A_180 = %scan3A_55 to %scan3A_57 step %scan3A_58  : i32 {
      %add3A_181 = arith.constant 16 : i32
      %add3A_182 = arith.addi %add3A_181, %scan3A_180 : i32
      %get3A = arith.index_cast %add3A_182 : i32 to index
      %get3A_183 = arith.constant 0 : index
      %get3A_184 = tpu.vector_load %arg13[%get3A, %get3A_183] {strides = array<i32>} : memref<32x16xi32, #tpu.memory_space<vmem>>, vector<1x16xi32>,
      %get3A_185 = vector.shape_cast %get3A_184 : vector<1x16xi32> to vector<16xi32>
      %mul3A_186 = arith.constant 16 : i32
      %mul3A_187 = arith.muli %scan3A_180, %mul3A_186 : i32
      %slice3A = vector.extract_strided_slice %get3A_185 {offsets = [0], sizes = [1], strides = [1]} : vector<16xi32> to vector<1xi32>
      %squeeze3A = vector.extract %slice3A[0] : i32 from vector<1xi32>
      %add3A_188 = arith.constant 0 : i32
      %add3A_189 = arith.addi %mul3A_187, %add3A_188 : i32
      %dma_start3A_190 = arith.constant 0 : i32
      %dma_start3A_191 = tpu.memref_slice %arg15[%add3A_189, %dma_start3A_190] : memref<256x64xf32, #tpu.memory_space<vmem>> -> memref<1x64xf32, #tpu.memory_space<vmem>>
      %dma_start3A_192 = arith.constant 0 : i32
      %dma_start3A_193 = tpu.memref_slice %arg5[%squeeze3A, %dma_start3A_192] : memref<100000x64xf32, #tpu.memory_space<hbm>> -> memref<1x64xf32, #tpu.memory_space<hbm>>
      %dma_start3A_194 = arith.constant 0 : i32
      %dma_start3A_195 = tpu.memref_slice %arg15[%add3A_189, %dma_start3A_194] : memref<256x64xf32, #tpu.memory_space<vmem>> -> memref<1x64xf32, #tpu.memory_space<vmem>>
      %dma_start3A_196 = arith.constant 0 : i32
      %dma_start3A_197 = tpu.memref_slice %arg5[%squeeze3A, %dma_start3A_196] : memref<100000x64xf32, #tpu.memory_space<hbm>> -> memref<1x64xf32, #tpu.memory_space<hbm>>
      tpu.enqueue_dma source(%dma_start3A_197 : memref<1x64xf32, #tpu.memory_space<hbm>>) target(%dma_start3A_195 : memref<1x64xf32, #tpu.memory_space<vmem>>) target_semaphore(%arg17 : memref<!tpu.dma_semaphore, #tpu.memory_space<semaphore_mem>>)
      %slice3A_198 = vector.extract_strided_slice %get3A_185 {offsets = [1], sizes = [1], strides = [1]} : vector<16xi32> to vector<1xi32>
      %squeeze3A_199 = vector.extract %slice3A_198[0] : i32 from vector<1xi32>
      %add3A_200 = arith.constant 1 : i32
      %add3A_201 = arith.addi %mul3A_187, %add3A_200 : i32
      %dma_start3A_202 = arith.constant 0 : i32
      %dma_start3A_203 = tpu.memref_slice %arg15[%add3A_201, %dma_start3A_202] : memref<256x64xf32, #tpu.memory_space<vmem>> -> memref<1x64xf32, #tpu.memory_space<vmem>>
      %dma_start3A_204 = arith.constant 0 : i32
      %dma_start3A_205 = tpu.memref_slice %arg5[%squeeze3A_199, %dma_start3A_204] : memref<100000x64xf32, #tpu.memory_space<hbm>> -> memref<1x64xf32, #tpu.memory_space<hbm>>
      %dma_start3A_206 = arith.constant 0 : i32
      %dma_start3A_207 = tpu.memref_slice %arg15[%add3A_201, %dma_start3A_206] : memref<256x64xf32, #tpu.memory_space<vmem>> -> memref<1x64xf32, #tpu.memory_space<vmem>>
      %dma_start3A_208 = arith.constant 0 : i32
      %dma_start3A_209 = tpu.memref_slice %arg5[%squeeze3A_199, %dma_start3A_208] : memref<100000x64xf32, #tpu.memory_space<hbm>> -> memref<1x64xf32, #tpu.memory_space<hbm>>
      tpu.enqueue_dma source(%dma_start3A_209 : memref<1x64xf32, #tpu.memory_space<hbm>>) target(%dma_start3A_207 : memref<1x64xf32, #tpu.memory_space<vmem>>) target_semaphore(%arg17 : memref<!tpu.dma_semaphore, #tpu.memory_space<semaphore_mem>>)
      %slice3A_210 = vector.extract_strided_slice %get3A_185 {offsets = [2], sizes = [1], strides = [1]} : vector<16xi32> to vector<1xi32>
      %squeeze3A_211 = vector.extract %slice3A_210[0] : i32 from vector<1xi32>
      %add3A_212 = arith.constant 2 : i32
      %add3A_213 = arith.addi %mul3A_187, %add3A_212 : i32
      %dma_start3A_214 = arith.constant 0 : i32
      %dma_start3A_215 = tpu.memref_slice %arg15[%add3A_213, %dma_start3A_214] : memref<256x64xf32, #tpu.memory_space<vmem>> -> memref<1x64xf32, #tpu.memory_space<vmem>>
      %dma_start3A_216 = arith.constant 0 : i32
      %dma_start3A_217 = tpu.memref_slice %arg5[%squeeze3A_211, %dma_start3A_216] : memref<100000x64xf32, #tpu.memory_space<hbm>> -> memref<1x64xf32, #tpu.memory_space<hbm>>
      %dma_start3A_218 = arith.constant 0 : i32
      %dma_start3A_219 = tpu.memref_slice %arg15[%add3A_213, %dma_start3A_218] : memref<256x64xf32, #tpu.memory_space<vmem>> -> memref<1x64xf32, #tpu.memory_space<vmem>>
      %dma_start3A_220 = arith.constant 0 : i32
      %dma_start3A_221 = tpu.memref_slice %arg5[%squeeze3A_211, %dma_start3A_220] : memref<100000x64xf32, #tpu.memory_space<hbm>> -> memref<1x64xf32, #tpu.memory_space<hbm>>
      tpu.enqueue_dma source(%dma_start3A_221 : memref<1x64xf32, #tpu.memory_space<hbm>>) target(%dma_start3A_219 : memref<1x64xf32, #tpu.memory_space<vmem>>) target_semaphore(%arg17 : memref<!tpu.dma_semaphore, #tpu.memory_space<semaphore_mem>>)
      %slice3A_222 = vector.extract_strided_slice %get3A_185 {offsets = [3], sizes = [1], strides = [1]} : vector<16xi32> to vector<1xi32>
      %squeeze3A_223 = vector.extract %slice3A_222[0] : i32 from vector<1xi32>
      %add3A_224 = arith.constant 3 : i32
      %add3A_225 = arith.addi %mul3A_187, %add3A_224 : i32
      %dma_start3A_226 = arith.constant 0 : i32
      %dma_start3A_227 = tpu.memref_slice %arg15[%add3A_225, %dma_start3A_226] : memref<256x64xf32, #tpu.memory_space<vmem>> -> memref<1x64xf32, #tpu.memory_space<vmem>>
      %dma_start3A_228 = arith.constant 0 : i32
      %dma_start3A_229 = tpu.memref_slice %arg5[%squeeze3A_223, %dma_start3A_228] : memref<100000x64xf32, #tpu.memory_space<hbm>> -> memref<1x64xf32, #tpu.memory_space<hbm>>
      %dma_start3A_230 = arith.constant 0 : i32
      %dma_start3A_231 = tpu.memref_slice %arg15[%add3A_225, %dma_start3A_230] : memref<256x64xf32, #tpu.memory_space<vmem>> -> memref<1x64xf32, #tpu.memory_space<vmem>>
      %dma_start3A_232 = arith.constant 0 : i32
      %dma_start3A_233 = tpu.memref_slice %arg5[%squeeze3A_223, %dma_start3A_232] : memref<100000x64xf32, #tpu.memory_space<hbm>> -> memref<1x64xf32, #tpu.memory_space<hbm>>
      tpu.enqueue_dma source(%dma_start3A_233 : memref<1x64xf32, #tpu.memory_space<hbm>>) target(%dma_start3A_231 : memref<1x64xf32, #tpu.memory_space<vmem>>) target_semaphore(%arg17 : memref<!tpu.dma_semaphore, #tpu.memory_space<semaphore_mem>>)
      %slice3A_234 = vector.extract_strided_slice %get3A_185 {offsets = [4], sizes = [1], strides = [1]} : vector<16xi32> to vector<1xi32>
      %squeeze3A_235 = vector.extract %slice3A_234[0] : i32 from vector<1xi32>
      %add3A_236 = arith.constant 4 : i32
      %add3A_237 = arith.addi %mul3A_187, %add3A_236 : i32
      %dma_start3A_238 = arith.constant 0 : i32
      %dma_start3A_239 = tpu.memref_slice %arg15[%add3A_237, %dma_start3A_238] : memref<256x64xf32, #tpu.memory_space<vmem>> -> memref<1x64xf32, #tpu.memory_space<vmem>>
      %dma_start3A_240 = arith.constant 0 : i32
      %dma_start3A_241 = tpu.memref_slice %arg5[%squeeze3A_235, %dma_start3A_240] : memref<100000x64xf32, #tpu.memory_space<hbm>> -> memref<1x64xf32, #tpu.memory_space<hbm>>
      %dma_start3A_242 = arith.constant 0 : i32
      %dma_start3A_243 = tpu.memref_slice %arg15[%add3A_237, %dma_start3A_242] : memref<256x64xf32, #tpu.memory_space<vmem>> -> memref<1x64xf32, #tpu.memory_space<vmem>>
      %dma_start3A_244 = arith.constant 0 : i32
      %dma_start3A_245 = tpu.memref_slice %arg5[%squeeze3A_235, %dma_start3A_244] : memref<100000x64xf32, #tpu.memory_space<hbm>> -> memref<1x64xf32, #tpu.memory_space<hbm>>
      tpu.enqueue_dma source(%dma_start3A_245 : memref<1x64xf32, #tpu.memory_space<hbm>>) target(%dma_start3A_243 : memref<1x64xf32, #tpu.memory_space<vmem>>) target_semaphore(%arg17 : memref<!tpu.dma_semaphore, #tpu.memory_space<semaphore_mem>>)
      %slice3A_246 = vector.extract_strided_slice %get3A_185 {offsets = [5], sizes = [1], strides = [1]} : vector<16xi32> to vector<1xi32>
      %squeeze3A_247 = vector.extract %slice3A_246[0] : i32 from vector<1xi32>
      %add3A_248 = arith.constant 5 : i32
      %add3A_249 = arith.addi %mul3A_187, %add3A_248 : i32
      %dma_start3A_250 = arith.constant 0 : i32
      %dma_start3A_251 = tpu.memref_slice %arg15[%add3A_249, %dma_start3A_250] : memref<256x64xf32, #tpu.memory_space<vmem>> -> memref<1x64xf32, #tpu.memory_space<vmem>>
      %dma_start3A_252 = arith.constant 0 : i32
      %dma_start3A_253 = tpu.memref_slice %arg5[%squeeze3A_247, %dma_start3A_252] : memref<100000x64xf32, #tpu.memory_space<hbm>> -> memref<1x64xf32, #tpu.memory_space<hbm>>
      %dma_start3A_254 = arith.constant 0 : i32
      %dma_start3A_255 = tpu.memref_slice %arg15[%add3A_249, %dma_start3A_254] : memref<256x64xf32, #tpu.memory_space<vmem>> -> memref<1x64xf32, #tpu.memory_space<vmem>>
      %dma_start3A_256 = arith.constant 0 : i32
      %dma_start3A_257 = tpu.memref_slice %arg5[%squeeze3A_247, %dma_start3A_256] : memref<100000x64xf32, #tpu.memory_space<hbm>> -> memref<1x64xf32, #tpu.memory_space<hbm>>
      tpu.enqueue_dma source(%dma_start3A_257 : memref<1x64xf32, #tpu.memory_space<hbm>>) target(%dma_start3A_255 : memref<1x64xf32, #tpu.memory_space<vmem>>) target_semaphore(%arg17 : memref<!tpu.dma_semaphore, #tpu.memory_space<semaphore_mem>>)
      %slice3A_258 = vector.extract_strided_slice %get3A_185 {offsets = [6], sizes = [1], strides = [1]} : vector<16xi32> to vector<1xi32>
      %squeeze3A_259 = vector.extract %slice3A_258[0] : i32 from vector<1xi32>
      %add3A_260 = arith.constant 6 : i32
      %add3A_261 = arith.addi %mul3A_187, %add3A_260 : i32
      %dma_start3A_262 = arith.constant 0 : i32
      %dma_start3A_263 = tpu.memref_slice %arg15[%add3A_261, %dma_start3A_262] : memref<256x64xf32, #tpu.memory_space<vmem>> -> memref<1x64xf32, #tpu.memory_space<vmem>>
      %dma_start3A_264 = arith.constant 0 : i32
      %dma_start3A_265 = tpu.memref_slice %arg5[%squeeze3A_259, %dma_start3A_264] : memref<100000x64xf32, #tpu.memory_space<hbm>> -> memref<1x64xf32, #tpu.memory_space<hbm>>
      %dma_start3A_266 = arith.constant 0 : i32
      %dma_start3A_267 = tpu.memref_slice %arg15[%add3A_261, %dma_start3A_266] : memref<256x64xf32, #tpu.memory_space<vmem>> -> memref<1x64xf32, #tpu.memory_space<vmem>>
      %dma_start3A_268 = arith.constant 0 : i32
      %dma_start3A_269 = tpu.memref_slice %arg5[%squeeze3A_259, %dma_start3A_268] : memref<100000x64xf32, #tpu.memory_space<hbm>> -> memref<1x64xf32, #tpu.memory_space<hbm>>
      tpu.enqueue_dma source(%dma_start3A_269 : memref<1x64xf32, #tpu.memory_space<hbm>>) target(%dma_start3A_267 : memref<1x64xf32, #tpu.memory_space<vmem>>) target_semaphore(%arg17 : memref<!tpu.dma_semaphore, #tpu.memory_space<semaphore_mem>>)
      %slice3A_270 = vector.extract_strided_slice %get3A_185 {offsets = [7], sizes = [1], strides = [1]} : vector<16xi32> to vector<1xi32>
      %squeeze3A_271 = vector.extract %slice3A_270[0] : i32 from vector<1xi32>
      %add3A_272 = arith.constant 7 : i32
      %add3A_273 = arith.addi %mul3A_187, %add3A_272 : i32
      %dma_start3A_274 = arith.constant 0 : i32
      %dma_start3A_275 = tpu.memref_slice %arg15[%add3A_273, %dma_start3A_274] : memref<256x64xf32, #tpu.memory_space<vmem>> -> memref<1x64xf32, #tpu.memory_space<vmem>>
      %dma_start3A_276 = arith.constant 0 : i32
      %dma_start3A_277 = tpu.memref_slice %arg5[%squeeze3A_271, %dma_start3A_276] : memref<100000x64xf32, #tpu.memory_space<hbm>> -> memref<1x64xf32, #tpu.memory_space<hbm>>
      %dma_start3A_278 = arith.constant 0 : i32
      %dma_start3A_279 = tpu.memref_slice %arg15[%add3A_273, %dma_start3A_278] : memref<256x64xf32, #tpu.memory_space<vmem>> -> memref<1x64xf32, #tpu.memory_space<vmem>>
      %dma_start3A_280 = arith.constant 0 : i32
      %dma_start3A_281 = tpu.memref_slice %arg5[%squeeze3A_271, %dma_start3A_280] : memref<100000x64xf32, #tpu.memory_space<hbm>> -> memref<1x64xf32, #tpu.memory_space<hbm>>
      tpu.enqueue_dma source(%dma_start3A_281 : memref<1x64xf32, #tpu.memory_space<hbm>>) target(%dma_start3A_279 : memref<1x64xf32, #tpu.memory_space<vmem>>) target_semaphore(%arg17 : memref<!tpu.dma_semaphore, #tpu.memory_space<semaphore_mem>>)
      %slice3A_282 = vector.extract_strided_slice %get3A_185 {offsets = [8], sizes = [1], strides = [1]} : vector<16xi32> to vector<1xi32>
      %squeeze3A_283 = vector.extract %slice3A_282[0] : i32 from vector<1xi32>
      %add3A_284 = arith.constant 8 : i32
      %add3A_285 = arith.addi %mul3A_187, %add3A_284 : i32
      %dma_start3A_286 = arith.constant 0 : i32
      %dma_start3A_287 = tpu.memref_slice %arg15[%add3A_285, %dma_start3A_286] : memref<256x64xf32, #tpu.memory_space<vmem>> -> memref<1x64xf32, #tpu.memory_space<vmem>>
      %dma_start3A_288 = arith.constant 0 : i32
      %dma_start3A_289 = tpu.memref_slice %arg5[%squeeze3A_283, %dma_start3A_288] : memref<100000x64xf32, #tpu.memory_space<hbm>> -> memref<1x64xf32, #tpu.memory_space<hbm>>
      %dma_start3A_290 = arith.constant 0 : i32
      %dma_start3A_291 = tpu.memref_slice %arg15[%add3A_285, %dma_start3A_290] : memref<256x64xf32, #tpu.memory_space<vmem>> -> memref<1x64xf32, #tpu.memory_space<vmem>>
      %dma_start3A_292 = arith.constant 0 : i32
      %dma_start3A_293 = tpu.memref_slice %arg5[%squeeze3A_283, %dma_start3A_292] : memref<100000x64xf32, #tpu.memory_space<hbm>> -> memref<1x64xf32, #tpu.memory_space<hbm>>
      tpu.enqueue_dma source(%dma_start3A_293 : memref<1x64xf32, #tpu.memory_space<hbm>>) target(%dma_start3A_291 : memref<1x64xf32, #tpu.memory_space<vmem>>) target_semaphore(%arg17 : memref<!tpu.dma_semaphore, #tpu.memory_space<semaphore_mem>>)
      %slice3A_294 = vector.extract_strided_slice %get3A_185 {offsets = [9], sizes = [1], strides = [1]} : vector<16xi32> to vector<1xi32>
      %squeeze3A_295 = vector.extract %slice3A_294[0] : i32 from vector<1xi32>
      %add3A_296 = arith.constant 9 : i32
      %add3A_297 = arith.addi %mul3A_187, %add3A_296 : i32
      %dma_start3A_298 = arith.constant 0 : i32
      %dma_start3A_299 = tpu.memref_slice %arg15[%add3A_297, %dma_start3A_298] : memref<256x64xf32, #tpu.memory_space<vmem>> -> memref<1x64xf32, #tpu.memory_space<vmem>>
      %dma_start3A_300 = arith.constant 0 : i32
      %dma_start3A_301 = tpu.memref_slice %arg5[%squeeze3A_295, %dma_start3A_300] : memref<100000x64xf32, #tpu.memory_space<hbm>> -> memref<1x64xf32, #tpu.memory_space<hbm>>
      %dma_start3A_302 = arith.constant 0 : i32
      %dma_start3A_303 = tpu.memref_slice %arg15[%add3A_297, %dma_start3A_302] : memref<256x64xf32, #tpu.memory_space<vmem>> -> memref<1x64xf32, #tpu.memory_space<vmem>>
      %dma_start3A_304 = arith.constant 0 : i32
      %dma_start3A_305 = tpu.memref_slice %arg5[%squeeze3A_295, %dma_start3A_304] : memref<100000x64xf32, #tpu.memory_space<hbm>> -> memref<1x64xf32, #tpu.memory_space<hbm>>
      tpu.enqueue_dma source(%dma_start3A_305 : memref<1x64xf32, #tpu.memory_space<hbm>>) target(%dma_start3A_303 : memref<1x64xf32, #tpu.memory_space<vmem>>) target_semaphore(%arg17 : memref<!tpu.dma_semaphore, #tpu.memory_space<semaphore_mem>>)
      %slice3A_306 = vector.extract_strided_slice %get3A_185 {offsets = [10], sizes = [1], strides = [1]} : vector<16xi32> to vector<1xi32>
      %squeeze3A_307 = vector.extract %slice3A_306[0] : i32 from vector<1xi32>
      %add3A_308 = arith.constant 10 : i32
      %add3A_309 = arith.addi %mul3A_187, %add3A_308 : i32
      %dma_start3A_310 = arith.constant 0 : i32
      %dma_start3A_311 = tpu.memref_slice %arg15[%add3A_309, %dma_start3A_310] : memref<256x64xf32, #tpu.memory_space<vmem>> -> memref<1x64xf32, #tpu.memory_space<vmem>>
      %dma_start3A_312 = arith.constant 0 : i32
      %dma_start3A_313 = tpu.memref_slice %arg5[%squeeze3A_307, %dma_start3A_312] : memref<100000x64xf32, #tpu.memory_space<hbm>> -> memref<1x64xf32, #tpu.memory_space<hbm>>
      %dma_start3A_314 = arith.constant 0 : i32
      %dma_start3A_315 = tpu.memref_slice %arg15[%add3A_309, %dma_start3A_314] : memref<256x64xf32, #tpu.memory_space<vmem>> -> memref<1x64xf32, #tpu.memory_space<vmem>>
      %dma_start3A_316 = arith.constant 0 : i32
      %dma_start3A_317 = tpu.memref_slice %arg5[%squeeze3A_307, %dma_start3A_316] : memref<100000x64xf32, #tpu.memory_space<hbm>> -> memref<1x64xf32, #tpu.memory_space<hbm>>
      tpu.enqueue_dma source(%dma_start3A_317 : memref<1x64xf32, #tpu.memory_space<hbm>>) target(%dma_start3A_315 : memref<1x64xf32, #tpu.memory_space<vmem>>) target_semaphore(%arg17 : memref<!tpu.dma_semaphore, #tpu.memory_space<semaphore_mem>>)
      %slice3A_318 = vector.extract_strided_slice %get3A_185 {offsets = [11], sizes = [1], strides = [1]} : vector<16xi32> to vector<1xi32>
      %squeeze3A_319 = vector.extract %slice3A_318[0] : i32 from vector<1xi32>
      %add3A_320 = arith.constant 11 : i32
      %add3A_321 = arith.addi %mul3A_187, %add3A_320 : i32
      %dma_start3A_322 = arith.constant 0 : i32
      %dma_start3A_323 = tpu.memref_slice %arg15[%add3A_321, %dma_start3A_322] : memref<256x64xf32, #tpu.memory_space<vmem>> -> memref<1x64xf32, #tpu.memory_space<vmem>>
      %dma_start3A_324 = arith.constant 0 : i32
      %dma_start3A_325 = tpu.memref_slice %arg5[%squeeze3A_319, %dma_start3A_324] : memref<100000x64xf32, #tpu.memory_space<hbm>> -> memref<1x64xf32, #tpu.memory_space<hbm>>
      %dma_start3A_326 = arith.constant 0 : i32
      %dma_start3A_327 = tpu.memref_slice %arg15[%add3A_321, %dma_start3A_326] : memref<256x64xf32, #tpu.memory_space<vmem>> -> memref<1x64xf32, #tpu.memory_space<vmem>>
      %dma_start3A_328 = arith.constant 0 : i32
      %dma_start3A_329 = tpu.memref_slice %arg5[%squeeze3A_319, %dma_start3A_328] : memref<100000x64xf32, #tpu.memory_space<hbm>> -> memref<1x64xf32, #tpu.memory_space<hbm>>
      tpu.enqueue_dma source(%dma_start3A_329 : memref<1x64xf32, #tpu.memory_space<hbm>>) target(%dma_start3A_327 : memref<1x64xf32, #tpu.memory_space<vmem>>) target_semaphore(%arg17 : memref<!tpu.dma_semaphore, #tpu.memory_space<semaphore_mem>>)
      %slice3A_330 = vector.extract_strided_slice %get3A_185 {offsets = [12], sizes = [1], strides = [1]} : vector<16xi32> to vector<1xi32>
      %squeeze3A_331 = vector.extract %slice3A_330[0] : i32 from vector<1xi32>
      %add3A_332 = arith.constant 12 : i32
      %add3A_333 = arith.addi %mul3A_187, %add3A_332 : i32
      %dma_start3A_334 = arith.constant 0 : i32
      %dma_start3A_335 = tpu.memref_slice %arg15[%add3A_333, %dma_start3A_334] : memref<256x64xf32, #tpu.memory_space<vmem>> -> memref<1x64xf32, #tpu.memory_space<vmem>>
      %dma_start3A_336 = arith.constant 0 : i32
      %dma_start3A_337 = tpu.memref_slice %arg5[%squeeze3A_331, %dma_start3A_336] : memref<100000x64xf32, #tpu.memory_space<hbm>> -> memref<1x64xf32, #tpu.memory_space<hbm>>
      %dma_start3A_338 = arith.constant 0 : i32
      %dma_start3A_339 = tpu.memref_slice %arg15[%add3A_333, %dma_start3A_338] : memref<256x64xf32, #tpu.memory_space<vmem>> -> memref<1x64xf32, #tpu.memory_space<vmem>>
      %dma_start3A_340 = arith.constant 0 : i32
      %dma_start3A_341 = tpu.memref_slice %arg5[%squeeze3A_331, %dma_start3A_340] : memref<100000x64xf32, #tpu.memory_space<hbm>> -> memref<1x64xf32, #tpu.memory_space<hbm>>
      tpu.enqueue_dma source(%dma_start3A_341 : memref<1x64xf32, #tpu.memory_space<hbm>>) target(%dma_start3A_339 : memref<1x64xf32, #tpu.memory_space<vmem>>) target_semaphore(%arg17 : memref<!tpu.dma_semaphore, #tpu.memory_space<semaphore_mem>>)
      %slice3A_342 = vector.extract_strided_slice %get3A_185 {offsets = [13], sizes = [1], strides = [1]} : vector<16xi32> to vector<1xi32>
      %squeeze3A_343 = vector.extract %slice3A_342[0] : i32 from vector<1xi32>
      %add3A_344 = arith.constant 13 : i32
      %add3A_345 = arith.addi %mul3A_187, %add3A_344 : i32
      %dma_start3A_346 = arith.constant 0 : i32
      %dma_start3A_347 = tpu.memref_slice %arg15[%add3A_345, %dma_start3A_346] : memref<256x64xf32, #tpu.memory_space<vmem>> -> memref<1x64xf32, #tpu.memory_space<vmem>>
      %dma_start3A_348 = arith.constant 0 : i32
      %dma_start3A_349 = tpu.memref_slice %arg5[%squeeze3A_343, %dma_start3A_348] : memref<100000x64xf32, #tpu.memory_space<hbm>> -> memref<1x64xf32, #tpu.memory_space<hbm>>
      %dma_start3A_350 = arith.constant 0 : i32
      %dma_start3A_351 = tpu.memref_slice %arg15[%add3A_345, %dma_start3A_350] : memref<256x64xf32, #tpu.memory_space<vmem>> -> memref<1x64xf32, #tpu.memory_space<vmem>>
      %dma_start3A_352 = arith.constant 0 : i32
      %dma_start3A_353 = tpu.memref_slice %arg5[%squeeze3A_343, %dma_start3A_352] : memref<100000x64xf32, #tpu.memory_space<hbm>> -> memref<1x64xf32, #tpu.memory_space<hbm>>
      tpu.enqueue_dma source(%dma_start3A_353 : memref<1x64xf32, #tpu.memory_space<hbm>>) target(%dma_start3A_351 : memref<1x64xf32, #tpu.memory_space<vmem>>) target_semaphore(%arg17 : memref<!tpu.dma_semaphore, #tpu.memory_space<semaphore_mem>>)
      %slice3A_354 = vector.extract_strided_slice %get3A_185 {offsets = [14], sizes = [1], strides = [1]} : vector<16xi32> to vector<1xi32>
      %squeeze3A_355 = vector.extract %slice3A_354[0] : i32 from vector<1xi32>
      %add3A_356 = arith.constant 14 : i32
      %add3A_357 = arith.addi %mul3A_187, %add3A_356 : i32
      %dma_start3A_358 = arith.constant 0 : i32
      %dma_start3A_359 = tpu.memref_slice %arg15[%add3A_357, %dma_start3A_358] : memref<256x64xf32, #tpu.memory_space<vmem>> -> memref<1x64xf32, #tpu.memory_space<vmem>>
      %dma_start3A_360 = arith.constant 0 : i32
      %dma_start3A_361 = tpu.memref_slice %arg5[%squeeze3A_355, %dma_start3A_360] : memref<100000x64xf32, #tpu.memory_space<hbm>> -> memref<1x64xf32, #tpu.memory_space<hbm>>
      %dma_start3A_362 = arith.constant 0 : i32
      %dma_start3A_363 = tpu.memref_slice %arg15[%add3A_357, %dma_start3A_362] : memref<256x64xf32, #tpu.memory_space<vmem>> -> memref<1x64xf32, #tpu.memory_space<vmem>>
      %dma_start3A_364 = arith.constant 0 : i32
      %dma_start3A_365 = tpu.memref_slice %arg5[%squeeze3A_355, %dma_start3A_364] : memref<100000x64xf32, #tpu.memory_space<hbm>> -> memref<1x64xf32, #tpu.memory_space<hbm>>
      tpu.enqueue_dma source(%dma_start3A_365 : memref<1x64xf32, #tpu.memory_space<hbm>>) target(%dma_start3A_363 : memref<1x64xf32, #tpu.memory_space<vmem>>) target_semaphore(%arg17 : memref<!tpu.dma_semaphore, #tpu.memory_space<semaphore_mem>>)
      %slice3A_366 = vector.extract_strided_slice %get3A_185 {offsets = [15], sizes = [1], strides = [1]} : vector<16xi32> to vector<1xi32>
      %squeeze3A_367 = vector.extract %slice3A_366[0] : i32 from vector<1xi32>
      %add3A_368 = arith.constant 15 : i32
      %add3A_369 = arith.addi %mul3A_187, %add3A_368 : i32
      %dma_start3A_370 = arith.constant 0 : i32
      %dma_start3A_371 = tpu.memref_slice %arg15[%add3A_369, %dma_start3A_370] : memref<256x64xf32, #tpu.memory_space<vmem>> -> memref<1x64xf32, #tpu.memory_space<vmem>>
      %dma_start3A_372 = arith.constant 0 : i32
      %dma_start3A_373 = tpu.memref_slice %arg5[%squeeze3A_367, %dma_start3A_372] : memref<100000x64xf32, #tpu.memory_space<hbm>> -> memref<1x64xf32, #tpu.memory_space<hbm>>
      %dma_start3A_374 = arith.constant 0 : i32
      %dma_start3A_375 = tpu.memref_slice %arg15[%add3A_369, %dma_start3A_374] : memref<256x64xf32, #tpu.memory_space<vmem>> -> memref<1x64xf32, #tpu.memory_space<vmem>>
      %dma_start3A_376 = arith.constant 0 : i32
      %dma_start3A_377 = tpu.memref_slice %arg5[%squeeze3A_367, %dma_start3A_376] : memref<100000x64xf32, #tpu.memory_space<hbm>> -> memref<1x64xf32, #tpu.memory_space<hbm>>
      tpu.enqueue_dma source(%dma_start3A_377 : memref<1x64xf32, #tpu.memory_space<hbm>>) target(%dma_start3A_375 : memref<1x64xf32, #tpu.memory_space<vmem>>) target_semaphore(%arg17 : memref<!tpu.dma_semaphore, #tpu.memory_space<semaphore_mem>>)
    }
    %scan3A_59 = arith.constant 16 : i32
    %dma_wait3A_60 = arith.constant 0 : i32
    %dma_wait3A_61 = arith.constant 0 : i32
    %dma_wait3A_62 = tpu.memref_slice %arg5[%dma_wait3A_60, %dma_wait3A_61] : memref<100000x64xf32, #tpu.memory_space<hbm>> -> memref<256x64xf32, #tpu.memory_space<hbm>>
    %dma_wait3A_63 = arith.constant 0 : i32
    %dma_wait3A_64 = arith.constant 0 : i32
    %dma_wait3A_65 = tpu.memref_slice %arg5[%dma_wait3A_63, %dma_wait3A_64] : memref<100000x64xf32, #tpu.memory_space<hbm>> -> memref<256x64xf32, #tpu.memory_space<hbm>>
    tpu.wait_dma2 semaphore(%arg16 : memref<!tpu.dma_semaphore, #tpu.memory_space<semaphore_mem>>) src(%dma_wait3A_65 : memref<256x64xf32, #tpu.memory_space<hbm>>) dst(%arg14 : memref<256x64xf32, #tpu.memory_space<vmem>>)
    %add3A_66 = arith.constant 0 : i32
    %add3A_67 = arith.addi %mul3A_2, %add3A_66 : i32
    %dma_start3A_68 = arith.constant 0 : i32
    %dma_start3A_69 = tpu.memref_slice %arg9[%add3A_67, %dma_start3A_68] : memref<16384x64xf32, #tpu.memory_space<hbm>> -> memref<256x64xf32, #tpu.memory_space<hbm>>
    %dma_start3A_70 = arith.constant 0 : i32
    %dma_start3A_71 = tpu.memref_slice %arg9[%add3A_67, %dma_start3A_70] : memref<16384x64xf32, #tpu.memory_space<hbm>> -> memref<256x64xf32, #tpu.memory_space<hbm>>
    tpu.enqueue_dma source(%arg14 : memref<256x64xf32, #tpu.memory_space<vmem>>) target(%dma_start3A_71 : memref<256x64xf32, #tpu.memory_space<hbm>>) target_semaphore(%arg18 : memref<!tpu.dma_semaphore, #tpu.memory_space<semaphore_mem>>)
    %dma_wait3A_72 = arith.constant 0 : i32
    %dma_wait3A_73 = tpu.memref_slice %arg9[%mul3A_2, %dma_wait3A_72] : memref<16384x64xf32, #tpu.memory_space<hbm>> -> memref<256x64xf32, #tpu.memory_space<hbm>>
    %dma_wait3A_74 = arith.constant 0 : i32
    %dma_wait3A_75 = tpu.memref_slice %arg9[%mul3A_2, %dma_wait3A_74] : memref<16384x64xf32, #tpu.memory_space<hbm>> -> memref<256x64xf32, #tpu.memory_space<hbm>>
    tpu.wait_dma2 semaphore(%arg18 : memref<!tpu.dma_semaphore, #tpu.memory_space<semaphore_mem>>) src(%arg14 : memref<256x64xf32, #tpu.memory_space<vmem>>) dst(%dma_wait3A_75 : memref<256x64xf32, #tpu.memory_space<hbm>>)
    %scan3A_76 = arith.constant 0 : i32
    %scan3A_77 = arith.constant 0 : i32
    %scan3A_78 = arith.constant 16 : i32
    %scan3A_79 = arith.addi %scan3A_77, %scan3A_78 : i32
    %scan3A_80 = arith.constant 1 : i32
    scf.for %scan3A_180 = %scan3A_77 to %scan3A_79 step %scan3A_80  : i32 {
      %add3A_181 = arith.constant 0 : i32
      %add3A_182 = arith.addi %add3A_181, %scan3A_180 : i32
      %get3A = arith.index_cast %add3A_182 : i32 to index
      %get3A_183 = arith.constant 0 : index
      %get3A_184 = tpu.vector_load %arg12[%get3A, %get3A_183] {strides = array<i32>} : memref<32x16xi32, #tpu.memory_space<vmem>>, vector<1x16xi32>,
      %get3A_185 = vector.shape_cast %get3A_184 : vector<1x16xi32> to vector<16xi32>
      %mul3A_186 = arith.constant 16 : i32
      %mul3A_187 = arith.muli %scan3A_180, %mul3A_186 : i32
      %slice3A = vector.extract_strided_slice %get3A_185 {offsets = [0], sizes = [1], strides = [1]} : vector<16xi32> to vector<1xi32>
      %squeeze3A = vector.extract %slice3A[0] : i32 from vector<1xi32>
      %add3A_188 = arith.constant 0 : i32
      %add3A_189 = arith.addi %mul3A_187, %add3A_188 : i32
      %dma_start3A_190 = arith.constant 0 : i32
      %dma_start3A_191 = tpu.memref_slice %arg14[%add3A_189, %dma_start3A_190] : memref<256x64xf32, #tpu.memory_space<vmem>> -> memref<1x64xf32, #tpu.memory_space<vmem>>
      %dma_start3A_192 = arith.constant 0 : i32
      %dma_start3A_193 = tpu.memref_slice %arg6[%squeeze3A, %dma_start3A_192] : memref<1000000x64xf32, #tpu.memory_space<hbm>> -> memref<1x64xf32, #tpu.memory_space<hbm>>
      %dma_start3A_194 = arith.constant 0 : i32
      %dma_start3A_195 = tpu.memref_slice %arg14[%add3A_189, %dma_start3A_194] : memref<256x64xf32, #tpu.memory_space<vmem>> -> memref<1x64xf32, #tpu.memory_space<vmem>>
      %dma_start3A_196 = arith.constant 0 : i32
      %dma_start3A_197 = tpu.memref_slice %arg6[%squeeze3A, %dma_start3A_196] : memref<1000000x64xf32, #tpu.memory_space<hbm>> -> memref<1x64xf32, #tpu.memory_space<hbm>>
      tpu.enqueue_dma source(%dma_start3A_197 : memref<1x64xf32, #tpu.memory_space<hbm>>) target(%dma_start3A_195 : memref<1x64xf32, #tpu.memory_space<vmem>>) target_semaphore(%arg16 : memref<!tpu.dma_semaphore, #tpu.memory_space<semaphore_mem>>)
      %slice3A_198 = vector.extract_strided_slice %get3A_185 {offsets = [1], sizes = [1], strides = [1]} : vector<16xi32> to vector<1xi32>
      %squeeze3A_199 = vector.extract %slice3A_198[0] : i32 from vector<1xi32>
      %add3A_200 = arith.constant 1 : i32
      %add3A_201 = arith.addi %mul3A_187, %add3A_200 : i32
      %dma_start3A_202 = arith.constant 0 : i32
      %dma_start3A_203 = tpu.memref_slice %arg14[%add3A_201, %dma_start3A_202] : memref<256x64xf32, #tpu.memory_space<vmem>> -> memref<1x64xf32, #tpu.memory_space<vmem>>
      %dma_start3A_204 = arith.constant 0 : i32
      %dma_start3A_205 = tpu.memref_slice %arg6[%squeeze3A_199, %dma_start3A_204] : memref<1000000x64xf32, #tpu.memory_space<hbm>> -> memref<1x64xf32, #tpu.memory_space<hbm>>
      %dma_start3A_206 = arith.constant 0 : i32
      %dma_start3A_207 = tpu.memref_slice %arg14[%add3A_201, %dma_start3A_206] : memref<256x64xf32, #tpu.memory_space<vmem>> -> memref<1x64xf32, #tpu.memory_space<vmem>>
      %dma_start3A_208 = arith.constant 0 : i32
      %dma_start3A_209 = tpu.memref_slice %arg6[%squeeze3A_199, %dma_start3A_208] : memref<1000000x64xf32, #tpu.memory_space<hbm>> -> memref<1x64xf32, #tpu.memory_space<hbm>>
      tpu.enqueue_dma source(%dma_start3A_209 : memref<1x64xf32, #tpu.memory_space<hbm>>) target(%dma_start3A_207 : memref<1x64xf32, #tpu.memory_space<vmem>>) target_semaphore(%arg16 : memref<!tpu.dma_semaphore, #tpu.memory_space<semaphore_mem>>)
      %slice3A_210 = vector.extract_strided_slice %get3A_185 {offsets = [2], sizes = [1], strides = [1]} : vector<16xi32> to vector<1xi32>
      %squeeze3A_211 = vector.extract %slice3A_210[0] : i32 from vector<1xi32>
      %add3A_212 = arith.constant 2 : i32
      %add3A_213 = arith.addi %mul3A_187, %add3A_212 : i32
      %dma_start3A_214 = arith.constant 0 : i32
      %dma_start3A_215 = tpu.memref_slice %arg14[%add3A_213, %dma_start3A_214] : memref<256x64xf32, #tpu.memory_space<vmem>> -> memref<1x64xf32, #tpu.memory_space<vmem>>
      %dma_start3A_216 = arith.constant 0 : i32
      %dma_start3A_217 = tpu.memref_slice %arg6[%squeeze3A_211, %dma_start3A_216] : memref<1000000x64xf32, #tpu.memory_space<hbm>> -> memref<1x64xf32, #tpu.memory_space<hbm>>
      %dma_start3A_218 = arith.constant 0 : i32
      %dma_start3A_219 = tpu.memref_slice %arg14[%add3A_213, %dma_start3A_218] : memref<256x64xf32, #tpu.memory_space<vmem>> -> memref<1x64xf32, #tpu.memory_space<vmem>>
      %dma_start3A_220 = arith.constant 0 : i32
      %dma_start3A_221 = tpu.memref_slice %arg6[%squeeze3A_211, %dma_start3A_220] : memref<1000000x64xf32, #tpu.memory_space<hbm>> -> memref<1x64xf32, #tpu.memory_space<hbm>>
      tpu.enqueue_dma source(%dma_start3A_221 : memref<1x64xf32, #tpu.memory_space<hbm>>) target(%dma_start3A_219 : memref<1x64xf32, #tpu.memory_space<vmem>>) target_semaphore(%arg16 : memref<!tpu.dma_semaphore, #tpu.memory_space<semaphore_mem>>)
      %slice3A_222 = vector.extract_strided_slice %get3A_185 {offsets = [3], sizes = [1], strides = [1]} : vector<16xi32> to vector<1xi32>
      %squeeze3A_223 = vector.extract %slice3A_222[0] : i32 from vector<1xi32>
      %add3A_224 = arith.constant 3 : i32
      %add3A_225 = arith.addi %mul3A_187, %add3A_224 : i32
      %dma_start3A_226 = arith.constant 0 : i32
      %dma_start3A_227 = tpu.memref_slice %arg14[%add3A_225, %dma_start3A_226] : memref<256x64xf32, #tpu.memory_space<vmem>> -> memref<1x64xf32, #tpu.memory_space<vmem>>
      %dma_start3A_228 = arith.constant 0 : i32
      %dma_start3A_229 = tpu.memref_slice %arg6[%squeeze3A_223, %dma_start3A_228] : memref<1000000x64xf32, #tpu.memory_space<hbm>> -> memref<1x64xf32, #tpu.memory_space<hbm>>
      %dma_start3A_230 = arith.constant 0 : i32
      %dma_start3A_231 = tpu.memref_slice %arg14[%add3A_225, %dma_start3A_230] : memref<256x64xf32, #tpu.memory_space<vmem>> -> memref<1x64xf32, #tpu.memory_space<vmem>>
      %dma_start3A_232 = arith.constant 0 : i32
      %dma_start3A_233 = tpu.memref_slice %arg6[%squeeze3A_223, %dma_start3A_232] : memref<1000000x64xf32, #tpu.memory_space<hbm>> -> memref<1x64xf32, #tpu.memory_space<hbm>>
      tpu.enqueue_dma source(%dma_start3A_233 : memref<1x64xf32, #tpu.memory_space<hbm>>) target(%dma_start3A_231 : memref<1x64xf32, #tpu.memory_space<vmem>>) target_semaphore(%arg16 : memref<!tpu.dma_semaphore, #tpu.memory_space<semaphore_mem>>)
      %slice3A_234 = vector.extract_strided_slice %get3A_185 {offsets = [4], sizes = [1], strides = [1]} : vector<16xi32> to vector<1xi32>
      %squeeze3A_235 = vector.extract %slice3A_234[0] : i32 from vector<1xi32>
      %add3A_236 = arith.constant 4 : i32
      %add3A_237 = arith.addi %mul3A_187, %add3A_236 : i32
      %dma_start3A_238 = arith.constant 0 : i32
      %dma_start3A_239 = tpu.memref_slice %arg14[%add3A_237, %dma_start3A_238] : memref<256x64xf32, #tpu.memory_space<vmem>> -> memref<1x64xf32, #tpu.memory_space<vmem>>
      %dma_start3A_240 = arith.constant 0 : i32
      %dma_start3A_241 = tpu.memref_slice %arg6[%squeeze3A_235, %dma_start3A_240] : memref<1000000x64xf32, #tpu.memory_space<hbm>> -> memref<1x64xf32, #tpu.memory_space<hbm>>
      %dma_start3A_242 = arith.constant 0 : i32
      %dma_start3A_243 = tpu.memref_slice %arg14[%add3A_237, %dma_start3A_242] : memref<256x64xf32, #tpu.memory_space<vmem>> -> memref<1x64xf32, #tpu.memory_space<vmem>>
      %dma_start3A_244 = arith.constant 0 : i32
      %dma_start3A_245 = tpu.memref_slice %arg6[%squeeze3A_235, %dma_start3A_244] : memref<1000000x64xf32, #tpu.memory_space<hbm>> -> memref<1x64xf32, #tpu.memory_space<hbm>>
      tpu.enqueue_dma source(%dma_start3A_245 : memref<1x64xf32, #tpu.memory_space<hbm>>) target(%dma_start3A_243 : memref<1x64xf32, #tpu.memory_space<vmem>>) target_semaphore(%arg16 : memref<!tpu.dma_semaphore, #tpu.memory_space<semaphore_mem>>)
      %slice3A_246 = vector.extract_strided_slice %get3A_185 {offsets = [5], sizes = [1], strides = [1]} : vector<16xi32> to vector<1xi32>
      %squeeze3A_247 = vector.extract %slice3A_246[0] : i32 from vector<1xi32>
      %add3A_248 = arith.constant 5 : i32
      %add3A_249 = arith.addi %mul3A_187, %add3A_248 : i32
      %dma_start3A_250 = arith.constant 0 : i32
      %dma_start3A_251 = tpu.memref_slice %arg14[%add3A_249, %dma_start3A_250] : memref<256x64xf32, #tpu.memory_space<vmem>> -> memref<1x64xf32, #tpu.memory_space<vmem>>
      %dma_start3A_252 = arith.constant 0 : i32
      %dma_start3A_253 = tpu.memref_slice %arg6[%squeeze3A_247, %dma_start3A_252] : memref<1000000x64xf32, #tpu.memory_space<hbm>> -> memref<1x64xf32, #tpu.memory_space<hbm>>
      %dma_start3A_254 = arith.constant 0 : i32
      %dma_start3A_255 = tpu.memref_slice %arg14[%add3A_249, %dma_start3A_254] : memref<256x64xf32, #tpu.memory_space<vmem>> -> memref<1x64xf32, #tpu.memory_space<vmem>>
      %dma_start3A_256 = arith.constant 0 : i32
      %dma_start3A_257 = tpu.memref_slice %arg6[%squeeze3A_247, %dma_start3A_256] : memref<1000000x64xf32, #tpu.memory_space<hbm>> -> memref<1x64xf32, #tpu.memory_space<hbm>>
      tpu.enqueue_dma source(%dma_start3A_257 : memref<1x64xf32, #tpu.memory_space<hbm>>) target(%dma_start3A_255 : memref<1x64xf32, #tpu.memory_space<vmem>>) target_semaphore(%arg16 : memref<!tpu.dma_semaphore, #tpu.memory_space<semaphore_mem>>)
      %slice3A_258 = vector.extract_strided_slice %get3A_185 {offsets = [6], sizes = [1], strides = [1]} : vector<16xi32> to vector<1xi32>
      %squeeze3A_259 = vector.extract %slice3A_258[0] : i32 from vector<1xi32>
      %add3A_260 = arith.constant 6 : i32
      %add3A_261 = arith.addi %mul3A_187, %add3A_260 : i32
      %dma_start3A_262 = arith.constant 0 : i32
      %dma_start3A_263 = tpu.memref_slice %arg14[%add3A_261, %dma_start3A_262] : memref<256x64xf32, #tpu.memory_space<vmem>> -> memref<1x64xf32, #tpu.memory_space<vmem>>
      %dma_start3A_264 = arith.constant 0 : i32
      %dma_start3A_265 = tpu.memref_slice %arg6[%squeeze3A_259, %dma_start3A_264] : memref<1000000x64xf32, #tpu.memory_space<hbm>> -> memref<1x64xf32, #tpu.memory_space<hbm>>
      %dma_start3A_266 = arith.constant 0 : i32
      %dma_start3A_267 = tpu.memref_slice %arg14[%add3A_261, %dma_start3A_266] : memref<256x64xf32, #tpu.memory_space<vmem>> -> memref<1x64xf32, #tpu.memory_space<vmem>>
      %dma_start3A_268 = arith.constant 0 : i32
      %dma_start3A_269 = tpu.memref_slice %arg6[%squeeze3A_259, %dma_start3A_268] : memref<1000000x64xf32, #tpu.memory_space<hbm>> -> memref<1x64xf32, #tpu.memory_space<hbm>>
      tpu.enqueue_dma source(%dma_start3A_269 : memref<1x64xf32, #tpu.memory_space<hbm>>) target(%dma_start3A_267 : memref<1x64xf32, #tpu.memory_space<vmem>>) target_semaphore(%arg16 : memref<!tpu.dma_semaphore, #tpu.memory_space<semaphore_mem>>)
      %slice3A_270 = vector.extract_strided_slice %get3A_185 {offsets = [7], sizes = [1], strides = [1]} : vector<16xi32> to vector<1xi32>
      %squeeze3A_271 = vector.extract %slice3A_270[0] : i32 from vector<1xi32>
      %add3A_272 = arith.constant 7 : i32
      %add3A_273 = arith.addi %mul3A_187, %add3A_272 : i32
      %dma_start3A_274 = arith.constant 0 : i32
      %dma_start3A_275 = tpu.memref_slice %arg14[%add3A_273, %dma_start3A_274] : memref<256x64xf32, #tpu.memory_space<vmem>> -> memref<1x64xf32, #tpu.memory_space<vmem>>
      %dma_start3A_276 = arith.constant 0 : i32
      %dma_start3A_277 = tpu.memref_slice %arg6[%squeeze3A_271, %dma_start3A_276] : memref<1000000x64xf32, #tpu.memory_space<hbm>> -> memref<1x64xf32, #tpu.memory_space<hbm>>
      %dma_start3A_278 = arith.constant 0 : i32
      %dma_start3A_279 = tpu.memref_slice %arg14[%add3A_273, %dma_start3A_278] : memref<256x64xf32, #tpu.memory_space<vmem>> -> memref<1x64xf32, #tpu.memory_space<vmem>>
      %dma_start3A_280 = arith.constant 0 : i32
      %dma_start3A_281 = tpu.memref_slice %arg6[%squeeze3A_271, %dma_start3A_280] : memref<1000000x64xf32, #tpu.memory_space<hbm>> -> memref<1x64xf32, #tpu.memory_space<hbm>>
      tpu.enqueue_dma source(%dma_start3A_281 : memref<1x64xf32, #tpu.memory_space<hbm>>) target(%dma_start3A_279 : memref<1x64xf32, #tpu.memory_space<vmem>>) target_semaphore(%arg16 : memref<!tpu.dma_semaphore, #tpu.memory_space<semaphore_mem>>)
      %slice3A_282 = vector.extract_strided_slice %get3A_185 {offsets = [8], sizes = [1], strides = [1]} : vector<16xi32> to vector<1xi32>
      %squeeze3A_283 = vector.extract %slice3A_282[0] : i32 from vector<1xi32>
      %add3A_284 = arith.constant 8 : i32
      %add3A_285 = arith.addi %mul3A_187, %add3A_284 : i32
      %dma_start3A_286 = arith.constant 0 : i32
      %dma_start3A_287 = tpu.memref_slice %arg14[%add3A_285, %dma_start3A_286] : memref<256x64xf32, #tpu.memory_space<vmem>> -> memref<1x64xf32, #tpu.memory_space<vmem>>
      %dma_start3A_288 = arith.constant 0 : i32
      %dma_start3A_289 = tpu.memref_slice %arg6[%squeeze3A_283, %dma_start3A_288] : memref<1000000x64xf32, #tpu.memory_space<hbm>> -> memref<1x64xf32, #tpu.memory_space<hbm>>
      %dma_start3A_290 = arith.constant 0 : i32
      %dma_start3A_291 = tpu.memref_slice %arg14[%add3A_285, %dma_start3A_290] : memref<256x64xf32, #tpu.memory_space<vmem>> -> memref<1x64xf32, #tpu.memory_space<vmem>>
      %dma_start3A_292 = arith.constant 0 : i32
      %dma_start3A_293 = tpu.memref_slice %arg6[%squeeze3A_283, %dma_start3A_292] : memref<1000000x64xf32, #tpu.memory_space<hbm>> -> memref<1x64xf32, #tpu.memory_space<hbm>>
      tpu.enqueue_dma source(%dma_start3A_293 : memref<1x64xf32, #tpu.memory_space<hbm>>) target(%dma_start3A_291 : memref<1x64xf32, #tpu.memory_space<vmem>>) target_semaphore(%arg16 : memref<!tpu.dma_semaphore, #tpu.memory_space<semaphore_mem>>)
      %slice3A_294 = vector.extract_strided_slice %get3A_185 {offsets = [9], sizes = [1], strides = [1]} : vector<16xi32> to vector<1xi32>
      %squeeze3A_295 = vector.extract %slice3A_294[0] : i32 from vector<1xi32>
      %add3A_296 = arith.constant 9 : i32
      %add3A_297 = arith.addi %mul3A_187, %add3A_296 : i32
      %dma_start3A_298 = arith.constant 0 : i32
      %dma_start3A_299 = tpu.memref_slice %arg14[%add3A_297, %dma_start3A_298] : memref<256x64xf32, #tpu.memory_space<vmem>> -> memref<1x64xf32, #tpu.memory_space<vmem>>
      %dma_start3A_300 = arith.constant 0 : i32
      %dma_start3A_301 = tpu.memref_slice %arg6[%squeeze3A_295, %dma_start3A_300] : memref<1000000x64xf32, #tpu.memory_space<hbm>> -> memref<1x64xf32, #tpu.memory_space<hbm>>
      %dma_start3A_302 = arith.constant 0 : i32
      %dma_start3A_303 = tpu.memref_slice %arg14[%add3A_297, %dma_start3A_302] : memref<256x64xf32, #tpu.memory_space<vmem>> -> memref<1x64xf32, #tpu.memory_space<vmem>>
      %dma_start3A_304 = arith.constant 0 : i32
      %dma_start3A_305 = tpu.memref_slice %arg6[%squeeze3A_295, %dma_start3A_304] : memref<1000000x64xf32, #tpu.memory_space<hbm>> -> memref<1x64xf32, #tpu.memory_space<hbm>>
      tpu.enqueue_dma source(%dma_start3A_305 : memref<1x64xf32, #tpu.memory_space<hbm>>) target(%dma_start3A_303 : memref<1x64xf32, #tpu.memory_space<vmem>>) target_semaphore(%arg16 : memref<!tpu.dma_semaphore, #tpu.memory_space<semaphore_mem>>)
      %slice3A_306 = vector.extract_strided_slice %get3A_185 {offsets = [10], sizes = [1], strides = [1]} : vector<16xi32> to vector<1xi32>
      %squeeze3A_307 = vector.extract %slice3A_306[0] : i32 from vector<1xi32>
      %add3A_308 = arith.constant 10 : i32
      %add3A_309 = arith.addi %mul3A_187, %add3A_308 : i32
      %dma_start3A_310 = arith.constant 0 : i32
      %dma_start3A_311 = tpu.memref_slice %arg14[%add3A_309, %dma_start3A_310] : memref<256x64xf32, #tpu.memory_space<vmem>> -> memref<1x64xf32, #tpu.memory_space<vmem>>
      %dma_start3A_312 = arith.constant 0 : i32
      %dma_start3A_313 = tpu.memref_slice %arg6[%squeeze3A_307, %dma_start3A_312] : memref<1000000x64xf32, #tpu.memory_space<hbm>> -> memref<1x64xf32, #tpu.memory_space<hbm>>
      %dma_start3A_314 = arith.constant 0 : i32
      %dma_start3A_315 = tpu.memref_slice %arg14[%add3A_309, %dma_start3A_314] : memref<256x64xf32, #tpu.memory_space<vmem>> -> memref<1x64xf32, #tpu.memory_space<vmem>>
      %dma_start3A_316 = arith.constant 0 : i32
      %dma_start3A_317 = tpu.memref_slice %arg6[%squeeze3A_307, %dma_start3A_316] : memref<1000000x64xf32, #tpu.memory_space<hbm>> -> memref<1x64xf32, #tpu.memory_space<hbm>>
      tpu.enqueue_dma source(%dma_start3A_317 : memref<1x64xf32, #tpu.memory_space<hbm>>) target(%dma_start3A_315 : memref<1x64xf32, #tpu.memory_space<vmem>>) target_semaphore(%arg16 : memref<!tpu.dma_semaphore, #tpu.memory_space<semaphore_mem>>)
      %slice3A_318 = vector.extract_strided_slice %get3A_185 {offsets = [11], sizes = [1], strides = [1]} : vector<16xi32> to vector<1xi32>
      %squeeze3A_319 = vector.extract %slice3A_318[0] : i32 from vector<1xi32>
      %add3A_320 = arith.constant 11 : i32
      %add3A_321 = arith.addi %mul3A_187, %add3A_320 : i32
      %dma_start3A_322 = arith.constant 0 : i32
      %dma_start3A_323 = tpu.memref_slice %arg14[%add3A_321, %dma_start3A_322] : memref<256x64xf32, #tpu.memory_space<vmem>> -> memref<1x64xf32, #tpu.memory_space<vmem>>
      %dma_start3A_324 = arith.constant 0 : i32
      %dma_start3A_325 = tpu.memref_slice %arg6[%squeeze3A_319, %dma_start3A_324] : memref<1000000x64xf32, #tpu.memory_space<hbm>> -> memref<1x64xf32, #tpu.memory_space<hbm>>
      %dma_start3A_326 = arith.constant 0 : i32
      %dma_start3A_327 = tpu.memref_slice %arg14[%add3A_321, %dma_start3A_326] : memref<256x64xf32, #tpu.memory_space<vmem>> -> memref<1x64xf32, #tpu.memory_space<vmem>>
      %dma_start3A_328 = arith.constant 0 : i32
      %dma_start3A_329 = tpu.memref_slice %arg6[%squeeze3A_319, %dma_start3A_328] : memref<1000000x64xf32, #tpu.memory_space<hbm>> -> memref<1x64xf32, #tpu.memory_space<hbm>>
      tpu.enqueue_dma source(%dma_start3A_329 : memref<1x64xf32, #tpu.memory_space<hbm>>) target(%dma_start3A_327 : memref<1x64xf32, #tpu.memory_space<vmem>>) target_semaphore(%arg16 : memref<!tpu.dma_semaphore, #tpu.memory_space<semaphore_mem>>)
      %slice3A_330 = vector.extract_strided_slice %get3A_185 {offsets = [12], sizes = [1], strides = [1]} : vector<16xi32> to vector<1xi32>
      %squeeze3A_331 = vector.extract %slice3A_330[0] : i32 from vector<1xi32>
      %add3A_332 = arith.constant 12 : i32
      %add3A_333 = arith.addi %mul3A_187, %add3A_332 : i32
      %dma_start3A_334 = arith.constant 0 : i32
      %dma_start3A_335 = tpu.memref_slice %arg14[%add3A_333, %dma_start3A_334] : memref<256x64xf32, #tpu.memory_space<vmem>> -> memref<1x64xf32, #tpu.memory_space<vmem>>
      %dma_start3A_336 = arith.constant 0 : i32
      %dma_start3A_337 = tpu.memref_slice %arg6[%squeeze3A_331, %dma_start3A_336] : memref<1000000x64xf32, #tpu.memory_space<hbm>> -> memref<1x64xf32, #tpu.memory_space<hbm>>
      %dma_start3A_338 = arith.constant 0 : i32
      %dma_start3A_339 = tpu.memref_slice %arg14[%add3A_333, %dma_start3A_338] : memref<256x64xf32, #tpu.memory_space<vmem>> -> memref<1x64xf32, #tpu.memory_space<vmem>>
      %dma_start3A_340 = arith.constant 0 : i32
      %dma_start3A_341 = tpu.memref_slice %arg6[%squeeze3A_331, %dma_start3A_340] : memref<1000000x64xf32, #tpu.memory_space<hbm>> -> memref<1x64xf32, #tpu.memory_space<hbm>>
      tpu.enqueue_dma source(%dma_start3A_341 : memref<1x64xf32, #tpu.memory_space<hbm>>) target(%dma_start3A_339 : memref<1x64xf32, #tpu.memory_space<vmem>>) target_semaphore(%arg16 : memref<!tpu.dma_semaphore, #tpu.memory_space<semaphore_mem>>)
      %slice3A_342 = vector.extract_strided_slice %get3A_185 {offsets = [13], sizes = [1], strides = [1]} : vector<16xi32> to vector<1xi32>
      %squeeze3A_343 = vector.extract %slice3A_342[0] : i32 from vector<1xi32>
      %add3A_344 = arith.constant 13 : i32
      %add3A_345 = arith.addi %mul3A_187, %add3A_344 : i32
      %dma_start3A_346 = arith.constant 0 : i32
      %dma_start3A_347 = tpu.memref_slice %arg14[%add3A_345, %dma_start3A_346] : memref<256x64xf32, #tpu.memory_space<vmem>> -> memref<1x64xf32, #tpu.memory_space<vmem>>
      %dma_start3A_348 = arith.constant 0 : i32
      %dma_start3A_349 = tpu.memref_slice %arg6[%squeeze3A_343, %dma_start3A_348] : memref<1000000x64xf32, #tpu.memory_space<hbm>> -> memref<1x64xf32, #tpu.memory_space<hbm>>
      %dma_start3A_350 = arith.constant 0 : i32
      %dma_start3A_351 = tpu.memref_slice %arg14[%add3A_345, %dma_start3A_350] : memref<256x64xf32, #tpu.memory_space<vmem>> -> memref<1x64xf32, #tpu.memory_space<vmem>>
      %dma_start3A_352 = arith.constant 0 : i32
      %dma_start3A_353 = tpu.memref_slice %arg6[%squeeze3A_343, %dma_start3A_352] : memref<1000000x64xf32, #tpu.memory_space<hbm>> -> memref<1x64xf32, #tpu.memory_space<hbm>>
      tpu.enqueue_dma source(%dma_start3A_353 : memref<1x64xf32, #tpu.memory_space<hbm>>) target(%dma_start3A_351 : memref<1x64xf32, #tpu.memory_space<vmem>>) target_semaphore(%arg16 : memref<!tpu.dma_semaphore, #tpu.memory_space<semaphore_mem>>)
      %slice3A_354 = vector.extract_strided_slice %get3A_185 {offsets = [14], sizes = [1], strides = [1]} : vector<16xi32> to vector<1xi32>
      %squeeze3A_355 = vector.extract %slice3A_354[0] : i32 from vector<1xi32>
      %add3A_356 = arith.constant 14 : i32
      %add3A_357 = arith.addi %mul3A_187, %add3A_356 : i32
      %dma_start3A_358 = arith.constant 0 : i32
      %dma_start3A_359 = tpu.memref_slice %arg14[%add3A_357, %dma_start3A_358] : memref<256x64xf32, #tpu.memory_space<vmem>> -> memref<1x64xf32, #tpu.memory_space<vmem>>
      %dma_start3A_360 = arith.constant 0 : i32
      %dma_start3A_361 = tpu.memref_slice %arg6[%squeeze3A_355, %dma_start3A_360] : memref<1000000x64xf32, #tpu.memory_space<hbm>> -> memref<1x64xf32, #tpu.memory_space<hbm>>
      %dma_start3A_362 = arith.constant 0 : i32
      %dma_start3A_363 = tpu.memref_slice %arg14[%add3A_357, %dma_start3A_362] : memref<256x64xf32, #tpu.memory_space<vmem>> -> memref<1x64xf32, #tpu.memory_space<vmem>>
      %dma_start3A_364 = arith.constant 0 : i32
      %dma_start3A_365 = tpu.memref_slice %arg6[%squeeze3A_355, %dma_start3A_364] : memref<1000000x64xf32, #tpu.memory_space<hbm>> -> memref<1x64xf32, #tpu.memory_space<hbm>>
      tpu.enqueue_dma source(%dma_start3A_365 : memref<1x64xf32, #tpu.memory_space<hbm>>) target(%dma_start3A_363 : memref<1x64xf32, #tpu.memory_space<vmem>>) target_semaphore(%arg16 : memref<!tpu.dma_semaphore, #tpu.memory_space<semaphore_mem>>)
      %slice3A_366 = vector.extract_strided_slice %get3A_185 {offsets = [15], sizes = [1], strides = [1]} : vector<16xi32> to vector<1xi32>
      %squeeze3A_367 = vector.extract %slice3A_366[0] : i32 from vector<1xi32>
      %add3A_368 = arith.constant 15 : i32
      %add3A_369 = arith.addi %mul3A_187, %add3A_368 : i32
      %dma_start3A_370 = arith.constant 0 : i32
      %dma_start3A_371 = tpu.memref_slice %arg14[%add3A_369, %dma_start3A_370] : memref<256x64xf32, #tpu.memory_space<vmem>> -> memref<1x64xf32, #tpu.memory_space<vmem>>
      %dma_start3A_372 = arith.constant 0 : i32
      %dma_start3A_373 = tpu.memref_slice %arg6[%squeeze3A_367, %dma_start3A_372] : memref<1000000x64xf32, #tpu.memory_space<hbm>> -> memref<1x64xf32, #tpu.memory_space<hbm>>
      %dma_start3A_374 = arith.constant 0 : i32
      %dma_start3A_375 = tpu.memref_slice %arg14[%add3A_369, %dma_start3A_374] : memref<256x64xf32, #tpu.memory_space<vmem>> -> memref<1x64xf32, #tpu.memory_space<vmem>>
      %dma_start3A_376 = arith.constant 0 : i32
      %dma_start3A_377 = tpu.memref_slice %arg6[%squeeze3A_367, %dma_start3A_376] : memref<1000000x64xf32, #tpu.memory_space<hbm>> -> memref<1x64xf32, #tpu.memory_space<hbm>>
      tpu.enqueue_dma source(%dma_start3A_377 : memref<1x64xf32, #tpu.memory_space<hbm>>) target(%dma_start3A_375 : memref<1x64xf32, #tpu.memory_space<vmem>>) target_semaphore(%arg16 : memref<!tpu.dma_semaphore, #tpu.memory_space<semaphore_mem>>)
    }
    %scan3A_81 = arith.constant 16 : i32
    %dma_wait3A_82 = arith.constant 0 : i32
    %dma_wait3A_83 = arith.constant 0 : i32
    %dma_wait3A_84 = tpu.memref_slice %arg5[%dma_wait3A_82, %dma_wait3A_83] : memref<100000x64xf32, #tpu.memory_space<hbm>> -> memref<256x64xf32, #tpu.memory_space<hbm>>
    %dma_wait3A_85 = arith.constant 0 : i32
    %dma_wait3A_86 = arith.constant 0 : i32
    %dma_wait3A_87 = tpu.memref_slice %arg5[%dma_wait3A_85, %dma_wait3A_86] : memref<100000x64xf32, #tpu.memory_space<hbm>> -> memref<256x64xf32, #tpu.memory_space<hbm>>
    tpu.wait_dma2 semaphore(%arg17 : memref<!tpu.dma_semaphore, #tpu.memory_space<semaphore_mem>>) src(%dma_wait3A_87 : memref<256x64xf32, #tpu.memory_space<hbm>>) dst(%arg15 : memref<256x64xf32, #tpu.memory_space<vmem>>)
    %add3A_88 = arith.constant 256 : i32
    %add3A_89 = arith.addi %mul3A_2, %add3A_88 : i32
    %dma_start3A_90 = arith.constant 0 : i32
    %dma_start3A_91 = tpu.memref_slice %arg9[%add3A_89, %dma_start3A_90] : memref<16384x64xf32, #tpu.memory_space<hbm>> -> memref<256x64xf32, #tpu.memory_space<hbm>>
    %dma_start3A_92 = arith.constant 0 : i32
    %dma_start3A_93 = tpu.memref_slice %arg9[%add3A_89, %dma_start3A_92] : memref<16384x64xf32, #tpu.memory_space<hbm>> -> memref<256x64xf32, #tpu.memory_space<hbm>>
    tpu.enqueue_dma source(%arg15 : memref<256x64xf32, #tpu.memory_space<vmem>>) target(%dma_start3A_93 : memref<256x64xf32, #tpu.memory_space<hbm>>) target_semaphore(%arg19 : memref<!tpu.dma_semaphore, #tpu.memory_space<semaphore_mem>>)
    %dma_wait3A_94 = arith.constant 0 : i32
    %dma_wait3A_95 = tpu.memref_slice %arg9[%mul3A_2, %dma_wait3A_94] : memref<16384x64xf32, #tpu.memory_space<hbm>> -> memref<256x64xf32, #tpu.memory_space<hbm>>
    %dma_wait3A_96 = arith.constant 0 : i32
    %dma_wait3A_97 = tpu.memref_slice %arg9[%mul3A_2, %dma_wait3A_96] : memref<16384x64xf32, #tpu.memory_space<hbm>> -> memref<256x64xf32, #tpu.memory_space<hbm>>
    tpu.wait_dma2 semaphore(%arg19 : memref<!tpu.dma_semaphore, #tpu.memory_space<semaphore_mem>>) src(%arg15 : memref<256x64xf32, #tpu.memory_space<vmem>>) dst(%dma_wait3A_97 : memref<256x64xf32, #tpu.memory_space<hbm>>)
    %scan3A_98 = arith.constant 0 : i32
    %scan3A_99 = arith.constant 0 : i32
    %scan3A_100 = arith.constant 16 : i32
    %scan3A_101 = arith.addi %scan3A_99, %scan3A_100 : i32
    %scan3A_102 = arith.constant 1 : i32
    scf.for %scan3A_180 = %scan3A_99 to %scan3A_101 step %scan3A_102  : i32 {
      %add3A_181 = arith.constant 16 : i32
      %add3A_182 = arith.addi %add3A_181, %scan3A_180 : i32
      %get3A = arith.index_cast %add3A_182 : i32 to index
      %get3A_183 = arith.constant 0 : index
      %get3A_184 = tpu.vector_load %arg12[%get3A, %get3A_183] {strides = array<i32>} : memref<32x16xi32, #tpu.memory_space<vmem>>, vector<1x16xi32>,
      %get3A_185 = vector.shape_cast %get3A_184 : vector<1x16xi32> to vector<16xi32>
      %mul3A_186 = arith.constant 16 : i32
      %mul3A_187 = arith.muli %scan3A_180, %mul3A_186 : i32
      %slice3A = vector.extract_strided_slice %get3A_185 {offsets = [0], sizes = [1], strides = [1]} : vector<16xi32> to vector<1xi32>
      %squeeze3A = vector.extract %slice3A[0] : i32 from vector<1xi32>
      %add3A_188 = arith.constant 0 : i32
      %add3A_189 = arith.addi %mul3A_187, %add3A_188 : i32
      %dma_start3A_190 = arith.constant 0 : i32
      %dma_start3A_191 = tpu.memref_slice %arg15[%add3A_189, %dma_start3A_190] : memref<256x64xf32, #tpu.memory_space<vmem>> -> memref<1x64xf32, #tpu.memory_space<vmem>>
      %dma_start3A_192 = arith.constant 0 : i32
      %dma_start3A_193 = tpu.memref_slice %arg6[%squeeze3A, %dma_start3A_192] : memref<1000000x64xf32, #tpu.memory_space<hbm>> -> memref<1x64xf32, #tpu.memory_space<hbm>>
      %dma_start3A_194 = arith.constant 0 : i32
      %dma_start3A_195 = tpu.memref_slice %arg15[%add3A_189, %dma_start3A_194] : memref<256x64xf32, #tpu.memory_space<vmem>> -> memref<1x64xf32, #tpu.memory_space<vmem>>
      %dma_start3A_196 = arith.constant 0 : i32
      %dma_start3A_197 = tpu.memref_slice %arg6[%squeeze3A, %dma_start3A_196] : memref<1000000x64xf32, #tpu.memory_space<hbm>> -> memref<1x64xf32, #tpu.memory_space<hbm>>
      tpu.enqueue_dma source(%dma_start3A_197 : memref<1x64xf32, #tpu.memory_space<hbm>>) target(%dma_start3A_195 : memref<1x64xf32, #tpu.memory_space<vmem>>) target_semaphore(%arg17 : memref<!tpu.dma_semaphore, #tpu.memory_space<semaphore_mem>>)
      %slice3A_198 = vector.extract_strided_slice %get3A_185 {offsets = [1], sizes = [1], strides = [1]} : vector<16xi32> to vector<1xi32>
      %squeeze3A_199 = vector.extract %slice3A_198[0] : i32 from vector<1xi32>
      %add3A_200 = arith.constant 1 : i32
      %add3A_201 = arith.addi %mul3A_187, %add3A_200 : i32
      %dma_start3A_202 = arith.constant 0 : i32
      %dma_start3A_203 = tpu.memref_slice %arg15[%add3A_201, %dma_start3A_202] : memref<256x64xf32, #tpu.memory_space<vmem>> -> memref<1x64xf32, #tpu.memory_space<vmem>>
      %dma_start3A_204 = arith.constant 0 : i32
      %dma_start3A_205 = tpu.memref_slice %arg6[%squeeze3A_199, %dma_start3A_204] : memref<1000000x64xf32, #tpu.memory_space<hbm>> -> memref<1x64xf32, #tpu.memory_space<hbm>>
      %dma_start3A_206 = arith.constant 0 : i32
      %dma_start3A_207 = tpu.memref_slice %arg15[%add3A_201, %dma_start3A_206] : memref<256x64xf32, #tpu.memory_space<vmem>> -> memref<1x64xf32, #tpu.memory_space<vmem>>
      %dma_start3A_208 = arith.constant 0 : i32
      %dma_start3A_209 = tpu.memref_slice %arg6[%squeeze3A_199, %dma_start3A_208] : memref<1000000x64xf32, #tpu.memory_space<hbm>> -> memref<1x64xf32, #tpu.memory_space<hbm>>
      tpu.enqueue_dma source(%dma_start3A_209 : memref<1x64xf32, #tpu.memory_space<hbm>>) target(%dma_start3A_207 : memref<1x64xf32, #tpu.memory_space<vmem>>) target_semaphore(%arg17 : memref<!tpu.dma_semaphore, #tpu.memory_space<semaphore_mem>>)
      %slice3A_210 = vector.extract_strided_slice %get3A_185 {offsets = [2], sizes = [1], strides = [1]} : vector<16xi32> to vector<1xi32>
      %squeeze3A_211 = vector.extract %slice3A_210[0] : i32 from vector<1xi32>
      %add3A_212 = arith.constant 2 : i32
      %add3A_213 = arith.addi %mul3A_187, %add3A_212 : i32
      %dma_start3A_214 = arith.constant 0 : i32
      %dma_start3A_215 = tpu.memref_slice %arg15[%add3A_213, %dma_start3A_214] : memref<256x64xf32, #tpu.memory_space<vmem>> -> memref<1x64xf32, #tpu.memory_space<vmem>>
      %dma_start3A_216 = arith.constant 0 : i32
      %dma_start3A_217 = tpu.memref_slice %arg6[%squeeze3A_211, %dma_start3A_216] : memref<1000000x64xf32, #tpu.memory_space<hbm>> -> memref<1x64xf32, #tpu.memory_space<hbm>>
      %dma_start3A_218 = arith.constant 0 : i32
      %dma_start3A_219 = tpu.memref_slice %arg15[%add3A_213, %dma_start3A_218] : memref<256x64xf32, #tpu.memory_space<vmem>> -> memref<1x64xf32, #tpu.memory_space<vmem>>
      %dma_start3A_220 = arith.constant 0 : i32
      %dma_start3A_221 = tpu.memref_slice %arg6[%squeeze3A_211, %dma_start3A_220] : memref<1000000x64xf32, #tpu.memory_space<hbm>> -> memref<1x64xf32, #tpu.memory_space<hbm>>
      tpu.enqueue_dma source(%dma_start3A_221 : memref<1x64xf32, #tpu.memory_space<hbm>>) target(%dma_start3A_219 : memref<1x64xf32, #tpu.memory_space<vmem>>) target_semaphore(%arg17 : memref<!tpu.dma_semaphore, #tpu.memory_space<semaphore_mem>>)
      %slice3A_222 = vector.extract_strided_slice %get3A_185 {offsets = [3], sizes = [1], strides = [1]} : vector<16xi32> to vector<1xi32>
      %squeeze3A_223 = vector.extract %slice3A_222[0] : i32 from vector<1xi32>
      %add3A_224 = arith.constant 3 : i32
      %add3A_225 = arith.addi %mul3A_187, %add3A_224 : i32
      %dma_start3A_226 = arith.constant 0 : i32
      %dma_start3A_227 = tpu.memref_slice %arg15[%add3A_225, %dma_start3A_226] : memref<256x64xf32, #tpu.memory_space<vmem>> -> memref<1x64xf32, #tpu.memory_space<vmem>>
      %dma_start3A_228 = arith.constant 0 : i32
      %dma_start3A_229 = tpu.memref_slice %arg6[%squeeze3A_223, %dma_start3A_228] : memref<1000000x64xf32, #tpu.memory_space<hbm>> -> memref<1x64xf32, #tpu.memory_space<hbm>>
      %dma_start3A_230 = arith.constant 0 : i32
      %dma_start3A_231 = tpu.memref_slice %arg15[%add3A_225, %dma_start3A_230] : memref<256x64xf32, #tpu.memory_space<vmem>> -> memref<1x64xf32, #tpu.memory_space<vmem>>
      %dma_start3A_232 = arith.constant 0 : i32
      %dma_start3A_233 = tpu.memref_slice %arg6[%squeeze3A_223, %dma_start3A_232] : memref<1000000x64xf32, #tpu.memory_space<hbm>> -> memref<1x64xf32, #tpu.memory_space<hbm>>
      tpu.enqueue_dma source(%dma_start3A_233 : memref<1x64xf32, #tpu.memory_space<hbm>>) target(%dma_start3A_231 : memref<1x64xf32, #tpu.memory_space<vmem>>) target_semaphore(%arg17 : memref<!tpu.dma_semaphore, #tpu.memory_space<semaphore_mem>>)
      %slice3A_234 = vector.extract_strided_slice %get3A_185 {offsets = [4], sizes = [1], strides = [1]} : vector<16xi32> to vector<1xi32>
      %squeeze3A_235 = vector.extract %slice3A_234[0] : i32 from vector<1xi32>
      %add3A_236 = arith.constant 4 : i32
      %add3A_237 = arith.addi %mul3A_187, %add3A_236 : i32
      %dma_start3A_238 = arith.constant 0 : i32
      %dma_start3A_239 = tpu.memref_slice %arg15[%add3A_237, %dma_start3A_238] : memref<256x64xf32, #tpu.memory_space<vmem>> -> memref<1x64xf32, #tpu.memory_space<vmem>>
      %dma_start3A_240 = arith.constant 0 : i32
      %dma_start3A_241 = tpu.memref_slice %arg6[%squeeze3A_235, %dma_start3A_240] : memref<1000000x64xf32, #tpu.memory_space<hbm>> -> memref<1x64xf32, #tpu.memory_space<hbm>>
      %dma_start3A_242 = arith.constant 0 : i32
      %dma_start3A_243 = tpu.memref_slice %arg15[%add3A_237, %dma_start3A_242] : memref<256x64xf32, #tpu.memory_space<vmem>> -> memref<1x64xf32, #tpu.memory_space<vmem>>
      %dma_start3A_244 = arith.constant 0 : i32
      %dma_start3A_245 = tpu.memref_slice %arg6[%squeeze3A_235, %dma_start3A_244] : memref<1000000x64xf32, #tpu.memory_space<hbm>> -> memref<1x64xf32, #tpu.memory_space<hbm>>
      tpu.enqueue_dma source(%dma_start3A_245 : memref<1x64xf32, #tpu.memory_space<hbm>>) target(%dma_start3A_243 : memref<1x64xf32, #tpu.memory_space<vmem>>) target_semaphore(%arg17 : memref<!tpu.dma_semaphore, #tpu.memory_space<semaphore_mem>>)
      %slice3A_246 = vector.extract_strided_slice %get3A_185 {offsets = [5], sizes = [1], strides = [1]} : vector<16xi32> to vector<1xi32>
      %squeeze3A_247 = vector.extract %slice3A_246[0] : i32 from vector<1xi32>
      %add3A_248 = arith.constant 5 : i32
      %add3A_249 = arith.addi %mul3A_187, %add3A_248 : i32
      %dma_start3A_250 = arith.constant 0 : i32
      %dma_start3A_251 = tpu.memref_slice %arg15[%add3A_249, %dma_start3A_250] : memref<256x64xf32, #tpu.memory_space<vmem>> -> memref<1x64xf32, #tpu.memory_space<vmem>>
      %dma_start3A_252 = arith.constant 0 : i32
      %dma_start3A_253 = tpu.memref_slice %arg6[%squeeze3A_247, %dma_start3A_252] : memref<1000000x64xf32, #tpu.memory_space<hbm>> -> memref<1x64xf32, #tpu.memory_space<hbm>>
      %dma_start3A_254 = arith.constant 0 : i32
      %dma_start3A_255 = tpu.memref_slice %arg15[%add3A_249, %dma_start3A_254] : memref<256x64xf32, #tpu.memory_space<vmem>> -> memref<1x64xf32, #tpu.memory_space<vmem>>
      %dma_start3A_256 = arith.constant 0 : i32
      %dma_start3A_257 = tpu.memref_slice %arg6[%squeeze3A_247, %dma_start3A_256] : memref<1000000x64xf32, #tpu.memory_space<hbm>> -> memref<1x64xf32, #tpu.memory_space<hbm>>
      tpu.enqueue_dma source(%dma_start3A_257 : memref<1x64xf32, #tpu.memory_space<hbm>>) target(%dma_start3A_255 : memref<1x64xf32, #tpu.memory_space<vmem>>) target_semaphore(%arg17 : memref<!tpu.dma_semaphore, #tpu.memory_space<semaphore_mem>>)
      %slice3A_258 = vector.extract_strided_slice %get3A_185 {offsets = [6], sizes = [1], strides = [1]} : vector<16xi32> to vector<1xi32>
      %squeeze3A_259 = vector.extract %slice3A_258[0] : i32 from vector<1xi32>
      %add3A_260 = arith.constant 6 : i32
      %add3A_261 = arith.addi %mul3A_187, %add3A_260 : i32
      %dma_start3A_262 = arith.constant 0 : i32
      %dma_start3A_263 = tpu.memref_slice %arg15[%add3A_261, %dma_start3A_262] : memref<256x64xf32, #tpu.memory_space<vmem>> -> memref<1x64xf32, #tpu.memory_space<vmem>>
      %dma_start3A_264 = arith.constant 0 : i32
      %dma_start3A_265 = tpu.memref_slice %arg6[%squeeze3A_259, %dma_start3A_264] : memref<1000000x64xf32, #tpu.memory_space<hbm>> -> memref<1x64xf32, #tpu.memory_space<hbm>>
      %dma_start3A_266 = arith.constant 0 : i32
      %dma_start3A_267 = tpu.memref_slice %arg15[%add3A_261, %dma_start3A_266] : memref<256x64xf32, #tpu.memory_space<vmem>> -> memref<1x64xf32, #tpu.memory_space<vmem>>
      %dma_start3A_268 = arith.constant 0 : i32
      %dma_start3A_269 = tpu.memref_slice %arg6[%squeeze3A_259, %dma_start3A_268] : memref<1000000x64xf32, #tpu.memory_space<hbm>> -> memref<1x64xf32, #tpu.memory_space<hbm>>
      tpu.enqueue_dma source(%dma_start3A_269 : memref<1x64xf32, #tpu.memory_space<hbm>>) target(%dma_start3A_267 : memref<1x64xf32, #tpu.memory_space<vmem>>) target_semaphore(%arg17 : memref<!tpu.dma_semaphore, #tpu.memory_space<semaphore_mem>>)
      %slice3A_270 = vector.extract_strided_slice %get3A_185 {offsets = [7], sizes = [1], strides = [1]} : vector<16xi32> to vector<1xi32>
      %squeeze3A_271 = vector.extract %slice3A_270[0] : i32 from vector<1xi32>
      %add3A_272 = arith.constant 7 : i32
      %add3A_273 = arith.addi %mul3A_187, %add3A_272 : i32
      %dma_start3A_274 = arith.constant 0 : i32
      %dma_start3A_275 = tpu.memref_slice %arg15[%add3A_273, %dma_start3A_274] : memref<256x64xf32, #tpu.memory_space<vmem>> -> memref<1x64xf32, #tpu.memory_space<vmem>>
      %dma_start3A_276 = arith.constant 0 : i32
      %dma_start3A_277 = tpu.memref_slice %arg6[%squeeze3A_271, %dma_start3A_276] : memref<1000000x64xf32, #tpu.memory_space<hbm>> -> memref<1x64xf32, #tpu.memory_space<hbm>>
      %dma_start3A_278 = arith.constant 0 : i32
      %dma_start3A_279 = tpu.memref_slice %arg15[%add3A_273, %dma_start3A_278] : memref<256x64xf32, #tpu.memory_space<vmem>> -> memref<1x64xf32, #tpu.memory_space<vmem>>
      %dma_start3A_280 = arith.constant 0 : i32
      %dma_start3A_281 = tpu.memref_slice %arg6[%squeeze3A_271, %dma_start3A_280] : memref<1000000x64xf32, #tpu.memory_space<hbm>> -> memref<1x64xf32, #tpu.memory_space<hbm>>
      tpu.enqueue_dma source(%dma_start3A_281 : memref<1x64xf32, #tpu.memory_space<hbm>>) target(%dma_start3A_279 : memref<1x64xf32, #tpu.memory_space<vmem>>) target_semaphore(%arg17 : memref<!tpu.dma_semaphore, #tpu.memory_space<semaphore_mem>>)
      %slice3A_282 = vector.extract_strided_slice %get3A_185 {offsets = [8], sizes = [1], strides = [1]} : vector<16xi32> to vector<1xi32>
      %squeeze3A_283 = vector.extract %slice3A_282[0] : i32 from vector<1xi32>
      %add3A_284 = arith.constant 8 : i32
      %add3A_285 = arith.addi %mul3A_187, %add3A_284 : i32
      %dma_start3A_286 = arith.constant 0 : i32
      %dma_start3A_287 = tpu.memref_slice %arg15[%add3A_285, %dma_start3A_286] : memref<256x64xf32, #tpu.memory_space<vmem>> -> memref<1x64xf32, #tpu.memory_space<vmem>>
      %dma_start3A_288 = arith.constant 0 : i32
      %dma_start3A_289 = tpu.memref_slice %arg6[%squeeze3A_283, %dma_start3A_288] : memref<1000000x64xf32, #tpu.memory_space<hbm>> -> memref<1x64xf32, #tpu.memory_space<hbm>>
      %dma_start3A_290 = arith.constant 0 : i32
      %dma_start3A_291 = tpu.memref_slice %arg15[%add3A_285, %dma_start3A_290] : memref<256x64xf32, #tpu.memory_space<vmem>> -> memref<1x64xf32, #tpu.memory_space<vmem>>
      %dma_start3A_292 = arith.constant 0 : i32
      %dma_start3A_293 = tpu.memref_slice %arg6[%squeeze3A_283, %dma_start3A_292] : memref<1000000x64xf32, #tpu.memory_space<hbm>> -> memref<1x64xf32, #tpu.memory_space<hbm>>
      tpu.enqueue_dma source(%dma_start3A_293 : memref<1x64xf32, #tpu.memory_space<hbm>>) target(%dma_start3A_291 : memref<1x64xf32, #tpu.memory_space<vmem>>) target_semaphore(%arg17 : memref<!tpu.dma_semaphore, #tpu.memory_space<semaphore_mem>>)
      %slice3A_294 = vector.extract_strided_slice %get3A_185 {offsets = [9], sizes = [1], strides = [1]} : vector<16xi32> to vector<1xi32>
      %squeeze3A_295 = vector.extract %slice3A_294[0] : i32 from vector<1xi32>
      %add3A_296 = arith.constant 9 : i32
      %add3A_297 = arith.addi %mul3A_187, %add3A_296 : i32
      %dma_start3A_298 = arith.constant 0 : i32
      %dma_start3A_299 = tpu.memref_slice %arg15[%add3A_297, %dma_start3A_298] : memref<256x64xf32, #tpu.memory_space<vmem>> -> memref<1x64xf32, #tpu.memory_space<vmem>>
      %dma_start3A_300 = arith.constant 0 : i32
      %dma_start3A_301 = tpu.memref_slice %arg6[%squeeze3A_295, %dma_start3A_300] : memref<1000000x64xf32, #tpu.memory_space<hbm>> -> memref<1x64xf32, #tpu.memory_space<hbm>>
      %dma_start3A_302 = arith.constant 0 : i32
      %dma_start3A_303 = tpu.memref_slice %arg15[%add3A_297, %dma_start3A_302] : memref<256x64xf32, #tpu.memory_space<vmem>> -> memref<1x64xf32, #tpu.memory_space<vmem>>
      %dma_start3A_304 = arith.constant 0 : i32
      %dma_start3A_305 = tpu.memref_slice %arg6[%squeeze3A_295, %dma_start3A_304] : memref<1000000x64xf32, #tpu.memory_space<hbm>> -> memref<1x64xf32, #tpu.memory_space<hbm>>
      tpu.enqueue_dma source(%dma_start3A_305 : memref<1x64xf32, #tpu.memory_space<hbm>>) target(%dma_start3A_303 : memref<1x64xf32, #tpu.memory_space<vmem>>) target_semaphore(%arg17 : memref<!tpu.dma_semaphore, #tpu.memory_space<semaphore_mem>>)
      %slice3A_306 = vector.extract_strided_slice %get3A_185 {offsets = [10], sizes = [1], strides = [1]} : vector<16xi32> to vector<1xi32>
      %squeeze3A_307 = vector.extract %slice3A_306[0] : i32 from vector<1xi32>
      %add3A_308 = arith.constant 10 : i32
      %add3A_309 = arith.addi %mul3A_187, %add3A_308 : i32
      %dma_start3A_310 = arith.constant 0 : i32
      %dma_start3A_311 = tpu.memref_slice %arg15[%add3A_309, %dma_start3A_310] : memref<256x64xf32, #tpu.memory_space<vmem>> -> memref<1x64xf32, #tpu.memory_space<vmem>>
      %dma_start3A_312 = arith.constant 0 : i32
      %dma_start3A_313 = tpu.memref_slice %arg6[%squeeze3A_307, %dma_start3A_312] : memref<1000000x64xf32, #tpu.memory_space<hbm>> -> memref<1x64xf32, #tpu.memory_space<hbm>>
      %dma_start3A_314 = arith.constant 0 : i32
      %dma_start3A_315 = tpu.memref_slice %arg15[%add3A_309, %dma_start3A_314] : memref<256x64xf32, #tpu.memory_space<vmem>> -> memref<1x64xf32, #tpu.memory_space<vmem>>
      %dma_start3A_316 = arith.constant 0 : i32
      %dma_start3A_317 = tpu.memref_slice %arg6[%squeeze3A_307, %dma_start3A_316] : memref<1000000x64xf32, #tpu.memory_space<hbm>> -> memref<1x64xf32, #tpu.memory_space<hbm>>
      tpu.enqueue_dma source(%dma_start3A_317 : memref<1x64xf32, #tpu.memory_space<hbm>>) target(%dma_start3A_315 : memref<1x64xf32, #tpu.memory_space<vmem>>) target_semaphore(%arg17 : memref<!tpu.dma_semaphore, #tpu.memory_space<semaphore_mem>>)
      %slice3A_318 = vector.extract_strided_slice %get3A_185 {offsets = [11], sizes = [1], strides = [1]} : vector<16xi32> to vector<1xi32>
      %squeeze3A_319 = vector.extract %slice3A_318[0] : i32 from vector<1xi32>
      %add3A_320 = arith.constant 11 : i32
      %add3A_321 = arith.addi %mul3A_187, %add3A_320 : i32
      %dma_start3A_322 = arith.constant 0 : i32
      %dma_start3A_323 = tpu.memref_slice %arg15[%add3A_321, %dma_start3A_322] : memref<256x64xf32, #tpu.memory_space<vmem>> -> memref<1x64xf32, #tpu.memory_space<vmem>>
      %dma_start3A_324 = arith.constant 0 : i32
      %dma_start3A_325 = tpu.memref_slice %arg6[%squeeze3A_319, %dma_start3A_324] : memref<1000000x64xf32, #tpu.memory_space<hbm>> -> memref<1x64xf32, #tpu.memory_space<hbm>>
      %dma_start3A_326 = arith.constant 0 : i32
      %dma_start3A_327 = tpu.memref_slice %arg15[%add3A_321, %dma_start3A_326] : memref<256x64xf32, #tpu.memory_space<vmem>> -> memref<1x64xf32, #tpu.memory_space<vmem>>
      %dma_start3A_328 = arith.constant 0 : i32
      %dma_start3A_329 = tpu.memref_slice %arg6[%squeeze3A_319, %dma_start3A_328] : memref<1000000x64xf32, #tpu.memory_space<hbm>> -> memref<1x64xf32, #tpu.memory_space<hbm>>
      tpu.enqueue_dma source(%dma_start3A_329 : memref<1x64xf32, #tpu.memory_space<hbm>>) target(%dma_start3A_327 : memref<1x64xf32, #tpu.memory_space<vmem>>) target_semaphore(%arg17 : memref<!tpu.dma_semaphore, #tpu.memory_space<semaphore_mem>>)
      %slice3A_330 = vector.extract_strided_slice %get3A_185 {offsets = [12], sizes = [1], strides = [1]} : vector<16xi32> to vector<1xi32>
      %squeeze3A_331 = vector.extract %slice3A_330[0] : i32 from vector<1xi32>
      %add3A_332 = arith.constant 12 : i32
      %add3A_333 = arith.addi %mul3A_187, %add3A_332 : i32
      %dma_start3A_334 = arith.constant 0 : i32
      %dma_start3A_335 = tpu.memref_slice %arg15[%add3A_333, %dma_start3A_334] : memref<256x64xf32, #tpu.memory_space<vmem>> -> memref<1x64xf32, #tpu.memory_space<vmem>>
      %dma_start3A_336 = arith.constant 0 : i32
      %dma_start3A_337 = tpu.memref_slice %arg6[%squeeze3A_331, %dma_start3A_336] : memref<1000000x64xf32, #tpu.memory_space<hbm>> -> memref<1x64xf32, #tpu.memory_space<hbm>>
      %dma_start3A_338 = arith.constant 0 : i32
      %dma_start3A_339 = tpu.memref_slice %arg15[%add3A_333, %dma_start3A_338] : memref<256x64xf32, #tpu.memory_space<vmem>> -> memref<1x64xf32, #tpu.memory_space<vmem>>
      %dma_start3A_340 = arith.constant 0 : i32
      %dma_start3A_341 = tpu.memref_slice %arg6[%squeeze3A_331, %dma_start3A_340] : memref<1000000x64xf32, #tpu.memory_space<hbm>> -> memref<1x64xf32, #tpu.memory_space<hbm>>
      tpu.enqueue_dma source(%dma_start3A_341 : memref<1x64xf32, #tpu.memory_space<hbm>>) target(%dma_start3A_339 : memref<1x64xf32, #tpu.memory_space<vmem>>) target_semaphore(%arg17 : memref<!tpu.dma_semaphore, #tpu.memory_space<semaphore_mem>>)
      %slice3A_342 = vector.extract_strided_slice %get3A_185 {offsets = [13], sizes = [1], strides = [1]} : vector<16xi32> to vector<1xi32>
      %squeeze3A_343 = vector.extract %slice3A_342[0] : i32 from vector<1xi32>
      %add3A_344 = arith.constant 13 : i32
      %add3A_345 = arith.addi %mul3A_187, %add3A_344 : i32
      %dma_start3A_346 = arith.constant 0 : i32
      %dma_start3A_347 = tpu.memref_slice %arg15[%add3A_345, %dma_start3A_346] : memref<256x64xf32, #tpu.memory_space<vmem>> -> memref<1x64xf32, #tpu.memory_space<vmem>>
      %dma_start3A_348 = arith.constant 0 : i32
      %dma_start3A_349 = tpu.memref_slice %arg6[%squeeze3A_343, %dma_start3A_348] : memref<1000000x64xf32, #tpu.memory_space<hbm>> -> memref<1x64xf32, #tpu.memory_space<hbm>>
      %dma_start3A_350 = arith.constant 0 : i32
      %dma_start3A_351 = tpu.memref_slice %arg15[%add3A_345, %dma_start3A_350] : memref<256x64xf32, #tpu.memory_space<vmem>> -> memref<1x64xf32, #tpu.memory_space<vmem>>
      %dma_start3A_352 = arith.constant 0 : i32
      %dma_start3A_353 = tpu.memref_slice %arg6[%squeeze3A_343, %dma_start3A_352] : memref<1000000x64xf32, #tpu.memory_space<hbm>> -> memref<1x64xf32, #tpu.memory_space<hbm>>
      tpu.enqueue_dma source(%dma_start3A_353 : memref<1x64xf32, #tpu.memory_space<hbm>>) target(%dma_start3A_351 : memref<1x64xf32, #tpu.memory_space<vmem>>) target_semaphore(%arg17 : memref<!tpu.dma_semaphore, #tpu.memory_space<semaphore_mem>>)
      %slice3A_354 = vector.extract_strided_slice %get3A_185 {offsets = [14], sizes = [1], strides = [1]} : vector<16xi32> to vector<1xi32>
      %squeeze3A_355 = vector.extract %slice3A_354[0] : i32 from vector<1xi32>
      %add3A_356 = arith.constant 14 : i32
      %add3A_357 = arith.addi %mul3A_187, %add3A_356 : i32
      %dma_start3A_358 = arith.constant 0 : i32
      %dma_start3A_359 = tpu.memref_slice %arg15[%add3A_357, %dma_start3A_358] : memref<256x64xf32, #tpu.memory_space<vmem>> -> memref<1x64xf32, #tpu.memory_space<vmem>>
      %dma_start3A_360 = arith.constant 0 : i32
      %dma_start3A_361 = tpu.memref_slice %arg6[%squeeze3A_355, %dma_start3A_360] : memref<1000000x64xf32, #tpu.memory_space<hbm>> -> memref<1x64xf32, #tpu.memory_space<hbm>>
      %dma_start3A_362 = arith.constant 0 : i32
      %dma_start3A_363 = tpu.memref_slice %arg15[%add3A_357, %dma_start3A_362] : memref<256x64xf32, #tpu.memory_space<vmem>> -> memref<1x64xf32, #tpu.memory_space<vmem>>
      %dma_start3A_364 = arith.constant 0 : i32
      %dma_start3A_365 = tpu.memref_slice %arg6[%squeeze3A_355, %dma_start3A_364] : memref<1000000x64xf32, #tpu.memory_space<hbm>> -> memref<1x64xf32, #tpu.memory_space<hbm>>
      tpu.enqueue_dma source(%dma_start3A_365 : memref<1x64xf32, #tpu.memory_space<hbm>>) target(%dma_start3A_363 : memref<1x64xf32, #tpu.memory_space<vmem>>) target_semaphore(%arg17 : memref<!tpu.dma_semaphore, #tpu.memory_space<semaphore_mem>>)
      %slice3A_366 = vector.extract_strided_slice %get3A_185 {offsets = [15], sizes = [1], strides = [1]} : vector<16xi32> to vector<1xi32>
      %squeeze3A_367 = vector.extract %slice3A_366[0] : i32 from vector<1xi32>
      %add3A_368 = arith.constant 15 : i32
      %add3A_369 = arith.addi %mul3A_187, %add3A_368 : i32
      %dma_start3A_370 = arith.constant 0 : i32
      %dma_start3A_371 = tpu.memref_slice %arg15[%add3A_369, %dma_start3A_370] : memref<256x64xf32, #tpu.memory_space<vmem>> -> memref<1x64xf32, #tpu.memory_space<vmem>>
      %dma_start3A_372 = arith.constant 0 : i32
      %dma_start3A_373 = tpu.memref_slice %arg6[%squeeze3A_367, %dma_start3A_372] : memref<1000000x64xf32, #tpu.memory_space<hbm>> -> memref<1x64xf32, #tpu.memory_space<hbm>>
      %dma_start3A_374 = arith.constant 0 : i32
      %dma_start3A_375 = tpu.memref_slice %arg15[%add3A_369, %dma_start3A_374] : memref<256x64xf32, #tpu.memory_space<vmem>> -> memref<1x64xf32, #tpu.memory_space<vmem>>
      %dma_start3A_376 = arith.constant 0 : i32
      %dma_start3A_377 = tpu.memref_slice %arg6[%squeeze3A_367, %dma_start3A_376] : memref<1000000x64xf32, #tpu.memory_space<hbm>> -> memref<1x64xf32, #tpu.memory_space<hbm>>
      tpu.enqueue_dma source(%dma_start3A_377 : memref<1x64xf32, #tpu.memory_space<hbm>>) target(%dma_start3A_375 : memref<1x64xf32, #tpu.memory_space<vmem>>) target_semaphore(%arg17 : memref<!tpu.dma_semaphore, #tpu.memory_space<semaphore_mem>>)
    }
    %scan3A_103 = arith.constant 16 : i32
    %dma_wait3A_104 = arith.constant 0 : i32
    %dma_wait3A_105 = arith.constant 0 : i32
    %dma_wait3A_106 = tpu.memref_slice %arg6[%dma_wait3A_104, %dma_wait3A_105] : memref<1000000x64xf32, #tpu.memory_space<hbm>> -> memref<256x64xf32, #tpu.memory_space<hbm>>
    %dma_wait3A_107 = arith.constant 0 : i32
    %dma_wait3A_108 = arith.constant 0 : i32
    %dma_wait3A_109 = tpu.memref_slice %arg6[%dma_wait3A_107, %dma_wait3A_108] : memref<1000000x64xf32, #tpu.memory_space<hbm>> -> memref<256x64xf32, #tpu.memory_space<hbm>>
    tpu.wait_dma2 semaphore(%arg16 : memref<!tpu.dma_semaphore, #tpu.memory_space<semaphore_mem>>) src(%dma_wait3A_109 : memref<256x64xf32, #tpu.memory_space<hbm>>) dst(%arg14 : memref<256x64xf32, #tpu.memory_space<vmem>>)
    %add3A_110 = arith.constant 0 : i32
    %add3A_111 = arith.addi %mul3A_2, %add3A_110 : i32
    %dma_start3A_112 = arith.constant 0 : i32
    %dma_start3A_113 = tpu.memref_slice %arg10[%add3A_111, %dma_start3A_112] : memref<16384x64xf32, #tpu.memory_space<hbm>> -> memref<256x64xf32, #tpu.memory_space<hbm>>
    %dma_start3A_114 = arith.constant 0 : i32
    %dma_start3A_115 = tpu.memref_slice %arg10[%add3A_111, %dma_start3A_114] : memref<16384x64xf32, #tpu.memory_space<hbm>> -> memref<256x64xf32, #tpu.memory_space<hbm>>
    tpu.enqueue_dma source(%arg14 : memref<256x64xf32, #tpu.memory_space<vmem>>) target(%dma_start3A_115 : memref<256x64xf32, #tpu.memory_space<hbm>>) target_semaphore(%arg18 : memref<!tpu.dma_semaphore, #tpu.memory_space<semaphore_mem>>)
    %dma_wait3A_116 = arith.constant 0 : i32
    %dma_wait3A_117 = tpu.memref_slice %arg10[%mul3A_2, %dma_wait3A_116] : memref<16384x64xf32, #tpu.memory_space<hbm>> -> memref<256x64xf32, #tpu.memory_space<hbm>>
    %dma_wait3A_118 = arith.constant 0 : i32
    %dma_wait3A_119 = tpu.memref_slice %arg10[%mul3A_2, %dma_wait3A_118] : memref<16384x64xf32, #tpu.memory_space<hbm>> -> memref<256x64xf32, #tpu.memory_space<hbm>>
    tpu.wait_dma2 semaphore(%arg18 : memref<!tpu.dma_semaphore, #tpu.memory_space<semaphore_mem>>) src(%arg14 : memref<256x64xf32, #tpu.memory_space<vmem>>) dst(%dma_wait3A_119 : memref<256x64xf32, #tpu.memory_space<hbm>>)
    %scan3A_120 = arith.constant 0 : i32
    %scan3A_121 = arith.constant 0 : i32
    %scan3A_122 = arith.constant 16 : i32
    %scan3A_123 = arith.addi %scan3A_121, %scan3A_122 : i32
    %scan3A_124 = arith.constant 1 : i32
    scf.for %scan3A_180 = %scan3A_121 to %scan3A_123 step %scan3A_124  : i32 {
      %add3A_181 = arith.constant 0 : i32
      %add3A_182 = arith.addi %add3A_181, %scan3A_180 : i32
      %get3A = arith.index_cast %add3A_182 : i32 to index
      %get3A_183 = arith.constant 0 : index
      %get3A_184 = tpu.vector_load %arg13[%get3A, %get3A_183] {strides = array<i32>} : memref<32x16xi32, #tpu.memory_space<vmem>>, vector<1x16xi32>,
      %get3A_185 = vector.shape_cast %get3A_184 : vector<1x16xi32> to vector<16xi32>
      %mul3A_186 = arith.constant 16 : i32
      %mul3A_187 = arith.muli %scan3A_180, %mul3A_186 : i32
      %slice3A = vector.extract_strided_slice %get3A_185 {offsets = [0], sizes = [1], strides = [1]} : vector<16xi32> to vector<1xi32>
      %squeeze3A = vector.extract %slice3A[0] : i32 from vector<1xi32>
      %add3A_188 = arith.constant 0 : i32
      %add3A_189 = arith.addi %mul3A_187, %add3A_188 : i32
      %dma_start3A_190 = arith.constant 0 : i32
      %dma_start3A_191 = tpu.memref_slice %arg14[%add3A_189, %dma_start3A_190] : memref<256x64xf32, #tpu.memory_space<vmem>> -> memref<1x64xf32, #tpu.memory_space<vmem>>
      %dma_start3A_192 = arith.constant 0 : i32
      %dma_start3A_193 = tpu.memref_slice %arg7[%squeeze3A, %dma_start3A_192] : memref<100000x64xf32, #tpu.memory_space<hbm>> -> memref<1x64xf32, #tpu.memory_space<hbm>>
      %dma_start3A_194 = arith.constant 0 : i32
      %dma_start3A_195 = tpu.memref_slice %arg14[%add3A_189, %dma_start3A_194] : memref<256x64xf32, #tpu.memory_space<vmem>> -> memref<1x64xf32, #tpu.memory_space<vmem>>
      %dma_start3A_196 = arith.constant 0 : i32
      %dma_start3A_197 = tpu.memref_slice %arg7[%squeeze3A, %dma_start3A_196] : memref<100000x64xf32, #tpu.memory_space<hbm>> -> memref<1x64xf32, #tpu.memory_space<hbm>>
      tpu.enqueue_dma source(%dma_start3A_197 : memref<1x64xf32, #tpu.memory_space<hbm>>) target(%dma_start3A_195 : memref<1x64xf32, #tpu.memory_space<vmem>>) target_semaphore(%arg16 : memref<!tpu.dma_semaphore, #tpu.memory_space<semaphore_mem>>)
      %slice3A_198 = vector.extract_strided_slice %get3A_185 {offsets = [1], sizes = [1], strides = [1]} : vector<16xi32> to vector<1xi32>
      %squeeze3A_199 = vector.extract %slice3A_198[0] : i32 from vector<1xi32>
      %add3A_200 = arith.constant 1 : i32
      %add3A_201 = arith.addi %mul3A_187, %add3A_200 : i32
      %dma_start3A_202 = arith.constant 0 : i32
      %dma_start3A_203 = tpu.memref_slice %arg14[%add3A_201, %dma_start3A_202] : memref<256x64xf32, #tpu.memory_space<vmem>> -> memref<1x64xf32, #tpu.memory_space<vmem>>
      %dma_start3A_204 = arith.constant 0 : i32
      %dma_start3A_205 = tpu.memref_slice %arg7[%squeeze3A_199, %dma_start3A_204] : memref<100000x64xf32, #tpu.memory_space<hbm>> -> memref<1x64xf32, #tpu.memory_space<hbm>>
      %dma_start3A_206 = arith.constant 0 : i32
      %dma_start3A_207 = tpu.memref_slice %arg14[%add3A_201, %dma_start3A_206] : memref<256x64xf32, #tpu.memory_space<vmem>> -> memref<1x64xf32, #tpu.memory_space<vmem>>
      %dma_start3A_208 = arith.constant 0 : i32
      %dma_start3A_209 = tpu.memref_slice %arg7[%squeeze3A_199, %dma_start3A_208] : memref<100000x64xf32, #tpu.memory_space<hbm>> -> memref<1x64xf32, #tpu.memory_space<hbm>>
      tpu.enqueue_dma source(%dma_start3A_209 : memref<1x64xf32, #tpu.memory_space<hbm>>) target(%dma_start3A_207 : memref<1x64xf32, #tpu.memory_space<vmem>>) target_semaphore(%arg16 : memref<!tpu.dma_semaphore, #tpu.memory_space<semaphore_mem>>)
      %slice3A_210 = vector.extract_strided_slice %get3A_185 {offsets = [2], sizes = [1], strides = [1]} : vector<16xi32> to vector<1xi32>
      %squeeze3A_211 = vector.extract %slice3A_210[0] : i32 from vector<1xi32>
      %add3A_212 = arith.constant 2 : i32
      %add3A_213 = arith.addi %mul3A_187, %add3A_212 : i32
      %dma_start3A_214 = arith.constant 0 : i32
      %dma_start3A_215 = tpu.memref_slice %arg14[%add3A_213, %dma_start3A_214] : memref<256x64xf32, #tpu.memory_space<vmem>> -> memref<1x64xf32, #tpu.memory_space<vmem>>
      %dma_start3A_216 = arith.constant 0 : i32
      %dma_start3A_217 = tpu.memref_slice %arg7[%squeeze3A_211, %dma_start3A_216] : memref<100000x64xf32, #tpu.memory_space<hbm>> -> memref<1x64xf32, #tpu.memory_space<hbm>>
      %dma_start3A_218 = arith.constant 0 : i32
      %dma_start3A_219 = tpu.memref_slice %arg14[%add3A_213, %dma_start3A_218] : memref<256x64xf32, #tpu.memory_space<vmem>> -> memref<1x64xf32, #tpu.memory_space<vmem>>
      %dma_start3A_220 = arith.constant 0 : i32
      %dma_start3A_221 = tpu.memref_slice %arg7[%squeeze3A_211, %dma_start3A_220] : memref<100000x64xf32, #tpu.memory_space<hbm>> -> memref<1x64xf32, #tpu.memory_space<hbm>>
      tpu.enqueue_dma source(%dma_start3A_221 : memref<1x64xf32, #tpu.memory_space<hbm>>) target(%dma_start3A_219 : memref<1x64xf32, #tpu.memory_space<vmem>>) target_semaphore(%arg16 : memref<!tpu.dma_semaphore, #tpu.memory_space<semaphore_mem>>)
      %slice3A_222 = vector.extract_strided_slice %get3A_185 {offsets = [3], sizes = [1], strides = [1]} : vector<16xi32> to vector<1xi32>
      %squeeze3A_223 = vector.extract %slice3A_222[0] : i32 from vector<1xi32>
      %add3A_224 = arith.constant 3 : i32
      %add3A_225 = arith.addi %mul3A_187, %add3A_224 : i32
      %dma_start3A_226 = arith.constant 0 : i32
      %dma_start3A_227 = tpu.memref_slice %arg14[%add3A_225, %dma_start3A_226] : memref<256x64xf32, #tpu.memory_space<vmem>> -> memref<1x64xf32, #tpu.memory_space<vmem>>
      %dma_start3A_228 = arith.constant 0 : i32
      %dma_start3A_229 = tpu.memref_slice %arg7[%squeeze3A_223, %dma_start3A_228] : memref<100000x64xf32, #tpu.memory_space<hbm>> -> memref<1x64xf32, #tpu.memory_space<hbm>>
      %dma_start3A_230 = arith.constant 0 : i32
      %dma_start3A_231 = tpu.memref_slice %arg14[%add3A_225, %dma_start3A_230] : memref<256x64xf32, #tpu.memory_space<vmem>> -> memref<1x64xf32, #tpu.memory_space<vmem>>
      %dma_start3A_232 = arith.constant 0 : i32
      %dma_start3A_233 = tpu.memref_slice %arg7[%squeeze3A_223, %dma_start3A_232] : memref<100000x64xf32, #tpu.memory_space<hbm>> -> memref<1x64xf32, #tpu.memory_space<hbm>>
      tpu.enqueue_dma source(%dma_start3A_233 : memref<1x64xf32, #tpu.memory_space<hbm>>) target(%dma_start3A_231 : memref<1x64xf32, #tpu.memory_space<vmem>>) target_semaphore(%arg16 : memref<!tpu.dma_semaphore, #tpu.memory_space<semaphore_mem>>)
      %slice3A_234 = vector.extract_strided_slice %get3A_185 {offsets = [4], sizes = [1], strides = [1]} : vector<16xi32> to vector<1xi32>
      %squeeze3A_235 = vector.extract %slice3A_234[0] : i32 from vector<1xi32>
      %add3A_236 = arith.constant 4 : i32
      %add3A_237 = arith.addi %mul3A_187, %add3A_236 : i32
      %dma_start3A_238 = arith.constant 0 : i32
      %dma_start3A_239 = tpu.memref_slice %arg14[%add3A_237, %dma_start3A_238] : memref<256x64xf32, #tpu.memory_space<vmem>> -> memref<1x64xf32, #tpu.memory_space<vmem>>
      %dma_start3A_240 = arith.constant 0 : i32
      %dma_start3A_241 = tpu.memref_slice %arg7[%squeeze3A_235, %dma_start3A_240] : memref<100000x64xf32, #tpu.memory_space<hbm>> -> memref<1x64xf32, #tpu.memory_space<hbm>>
      %dma_start3A_242 = arith.constant 0 : i32
      %dma_start3A_243 = tpu.memref_slice %arg14[%add3A_237, %dma_start3A_242] : memref<256x64xf32, #tpu.memory_space<vmem>> -> memref<1x64xf32, #tpu.memory_space<vmem>>
      %dma_start3A_244 = arith.constant 0 : i32
      %dma_start3A_245 = tpu.memref_slice %arg7[%squeeze3A_235, %dma_start3A_244] : memref<100000x64xf32, #tpu.memory_space<hbm>> -> memref<1x64xf32, #tpu.memory_space<hbm>>
      tpu.enqueue_dma source(%dma_start3A_245 : memref<1x64xf32, #tpu.memory_space<hbm>>) target(%dma_start3A_243 : memref<1x64xf32, #tpu.memory_space<vmem>>) target_semaphore(%arg16 : memref<!tpu.dma_semaphore, #tpu.memory_space<semaphore_mem>>)
      %slice3A_246 = vector.extract_strided_slice %get3A_185 {offsets = [5], sizes = [1], strides = [1]} : vector<16xi32> to vector<1xi32>
      %squeeze3A_247 = vector.extract %slice3A_246[0] : i32 from vector<1xi32>
      %add3A_248 = arith.constant 5 : i32
      %add3A_249 = arith.addi %mul3A_187, %add3A_248 : i32
      %dma_start3A_250 = arith.constant 0 : i32
      %dma_start3A_251 = tpu.memref_slice %arg14[%add3A_249, %dma_start3A_250] : memref<256x64xf32, #tpu.memory_space<vmem>> -> memref<1x64xf32, #tpu.memory_space<vmem>>
      %dma_start3A_252 = arith.constant 0 : i32
      %dma_start3A_253 = tpu.memref_slice %arg7[%squeeze3A_247, %dma_start3A_252] : memref<100000x64xf32, #tpu.memory_space<hbm>> -> memref<1x64xf32, #tpu.memory_space<hbm>>
      %dma_start3A_254 = arith.constant 0 : i32
      %dma_start3A_255 = tpu.memref_slice %arg14[%add3A_249, %dma_start3A_254] : memref<256x64xf32, #tpu.memory_space<vmem>> -> memref<1x64xf32, #tpu.memory_space<vmem>>
      %dma_start3A_256 = arith.constant 0 : i32
      %dma_start3A_257 = tpu.memref_slice %arg7[%squeeze3A_247, %dma_start3A_256] : memref<100000x64xf32, #tpu.memory_space<hbm>> -> memref<1x64xf32, #tpu.memory_space<hbm>>
      tpu.enqueue_dma source(%dma_start3A_257 : memref<1x64xf32, #tpu.memory_space<hbm>>) target(%dma_start3A_255 : memref<1x64xf32, #tpu.memory_space<vmem>>) target_semaphore(%arg16 : memref<!tpu.dma_semaphore, #tpu.memory_space<semaphore_mem>>)
      %slice3A_258 = vector.extract_strided_slice %get3A_185 {offsets = [6], sizes = [1], strides = [1]} : vector<16xi32> to vector<1xi32>
      %squeeze3A_259 = vector.extract %slice3A_258[0] : i32 from vector<1xi32>
      %add3A_260 = arith.constant 6 : i32
      %add3A_261 = arith.addi %mul3A_187, %add3A_260 : i32
      %dma_start3A_262 = arith.constant 0 : i32
      %dma_start3A_263 = tpu.memref_slice %arg14[%add3A_261, %dma_start3A_262] : memref<256x64xf32, #tpu.memory_space<vmem>> -> memref<1x64xf32, #tpu.memory_space<vmem>>
      %dma_start3A_264 = arith.constant 0 : i32
      %dma_start3A_265 = tpu.memref_slice %arg7[%squeeze3A_259, %dma_start3A_264] : memref<100000x64xf32, #tpu.memory_space<hbm>> -> memref<1x64xf32, #tpu.memory_space<hbm>>
      %dma_start3A_266 = arith.constant 0 : i32
      %dma_start3A_267 = tpu.memref_slice %arg14[%add3A_261, %dma_start3A_266] : memref<256x64xf32, #tpu.memory_space<vmem>> -> memref<1x64xf32, #tpu.memory_space<vmem>>
      %dma_start3A_268 = arith.constant 0 : i32
      %dma_start3A_269 = tpu.memref_slice %arg7[%squeeze3A_259, %dma_start3A_268] : memref<100000x64xf32, #tpu.memory_space<hbm>> -> memref<1x64xf32, #tpu.memory_space<hbm>>
      tpu.enqueue_dma source(%dma_start3A_269 : memref<1x64xf32, #tpu.memory_space<hbm>>) target(%dma_start3A_267 : memref<1x64xf32, #tpu.memory_space<vmem>>) target_semaphore(%arg16 : memref<!tpu.dma_semaphore, #tpu.memory_space<semaphore_mem>>)
      %slice3A_270 = vector.extract_strided_slice %get3A_185 {offsets = [7], sizes = [1], strides = [1]} : vector<16xi32> to vector<1xi32>
      %squeeze3A_271 = vector.extract %slice3A_270[0] : i32 from vector<1xi32>
      %add3A_272 = arith.constant 7 : i32
      %add3A_273 = arith.addi %mul3A_187, %add3A_272 : i32
      %dma_start3A_274 = arith.constant 0 : i32
      %dma_start3A_275 = tpu.memref_slice %arg14[%add3A_273, %dma_start3A_274] : memref<256x64xf32, #tpu.memory_space<vmem>> -> memref<1x64xf32, #tpu.memory_space<vmem>>
      %dma_start3A_276 = arith.constant 0 : i32
      %dma_start3A_277 = tpu.memref_slice %arg7[%squeeze3A_271, %dma_start3A_276] : memref<100000x64xf32, #tpu.memory_space<hbm>> -> memref<1x64xf32, #tpu.memory_space<hbm>>
      %dma_start3A_278 = arith.constant 0 : i32
      %dma_start3A_279 = tpu.memref_slice %arg14[%add3A_273, %dma_start3A_278] : memref<256x64xf32, #tpu.memory_space<vmem>> -> memref<1x64xf32, #tpu.memory_space<vmem>>
      %dma_start3A_280 = arith.constant 0 : i32
      %dma_start3A_281 = tpu.memref_slice %arg7[%squeeze3A_271, %dma_start3A_280] : memref<100000x64xf32, #tpu.memory_space<hbm>> -> memref<1x64xf32, #tpu.memory_space<hbm>>
      tpu.enqueue_dma source(%dma_start3A_281 : memref<1x64xf32, #tpu.memory_space<hbm>>) target(%dma_start3A_279 : memref<1x64xf32, #tpu.memory_space<vmem>>) target_semaphore(%arg16 : memref<!tpu.dma_semaphore, #tpu.memory_space<semaphore_mem>>)
      %slice3A_282 = vector.extract_strided_slice %get3A_185 {offsets = [8], sizes = [1], strides = [1]} : vector<16xi32> to vector<1xi32>
      %squeeze3A_283 = vector.extract %slice3A_282[0] : i32 from vector<1xi32>
      %add3A_284 = arith.constant 8 : i32
      %add3A_285 = arith.addi %mul3A_187, %add3A_284 : i32
      %dma_start3A_286 = arith.constant 0 : i32
      %dma_start3A_287 = tpu.memref_slice %arg14[%add3A_285, %dma_start3A_286] : memref<256x64xf32, #tpu.memory_space<vmem>> -> memref<1x64xf32, #tpu.memory_space<vmem>>
      %dma_start3A_288 = arith.constant 0 : i32
      %dma_start3A_289 = tpu.memref_slice %arg7[%squeeze3A_283, %dma_start3A_288] : memref<100000x64xf32, #tpu.memory_space<hbm>> -> memref<1x64xf32, #tpu.memory_space<hbm>>
      %dma_start3A_290 = arith.constant 0 : i32
      %dma_start3A_291 = tpu.memref_slice %arg14[%add3A_285, %dma_start3A_290] : memref<256x64xf32, #tpu.memory_space<vmem>> -> memref<1x64xf32, #tpu.memory_space<vmem>>
      %dma_start3A_292 = arith.constant 0 : i32
      %dma_start3A_293 = tpu.memref_slice %arg7[%squeeze3A_283, %dma_start3A_292] : memref<100000x64xf32, #tpu.memory_space<hbm>> -> memref<1x64xf32, #tpu.memory_space<hbm>>
      tpu.enqueue_dma source(%dma_start3A_293 : memref<1x64xf32, #tpu.memory_space<hbm>>) target(%dma_start3A_291 : memref<1x64xf32, #tpu.memory_space<vmem>>) target_semaphore(%arg16 : memref<!tpu.dma_semaphore, #tpu.memory_space<semaphore_mem>>)
      %slice3A_294 = vector.extract_strided_slice %get3A_185 {offsets = [9], sizes = [1], strides = [1]} : vector<16xi32> to vector<1xi32>
      %squeeze3A_295 = vector.extract %slice3A_294[0] : i32 from vector<1xi32>
      %add3A_296 = arith.constant 9 : i32
      %add3A_297 = arith.addi %mul3A_187, %add3A_296 : i32
      %dma_start3A_298 = arith.constant 0 : i32
      %dma_start3A_299 = tpu.memref_slice %arg14[%add3A_297, %dma_start3A_298] : memref<256x64xf32, #tpu.memory_space<vmem>> -> memref<1x64xf32, #tpu.memory_space<vmem>>
      %dma_start3A_300 = arith.constant 0 : i32
      %dma_start3A_301 = tpu.memref_slice %arg7[%squeeze3A_295, %dma_start3A_300] : memref<100000x64xf32, #tpu.memory_space<hbm>> -> memref<1x64xf32, #tpu.memory_space<hbm>>
      %dma_start3A_302 = arith.constant 0 : i32
      %dma_start3A_303 = tpu.memref_slice %arg14[%add3A_297, %dma_start3A_302] : memref<256x64xf32, #tpu.memory_space<vmem>> -> memref<1x64xf32, #tpu.memory_space<vmem>>
      %dma_start3A_304 = arith.constant 0 : i32
      %dma_start3A_305 = tpu.memref_slice %arg7[%squeeze3A_295, %dma_start3A_304] : memref<100000x64xf32, #tpu.memory_space<hbm>> -> memref<1x64xf32, #tpu.memory_space<hbm>>
      tpu.enqueue_dma source(%dma_start3A_305 : memref<1x64xf32, #tpu.memory_space<hbm>>) target(%dma_start3A_303 : memref<1x64xf32, #tpu.memory_space<vmem>>) target_semaphore(%arg16 : memref<!tpu.dma_semaphore, #tpu.memory_space<semaphore_mem>>)
      %slice3A_306 = vector.extract_strided_slice %get3A_185 {offsets = [10], sizes = [1], strides = [1]} : vector<16xi32> to vector<1xi32>
      %squeeze3A_307 = vector.extract %slice3A_306[0] : i32 from vector<1xi32>
      %add3A_308 = arith.constant 10 : i32
      %add3A_309 = arith.addi %mul3A_187, %add3A_308 : i32
      %dma_start3A_310 = arith.constant 0 : i32
      %dma_start3A_311 = tpu.memref_slice %arg14[%add3A_309, %dma_start3A_310] : memref<256x64xf32, #tpu.memory_space<vmem>> -> memref<1x64xf32, #tpu.memory_space<vmem>>
      %dma_start3A_312 = arith.constant 0 : i32
      %dma_start3A_313 = tpu.memref_slice %arg7[%squeeze3A_307, %dma_start3A_312] : memref<100000x64xf32, #tpu.memory_space<hbm>> -> memref<1x64xf32, #tpu.memory_space<hbm>>
      %dma_start3A_314 = arith.constant 0 : i32
      %dma_start3A_315 = tpu.memref_slice %arg14[%add3A_309, %dma_start3A_314] : memref<256x64xf32, #tpu.memory_space<vmem>> -> memref<1x64xf32, #tpu.memory_space<vmem>>
      %dma_start3A_316 = arith.constant 0 : i32
      %dma_start3A_317 = tpu.memref_slice %arg7[%squeeze3A_307, %dma_start3A_316] : memref<100000x64xf32, #tpu.memory_space<hbm>> -> memref<1x64xf32, #tpu.memory_space<hbm>>
      tpu.enqueue_dma source(%dma_start3A_317 : memref<1x64xf32, #tpu.memory_space<hbm>>) target(%dma_start3A_315 : memref<1x64xf32, #tpu.memory_space<vmem>>) target_semaphore(%arg16 : memref<!tpu.dma_semaphore, #tpu.memory_space<semaphore_mem>>)
      %slice3A_318 = vector.extract_strided_slice %get3A_185 {offsets = [11], sizes = [1], strides = [1]} : vector<16xi32> to vector<1xi32>
      %squeeze3A_319 = vector.extract %slice3A_318[0] : i32 from vector<1xi32>
      %add3A_320 = arith.constant 11 : i32
      %add3A_321 = arith.addi %mul3A_187, %add3A_320 : i32
      %dma_start3A_322 = arith.constant 0 : i32
      %dma_start3A_323 = tpu.memref_slice %arg14[%add3A_321, %dma_start3A_322] : memref<256x64xf32, #tpu.memory_space<vmem>> -> memref<1x64xf32, #tpu.memory_space<vmem>>
      %dma_start3A_324 = arith.constant 0 : i32
      %dma_start3A_325 = tpu.memref_slice %arg7[%squeeze3A_319, %dma_start3A_324] : memref<100000x64xf32, #tpu.memory_space<hbm>> -> memref<1x64xf32, #tpu.memory_space<hbm>>
      %dma_start3A_326 = arith.constant 0 : i32
      %dma_start3A_327 = tpu.memref_slice %arg14[%add3A_321, %dma_start3A_326] : memref<256x64xf32, #tpu.memory_space<vmem>> -> memref<1x64xf32, #tpu.memory_space<vmem>>
      %dma_start3A_328 = arith.constant 0 : i32
      %dma_start3A_329 = tpu.memref_slice %arg7[%squeeze3A_319, %dma_start3A_328] : memref<100000x64xf32, #tpu.memory_space<hbm>> -> memref<1x64xf32, #tpu.memory_space<hbm>>
      tpu.enqueue_dma source(%dma_start3A_329 : memref<1x64xf32, #tpu.memory_space<hbm>>) target(%dma_start3A_327 : memref<1x64xf32, #tpu.memory_space<vmem>>) target_semaphore(%arg16 : memref<!tpu.dma_semaphore, #tpu.memory_space<semaphore_mem>>)
      %slice3A_330 = vector.extract_strided_slice %get3A_185 {offsets = [12], sizes = [1], strides = [1]} : vector<16xi32> to vector<1xi32>
      %squeeze3A_331 = vector.extract %slice3A_330[0] : i32 from vector<1xi32>
      %add3A_332 = arith.constant 12 : i32
      %add3A_333 = arith.addi %mul3A_187, %add3A_332 : i32
      %dma_start3A_334 = arith.constant 0 : i32
      %dma_start3A_335 = tpu.memref_slice %arg14[%add3A_333, %dma_start3A_334] : memref<256x64xf32, #tpu.memory_space<vmem>> -> memref<1x64xf32, #tpu.memory_space<vmem>>
      %dma_start3A_336 = arith.constant 0 : i32
      %dma_start3A_337 = tpu.memref_slice %arg7[%squeeze3A_331, %dma_start3A_336] : memref<100000x64xf32, #tpu.memory_space<hbm>> -> memref<1x64xf32, #tpu.memory_space<hbm>>
      %dma_start3A_338 = arith.constant 0 : i32
      %dma_start3A_339 = tpu.memref_slice %arg14[%add3A_333, %dma_start3A_338] : memref<256x64xf32, #tpu.memory_space<vmem>> -> memref<1x64xf32, #tpu.memory_space<vmem>>
      %dma_start3A_340 = arith.constant 0 : i32
      %dma_start3A_341 = tpu.memref_slice %arg7[%squeeze3A_331, %dma_start3A_340] : memref<100000x64xf32, #tpu.memory_space<hbm>> -> memref<1x64xf32, #tpu.memory_space<hbm>>
      tpu.enqueue_dma source(%dma_start3A_341 : memref<1x64xf32, #tpu.memory_space<hbm>>) target(%dma_start3A_339 : memref<1x64xf32, #tpu.memory_space<vmem>>) target_semaphore(%arg16 : memref<!tpu.dma_semaphore, #tpu.memory_space<semaphore_mem>>)
      %slice3A_342 = vector.extract_strided_slice %get3A_185 {offsets = [13], sizes = [1], strides = [1]} : vector<16xi32> to vector<1xi32>
      %squeeze3A_343 = vector.extract %slice3A_342[0] : i32 from vector<1xi32>
      %add3A_344 = arith.constant 13 : i32
      %add3A_345 = arith.addi %mul3A_187, %add3A_344 : i32
      %dma_start3A_346 = arith.constant 0 : i32
      %dma_start3A_347 = tpu.memref_slice %arg14[%add3A_345, %dma_start3A_346] : memref<256x64xf32, #tpu.memory_space<vmem>> -> memref<1x64xf32, #tpu.memory_space<vmem>>
      %dma_start3A_348 = arith.constant 0 : i32
      %dma_start3A_349 = tpu.memref_slice %arg7[%squeeze3A_343, %dma_start3A_348] : memref<100000x64xf32, #tpu.memory_space<hbm>> -> memref<1x64xf32, #tpu.memory_space<hbm>>
      %dma_start3A_350 = arith.constant 0 : i32
      %dma_start3A_351 = tpu.memref_slice %arg14[%add3A_345, %dma_start3A_350] : memref<256x64xf32, #tpu.memory_space<vmem>> -> memref<1x64xf32, #tpu.memory_space<vmem>>
      %dma_start3A_352 = arith.constant 0 : i32
      %dma_start3A_353 = tpu.memref_slice %arg7[%squeeze3A_343, %dma_start3A_352] : memref<100000x64xf32, #tpu.memory_space<hbm>> -> memref<1x64xf32, #tpu.memory_space<hbm>>
      tpu.enqueue_dma source(%dma_start3A_353 : memref<1x64xf32, #tpu.memory_space<hbm>>) target(%dma_start3A_351 : memref<1x64xf32, #tpu.memory_space<vmem>>) target_semaphore(%arg16 : memref<!tpu.dma_semaphore, #tpu.memory_space<semaphore_mem>>)
      %slice3A_354 = vector.extract_strided_slice %get3A_185 {offsets = [14], sizes = [1], strides = [1]} : vector<16xi32> to vector<1xi32>
      %squeeze3A_355 = vector.extract %slice3A_354[0] : i32 from vector<1xi32>
      %add3A_356 = arith.constant 14 : i32
      %add3A_357 = arith.addi %mul3A_187, %add3A_356 : i32
      %dma_start3A_358 = arith.constant 0 : i32
      %dma_start3A_359 = tpu.memref_slice %arg14[%add3A_357, %dma_start3A_358] : memref<256x64xf32, #tpu.memory_space<vmem>> -> memref<1x64xf32, #tpu.memory_space<vmem>>
      %dma_start3A_360 = arith.constant 0 : i32
      %dma_start3A_361 = tpu.memref_slice %arg7[%squeeze3A_355, %dma_start3A_360] : memref<100000x64xf32, #tpu.memory_space<hbm>> -> memref<1x64xf32, #tpu.memory_space<hbm>>
      %dma_start3A_362 = arith.constant 0 : i32
      %dma_start3A_363 = tpu.memref_slice %arg14[%add3A_357, %dma_start3A_362] : memref<256x64xf32, #tpu.memory_space<vmem>> -> memref<1x64xf32, #tpu.memory_space<vmem>>
      %dma_start3A_364 = arith.constant 0 : i32
      %dma_start3A_365 = tpu.memref_slice %arg7[%squeeze3A_355, %dma_start3A_364] : memref<100000x64xf32, #tpu.memory_space<hbm>> -> memref<1x64xf32, #tpu.memory_space<hbm>>
      tpu.enqueue_dma source(%dma_start3A_365 : memref<1x64xf32, #tpu.memory_space<hbm>>) target(%dma_start3A_363 : memref<1x64xf32, #tpu.memory_space<vmem>>) target_semaphore(%arg16 : memref<!tpu.dma_semaphore, #tpu.memory_space<semaphore_mem>>)
      %slice3A_366 = vector.extract_strided_slice %get3A_185 {offsets = [15], sizes = [1], strides = [1]} : vector<16xi32> to vector<1xi32>
      %squeeze3A_367 = vector.extract %slice3A_366[0] : i32 from vector<1xi32>
      %add3A_368 = arith.constant 15 : i32
      %add3A_369 = arith.addi %mul3A_187, %add3A_368 : i32
      %dma_start3A_370 = arith.constant 0 : i32
      %dma_start3A_371 = tpu.memref_slice %arg14[%add3A_369, %dma_start3A_370] : memref<256x64xf32, #tpu.memory_space<vmem>> -> memref<1x64xf32, #tpu.memory_space<vmem>>
      %dma_start3A_372 = arith.constant 0 : i32
      %dma_start3A_373 = tpu.memref_slice %arg7[%squeeze3A_367, %dma_start3A_372] : memref<100000x64xf32, #tpu.memory_space<hbm>> -> memref<1x64xf32, #tpu.memory_space<hbm>>
      %dma_start3A_374 = arith.constant 0 : i32
      %dma_start3A_375 = tpu.memref_slice %arg14[%add3A_369, %dma_start3A_374] : memref<256x64xf32, #tpu.memory_space<vmem>> -> memref<1x64xf32, #tpu.memory_space<vmem>>
      %dma_start3A_376 = arith.constant 0 : i32
      %dma_start3A_377 = tpu.memref_slice %arg7[%squeeze3A_367, %dma_start3A_376] : memref<100000x64xf32, #tpu.memory_space<hbm>> -> memref<1x64xf32, #tpu.memory_space<hbm>>
      tpu.enqueue_dma source(%dma_start3A_377 : memref<1x64xf32, #tpu.memory_space<hbm>>) target(%dma_start3A_375 : memref<1x64xf32, #tpu.memory_space<vmem>>) target_semaphore(%arg16 : memref<!tpu.dma_semaphore, #tpu.memory_space<semaphore_mem>>)
    }
    %scan3A_125 = arith.constant 16 : i32
    %dma_wait3A_126 = arith.constant 0 : i32
    %dma_wait3A_127 = arith.constant 0 : i32
    %dma_wait3A_128 = tpu.memref_slice %arg6[%dma_wait3A_126, %dma_wait3A_127] : memref<1000000x64xf32, #tpu.memory_space<hbm>> -> memref<256x64xf32, #tpu.memory_space<hbm>>
    %dma_wait3A_129 = arith.constant 0 : i32
    %dma_wait3A_130 = arith.constant 0 : i32
    %dma_wait3A_131 = tpu.memref_slice %arg6[%dma_wait3A_129, %dma_wait3A_130] : memref<1000000x64xf32, #tpu.memory_space<hbm>> -> memref<256x64xf32, #tpu.memory_space<hbm>>
    tpu.wait_dma2 semaphore(%arg17 : memref<!tpu.dma_semaphore, #tpu.memory_space<semaphore_mem>>) src(%dma_wait3A_131 : memref<256x64xf32, #tpu.memory_space<hbm>>) dst(%arg15 : memref<256x64xf32, #tpu.memory_space<vmem>>)
    %add3A_132 = arith.constant 256 : i32
    %add3A_133 = arith.addi %mul3A_2, %add3A_132 : i32
    %dma_start3A_134 = arith.constant 0 : i32
    %dma_start3A_135 = tpu.memref_slice %arg10[%add3A_133, %dma_start3A_134] : memref<16384x64xf32, #tpu.memory_space<hbm>> -> memref<256x64xf32, #tpu.memory_space<hbm>>
    %dma_start3A_136 = arith.constant 0 : i32
    %dma_start3A_137 = tpu.memref_slice %arg10[%add3A_133, %dma_start3A_136] : memref<16384x64xf32, #tpu.memory_space<hbm>> -> memref<256x64xf32, #tpu.memory_space<hbm>>
    tpu.enqueue_dma source(%arg15 : memref<256x64xf32, #tpu.memory_space<vmem>>) target(%dma_start3A_137 : memref<256x64xf32, #tpu.memory_space<hbm>>) target_semaphore(%arg19 : memref<!tpu.dma_semaphore, #tpu.memory_space<semaphore_mem>>)
    %dma_wait3A_138 = arith.constant 0 : i32
    %dma_wait3A_139 = tpu.memref_slice %arg10[%mul3A_2, %dma_wait3A_138] : memref<16384x64xf32, #tpu.memory_space<hbm>> -> memref<256x64xf32, #tpu.memory_space<hbm>>
    %dma_wait3A_140 = arith.constant 0 : i32
    %dma_wait3A_141 = tpu.memref_slice %arg10[%mul3A_2, %dma_wait3A_140] : memref<16384x64xf32, #tpu.memory_space<hbm>> -> memref<256x64xf32, #tpu.memory_space<hbm>>
    tpu.wait_dma2 semaphore(%arg19 : memref<!tpu.dma_semaphore, #tpu.memory_space<semaphore_mem>>) src(%arg15 : memref<256x64xf32, #tpu.memory_space<vmem>>) dst(%dma_wait3A_141 : memref<256x64xf32, #tpu.memory_space<hbm>>)
    %scan3A_142 = arith.constant 0 : i32
    %scan3A_143 = arith.constant 0 : i32
    %scan3A_144 = arith.constant 16 : i32
    %scan3A_145 = arith.addi %scan3A_143, %scan3A_144 : i32
    %scan3A_146 = arith.constant 1 : i32
    scf.for %scan3A_180 = %scan3A_143 to %scan3A_145 step %scan3A_146  : i32 {
      %add3A_181 = arith.constant 16 : i32
      %add3A_182 = arith.addi %add3A_181, %scan3A_180 : i32
      %get3A = arith.index_cast %add3A_182 : i32 to index
      %get3A_183 = arith.constant 0 : index
      %get3A_184 = tpu.vector_load %arg13[%get3A, %get3A_183] {strides = array<i32>} : memref<32x16xi32, #tpu.memory_space<vmem>>, vector<1x16xi32>,
      %get3A_185 = vector.shape_cast %get3A_184 : vector<1x16xi32> to vector<16xi32>
      %mul3A_186 = arith.constant 16 : i32
      %mul3A_187 = arith.muli %scan3A_180, %mul3A_186 : i32
      %slice3A = vector.extract_strided_slice %get3A_185 {offsets = [0], sizes = [1], strides = [1]} : vector<16xi32> to vector<1xi32>
      %squeeze3A = vector.extract %slice3A[0] : i32 from vector<1xi32>
      %add3A_188 = arith.constant 0 : i32
      %add3A_189 = arith.addi %mul3A_187, %add3A_188 : i32
      %dma_start3A_190 = arith.constant 0 : i32
      %dma_start3A_191 = tpu.memref_slice %arg15[%add3A_189, %dma_start3A_190] : memref<256x64xf32, #tpu.memory_space<vmem>> -> memref<1x64xf32, #tpu.memory_space<vmem>>
      %dma_start3A_192 = arith.constant 0 : i32
      %dma_start3A_193 = tpu.memref_slice %arg7[%squeeze3A, %dma_start3A_192] : memref<100000x64xf32, #tpu.memory_space<hbm>> -> memref<1x64xf32, #tpu.memory_space<hbm>>
      %dma_start3A_194 = arith.constant 0 : i32
      %dma_start3A_195 = tpu.memref_slice %arg15[%add3A_189, %dma_start3A_194] : memref<256x64xf32, #tpu.memory_space<vmem>> -> memref<1x64xf32, #tpu.memory_space<vmem>>
      %dma_start3A_196 = arith.constant 0 : i32
      %dma_start3A_197 = tpu.memref_slice %arg7[%squeeze3A, %dma_start3A_196] : memref<100000x64xf32, #tpu.memory_space<hbm>> -> memref<1x64xf32, #tpu.memory_space<hbm>>
      tpu.enqueue_dma source(%dma_start3A_197 : memref<1x64xf32, #tpu.memory_space<hbm>>) target(%dma_start3A_195 : memref<1x64xf32, #tpu.memory_space<vmem>>) target_semaphore(%arg17 : memref<!tpu.dma_semaphore, #tpu.memory_space<semaphore_mem>>)
      %slice3A_198 = vector.extract_strided_slice %get3A_185 {offsets = [1], sizes = [1], strides = [1]} : vector<16xi32> to vector<1xi32>
      %squeeze3A_199 = vector.extract %slice3A_198[0] : i32 from vector<1xi32>
      %add3A_200 = arith.constant 1 : i32
      %add3A_201 = arith.addi %mul3A_187, %add3A_200 : i32
      %dma_start3A_202 = arith.constant 0 : i32
      %dma_start3A_203 = tpu.memref_slice %arg15[%add3A_201, %dma_start3A_202] : memref<256x64xf32, #tpu.memory_space<vmem>> -> memref<1x64xf32, #tpu.memory_space<vmem>>
      %dma_start3A_204 = arith.constant 0 : i32
      %dma_start3A_205 = tpu.memref_slice %arg7[%squeeze3A_199, %dma_start3A_204] : memref<100000x64xf32, #tpu.memory_space<hbm>> -> memref<1x64xf32, #tpu.memory_space<hbm>>
      %dma_start3A_206 = arith.constant 0 : i32
      %dma_start3A_207 = tpu.memref_slice %arg15[%add3A_201, %dma_start3A_206] : memref<256x64xf32, #tpu.memory_space<vmem>> -> memref<1x64xf32, #tpu.memory_space<vmem>>
      %dma_start3A_208 = arith.constant 0 : i32
      %dma_start3A_209 = tpu.memref_slice %arg7[%squeeze3A_199, %dma_start3A_208] : memref<100000x64xf32, #tpu.memory_space<hbm>> -> memref<1x64xf32, #tpu.memory_space<hbm>>
      tpu.enqueue_dma source(%dma_start3A_209 : memref<1x64xf32, #tpu.memory_space<hbm>>) target(%dma_start3A_207 : memref<1x64xf32, #tpu.memory_space<vmem>>) target_semaphore(%arg17 : memref<!tpu.dma_semaphore, #tpu.memory_space<semaphore_mem>>)
      %slice3A_210 = vector.extract_strided_slice %get3A_185 {offsets = [2], sizes = [1], strides = [1]} : vector<16xi32> to vector<1xi32>
      %squeeze3A_211 = vector.extract %slice3A_210[0] : i32 from vector<1xi32>
      %add3A_212 = arith.constant 2 : i32
      %add3A_213 = arith.addi %mul3A_187, %add3A_212 : i32
      %dma_start3A_214 = arith.constant 0 : i32
      %dma_start3A_215 = tpu.memref_slice %arg15[%add3A_213, %dma_start3A_214] : memref<256x64xf32, #tpu.memory_space<vmem>> -> memref<1x64xf32, #tpu.memory_space<vmem>>
      %dma_start3A_216 = arith.constant 0 : i32
      %dma_start3A_217 = tpu.memref_slice %arg7[%squeeze3A_211, %dma_start3A_216] : memref<100000x64xf32, #tpu.memory_space<hbm>> -> memref<1x64xf32, #tpu.memory_space<hbm>>
      %dma_start3A_218 = arith.constant 0 : i32
      %dma_start3A_219 = tpu.memref_slice %arg15[%add3A_213, %dma_start3A_218] : memref<256x64xf32, #tpu.memory_space<vmem>> -> memref<1x64xf32, #tpu.memory_space<vmem>>
      %dma_start3A_220 = arith.constant 0 : i32
      %dma_start3A_221 = tpu.memref_slice %arg7[%squeeze3A_211, %dma_start3A_220] : memref<100000x64xf32, #tpu.memory_space<hbm>> -> memref<1x64xf32, #tpu.memory_space<hbm>>
      tpu.enqueue_dma source(%dma_start3A_221 : memref<1x64xf32, #tpu.memory_space<hbm>>) target(%dma_start3A_219 : memref<1x64xf32, #tpu.memory_space<vmem>>) target_semaphore(%arg17 : memref<!tpu.dma_semaphore, #tpu.memory_space<semaphore_mem>>)
      %slice3A_222 = vector.extract_strided_slice %get3A_185 {offsets = [3], sizes = [1], strides = [1]} : vector<16xi32> to vector<1xi32>
      %squeeze3A_223 = vector.extract %slice3A_222[0] : i32 from vector<1xi32>
      %add3A_224 = arith.constant 3 : i32
      %add3A_225 = arith.addi %mul3A_187, %add3A_224 : i32
      %dma_start3A_226 = arith.constant 0 : i32
      %dma_start3A_227 = tpu.memref_slice %arg15[%add3A_225, %dma_start3A_226] : memref<256x64xf32, #tpu.memory_space<vmem>> -> memref<1x64xf32, #tpu.memory_space<vmem>>
      %dma_start3A_228 = arith.constant 0 : i32
      %dma_start3A_229 = tpu.memref_slice %arg7[%squeeze3A_223, %dma_start3A_228] : memref<100000x64xf32, #tpu.memory_space<hbm>> -> memref<1x64xf32, #tpu.memory_space<hbm>>
      %dma_start3A_230 = arith.constant 0 : i32
      %dma_start3A_231 = tpu.memref_slice %arg15[%add3A_225, %dma_start3A_230] : memref<256x64xf32, #tpu.memory_space<vmem>> -> memref<1x64xf32, #tpu.memory_space<vmem>>
      %dma_start3A_232 = arith.constant 0 : i32
      %dma_start3A_233 = tpu.memref_slice %arg7[%squeeze3A_223, %dma_start3A_232] : memref<100000x64xf32, #tpu.memory_space<hbm>> -> memref<1x64xf32, #tpu.memory_space<hbm>>
      tpu.enqueue_dma source(%dma_start3A_233 : memref<1x64xf32, #tpu.memory_space<hbm>>) target(%dma_start3A_231 : memref<1x64xf32, #tpu.memory_space<vmem>>) target_semaphore(%arg17 : memref<!tpu.dma_semaphore, #tpu.memory_space<semaphore_mem>>)
      %slice3A_234 = vector.extract_strided_slice %get3A_185 {offsets = [4], sizes = [1], strides = [1]} : vector<16xi32> to vector<1xi32>
      %squeeze3A_235 = vector.extract %slice3A_234[0] : i32 from vector<1xi32>
      %add3A_236 = arith.constant 4 : i32
      %add3A_237 = arith.addi %mul3A_187, %add3A_236 : i32
      %dma_start3A_238 = arith.constant 0 : i32
      %dma_start3A_239 = tpu.memref_slice %arg15[%add3A_237, %dma_start3A_238] : memref<256x64xf32, #tpu.memory_space<vmem>> -> memref<1x64xf32, #tpu.memory_space<vmem>>
      %dma_start3A_240 = arith.constant 0 : i32
      %dma_start3A_241 = tpu.memref_slice %arg7[%squeeze3A_235, %dma_start3A_240] : memref<100000x64xf32, #tpu.memory_space<hbm>> -> memref<1x64xf32, #tpu.memory_space<hbm>>
      %dma_start3A_242 = arith.constant 0 : i32
      %dma_start3A_243 = tpu.memref_slice %arg15[%add3A_237, %dma_start3A_242] : memref<256x64xf32, #tpu.memory_space<vmem>> -> memref<1x64xf32, #tpu.memory_space<vmem>>
      %dma_start3A_244 = arith.constant 0 : i32
      %dma_start3A_245 = tpu.memref_slice %arg7[%squeeze3A_235, %dma_start3A_244] : memref<100000x64xf32, #tpu.memory_space<hbm>> -> memref<1x64xf32, #tpu.memory_space<hbm>>
      tpu.enqueue_dma source(%dma_start3A_245 : memref<1x64xf32, #tpu.memory_space<hbm>>) target(%dma_start3A_243 : memref<1x64xf32, #tpu.memory_space<vmem>>) target_semaphore(%arg17 : memref<!tpu.dma_semaphore, #tpu.memory_space<semaphore_mem>>)
      %slice3A_246 = vector.extract_strided_slice %get3A_185 {offsets = [5], sizes = [1], strides = [1]} : vector<16xi32> to vector<1xi32>
      %squeeze3A_247 = vector.extract %slice3A_246[0] : i32 from vector<1xi32>
      %add3A_248 = arith.constant 5 : i32
      %add3A_249 = arith.addi %mul3A_187, %add3A_248 : i32
      %dma_start3A_250 = arith.constant 0 : i32
      %dma_start3A_251 = tpu.memref_slice %arg15[%add3A_249, %dma_start3A_250] : memref<256x64xf32, #tpu.memory_space<vmem>> -> memref<1x64xf32, #tpu.memory_space<vmem>>
      %dma_start3A_252 = arith.constant 0 : i32
      %dma_start3A_253 = tpu.memref_slice %arg7[%squeeze3A_247, %dma_start3A_252] : memref<100000x64xf32, #tpu.memory_space<hbm>> -> memref<1x64xf32, #tpu.memory_space<hbm>>
      %dma_start3A_254 = arith.constant 0 : i32
      %dma_start3A_255 = tpu.memref_slice %arg15[%add3A_249, %dma_start3A_254] : memref<256x64xf32, #tpu.memory_space<vmem>> -> memref<1x64xf32, #tpu.memory_space<vmem>>
      %dma_start3A_256 = arith.constant 0 : i32
      %dma_start3A_257 = tpu.memref_slice %arg7[%squeeze3A_247, %dma_start3A_256] : memref<100000x64xf32, #tpu.memory_space<hbm>> -> memref<1x64xf32, #tpu.memory_space<hbm>>
      tpu.enqueue_dma source(%dma_start3A_257 : memref<1x64xf32, #tpu.memory_space<hbm>>) target(%dma_start3A_255 : memref<1x64xf32, #tpu.memory_space<vmem>>) target_semaphore(%arg17 : memref<!tpu.dma_semaphore, #tpu.memory_space<semaphore_mem>>)
      %slice3A_258 = vector.extract_strided_slice %get3A_185 {offsets = [6], sizes = [1], strides = [1]} : vector<16xi32> to vector<1xi32>
      %squeeze3A_259 = vector.extract %slice3A_258[0] : i32 from vector<1xi32>
      %add3A_260 = arith.constant 6 : i32
      %add3A_261 = arith.addi %mul3A_187, %add3A_260 : i32
      %dma_start3A_262 = arith.constant 0 : i32
      %dma_start3A_263 = tpu.memref_slice %arg15[%add3A_261, %dma_start3A_262] : memref<256x64xf32, #tpu.memory_space<vmem>> -> memref<1x64xf32, #tpu.memory_space<vmem>>
      %dma_start3A_264 = arith.constant 0 : i32
      %dma_start3A_265 = tpu.memref_slice %arg7[%squeeze3A_259, %dma_start3A_264] : memref<100000x64xf32, #tpu.memory_space<hbm>> -> memref<1x64xf32, #tpu.memory_space<hbm>>
      %dma_start3A_266 = arith.constant 0 : i32
      %dma_start3A_267 = tpu.memref_slice %arg15[%add3A_261, %dma_start3A_266] : memref<256x64xf32, #tpu.memory_space<vmem>> -> memref<1x64xf32, #tpu.memory_space<vmem>>
      %dma_start3A_268 = arith.constant 0 : i32
      %dma_start3A_269 = tpu.memref_slice %arg7[%squeeze3A_259, %dma_start3A_268] : memref<100000x64xf32, #tpu.memory_space<hbm>> -> memref<1x64xf32, #tpu.memory_space<hbm>>
      tpu.enqueue_dma source(%dma_start3A_269 : memref<1x64xf32, #tpu.memory_space<hbm>>) target(%dma_start3A_267 : memref<1x64xf32, #tpu.memory_space<vmem>>) target_semaphore(%arg17 : memref<!tpu.dma_semaphore, #tpu.memory_space<semaphore_mem>>)
      %slice3A_270 = vector.extract_strided_slice %get3A_185 {offsets = [7], sizes = [1], strides = [1]} : vector<16xi32> to vector<1xi32>
      %squeeze3A_271 = vector.extract %slice3A_270[0] : i32 from vector<1xi32>
      %add3A_272 = arith.constant 7 : i32
      %add3A_273 = arith.addi %mul3A_187, %add3A_272 : i32
      %dma_start3A_274 = arith.constant 0 : i32
      %dma_start3A_275 = tpu.memref_slice %arg15[%add3A_273, %dma_start3A_274] : memref<256x64xf32, #tpu.memory_space<vmem>> -> memref<1x64xf32, #tpu.memory_space<vmem>>
      %dma_start3A_276 = arith.constant 0 : i32
      %dma_start3A_277 = tpu.memref_slice %arg7[%squeeze3A_271, %dma_start3A_276] : memref<100000x64xf32, #tpu.memory_space<hbm>> -> memref<1x64xf32, #tpu.memory_space<hbm>>
      %dma_start3A_278 = arith.constant 0 : i32
      %dma_start3A_279 = tpu.memref_slice %arg15[%add3A_273, %dma_start3A_278] : memref<256x64xf32, #tpu.memory_space<vmem>> -> memref<1x64xf32, #tpu.memory_space<vmem>>
      %dma_start3A_280 = arith.constant 0 : i32
      %dma_start3A_281 = tpu.memref_slice %arg7[%squeeze3A_271, %dma_start3A_280] : memref<100000x64xf32, #tpu.memory_space<hbm>> -> memref<1x64xf32, #tpu.memory_space<hbm>>
      tpu.enqueue_dma source(%dma_start3A_281 : memref<1x64xf32, #tpu.memory_space<hbm>>) target(%dma_start3A_279 : memref<1x64xf32, #tpu.memory_space<vmem>>) target_semaphore(%arg17 : memref<!tpu.dma_semaphore, #tpu.memory_space<semaphore_mem>>)
      %slice3A_282 = vector.extract_strided_slice %get3A_185 {offsets = [8], sizes = [1], strides = [1]} : vector<16xi32> to vector<1xi32>
      %squeeze3A_283 = vector.extract %slice3A_282[0] : i32 from vector<1xi32>
      %add3A_284 = arith.constant 8 : i32
      %add3A_285 = arith.addi %mul3A_187, %add3A_284 : i32
      %dma_start3A_286 = arith.constant 0 : i32
      %dma_start3A_287 = tpu.memref_slice %arg15[%add3A_285, %dma_start3A_286] : memref<256x64xf32, #tpu.memory_space<vmem>> -> memref<1x64xf32, #tpu.memory_space<vmem>>
      %dma_start3A_288 = arith.constant 0 : i32
      %dma_start3A_289 = tpu.memref_slice %arg7[%squeeze3A_283, %dma_start3A_288] : memref<100000x64xf32, #tpu.memory_space<hbm>> -> memref<1x64xf32, #tpu.memory_space<hbm>>
      %dma_start3A_290 = arith.constant 0 : i32
      %dma_start3A_291 = tpu.memref_slice %arg15[%add3A_285, %dma_start3A_290] : memref<256x64xf32, #tpu.memory_space<vmem>> -> memref<1x64xf32, #tpu.memory_space<vmem>>
      %dma_start3A_292 = arith.constant 0 : i32
      %dma_start3A_293 = tpu.memref_slice %arg7[%squeeze3A_283, %dma_start3A_292] : memref<100000x64xf32, #tpu.memory_space<hbm>> -> memref<1x64xf32, #tpu.memory_space<hbm>>
      tpu.enqueue_dma source(%dma_start3A_293 : memref<1x64xf32, #tpu.memory_space<hbm>>) target(%dma_start3A_291 : memref<1x64xf32, #tpu.memory_space<vmem>>) target_semaphore(%arg17 : memref<!tpu.dma_semaphore, #tpu.memory_space<semaphore_mem>>)
      %slice3A_294 = vector.extract_strided_slice %get3A_185 {offsets = [9], sizes = [1], strides = [1]} : vector<16xi32> to vector<1xi32>
      %squeeze3A_295 = vector.extract %slice3A_294[0] : i32 from vector<1xi32>
      %add3A_296 = arith.constant 9 : i32
      %add3A_297 = arith.addi %mul3A_187, %add3A_296 : i32
      %dma_start3A_298 = arith.constant 0 : i32
      %dma_start3A_299 = tpu.memref_slice %arg15[%add3A_297, %dma_start3A_298] : memref<256x64xf32, #tpu.memory_space<vmem>> -> memref<1x64xf32, #tpu.memory_space<vmem>>
      %dma_start3A_300 = arith.constant 0 : i32
      %dma_start3A_301 = tpu.memref_slice %arg7[%squeeze3A_295, %dma_start3A_300] : memref<100000x64xf32, #tpu.memory_space<hbm>> -> memref<1x64xf32, #tpu.memory_space<hbm>>
      %dma_start3A_302 = arith.constant 0 : i32
      %dma_start3A_303 = tpu.memref_slice %arg15[%add3A_297, %dma_start3A_302] : memref<256x64xf32, #tpu.memory_space<vmem>> -> memref<1x64xf32, #tpu.memory_space<vmem>>
      %dma_start3A_304 = arith.constant 0 : i32
      %dma_start3A_305 = tpu.memref_slice %arg7[%squeeze3A_295, %dma_start3A_304] : memref<100000x64xf32, #tpu.memory_space<hbm>> -> memref<1x64xf32, #tpu.memory_space<hbm>>
      tpu.enqueue_dma source(%dma_start3A_305 : memref<1x64xf32, #tpu.memory_space<hbm>>) target(%dma_start3A_303 : memref<1x64xf32, #tpu.memory_space<vmem>>) target_semaphore(%arg17 : memref<!tpu.dma_semaphore, #tpu.memory_space<semaphore_mem>>)
      %slice3A_306 = vector.extract_strided_slice %get3A_185 {offsets = [10], sizes = [1], strides = [1]} : vector<16xi32> to vector<1xi32>
      %squeeze3A_307 = vector.extract %slice3A_306[0] : i32 from vector<1xi32>
      %add3A_308 = arith.constant 10 : i32
      %add3A_309 = arith.addi %mul3A_187, %add3A_308 : i32
      %dma_start3A_310 = arith.constant 0 : i32
      %dma_start3A_311 = tpu.memref_slice %arg15[%add3A_309, %dma_start3A_310] : memref<256x64xf32, #tpu.memory_space<vmem>> -> memref<1x64xf32, #tpu.memory_space<vmem>>
      %dma_start3A_312 = arith.constant 0 : i32
      %dma_start3A_313 = tpu.memref_slice %arg7[%squeeze3A_307, %dma_start3A_312] : memref<100000x64xf32, #tpu.memory_space<hbm>> -> memref<1x64xf32, #tpu.memory_space<hbm>>
      %dma_start3A_314 = arith.constant 0 : i32
      %dma_start3A_315 = tpu.memref_slice %arg15[%add3A_309, %dma_start3A_314] : memref<256x64xf32, #tpu.memory_space<vmem>> -> memref<1x64xf32, #tpu.memory_space<vmem>>
      %dma_start3A_316 = arith.constant 0 : i32
      %dma_start3A_317 = tpu.memref_slice %arg7[%squeeze3A_307, %dma_start3A_316] : memref<100000x64xf32, #tpu.memory_space<hbm>> -> memref<1x64xf32, #tpu.memory_space<hbm>>
      tpu.enqueue_dma source(%dma_start3A_317 : memref<1x64xf32, #tpu.memory_space<hbm>>) target(%dma_start3A_315 : memref<1x64xf32, #tpu.memory_space<vmem>>) target_semaphore(%arg17 : memref<!tpu.dma_semaphore, #tpu.memory_space<semaphore_mem>>)
      %slice3A_318 = vector.extract_strided_slice %get3A_185 {offsets = [11], sizes = [1], strides = [1]} : vector<16xi32> to vector<1xi32>
      %squeeze3A_319 = vector.extract %slice3A_318[0] : i32 from vector<1xi32>
      %add3A_320 = arith.constant 11 : i32
      %add3A_321 = arith.addi %mul3A_187, %add3A_320 : i32
      %dma_start3A_322 = arith.constant 0 : i32
      %dma_start3A_323 = tpu.memref_slice %arg15[%add3A_321, %dma_start3A_322] : memref<256x64xf32, #tpu.memory_space<vmem>> -> memref<1x64xf32, #tpu.memory_space<vmem>>
      %dma_start3A_324 = arith.constant 0 : i32
      %dma_start3A_325 = tpu.memref_slice %arg7[%squeeze3A_319, %dma_start3A_324] : memref<100000x64xf32, #tpu.memory_space<hbm>> -> memref<1x64xf32, #tpu.memory_space<hbm>>
      %dma_start3A_326 = arith.constant 0 : i32
      %dma_start3A_327 = tpu.memref_slice %arg15[%add3A_321, %dma_start3A_326] : memref<256x64xf32, #tpu.memory_space<vmem>> -> memref<1x64xf32, #tpu.memory_space<vmem>>
      %dma_start3A_328 = arith.constant 0 : i32
      %dma_start3A_329 = tpu.memref_slice %arg7[%squeeze3A_319, %dma_start3A_328] : memref<100000x64xf32, #tpu.memory_space<hbm>> -> memref<1x64xf32, #tpu.memory_space<hbm>>
      tpu.enqueue_dma source(%dma_start3A_329 : memref<1x64xf32, #tpu.memory_space<hbm>>) target(%dma_start3A_327 : memref<1x64xf32, #tpu.memory_space<vmem>>) target_semaphore(%arg17 : memref<!tpu.dma_semaphore, #tpu.memory_space<semaphore_mem>>)
      %slice3A_330 = vector.extract_strided_slice %get3A_185 {offsets = [12], sizes = [1], strides = [1]} : vector<16xi32> to vector<1xi32>
      %squeeze3A_331 = vector.extract %slice3A_330[0] : i32 from vector<1xi32>
      %add3A_332 = arith.constant 12 : i32
      %add3A_333 = arith.addi %mul3A_187, %add3A_332 : i32
      %dma_start3A_334 = arith.constant 0 : i32
      %dma_start3A_335 = tpu.memref_slice %arg15[%add3A_333, %dma_start3A_334] : memref<256x64xf32, #tpu.memory_space<vmem>> -> memref<1x64xf32, #tpu.memory_space<vmem>>
      %dma_start3A_336 = arith.constant 0 : i32
      %dma_start3A_337 = tpu.memref_slice %arg7[%squeeze3A_331, %dma_start3A_336] : memref<100000x64xf32, #tpu.memory_space<hbm>> -> memref<1x64xf32, #tpu.memory_space<hbm>>
      %dma_start3A_338 = arith.constant 0 : i32
      %dma_start3A_339 = tpu.memref_slice %arg15[%add3A_333, %dma_start3A_338] : memref<256x64xf32, #tpu.memory_space<vmem>> -> memref<1x64xf32, #tpu.memory_space<vmem>>
      %dma_start3A_340 = arith.constant 0 : i32
      %dma_start3A_341 = tpu.memref_slice %arg7[%squeeze3A_331, %dma_start3A_340] : memref<100000x64xf32, #tpu.memory_space<hbm>> -> memref<1x64xf32, #tpu.memory_space<hbm>>
      tpu.enqueue_dma source(%dma_start3A_341 : memref<1x64xf32, #tpu.memory_space<hbm>>) target(%dma_start3A_339 : memref<1x64xf32, #tpu.memory_space<vmem>>) target_semaphore(%arg17 : memref<!tpu.dma_semaphore, #tpu.memory_space<semaphore_mem>>)
      %slice3A_342 = vector.extract_strided_slice %get3A_185 {offsets = [13], sizes = [1], strides = [1]} : vector<16xi32> to vector<1xi32>
      %squeeze3A_343 = vector.extract %slice3A_342[0] : i32 from vector<1xi32>
      %add3A_344 = arith.constant 13 : i32
      %add3A_345 = arith.addi %mul3A_187, %add3A_344 : i32
      %dma_start3A_346 = arith.constant 0 : i32
      %dma_start3A_347 = tpu.memref_slice %arg15[%add3A_345, %dma_start3A_346] : memref<256x64xf32, #tpu.memory_space<vmem>> -> memref<1x64xf32, #tpu.memory_space<vmem>>
      %dma_start3A_348 = arith.constant 0 : i32
      %dma_start3A_349 = tpu.memref_slice %arg7[%squeeze3A_343, %dma_start3A_348] : memref<100000x64xf32, #tpu.memory_space<hbm>> -> memref<1x64xf32, #tpu.memory_space<hbm>>
      %dma_start3A_350 = arith.constant 0 : i32
      %dma_start3A_351 = tpu.memref_slice %arg15[%add3A_345, %dma_start3A_350] : memref<256x64xf32, #tpu.memory_space<vmem>> -> memref<1x64xf32, #tpu.memory_space<vmem>>
      %dma_start3A_352 = arith.constant 0 : i32
      %dma_start3A_353 = tpu.memref_slice %arg7[%squeeze3A_343, %dma_start3A_352] : memref<100000x64xf32, #tpu.memory_space<hbm>> -> memref<1x64xf32, #tpu.memory_space<hbm>>
      tpu.enqueue_dma source(%dma_start3A_353 : memref<1x64xf32, #tpu.memory_space<hbm>>) target(%dma_start3A_351 : memref<1x64xf32, #tpu.memory_space<vmem>>) target_semaphore(%arg17 : memref<!tpu.dma_semaphore, #tpu.memory_space<semaphore_mem>>)
      %slice3A_354 = vector.extract_strided_slice %get3A_185 {offsets = [14], sizes = [1], strides = [1]} : vector<16xi32> to vector<1xi32>
      %squeeze3A_355 = vector.extract %slice3A_354[0] : i32 from vector<1xi32>
      %add3A_356 = arith.constant 14 : i32
      %add3A_357 = arith.addi %mul3A_187, %add3A_356 : i32
      %dma_start3A_358 = arith.constant 0 : i32
      %dma_start3A_359 = tpu.memref_slice %arg15[%add3A_357, %dma_start3A_358] : memref<256x64xf32, #tpu.memory_space<vmem>> -> memref<1x64xf32, #tpu.memory_space<vmem>>
      %dma_start3A_360 = arith.constant 0 : i32
      %dma_start3A_361 = tpu.memref_slice %arg7[%squeeze3A_355, %dma_start3A_360] : memref<100000x64xf32, #tpu.memory_space<hbm>> -> memref<1x64xf32, #tpu.memory_space<hbm>>
      %dma_start3A_362 = arith.constant 0 : i32
      %dma_start3A_363 = tpu.memref_slice %arg15[%add3A_357, %dma_start3A_362] : memref<256x64xf32, #tpu.memory_space<vmem>> -> memref<1x64xf32, #tpu.memory_space<vmem>>
      %dma_start3A_364 = arith.constant 0 : i32
      %dma_start3A_365 = tpu.memref_slice %arg7[%squeeze3A_355, %dma_start3A_364] : memref<100000x64xf32, #tpu.memory_space<hbm>> -> memref<1x64xf32, #tpu.memory_space<hbm>>
      tpu.enqueue_dma source(%dma_start3A_365 : memref<1x64xf32, #tpu.memory_space<hbm>>) target(%dma_start3A_363 : memref<1x64xf32, #tpu.memory_space<vmem>>) target_semaphore(%arg17 : memref<!tpu.dma_semaphore, #tpu.memory_space<semaphore_mem>>)
      %slice3A_366 = vector.extract_strided_slice %get3A_185 {offsets = [15], sizes = [1], strides = [1]} : vector<16xi32> to vector<1xi32>
      %squeeze3A_367 = vector.extract %slice3A_366[0] : i32 from vector<1xi32>
      %add3A_368 = arith.constant 15 : i32
      %add3A_369 = arith.addi %mul3A_187, %add3A_368 : i32
      %dma_start3A_370 = arith.constant 0 : i32
      %dma_start3A_371 = tpu.memref_slice %arg15[%add3A_369, %dma_start3A_370] : memref<256x64xf32, #tpu.memory_space<vmem>> -> memref<1x64xf32, #tpu.memory_space<vmem>>
      %dma_start3A_372 = arith.constant 0 : i32
      %dma_start3A_373 = tpu.memref_slice %arg7[%squeeze3A_367, %dma_start3A_372] : memref<100000x64xf32, #tpu.memory_space<hbm>> -> memref<1x64xf32, #tpu.memory_space<hbm>>
      %dma_start3A_374 = arith.constant 0 : i32
      %dma_start3A_375 = tpu.memref_slice %arg15[%add3A_369, %dma_start3A_374] : memref<256x64xf32, #tpu.memory_space<vmem>> -> memref<1x64xf32, #tpu.memory_space<vmem>>
      %dma_start3A_376 = arith.constant 0 : i32
      %dma_start3A_377 = tpu.memref_slice %arg7[%squeeze3A_367, %dma_start3A_376] : memref<100000x64xf32, #tpu.memory_space<hbm>> -> memref<1x64xf32, #tpu.memory_space<hbm>>
      tpu.enqueue_dma source(%dma_start3A_377 : memref<1x64xf32, #tpu.memory_space<hbm>>) target(%dma_start3A_375 : memref<1x64xf32, #tpu.memory_space<vmem>>) target_semaphore(%arg17 : memref<!tpu.dma_semaphore, #tpu.memory_space<semaphore_mem>>)
    }
    %scan3A_147 = arith.constant 16 : i32
    %dma_wait3A_148 = arith.constant 0 : i32
    %dma_wait3A_149 = arith.constant 0 : i32
    %dma_wait3A_150 = tpu.memref_slice %arg7[%dma_wait3A_148, %dma_wait3A_149] : memref<100000x64xf32, #tpu.memory_space<hbm>> -> memref<256x64xf32, #tpu.memory_space<hbm>>
    %dma_wait3A_151 = arith.constant 0 : i32
    %dma_wait3A_152 = arith.constant 0 : i32
    %dma_wait3A_153 = tpu.memref_slice %arg7[%dma_wait3A_151, %dma_wait3A_152] : memref<100000x64xf32, #tpu.memory_space<hbm>> -> memref<256x64xf32, #tpu.memory_space<hbm>>
    tpu.wait_dma2 semaphore(%arg16 : memref<!tpu.dma_semaphore, #tpu.memory_space<semaphore_mem>>) src(%dma_wait3A_153 : memref<256x64xf32, #tpu.memory_space<hbm>>) dst(%arg14 : memref<256x64xf32, #tpu.memory_space<vmem>>)
    %add3A_154 = arith.constant 0 : i32
    %add3A_155 = arith.addi %mul3A_2, %add3A_154 : i32
    %dma_start3A_156 = arith.constant 0 : i32
    %dma_start3A_157 = tpu.memref_slice %arg11[%add3A_155, %dma_start3A_156] : memref<16384x64xf32, #tpu.memory_space<hbm>> -> memref<256x64xf32, #tpu.memory_space<hbm>>
    %dma_start3A_158 = arith.constant 0 : i32
    %dma_start3A_159 = tpu.memref_slice %arg11[%add3A_155, %dma_start3A_158] : memref<16384x64xf32, #tpu.memory_space<hbm>> -> memref<256x64xf32, #tpu.memory_space<hbm>>
    tpu.enqueue_dma source(%arg14 : memref<256x64xf32, #tpu.memory_space<vmem>>) target(%dma_start3A_159 : memref<256x64xf32, #tpu.memory_space<hbm>>) target_semaphore(%arg18 : memref<!tpu.dma_semaphore, #tpu.memory_space<semaphore_mem>>)
    %dma_wait3A_160 = arith.constant 0 : i32
    %dma_wait3A_161 = arith.constant 0 : i32
    %dma_wait3A_162 = tpu.memref_slice %arg7[%dma_wait3A_160, %dma_wait3A_161] : memref<100000x64xf32, #tpu.memory_space<hbm>> -> memref<256x64xf32, #tpu.memory_space<hbm>>
    %dma_wait3A_163 = arith.constant 0 : i32
    %dma_wait3A_164 = arith.constant 0 : i32
    %dma_wait3A_165 = tpu.memref_slice %arg7[%dma_wait3A_163, %dma_wait3A_164] : memref<100000x64xf32, #tpu.memory_space<hbm>> -> memref<256x64xf32, #tpu.memory_space<hbm>>
    tpu.wait_dma2 semaphore(%arg17 : memref<!tpu.dma_semaphore, #tpu.memory_space<semaphore_mem>>) src(%dma_wait3A_165 : memref<256x64xf32, #tpu.memory_space<hbm>>) dst(%arg15 : memref<256x64xf32, #tpu.memory_space<vmem>>)
    %add3A_166 = arith.constant 256 : i32
    %add3A_167 = arith.addi %mul3A_2, %add3A_166 : i32
    %dma_start3A_168 = arith.constant 0 : i32
    %dma_start3A_169 = tpu.memref_slice %arg11[%add3A_167, %dma_start3A_168] : memref<16384x64xf32, #tpu.memory_space<hbm>> -> memref<256x64xf32, #tpu.memory_space<hbm>>
    %dma_start3A_170 = arith.constant 0 : i32
    %dma_start3A_171 = tpu.memref_slice %arg11[%add3A_167, %dma_start3A_170] : memref<16384x64xf32, #tpu.memory_space<hbm>> -> memref<256x64xf32, #tpu.memory_space<hbm>>
    tpu.enqueue_dma source(%arg15 : memref<256x64xf32, #tpu.memory_space<vmem>>) target(%dma_start3A_171 : memref<256x64xf32, #tpu.memory_space<hbm>>) target_semaphore(%arg19 : memref<!tpu.dma_semaphore, #tpu.memory_space<semaphore_mem>>)
    %dma_wait3A_172 = arith.constant 0 : i32
    %dma_wait3A_173 = tpu.memref_slice %arg11[%mul3A_2, %dma_wait3A_172] : memref<16384x64xf32, #tpu.memory_space<hbm>> -> memref<256x64xf32, #tpu.memory_space<hbm>>
    %dma_wait3A_174 = arith.constant 0 : i32
    %dma_wait3A_175 = tpu.memref_slice %arg11[%mul3A_2, %dma_wait3A_174] : memref<16384x64xf32, #tpu.memory_space<hbm>> -> memref<256x64xf32, #tpu.memory_space<hbm>>
    tpu.wait_dma2 semaphore(%arg19 : memref<!tpu.dma_semaphore, #tpu.memory_space<semaphore_mem>>) src(%arg15 : memref<256x64xf32, #tpu.memory_space<vmem>>) dst(%dma_wait3A_175 : memref<256x64xf32, #tpu.memory_space<hbm>>)
    %dma_wait3A_176 = arith.constant 0 : i32
    %dma_wait3A_177 = tpu.memref_slice %arg11[%mul3A_2, %dma_wait3A_176] : memref<16384x64xf32, #tpu.memory_space<hbm>> -> memref<256x64xf32, #tpu.memory_space<hbm>>
    %dma_wait3A_178 = arith.constant 0 : i32
    %dma_wait3A_179 = tpu.memref_slice %arg11[%mul3A_2, %dma_wait3A_178] : memref<16384x64xf32, #tpu.memory_space<hbm>> -> memref<256x64xf32, #tpu.memory_space<hbm>>
    tpu.wait_dma2 semaphore(%arg18 : memref<!tpu.dma_semaphore, #tpu.memory_space<semaphore_mem>>) src(%arg14 : memref<256x64xf32, #tpu.memory_space<vmem>>) dst(%dma_wait3A_179 : memref<256x64xf32, #tpu.memory_space<hbm>>)
    return
  }
}

module attributes {stable_mosaic.version = 14 : i64} {
  func.func @_tc_dense_body(%arg0: i32, %arg1: memref<2048x64xf32, #tpu.memory_space<vmem>>, %arg2: memref<2048x64xf32, #tpu.memory_space<vmem>>, %arg3: memref<2048x64xf32, #tpu.memory_space<vmem>>, %arg4: memref<2048x64xf32, #tpu.memory_space<vmem>>, %arg5: memref<64x64xf32, #tpu.memory_space<vmem>>, %arg6: memref<64x64xf32, #tpu.memory_space<vmem>>, %arg7: memref<64xf32, #tpu.memory_space<vmem>>, %arg8: memref<64x32xf32, #tpu.memory_space<vmem>>, %arg9: memref<32xf32, #tpu.memory_space<vmem>>, %arg10: memref<64xf32, #tpu.memory_space<vmem>>, %arg11: memref<32xf32, #tpu.memory_space<vmem>>, %arg12: memref<1xf32, #tpu.memory_space<vmem>>, %arg13: memref<2048xf32, #tpu.memory_space<vmem>>) attributes {dimension_semantics = [#tpu.dimension_semantics<arbitrary>], iteration_bounds = array<i64: 8>, scalar_prefetch = 0 : i64, scratch_operands = 0 : i64, tpu.core_type = #tpu.core_type<tc>, window_params = [{transform_indices = @transform_0, window_bounds = array<i64: 2048, 64>}, {transform_indices = @transform_1, window_bounds = array<i64: 2048, 64>}, {transform_indices = @transform_2, window_bounds = array<i64: 2048, 64>}, {transform_indices = @transform_3, window_bounds = array<i64: 2048, 64>}, {pipeline_mode = #tpu.pipeline_mode<synchronous>, transform_indices = @transform_4, window_bounds = array<i64: 64, 64>}, {pipeline_mode = #tpu.pipeline_mode<synchronous>, transform_indices = @transform_5, window_bounds = array<i64: 64, 64>}, {pipeline_mode = #tpu.pipeline_mode<synchronous>, transform_indices = @transform_6, window_bounds = array<i64: 64>}, {pipeline_mode = #tpu.pipeline_mode<synchronous>, transform_indices = @transform_7, window_bounds = array<i64: 64, 32>}, {pipeline_mode = #tpu.pipeline_mode<synchronous>, transform_indices = @transform_8, window_bounds = array<i64: 32>}, {pipeline_mode = #tpu.pipeline_mode<synchronous>, transform_indices = @transform_9, window_bounds = array<i64: 64>}, {pipeline_mode = #tpu.pipeline_mode<synchronous>, transform_indices = @transform_10, window_bounds = array<i64: 32>}, {pipeline_mode = #tpu.pipeline_mode<synchronous>, transform_indices = @transform_11, window_bounds = array<i64: 1>}, {transform_indices = @transform_12, window_bounds = array<i64: 2048>}]} {
    %get3A = arith.constant 0 : index
    %get3A_0 = arith.constant 0 : index
    %get3A_1 = vector.load %arg3[%get3A, %get3A_0] : memref<2048x64xf32, #tpu.memory_space<vmem>>, vector<2048x64xf32>
    %get3A_2 = arith.constant 0 : index
    %get3A_3 = arith.constant 0 : index
    %get3A_4 = vector.load %arg4[%get3A_2, %get3A_3] : memref<2048x64xf32, #tpu.memory_space<vmem>>, vector<2048x64xf32>
    %get3A_5 = arith.constant 0 : index
    %get3A_6 = arith.constant 0 : index
    %get3A_7 = vector.load %arg5[%get3A_5, %get3A_6] : memref<64x64xf32, #tpu.memory_space<vmem>>, vector<64x64xf32>
    %dot_general3A = arith.constant dense<0.000000e+00> : vector<2048x64xf32>
    %dot_general3A_8 = tpu.matmul %get3A_1, %get3A_7, %dot_general3A {dimension_numbers = #tpu.dot_dimension_numbers<[1], [0], [0], [1], [0, 0, 1, 1], [], []>, transpose_lhs_hint = false} : vector<2048x64xf32>, vector<64x64xf32>, vector<2048x64xf32> -> vector<2048x64xf32>
    %get3A_9 = arith.constant 0 : index
    %get3A_10 = arith.constant 0 : index
    %get3A_11 = vector.load %arg6[%get3A_9, %get3A_10] : memref<64x64xf32, #tpu.memory_space<vmem>>, vector<64x64xf32>
    %dot_general3A_12 = arith.constant dense<0.000000e+00> : vector<2048x64xf32>
    %dot_general3A_13 = tpu.matmul %get3A_4, %get3A_11, %dot_general3A_12 {dimension_numbers = #tpu.dot_dimension_numbers<[1], [0], [0], [1], [0, 0, 1, 1], [], []>, transpose_lhs_hint = false} : vector<2048x64xf32>, vector<64x64xf32>, vector<2048x64xf32> -> vector<2048x64xf32>
    %add3A = arith.addf %dot_general3A_8, %dot_general3A_13 : vector<2048x64xf32>
    %get3A_14 = arith.constant 0 : index
    %get3A_15 = vector.load %arg7[%get3A_14] : memref<64xf32, #tpu.memory_space<vmem>>, vector<64xf32>
    %broadcast_in_dim3A = vector.shape_cast %get3A_15 : vector<64xf32> to vector<1x64xf32>
    %add3A_16 = vector.broadcast %broadcast_in_dim3A : vector<1x64xf32> to vector<2048x64xf32>
    %add3A_17 = arith.addf %add3A, %add3A_16 : vector<2048x64xf32>
    %max3A = arith.constant 0.000000e+00 : f32
    %max3A_18 = vector.broadcast %max3A : f32 to vector<2048x64xf32>
    %max3A_19 = arith.maximumf %add3A_17, %max3A_18 : vector<2048x64xf32>
    %get3A_20 = arith.constant 0 : index
    %get3A_21 = arith.constant 0 : index
    %get3A_22 = vector.load %arg8[%get3A_20, %get3A_21] : memref<64x32xf32, #tpu.memory_space<vmem>>, vector<64x32xf32>
    %dot_general3A_23 = arith.constant dense<0.000000e+00> : vector<2048x32xf32>
    %dot_general3A_24 = tpu.matmul %max3A_19, %get3A_22, %dot_general3A_23 {dimension_numbers = #tpu.dot_dimension_numbers<[1], [0], [0], [1], [0, 0, 1, 1], [], []>, transpose_lhs_hint = false} : vector<2048x64xf32>, vector<64x32xf32>, vector<2048x32xf32> -> vector<2048x32xf32>
    %get3A_25 = arith.constant 0 : index
    %get3A_26 = vector.load %arg9[%get3A_25] : memref<32xf32, #tpu.memory_space<vmem>>, vector<32xf32>
    %broadcast_in_dim3A_27 = vector.shape_cast %get3A_26 : vector<32xf32> to vector<1x32xf32>
    %add3A_28 = vector.broadcast %broadcast_in_dim3A_27 : vector<1x32xf32> to vector<2048x32xf32>
    %add3A_29 = arith.addf %dot_general3A_24, %add3A_28 : vector<2048x32xf32>
    %max3A_30 = arith.constant 0.000000e+00 : f32
    %max3A_31 = vector.broadcast %max3A_30 : f32 to vector<2048x32xf32>
    %max3A_32 = arith.maximumf %add3A_29, %max3A_31 : vector<2048x32xf32>
    %get3A_33 = arith.constant 0 : index
    %get3A_34 = arith.constant 0 : index
    %get3A_35 = vector.load %arg1[%get3A_33, %get3A_34] : memref<2048x64xf32, #tpu.memory_space<vmem>>, vector<2048x64xf32>
    %get3A_36 = arith.constant 0 : index
    %get3A_37 = arith.constant 0 : index
    %get3A_38 = vector.load %arg2[%get3A_36, %get3A_37] : memref<2048x64xf32, #tpu.memory_space<vmem>>, vector<2048x64xf32>
    %mul3A = arith.mulf %get3A_35, %get3A_38 : vector<2048x64xf32>
    %get3A_39 = arith.constant 0 : index
    %get3A_40 = vector.load %arg10[%get3A_39] : memref<64xf32, #tpu.memory_space<vmem>>, vector<64xf32>
    %broadcast_in_dim3A_41 = vector.shape_cast %get3A_40 : vector<64xf32> to vector<1x64xf32>
    %mul3A_42 = vector.broadcast %broadcast_in_dim3A_41 : vector<1x64xf32> to vector<2048x64xf32>
    %mul3A_43 = arith.mulf %mul3A, %mul3A_42 : vector<2048x64xf32>
    %reduce_sum3A = arith.constant dense<0.000000e+00> : vector<2048xf32>
    %reduce_sum3A_44 = vector.multi_reduction <add>, %mul3A_43, %reduce_sum3A [1] : vector<2048x64xf32> to vector<2048xf32>
    %get3A_45 = arith.constant 0 : index
    %get3A_46 = vector.load %arg11[%get3A_45] : memref<32xf32, #tpu.memory_space<vmem>>, vector<32xf32>
    %broadcast_in_dim3A_47 = vector.shape_cast %get3A_46 : vector<32xf32> to vector<1x32xf32>
    %mul3A_48 = vector.broadcast %broadcast_in_dim3A_47 : vector<1x32xf32> to vector<2048x32xf32>
    %mul3A_49 = arith.mulf %max3A_32, %mul3A_48 : vector<2048x32xf32>
    %reduce_sum3A_50 = arith.constant dense<0.000000e+00> : vector<2048xf32>
    %reduce_sum3A_51 = vector.multi_reduction <add>, %mul3A_49, %reduce_sum3A_50 [1] : vector<2048x32xf32> to vector<2048xf32>
    %add3A_52 = arith.addf %reduce_sum3A_44, %reduce_sum3A_51 : vector<2048xf32>
    %get3A_53 = arith.constant 0 : index
    %get3A_54 = vector.load %arg12[%get3A_53] : memref<1xf32, #tpu.memory_space<vmem>>, vector<1xf32>
    %get3A_55 = vector.extract %get3A_54[0] : f32 from vector<1xf32>
    %add3A_56 = vector.broadcast %get3A_55 : f32 to vector<2048xf32>
    %add3A_57 = arith.addf %add3A_52, %add3A_56 : vector<2048xf32>
    %swap3A = arith.constant 0 : index
    %swap3A_58 = vector.load %arg13[%swap3A] : memref<2048xf32, #tpu.memory_space<vmem>>, vector<2048xf32>
    tpu.vector_store %arg13[%swap3A], %add3A_57 {strides = array<i32>} : memref<2048xf32, #tpu.memory_space<vmem>>, vector<2048xf32>,
    return
  }
  func.func @transform_0(%arg0: i32) -> (i32, i32) {
    %c0_i32 = arith.constant 0 : i32
    %c0_i32_0 = arith.constant 0 : i32
    return %arg0, %c0_i32 : i32, i32
  }
  func.func @transform_1(%arg0: i32) -> (i32, i32) {
    %c0_i32 = arith.constant 0 : i32
    %c0_i32_0 = arith.constant 0 : i32
    return %arg0, %c0_i32 : i32, i32
  }
  func.func @transform_2(%arg0: i32) -> (i32, i32) {
    %c0_i32 = arith.constant 0 : i32
    %c0_i32_0 = arith.constant 0 : i32
    return %arg0, %c0_i32 : i32, i32
  }
  func.func @transform_3(%arg0: i32) -> (i32, i32) {
    %c0_i32 = arith.constant 0 : i32
    %c0_i32_0 = arith.constant 0 : i32
    return %arg0, %c0_i32 : i32, i32
  }
  func.func @transform_4(%arg0: i32) -> (i32, i32) {
    %c0_i32 = arith.constant 0 : i32
    %c0_i32_0 = arith.constant 0 : i32
    %c0_i32_1 = arith.constant 0 : i32
    return %c0_i32, %c0_i32_0 : i32, i32
  }
  func.func @transform_5(%arg0: i32) -> (i32, i32) {
    %c0_i32 = arith.constant 0 : i32
    %c0_i32_0 = arith.constant 0 : i32
    %c0_i32_1 = arith.constant 0 : i32
    return %c0_i32, %c0_i32_0 : i32, i32
  }
  func.func @transform_6(%arg0: i32) -> i32 {
    %c0_i32 = arith.constant 0 : i32
    %c0_i32_0 = arith.constant 0 : i32
    return %c0_i32 : i32
  }
  func.func @transform_7(%arg0: i32) -> (i32, i32) {
    %c0_i32 = arith.constant 0 : i32
    %c0_i32_0 = arith.constant 0 : i32
    %c0_i32_1 = arith.constant 0 : i32
    return %c0_i32, %c0_i32_0 : i32, i32
  }
  func.func @transform_8(%arg0: i32) -> i32 {
    %c0_i32 = arith.constant 0 : i32
    %c0_i32_0 = arith.constant 0 : i32
    return %c0_i32 : i32
  }
  func.func @transform_9(%arg0: i32) -> i32 {
    %c0_i32 = arith.constant 0 : i32
    %c0_i32_0 = arith.constant 0 : i32
    return %c0_i32 : i32
  }
  func.func @transform_10(%arg0: i32) -> i32 {
    %c0_i32 = arith.constant 0 : i32
    %c0_i32_0 = arith.constant 0 : i32
    return %c0_i32 : i32
  }
  func.func @transform_11(%arg0: i32) -> i32 {
    %c0_i32 = arith.constant 0 : i32
    %c0_i32_0 = arith.constant 0 : i32
    return %c0_i32 : i32
  }
  func.func @transform_12(%arg0: i32) -> i32 {
    %c0_i32 = arith.constant 0 : i32
    return %arg0 : i32
  }
}

</mosaic_0001>

<sc_bundles>
// kernel: kernel.4.cloned.1.call-start
scs
__scs_entry_jumppad:
0x0: {  	(pc) =	sbr.rel $0x88, $3  }
0x1: {  	(tag) =	ssettag $0x0;
	lr =	simm.s32 $0x1  }
0x2: {  	[smem:$0x3F95] =	sst lr;
	_ =	strace $0xD0000000  }
0x3: {  	_ = 	snop  }
0x4: {  	_ = 	snop  }
0x5: {  	_ = 	snop  }
0x6: {  	_ = 	snop  }
0x7: {  	_ = 	snop  }
__scs_overlays_trampoline_lowered:
0x8: {  	[smem:$0x3FA4] =	sst s0  }
0x9: {  	[smem:$0x3FA5] =	sst s1  }
0xa: {  	[smem:$0x3FA6] =	sst s2  }
0xb: {  	[smem:$0x3FA7] =	sst s3  }
0xc: {  	[smem:$0x3FA8] =	sst s4  }
0xd: {  	[smem:$0x3FA9] =	sst s5  }
0xe: {  	[smem:$0x3FAA] =	sst s6  }
0xf: {  	[smem:$0x3FAB] =	sst s7  }
0x10: {  	[smem:$0x3FAC] =	sst s8  }
0x11: {  	[smem:$0x3FAD] =	sst s9;
	s0 =	simm.s32 @!p0 $0x0  }
0x12: {  	s1 =	sld [smem:$0x3F93];
	s0 =	simm.s32 @p0 $0x1  }
0x13: {  	[smem:$0x3FAE] =	sst s0;
	s0 =	simm.s32 @!p1 $0x0  }
0x14: {  	s2 =	sld [smem:$0x3F92];
	s0 =	simm.s32 @p1 $0x1  }
0x15: {  	[smem:$0x3FAF] =	sst s0;
	s0 =	simm.s32 @!p2 $0x0  }
0x16: {  	s3 =	sld [smem:$0x3FDB];
	s0 =	simm.s32 @p2 $0x1  }
0x17: {  	s4 =	simm.s32 $0x1BF5;
	[smem:$0x3FB1] =	sst s0  }
0x18: {  	s0 =	sld [smem:$0x3F94];
	_ =	swait.ge [sflag:s4], $0x0  }
0x19: {  	s7 =	sld [smem:$0x3F95]  }
0x1a: {  	s8 =	sadd.s32 $0xFFFFE003, lr  }
0x1b: {  	s9 =	sadd.s32 $0xFFFFFEF7, lr;
	s5 =	simm.s32 $0xFFFFFFFF;
	p2 =	slt.u32 s8, $0xFFFFF086  }
0x1c: {  	p1 =	slt.u32 s9, $0xF7A;
	s5 =	simm.s32 @!p2 $0x0  }
0x1d: {  	s5 =	simm.s32 @p1 $0x1;
	p0 =	seq.s32 s7, s2  }
0x1e: {  	s7 =	smul.u32 @!p0 $0xF7A, s2;
	p2 =	seq.s32 @!p0 s5, $0x0  }
0x1f: {  	s9 =	smul.u32 $0xF7A, s1;
	s8 =	simm.s32 @!p0 $0x1BF5;
	p2 =	por !p2, p0  }
0x20: {  	[sflag:s8] =	ssyncset.s32 @!p0 $0xFFFFF086;
	s6 =	sadd.s32 @!p0 s3, s7;
	s7 =	simm.s32 @!p0 $0x108  }
0x21: {  	s3 =	sadd.s32 s3, s9;
	s6 =	sadd.s32 @!p0 $0x88, s6;
	s7 =	simm.s32 @p2 $0x1082  }
0x22: {  	[simem:s7], [sflag:s8] =	dma.local @!p0 [hbm:s6], $0xF7A  }
0x23: {  	s9 =	sor.u32 $0xD0000000, s2;
	s6 =	simm.s32 $0x108;
	_ =	swait.ge @!p0 [sflag:s8], $0x0  }
0x24: {  	s3 =	sadd.s32 $0x88, s3;
	s6 =	simm.s32 @!p1 $0x1082;
	[sflag:s4] =	ssyncset.s32 $0xFFFFF086  }
0x25: {  	[simem:s6], [sflag:s4] =	dma.local [hbm:s3], $0xF7A  }
0x26: {  	[smem:$0x3F95] =	sst s1;
	(tag) =	ssettag s2;
	_ =	strace s9  }
0x27: {  	s1 =	sld [smem:$0x3FA5]  }
0x28: {  	s2 =	sld [smem:$0x3FA6]  }
0x29: {  	s4 =	sld [smem:$0x3FA8]  }
0x2a: {  	p0 =	seq.s32 s5, $0x0;
	s5 =	sld [smem:$0x3FA9]  }
0x2b: {  	s6 =	sld [smem:$0x3FAA]  }
0x2c: {  	s7 =	sld [smem:$0x3FAB]  }
0x2d: {  	s3 =	simm.s32 $0x108;
	s8 =	sld [smem:$0x3FAC]  }
0x2e: {  	s3 =	simm.s32 @!p0 $0x1082;
	s9 =	sld [smem:$0x3FAD]  }
0x2f: {  	lr =	sadd.s32 s0, s3;
	s0 =	sld [smem:$0x3FA4]  }
0x30: {  	s3 =	sld [smem:$0x3FA7]  }
0x31: {  	[smem:$0x3FB0] =	sst s10  }
0x32: {  	s10 =	sld [smem:$0x3FAE];
	_ =	sdelay $0x3  }
0x33: {  	p0 =	seq.s32 s10, $0x1;
	s10 =	sld [smem:$0x3FB0];
	_ =	sdelay $0x3  }
0x34: {  	[smem:$0x3FB0] =	sst s10  }
0x35: {  	s10 =	sld [smem:$0x3FAF];
	_ =	sdelay $0x3  }
0x36: {  	p1 =	seq.s32 s10, $0x1;
	s10 =	sld [smem:$0x3FB0];
	_ =	sdelay $0x3  }
0x37: {  	[smem:$0x3FB0] =	sst s10  }
0x38: {  	s10 =	sld [smem:$0x3FB1]  }
0x39: {  	_ = 	snop;
	(pc) =	sbr.ind lr, $3  }
0x3a: {  	_ = 	snop  }
0x3b: {  	_ = 	snop  }
0x3c: {  	p2 =	seq.s32 s10, $0x1;
	s10 =	sld [smem:$0x3FB0]  }
0x3d: {  	_ =	shalt  }
0x3e: {  	_ =	shalt  }
0x3f: {  	_ =	shalt  }
0x40: {  	_ =	shalt  }
0x41: {  	_ =	shalt  }
0x42: {  	_ =	shalt  }
0x43: {  	_ =	shalt  }
0x44: {  	_ =	shalt  }
0x45: {  	_ =	shalt  }
0x46: {  	_ =	shalt  }
0x47: {  	_ =	shalt  }
0x48: {  	_ =	shalt  }
0x49: {  	_ =	shalt  }
0x4a: {  	_ =	shalt  }
0x4b: {  	_ =	shalt  }
0x4c: {  	_ =	shalt  }
0x4d: {  	_ =	shalt  }
0x4e: {  	_ =	shalt  }
0x4f: {  	_ =	shalt  }
0x50: {  	_ =	shalt  }
0x51: {  	_ =	shalt  }
0x52: {  	_ =	shalt  }
0x53: {  	_ =	shalt  }
0x54: {  	_ =	shalt  }
0x55: {  	_ =	shalt  }
0x56: {  	_ =	shalt  }
0x57: {  	_ =	shalt  }
0x58: {  	_ =	shalt  }
0x59: {  	_ =	shalt  }
0x5a: {  	_ =	shalt  }
0x5b: {  	_ =	shalt  }
0x5c: {  	_ =	shalt  }
0x5d: {  	_ =	shalt  }
0x5e: {  	_ =	shalt  }
0x5f: {  	_ =	shalt  }
0x60: {  	_ =	shalt  }
0x61: {  	_ =	shalt  }
0x62: {  	_ =	shalt  }
0x63: {  	_ =	shalt  }
0x64: {  	_ =	shalt  }
0x65: {  	_ =	shalt  }
0x66: {  	_ =	shalt  }
0x67: {  	_ =	shalt  }
0x68: {  	_ =	shalt  }
0x69: {  	_ =	shalt  }
0x6a: {  	_ =	shalt  }
0x6b: {  	_ =	shalt  }
0x6c: {  	_ =	shalt  }
0x6d: {  	_ =	shalt  }
0x6e: {  	_ =	shalt  }
0x6f: {  	_ =	shalt  }
0x70: {  	_ =	shalt  }
0x71: {  	_ =	shalt  }
0x72: {  	_ =	shalt  }
0x73: {  	_ =	shalt  }
0x74: {  	_ =	shalt  }
0x75: {  	_ =	shalt  }
0x76: {  	_ =	shalt  }
0x77: {  	_ =	shalt  }
0x78: {  	_ =	shalt  }
0x79: {  	_ =	shalt  }
0x7a: {  	_ =	shalt  }
0x7b: {  	_ =	shalt  }
0x7c: {  	_ =	shalt  }
0x7d: {  	_ =	shalt  }
0x7e: {  	_ =	shalt  }
0x7f: {  	_ =	shalt  }
0x80: {  	_ =	shalt  }
0x81: {  	_ =	shalt  }
0x82: {  	_ =	shalt  }
0x83: {  	_ =	shalt  }
0x84: {  	_ =	shalt  }
0x85: {  	_ =	shalt  }
0x86: {  	_ =	shalt  }
0x87: {  	_ =	shalt  }
.Lfunc_end0:
.L_simem_size_0:
called_computation_lowered:
.L_overlay_start_0:
0x88: {  	s2 =	sld [smem:$0x3FD9]  }
0x89: {  	s3 =	sld [smem:$0x3FFE];
	_ =	sdelay $0x1  }
0x8a: {  	s1 =	srdreg.scid  }
0x8b: {  	s0 =	sand.u32 $0x1, s1  }
0x8c: {  	s16 =	sshll.u32 s0, $0xA;
	s2 =	sadd.s32 s3, s2  }
0x8d: {  	s2 =	sadd.s32 s2, s16  }
0x8e: {  	[smem:$0x3FBC] =	sst s2  }
0x8f: {  	_ = 	snop  }
0x90: {  	(tm) =	ssettm $0x1  }
0x91: {  	s17 =	sld [smem:$0x3FFB];
	_ =	sdelay $0x3  }
0x92: {  	_ =	strace s17  }
0x93: {  	s2 =	sld [smem:$0x3FFC];
	_ =	sdelay $0x3  }
0x94: {  	_ =	strace s2  }
0x95: {  	s2 =	sld [smem:$0x3FFD];
	_ =	sdelay $0x3  }
0x96: {  	_ =	strace s2  }
0x97: {  	_ =	strace $0x8FFFFFFF  }
0x98: {  	s18 =	sld [smem:$0x3FDB];
	_ =	sdelay $0x1  }
0x99: {  	s19 =	simm.s32 $_scs_section_size  }
0x9a: {  	s4 =	simm.s32 $_size__tile_overlayer_lowered;
	s5 =	simm.s32 $_tile_overlayer_lowered  }
0x9b: {  	s22 =	simm.s32 $0x1BFF;
	s21 =	sshll.u32 s5, $0x1;
	s2 =	sadd.s32 s19, s18  }
0x9c: {  	s6 =	simm.s32 $0x0;
	s20 =	sshll.u32 s4, $0x1;
	s4 =	sadd.s32 s21, s2  }
0x9d: {  	[timem:s6], [sflag:s22] =	dma.local [hbm:s4], s20  }
0x9e: {  	_ =	swait.ge [sflag:s22], s20  }
0x9f: {  	s3 =	ssub.s32 $0x0, s20;
	[sflag:s22] =	ssyncset.done $0x0  }
0xa0: {  	[sflag:s22] =	ssyncadd.s32 s3;
	_ =	sdelay $0x1  }
0xa1: {  	s23 =	simm.s32 $0x1B8B  }
0xa2: {  	_ =	swait.ge [sflag:s23], $0x1  }
0xa3: {  	[sflag:s23] =	ssyncset.done $0x0  }
0xa4: {  	s25 =	simm.s32 $0x1B8E;
	s24 =	sld [smem:$0x3FFE];
	[sflag:s23] =	ssyncadd.s32 $0xFFFFFFFF  }
0xa5: {  	s26 =	simm.s32 $execute0_lowered;
	[smem:$0x3FD2] =	sst s25  }
0xa6: {  	s4 =	sshll.u32 s26, $0x1;
	_ =	strace $0x80000046;
	[dreg:$0x1] =	wrdreg $0xFFFFFFFF  }
0xa7: {  	s28 =	simm.s32 $_size_execute0_lowered;
	s2 =	sadd.s32 s2, s4;
	[dreg:$0x0] =	wrdreg $0x0  }
0xa8: {  	s4 =	sshll.u32 s28, $0x1;
	[dreg:$0x2] =	wrdreg s2  }
0xa9: {  	[dreg:$0x3] =	wrdreg s4  }
0xaa: {  	[dreg:$0x4] =	wrdreg $0xC0  }
0xab: {  	_ =	task [dreg:s6], $0x5FFFF  }
0xac: {  	[dreg:$0x1] =	wrdreg $0xFFFFFFFF  }
0xad: {  	[dreg:$0x0] =	wrdreg $0x60  }
0xae: {  	[dreg:$0x2] =	wrdreg s24  }
0xaf: {  	[dreg:$0x3] =	wrdreg $0x9  }
0xb0: {  	_ =	task.clear_ibuf [dreg:s6], $0x4FFFF;
	_ =	strace $0x90000046  }
0xb1: {  	s29 =	simm.s32 $0x9;
	_ =	strace $0x80000048  }
0xb2: {  	_ =	swait.ge [sflag:s29], $0x1  }
0xb3: {  	[sflag:s29] =	ssyncadd.s32 $0xFFFFFFFF  }
0xb4: {  	_ =	strace $0x90000048  }
0xb5: {  	_ =	sfence  }
0xb6: {  	s30 =	sld [smem:$0x0];
	_ =	sdelay $0x2  }
0xb7: {  	s31 =	sshll.u32 s1, $0xD;
	s1 =	sshrl.u32 s1, $0x2  }
0xb8: {  	s3 =	sand.u32 $0x4000, s31;
	s1 =	sadd.s32 s1, s30  }
0xb9: {  	s0 =	sor.u32 s3, s0;
	s1 =	sshll.u32 s1, $0x11  }
0xba: {  	s0 =	sor.u32 s1, s0  }
0xbb: {  	s0 =	sadd.s32 $0x8F2B, s0  }
0xbc: {  	[sflag:s0] =	ssyncadd.remote.s32 $0x1  }
0xbd: {  	_ =	sfence.sel $0xFFFF  }
0xbe: {  	[dreg:$0x0] =	wrdreg $0xFFFFFFFF;
	(pc) =	sbr.abs _section_cstart, $3  }
0xbf: {  	[dreg:$0x1] =	wrdreg $0xFFFFFFFF  }
0xc0: {  	_ =	task.clear_ibuf [dreg:s6], $0x2FFFF;
	_ =	strace $0x9FFFFFFF  }
0xc1: {  	(tm) =	ssettm $0x7FFFFFFF  }
tec
execute0_lowered:
.L_overlay_start_1:
0x0: {  	(tag) =	ssettag $0x1  }
0x1: {  	s0 =	rddreg [dreg:$0x0];
	s2 =	simm.s32 $0x0;
	s1 =	srdreg.scid  }
0x2: {  	s3 =	stileid.u32;
	s20 =	simm.s32 $0x1;
	s22 =	simm.s32 $0x3  }
0x3: {  	[smem:$0x7FF] =	sst s2;
	s1 =	sand.u32 $0x1, s1;
	s3 =	sshll.u32 s3, $0x1  }
0x4: {  	s4 =	sadd.s32 $0x200D000, s0;
	s5 =	sadd.s32 $0xF44200, s0;
	s7 =	sor.u32 s1, s3  }
0x5: {  	s9 =	sadd.s32 $0x219BA00, s0;
	s8 =	sshll.u32 s7, $0x9;
	s7 =	sshll.u32 s7, $0xD  }
0x6: {  	s10 =	sadd.s32 $0x21DBA00, s0;
	s11 =	sadd.s32 $0x221BA00, s0;
	s25 =	sadd.s32 s9, s7  }
0x7: {  	_ =	strace $0x80000047;
	s26 =	sadd.s32 s10, s7;
	[dreg:$0x4] =	wrdreg s25  }
0x8: {  	s8 =	sadd.s32 s8, s0;
	s29 =	sadd.s32 s11, s7;
	[dreg:$0x6] =	wrdreg s26  }
0x9: {  	s6 =	sadd.s32 $0x1E86600, s0;
	s13 =	sadd.s32 $0x2193A00, s8;
	[dreg:$0x8] =	wrdreg s29  }
0xa: {  	s24 =	sor.u32 $0x1000, s7;
	s8 =	sadd.s32 $0x2197A00, s8;
	[dreg:$0x2] =	wrdreg s13  }
0xb: {  	s3 =	sadd.s32 $0x1E00, s0;
	s9 =	sadd.s32 s9, s24;
	[dreg:$0x3] =	wrdreg s8  }
0xc: {  	s1 =	ssub.s32 $0x2, s1;
	s28 =	sadd.s32 s10, s24;
	[dreg:$0x5] =	wrdreg s9  }
0xd: {  	s0 =	sadd.s32 $0x225BA00, s0;
	s30 =	sadd.s32 s11, s24;
	[dreg:$0x7] =	wrdreg s28  }
0xe: {  	s12 =	sshrl.u32 s1, $0x1;
	s7 =	sadd.s32 s0, s7;
	[dreg:$0x9] =	wrdreg s30  }
0xf: {  	s1 =	ssub.s32 s1, s12;
	s0 =	sadd.s32 s0, s24;
	[dreg:$0xa] =	wrdreg s7  }
0x10: {  	s23 =	simm.s32 $0x2;
	s31 =	smax.u32 s1, $0x1;
	[dreg:$0xb] =	wrdreg s0  }
0x11: {  	s25 =	simm.s32 $0x4;
	s26 =	simm.s32 $0x0;
	[dreg:$0xc] =	wrdreg s31  }
.LBB2_1:
0x12: {  	s0 =	rddreg [dreg:$0x2];
	s1 =	simm.s32 $0x5  }
0x13: {  	[tilespmem:s2], [sflag:$0x5] =	stream.linear.gather [hbm4b:s0+s2], $0x1000, $0x38;
	[tilespmem:$0x12000] =	vst v63  }
0x14: {  	_ =	swait.ge [sflag:s1], $0x1000  }
0x15: {  	[sflag:s1] =	ssyncset.done $0x0  }
0x16: {  	s7 =	simm.s32 $0x1000;
	s28 =	rddreg [dreg:$0x3];
	[sflag:s1] =	ssyncadd.s32 $0xFFFFF000  }
0x17: {  	[tilespmem:s7], [sflag:$0x5] =	stream.linear.gather [hbm4b:s28+s2], $0x1000, $0x38;
	[tilespmem:$0x12000] =	vst v63  }
0x18: {  	_ =	swait.ge [sflag:s1], $0x1000  }
0x19: {  	[sflag:s1] =	ssyncset.done $0x0  }
0x1a: {  	[sflag:s1] =	ssyncadd.s32 $0xFFFFF000  }
0x1b: {  	v0 =	vld [tilespmem:s2+$0x0];
	_ =	sdelay $0x4  }
0x1c: {  	v0 =	vshll.u32 v0, $0x4  }
0x1d: {  	(v2sf) =	vpush v0, $0x0  }
0x1e: {  	(v2sf) =	vpush v0, $0x1  }
0x1f: {  	(v2sf) =	vpush v0, $0x2;
	_ =	sdelay $0x1  }
0x20: {  	(v2sf) =	vpush v0, $0x4;
	_ =	sdelay $0x1  }
0x21: {  	(v2sf) =	vpush v0, $0x3  }
0x22: {  	(v2sf) =	vpush v0, $0x5  }
0x23: {  	s30 =	simm.s32 $0x2000;
	s29 =	simm.s32 $0x0;
	s31 =	simm.s32 $0x0;
	(v2sf) =	vpush v0, $0x6  }
.LBB2_2:
0x24: {  	p0 =	sne.s32 s30, $0x1E000  }
0x25: {  	s13 =	sadd.s32 $0x2080, s29;
	s7 =	sadd.s32 $0x2580, s29;
	s0 =	smov.u32 s30  }
0x26: {  	s30 =	sadd.s32 $0x2000, s30;
	s10 =	sadd.s32 $0x2380, s29;
	s1 =	sadd.s32 $0x2600, s29;
	(v2sf) =	vpush v0, $0x7  }
0x27: {  	s12 =	sadd.s32 $0x2280, s29;
	s8 =	sadd.s32 $0x2400, s29;
	s19 =	sadd.s32 $0x2680, s29  }
0x28: {  	s14 =	sadd.s32 $0x2000, s29;
	s15 =	sadd.s32 $0x2200, s29;
	(v2sf) =	vpush v0, $0x8  }
0x29: {  	s28 =	simm.s32 $0x0;
	s16 =	sadd.s32 $0x2300, s29;
	s31 =	sadd.s32 $0x80, s31  }
0x2a: {  	s17 =	sadd.s32 $0x2100, s29;
	s9 =	sadd.s32 $0x2500, s29;
	s11 =	spop (v2sf);
	(v2sf) =	vpush v0, $0x9  }
0x2b: {  	s21 =	sand.u32 $0x1FFFFFF0, s11;
	s11 =	sadd.s32 $0x2480, s29;
	s24 =	spop (v2sf)  }
0x2c: {  	s21 =	sadd.s32 s3, s21;
	s24 =	sand.u32 $0x1FFFFFF0, s24;
	s18 =	spop (v2sf);
	(v2sf) =	vpush v0, $0xA  }
0x2d: {  	[tilespmem:s14], [sflag:$0x1] =	stream.linear.gather [hbm4b:s21+s28], $0x80, $0x38;
	[tilespmem:$0x12000] =	vst v63  }
0x2e: {  	s14 =	sadd.s32 s3, s24;
	s21 =	sadd.s32 $0x2180, s29;
	s24 =	spop (v2sf);
	(v2sf) =	vpush v0, $0xB  }
0x2f: {  	[tilespmem:s13], [sflag:$0x1] =	stream.linear.gather [hbm4b:s14+s28], $0x80, $0x38;
	[tilespmem:$0x12000] =	vst v63  }
0x30: {  	s13 =	sand.u32 $0x1FFFFFF0, s18;
	s14 =	sand.u32 $0x1FFFFFF0, s24;
	s18 =	spop (v2sf);
	(v2sf) =	vpush v0, $0xC  }
0x31: {  	s13 =	sadd.s32 s3, s13;
	s18 =	sand.u32 $0x1FFFFFF0, s18;
	s24 =	spop (v2sf)  }
0x32: {  	[tilespmem:s17], [sflag:$0x1] =	stream.linear.gather [hbm4b:s13+s28], $0x80, $0x38;
	(v2sf) =	vpush v0, $0xD;
	[tilespmem:$0x12000] =	vst v63  }
0x33: {  	s13 =	sadd.s32 s3, s18;
	s17 =	sand.u32 $0x1FFFFFF0, s24;
	s18 =	spop (v2sf)  }
0x34: {  	[tilespmem:s21], [sflag:$0x1] =	stream.linear.gather [hbm4b:s13+s28], $0x80, $0x38;
	(v2sf) =	vpush v0, $0xE;
	[tilespmem:$0x12000] =	vst v63  }
0x35: {  	s13 =	sadd.s32 s3, s14;
	s14 =	sand.u32 $0x1FFFFFF0, s18;
	s18 =	spop (v2sf)  }
0x36: {  	[tilespmem:s15], [sflag:$0x1] =	stream.linear.gather [hbm4b:s13+s28], $0x80, $0x38;
	(v2sf) =	vpush v0, $0xF;
	[tilespmem:$0x12000] =	vst v63  }
0x37: {  	s13 =	sadd.s32 s3, s17;
	s15 =	sand.u32 $0x1FFFFFF0, s18;
	s17 =	spop (v2sf)  }
0x38: {  	[tilespmem:s12], [sflag:$0x1] =	stream.linear.gather [hbm4b:s13+s28], $0x80, $0x38;
	[tilespmem:$0x12000] =	vst v63  }
0x39: {  	s12 =	sadd.s32 s3, s14;
	s13 =	sand.u32 $0x1FFFFFF0, s17;
	s14 =	spop (v2sf)  }
0x3a: {  	[tilespmem:s16], [sflag:$0x1] =	stream.linear.gather [hbm4b:s12+s28], $0x80, $0x38;
	[tilespmem:$0x12000] =	vst v63  }
0x3b: {  	s12 =	sadd.s32 s3, s15;
	s14 =	sand.u32 $0x1FFFFFF0, s14;
	s15 =	spop (v2sf)  }
0x3c: {  	[tilespmem:s10], [sflag:$0x1] =	stream.linear.gather [hbm4b:s12+s28], $0x80, $0x38;
	[tilespmem:$0x12000] =	vst v63  }
0x3d: {  	s10 =	sadd.s32 s3, s13;
	s12 =	sand.u32 $0x1FFFFFF0, s15;
	s13 =	spop (v2sf)  }
0x3e: {  	[tilespmem:s8], [sflag:$0x1] =	stream.linear.gather [hbm4b:s10+s28], $0x80, $0x38;
	[tilespmem:$0x12000] =	vst v63  }
0x3f: {  	s8 =	sadd.s32 s3, s14;
	s10 =	sand.u32 $0x1FFFFFF0, s13;
	s13 =	spop (v2sf)  }
0x40: {  	[tilespmem:s11], [sflag:$0x1] =	stream.linear.gather [hbm4b:s8+s28], $0x80, $0x38;
	[tilespmem:$0x12000] =	vst v63  }
0x41: {  	s8 =	sadd.s32 s3, s12;
	s11 =	sand.u32 $0x1FFFFFF0, s13;
	s12 =	spop (v2sf)  }
0x42: {  	[tilespmem:s9], [sflag:$0x1] =	stream.linear.gather [hbm4b:s8+s28], $0x80, $0x38;
	[tilespmem:$0x12000] =	vst v63  }
0x43: {  	s8 =	sadd.s32 s3, s10;
	s9 =	sand.u32 $0x1FFFFFF0, s12;
	s10 =	spop (v2sf)  }
0x44: {  	[tilespmem:s7], [sflag:$0x1] =	stream.linear.gather [hbm4b:s8+s28], $0x80, $0x38;
	[tilespmem:$0x12000] =	vst v63  }
0x45: {  	s7 =	sadd.s32 s3, s11;
	s8 =	sand.u32 $0x1FFFFFF0, s10;
	s10 =	spop (v2sf)  }
0x46: {  	[tilespmem:s1], [sflag:$0x1] =	stream.linear.gather [hbm4b:s7+s28], $0x80, $0x38;
	[tilespmem:$0x12000] =	vst v63  }
0x47: {  	s1 =	sadd.s32 s3, s9;
	s7 =	sand.u32 $0x1FFFFFF0, s10  }
0x48: {  	[tilespmem:s19], [sflag:$0x1] =	stream.linear.gather [hbm4b:s1+s28], $0x80, $0x38;
	[tilespmem:$0x12000] =	vst v63  }
0x49: {  	s8 =	sadd.s32 s3, s8;
	s1 =	sadd.s32 $0x2700, s29  }
0x4a: {  	[tilespmem:s1], [sflag:$0x1] =	stream.linear.gather [hbm4b:s8+s28], $0x80, $0x38;
	[tilespmem:$0x12000] =	vst v63  }
0x4b: {  	s7 =	sadd.s32 s3, s7;
	s1 =	sadd.s32 $0x2780, s29  }
0x4c: {  	[tilespmem:s1], [sflag:$0x1] =	stream.linear.gather [hbm4b:s7+s28], $0x80, $0x38;
	[tilespmem:$0x12000] =	vst v63  }
0x4d: {  	v0 =	vld [tilespmem:s31+$0x0];
	_ =	sdelay $0x4  }
0x4e: {  	v0 =	vshll.u32 v0, $0x4  }
0x4f: {  	(v2sf) =	vpush v0, $0x0  }
0x50: {  	(v2sf) =	vpush v0, $0x1  }
0x51: {  	(v2sf) =	vpush v0, $0x2;
	_ =	sdelay $0x1  }
0x52: {  	(v2sf) =	vpush v0, $0x4  }
.Ltmp0:
0x53: {  	(pc) =	sbr.rel @p0 .LBB2_2-.Ltmp0, $3  }
0x54: {  	(v2sf) =	vpush v0, $0x3  }
0x55: {  	(v2sf) =	vpush v0, $0x5;
	_ =	sdelay $0x1  }
0x56: {  	s29 =	sshra.s32 s0, $0x2;
	(v2sf) =	vpush v0, $0x6  }
0x57: {  	_ =	sdelay $0x1  }
0x58: {  	s8 =	sadd.s32 $0x2080, s29;
	s7 =	sadd.s32 $0x2580, s29  }
0x59: {  	s9 =	sadd.s32 $0x2380, s29;
	s0 =	sadd.s32 $0x2600, s29;
	(v2sf) =	vpush v0, $0x7;
	s10 =	sadd.s32 $0x2280, s29  }
0x5a: {  	s11 =	sadd.s32 $0x2400, s29;
	s1 =	sadd.s32 $0x2680, s29;
	s12 =	sadd.s32 $0x2000, s29  }
0x5b: {  	s13 =	sadd.s32 $0x2200, s29;
	s14 =	sadd.s32 $0x2300, s29;
	(v2sf) =	vpush v0, $0x8;
	s15 =	spop (v2sf)  }
0x5c: {  	s16 =	sadd.s32 $0x2100, s29;
	s15 =	sand.u32 $0x1FFFFFF0, s15;
	s17 =	spop (v2sf)  }
0x5d: {  	(v2sf) =	vpush v0, $0x9;
	s15 =	sadd.s32 s3, s15;
	s17 =	sand.u32 $0x1FFFFFF0, s17;
	s18 =	spop (v2sf)  }
0x5e: {  	[tilespmem:s12], [sflag:$0x1] =	stream.linear.gather [hbm4b:s15+s28], $0x80, $0x38;
	[tilespmem:$0x12000] =	vst v63  }
0x5f: {  	s19 =	sadd.s32 $0x2180, s29;
	(v2sf) =	vpush v0, $0xA;
	s24 =	sadd.s32 s3, s17;
	s31 =	spop (v2sf)  }
0x60: {  	[tilespmem:s8], [sflag:$0x1] =	stream.linear.gather [hbm4b:s24+s28], $0x80, $0x38;
	[tilespmem:$0x12000] =	vst v63  }
0x61: {  	s12 =	sadd.s32 $0x2500, s29;
	s18 =	sand.u32 $0x1FFFFFF0, s18;
	(v2sf) =	vpush v0, $0xB;
	s21 =	spop (v2sf)  }
0x62: {  	s15 =	sadd.s32 s3, s18;
	s8 =	sadd.s32 $0x2480, s29;
	s18 =	sand.u32 $0x1FFFFFF0, s21  }
0x63: {  	(v2sf) =	vpush v0, $0xC;
	[tilespmem:s16], [sflag:$0x1] =	stream.linear.gather [hbm4b:s15+s28], $0x80, $0x38;
	[tilespmem:$0x12000] =	vst v63  }
0x64: {  	s24 =	sand.u32 $0x1FFFFFF0, s31;
	s31 =	spop (v2sf);
	s18 =	sadd.s32 s3, s18  }
0x65: {  	(v2sf) =	vpush v0, $0xD;
	[tilespmem:s19], [sflag:$0x1] =	stream.linear.gather [hbm4b:s18+s28], $0x80, $0x38;
	[tilespmem:$0x12000] =	vst v63  }
0x66: {  	s15 =	sadd.s32 s3, s24;
	s16 =	sand.u32 $0x1FFFFFF0, s31;
	s21 =	spop (v2sf)  }
0x67: {  	(v2sf) =	vpush v0, $0xE;
	[tilespmem:s13], [sflag:$0x1] =	stream.linear.gather [hbm4b:s15+s28], $0x80, $0x38;
	[tilespmem:$0x12000] =	vst v63  }
0x68: {  	s16 =	sadd.s32 s3, s16;
	s24 =	sand.u32 $0x1FFFFFF0, s21;
	s31 =	spop (v2sf)  }
0x69: {  	(v2sf) =	vpush v0, $0xF;
	[tilespmem:s10], [sflag:$0x1] =	stream.linear.gather [hbm4b:s16+s28], $0x80, $0x38;
	[tilespmem:$0x12000] =	vst v63  }
0x6a: {  	s17 =	spop (v2sf);
	s13 =	sadd.s32 s3, s24;
	s16 =	sand.u32 $0x1FFFFFF0, s31  }
0x6b: {  	[tilespmem:s14], [sflag:$0x1] =	stream.linear.gather [hbm4b:s13+s28], $0x80, $0x38;
	[tilespmem:$0x12000] =	vst v63  }
0x6c: {  	s18 =	sand.u32 $0x1FFFFFF0, s17;
	s10 =	sadd.s32 s3, s16;
	s19 =	spop (v2sf)  }
0x6d: {  	[tilespmem:s9], [sflag:$0x1] =	stream.linear.gather [hbm4b:s10+s28], $0x80, $0x38;
	[tilespmem:$0x12000] =	vst v63  }
0x6e: {  	s13 =	sadd.s32 s3, s18;
	s21 =	sand.u32 $0x1FFFFFF0, s19;
	s24 =	spop (v2sf)  }
0x6f: {  	[tilespmem:s11], [sflag:$0x1] =	stream.linear.gather [hbm4b:s13+s28], $0x80, $0x38;
	[tilespmem:$0x12000] =	vst v63  }
0x70: {  	s10 =	sand.u32 $0x1FFFFFF0, s24;
	s9 =	sadd.s32 s3, s21;
	s31 =	spop (v2sf)  }
0x71: {  	[tilespmem:s8], [sflag:$0x1] =	stream.linear.gather [hbm4b:s9+s28], $0x80, $0x38;
	[tilespmem:$0x12000] =	vst v63  }
0x72: {  	s10 =	sadd.s32 s3, s10;
	s13 =	sand.u32 $0x1FFFFFF0, s31;
	s14 =	spop (v2sf)  }
0x73: {  	[tilespmem:s12], [sflag:$0x1] =	stream.linear.gather [hbm4b:s10+s28], $0x80, $0x38;
	[tilespmem:$0x12000] =	vst v63  }
0x74: {  	s8 =	sadd.s32 s3, s13;
	s9 =	sand.u32 $0x1FFFFFF0, s14;
	s15 =	spop (v2sf)  }
0x75: {  	[tilespmem:s7], [sflag:$0x1] =	stream.linear.gather [hbm4b:s8+s28], $0x80, $0x38;
	[tilespmem:$0x12000] =	vst v63  }
0x76: {  	s16 =	sand.u32 $0x1FFFFFF0, s15;
	s9 =	sadd.s32 s3, s9;
	s17 =	spop (v2sf)  }
0x77: {  	[tilespmem:s0], [sflag:$0x1] =	stream.linear.gather [hbm4b:s9+s28], $0x80, $0x38;
	[tilespmem:$0x12000] =	vst v63  }
0x78: {  	s18 =	sand.u32 $0x1FFFFFF0, s17;
	s19 =	spop (v2sf);
	s7 =	sadd.s32 s3, s16  }
0x79: {  	[tilespmem:s1], [sflag:$0x1] =	stream.linear.gather [hbm4b:s7+s28], $0x80, $0x38;
	[tilespmem:$0x12000] =	vst v63  }
0x7a: {  	s24 =	sadd.s32 $0x2700, s29;
	s21 =	sand.u32 $0x1FFFFFF0, s19;
	s0 =	sadd.s32 s3, s18  }
0x7b: {  	[tilespmem:s24], [sflag:$0x1] =	stream.linear.gather [hbm4b:s0+s28], $0x80, $0x38;
	[tilespmem:$0x12000] =	vst v63  }
0x7c: {  	s31 =	sadd.s32 $0x2780, s29;
	s29 =	simm.s32 $0x800;
	s1 =	sadd.s32 s3, s21  }
0x7d: {  	[tilespmem:s31], [sflag:$0x1] =	stream.linear.gather [hbm4b:s1+s28], $0x80, $0x38;
	[tilespmem:$0x12000] =	vst v63  }
0x7e: {  	v0 =	vld [tilespmem:s29+$0x0];
	_ =	sdelay $0x4  }
0x7f: {  	v0 =	vshll.u32 v0, $0x4  }
0x80: {  	(v2sf) =	vpush v0, $0x0  }
0x81: {  	(v2sf) =	vpush v0, $0x1  }
0x82: {  	(v2sf) =	vpush v0, $0x2;
	_ =	sdelay $0x1  }
0x83: {  	(v2sf) =	vpush v0, $0x4;
	_ =	sdelay $0x1  }
0x84: {  	(v2sf) =	vpush v0, $0x3  }
0x85: {  	(v2sf) =	vpush v0, $0x5  }
0x86: {  	s30 =	simm.s32 $0x2000;
	s28 =	simm.s32 $0x0;
	(v2sf) =	vpush v0, $0x6  }
.LBB2_4:
0x87: {  	p0 =	sne.s32 s30, $0x1E000  }
0x88: {  	s13 =	sadd.s32 $0xA080, s28;
	s19 =	sadd.s32 $0xA580, s28;
	s0 =	smov.u32 s30  }
0x89: {  	s30 =	sadd.s32 $0x2000, s30;
	s10 =	sadd.s32 $0xA380, s28;
	s1 =	sadd.s32 $0xA600, s28;
	(v2sf) =	vpush v0, $0x7  }
0x8a: {  	s12 =	sadd.s32 $0xA280, s28;
	s9 =	sadd.s32 $0xA400, s28;
	s7 =	sadd.s32 $0xA680, s28  }
0x8b: {  	s14 =	sadd.s32 $0xA000, s28;
	s15 =	sadd.s32 $0xA200, s28;
	(v2sf) =	vpush v0, $0x8  }
0x8c: {  	s16 =	sadd.s32 $0xA300, s28;
	s29 =	sadd.s32 $0x80, s29  }
0x8d: {  	s17 =	sadd.s32 $0xA100, s28;
	s8 =	sadd.s32 $0xA500, s28;
	s11 =	spop (v2sf);
	(v2sf) =	vpush v0, $0x9  }
0x8e: {  	s18 =	sand.u32 $0x1FFFFFF0, s11;
	s11 =	sadd.s32 $0xA480, s28;
	s21 =	spop (v2sf)  }
0x8f: {  	s18 =	sadd.s32 s3, s18;
	s21 =	sand.u32 $0x1FFFFFF0, s21;
	s24 =	spop (v2sf);
	(v2sf) =	vpush v0, $0xA  }
0x90: {  	[tilespmem:s14], [sflag:$0x2] =	stream.linear.gather [hbm4b:s18+s2], $0x80, $0x38;
	[tilespmem:$0x12000] =	vst v63  }
0x91: {  	s14 =	sadd.s32 s3, s21;
	s18 =	sadd.s32 $0xA180, s28;
	s21 =	spop (v2sf);
	(v2sf) =	vpush v0, $0xB  }
0x92: {  	[tilespmem:s13], [sflag:$0x2] =	stream.linear.gather [hbm4b:s14+s2], $0x80, $0x38;
	[tilespmem:$0x12000] =	vst v63  }
0x93: {  	s13 =	sand.u32 $0x1FFFFFF0, s24;
	s14 =	sand.u32 $0x1FFFFFF0, s21;
	s21 =	spop (v2sf);
	(v2sf) =	vpush v0, $0xC  }
0x94: {  	s13 =	sadd.s32 s3, s13;
	s21 =	sand.u32 $0x1FFFFFF0, s21;
	s24 =	spop (v2sf)  }
0x95: {  	[tilespmem:s17], [sflag:$0x2] =	stream.linear.gather [hbm4b:s13+s2], $0x80, $0x38;
	(v2sf) =	vpush v0, $0xD;
	[tilespmem:$0x12000] =	vst v63  }
0x96: {  	s13 =	sadd.s32 s3, s21;
	s17 =	sand.u32 $0x1FFFFFF0, s24;
	s21 =	spop (v2sf)  }
0x97: {  	[tilespmem:s18], [sflag:$0x2] =	stream.linear.gather [hbm4b:s13+s2], $0x80, $0x38;
	(v2sf) =	vpush v0, $0xE;
	[tilespmem:$0x12000] =	vst v63  }
0x98: {  	s13 =	sadd.s32 s3, s14;
	s14 =	sand.u32 $0x1FFFFFF0, s21;
	s18 =	spop (v2sf)  }
0x99: {  	[tilespmem:s15], [sflag:$0x2] =	stream.linear.gather [hbm4b:s13+s2], $0x80, $0x38;
	(v2sf) =	vpush v0, $0xF;
	[tilespmem:$0x12000] =	vst v63  }
0x9a: {  	s13 =	sadd.s32 s3, s17;
	s15 =	sand.u32 $0x1FFFFFF0, s18;
	s17 =	spop (v2sf)  }
0x9b: {  	[tilespmem:s12], [sflag:$0x2] =	stream.linear.gather [hbm4b:s13+s2], $0x80, $0x38;
	[tilespmem:$0x12000] =	vst v63  }
0x9c: {  	s12 =	sadd.s32 s3, s14;
	s13 =	sand.u32 $0x1FFFFFF0, s17;
	s14 =	spop (v2sf)  }
0x9d: {  	[tilespmem:s16], [sflag:$0x2] =	stream.linear.gather [hbm4b:s12+s2], $0x80, $0x38;
	[tilespmem:$0x12000] =	vst v63  }
0x9e: {  	s12 =	sadd.s32 s3, s15;
	s14 =	sand.u32 $0x1FFFFFF0, s14;
	s15 =	spop (v2sf)  }
0x9f: {  	[tilespmem:s10], [sflag:$0x2] =	stream.linear.gather [hbm4b:s12+s2], $0x80, $0x38;
	[tilespmem:$0x12000] =	vst v63  }
0xa0: {  	s10 =	sadd.s32 s3, s13;
	s12 =	sand.u32 $0x1FFFFFF0, s15;
	s13 =	spop (v2sf)  }
0xa1: {  	[tilespmem:s9], [sflag:$0x2] =	stream.linear.gather [hbm4b:s10+s2], $0x80, $0x38;
	[tilespmem:$0x12000] =	vst v63  }
0xa2: {  	s9 =	sadd.s32 s3, s14;
	s10 =	sand.u32 $0x1FFFFFF0, s13;
	s13 =	spop (v2sf)  }
0xa3: {  	[tilespmem:s11], [sflag:$0x2] =	stream.linear.gather [hbm4b:s9+s2], $0x80, $0x38;
	[tilespmem:$0x12000] =	vst v63  }
0xa4: {  	s9 =	sadd.s32 s3, s12;
	s11 =	sand.u32 $0x1FFFFFF0, s13;
	s12 =	spop (v2sf)  }
0xa5: {  	[tilespmem:s8], [sflag:$0x2] =	stream.linear.gather [hbm4b:s9+s2], $0x80, $0x38;
	[tilespmem:$0x12000] =	vst v63  }
0xa6: {  	s8 =	sadd.s32 s3, s10;
	s9 =	sand.u32 $0x1FFFFFF0, s12;
	s10 =	spop (v2sf)  }
0xa7: {  	[tilespmem:s19], [sflag:$0x2] =	stream.linear.gather [hbm4b:s8+s2], $0x80, $0x38;
	[tilespmem:$0x12000] =	vst v63  }
0xa8: {  	s8 =	sadd.s32 s3, s11;
	s10 =	sand.u32 $0x1FFFFFF0, s10;
	s11 =	spop (v2sf)  }
0xa9: {  	[tilespmem:s1], [sflag:$0x2] =	stream.linear.gather [hbm4b:s8+s2], $0x80, $0x38;
	[tilespmem:$0x12000] =	vst v63  }
0xaa: {  	s1 =	sadd.s32 s3, s9;
	s8 =	sand.u32 $0x1FFFFFF0, s11  }
0xab: {  	[tilespmem:s7], [sflag:$0x2] =	stream.linear.gather [hbm4b:s1+s2], $0x80, $0x38;
	[tilespmem:$0x12000] =	vst v63  }
0xac: {  	s1 =	sadd.s32 $0xA700, s28;
	s7 =	sadd.s32 s3, s10  }
0xad: {  	[tilespmem:s1], [sflag:$0x2] =	stream.linear.gather [hbm4b:s7+s2], $0x80, $0x38;
	[tilespmem:$0x12000] =	vst v63  }
0xae: {  	s1 =	sadd.s32 $0xA780, s28;
	s7 =	sadd.s32 s3, s8  }
0xaf: {  	[tilespmem:s1], [sflag:$0x2] =	stream.linear.gather [hbm4b:s7+s2], $0x80, $0x38;
	[tilespmem:$0x12000] =	vst v63  }
0xb0: {  	v0 =	vld [tilespmem:s29+$0x0];
	_ =	sdelay $0x4  }
0xb1: {  	v0 =	vshll.u32 v0, $0x4  }
0xb2: {  	(v2sf) =	vpush v0, $0x0  }
0xb3: {  	(v2sf) =	vpush v0, $0x1  }
0xb4: {  	(v2sf) =	vpush v0, $0x2;
	_ =	sdelay $0x1  }
0xb5: {  	(v2sf) =	vpush v0, $0x4  }
.Ltmp1:
0xb6: {  	(pc) =	sbr.rel @p0 .LBB2_4-.Ltmp1, $3  }
0xb7: {  	(v2sf) =	vpush v0, $0x3  }
0xb8: {  	(v2sf) =	vpush v0, $0x5;
	_ =	sdelay $0x1  }
0xb9: {  	s28 =	sshra.s32 s0, $0x2;
	(v2sf) =	vpush v0, $0x6  }
0xba: {  	_ =	sdelay $0x1  }
0xbb: {  	s8 =	sadd.s32 $0xA080, s28;
	s7 =	sadd.s32 $0xA580, s28  }
0xbc: {  	s9 =	sadd.s32 $0xA380, s28;
	s0 =	sadd.s32 $0xA600, s28;
	(v2sf) =	vpush v0, $0x7;
	s10 =	sadd.s32 $0xA280, s28  }
0xbd: {  	s11 =	sadd.s32 $0xA400, s28;
	s1 =	sadd.s32 $0xA680, s28;
	s12 =	sadd.s32 $0xA000, s28  }
0xbe: {  	s13 =	sadd.s32 $0xA200, s28;
	s14 =	sadd.s32 $0xA300, s28;
	(v2sf) =	vpush v0, $0x8;
	s15 =	spop (v2sf)  }
0xbf: {  	s16 =	sadd.s32 $0xA100, s28;
	s15 =	sand.u32 $0x1FFFFFF0, s15;
	s17 =	spop (v2sf)  }
0xc0: {  	(v2sf) =	vpush v0, $0x9;
	s15 =	sadd.s32 s3, s15;
	s17 =	sand.u32 $0x1FFFFFF0, s17;
	s18 =	spop (v2sf)  }
0xc1: {  	[tilespmem:s12], [sflag:$0x2] =	stream.linear.gather [hbm4b:s15+s2], $0x80, $0x38;
	[tilespmem:$0x12000] =	vst v63  }
0xc2: {  	s19 =	sadd.s32 $0xA180, s28;
	(v2sf) =	vpush v0, $0xA;
	s21 =	sadd.s32 s3, s17;
	s24 =	spop (v2sf)  }
0xc3: {  	[tilespmem:s8], [sflag:$0x2] =	stream.linear.gather [hbm4b:s21+s2], $0x80, $0x38;
	[tilespmem:$0x12000] =	vst v63  }
0xc4: {  	s12 =	sadd.s32 $0xA500, s28;
	s18 =	sand.u32 $0x1FFFFFF0, s18;
	(v2sf) =	vpush v0, $0xB;
	s21 =	spop (v2sf)  }
0xc5: {  	s15 =	sadd.s32 s3, s18;
	s8 =	sadd.s32 $0xA480, s28;
	s18 =	sand.u32 $0x1FFFFFF0, s21  }
0xc6: {  	(v2sf) =	vpush v0, $0xC;
	[tilespmem:s16], [sflag:$0x2] =	stream.linear.gather [hbm4b:s15+s2], $0x80, $0x38;
	[tilespmem:$0x12000] =	vst v63  }
0xc7: {  	s15 =	sand.u32 $0x1FFFFFF0, s24;
	s24 =	spop (v2sf);
	s21 =	sadd.s32 s3, s18  }
0xc8: {  	(v2sf) =	vpush v0, $0xD;
	[tilespmem:s19], [sflag:$0x2] =	stream.linear.gather [hbm4b:s21+s2], $0x80, $0x38;
	[tilespmem:$0x12000] =	vst v63  }
0xc9: {  	s16 =	sand.u32 $0x1FFFFFF0, s24;
	s15 =	sadd.s32 s3, s15;
	s24 =	spop (v2sf)  }
0xca: {  	(v2sf) =	vpush v0, $0xE;
	[tilespmem:s13], [sflag:$0x2] =	stream.linear.gather [hbm4b:s15+s2], $0x80, $0x38;
	[tilespmem:$0x12000] =	vst v63  }
0xcb: {  	s16 =	sadd.s32 s3, s16;
	s18 =	sand.u32 $0x1FFFFFF0, s24;
	s19 =	spop (v2sf)  }
0xcc: {  	(v2sf) =	vpush v0, $0xF;
	[tilespmem:s10], [sflag:$0x2] =	stream.linear.gather [hbm4b:s16+s2], $0x80, $0x38;
	[tilespmem:$0x12000] =	vst v63  }
0xcd: {  	s21 =	sand.u32 $0x1FFFFFF0, s19;
	s24 =	spop (v2sf);
	s13 =	sadd.s32 s3, s18  }
0xce: {  	[tilespmem:s14], [sflag:$0x2] =	stream.linear.gather [hbm4b:s13+s2], $0x80, $0x38;
	[tilespmem:$0x12000] =	vst v63  }
0xcf: {  	s16 =	sand.u32 $0x1FFFFFF0, s24;
	s10 =	sadd.s32 s3, s21;
	s17 =	spop (v2sf)  }
0xd0: {  	[tilespmem:s9], [sflag:$0x2] =	stream.linear.gather [hbm4b:s10+s2], $0x80, $0x38;
	[tilespmem:$0x12000] =	vst v63  }
0xd1: {  	s13 =	sadd.s32 s3, s16;
	s18 =	sand.u32 $0x1FFFFFF0, s17;
	s19 =	spop (v2sf)  }
0xd2: {  	[tilespmem:s11], [sflag:$0x2] =	stream.linear.gather [hbm4b:s13+s2], $0x80, $0x38;
	[tilespmem:$0x12000] =	vst v63  }
0xd3: {  	s10 =	sand.u32 $0x1FFFFFF0, s19;
	s9 =	sadd.s32 s3, s18;
	s21 =	spop (v2sf)  }
0xd4: {  	[tilespmem:s8], [sflag:$0x2] =	stream.linear.gather [hbm4b:s9+s2], $0x80, $0x38;
	[tilespmem:$0x12000] =	vst v63  }
0xd5: {  	s10 =	sadd.s32 s3, s10;
	s24 =	sand.u32 $0x1FFFFFF0, s21;
	s11 =	spop (v2sf)  }
0xd6: {  	[tilespmem:s12], [sflag:$0x2] =	stream.linear.gather [hbm4b:s10+s2], $0x80, $0x38;
	[tilespmem:$0x12000] =	vst v63  }
0xd7: {  	s8 =	sadd.s32 s3, s24;
	s9 =	sand.u32 $0x1FFFFFF0, s11;
	s12 =	spop (v2sf)  }
0xd8: {  	[tilespmem:s7], [sflag:$0x2] =	stream.linear.gather [hbm4b:s8+s2], $0x80, $0x38;
	[tilespmem:$0x12000] =	vst v63  }
0xd9: {  	s9 =	sadd.s32 s3, s9;
	s13 =	sand.u32 $0x1FFFFFF0, s12;
	s14 =	spop (v2sf)  }
0xda: {  	[tilespmem:s0], [sflag:$0x2] =	stream.linear.gather [hbm4b:s9+s2], $0x80, $0x38;
	[tilespmem:$0x12000] =	vst v63  }
0xdb: {  	s15 =	sand.u32 $0x1FFFFFF0, s14;
	s16 =	spop (v2sf);
	s7 =	sadd.s32 s3, s13  }
0xdc: {  	[tilespmem:s1], [sflag:$0x2] =	stream.linear.gather [hbm4b:s7+s2], $0x80, $0x38;
	[tilespmem:$0x12000] =	vst v63  }
0xdd: {  	s18 =	sadd.s32 $0xA700, s28;
	s17 =	sand.u32 $0x1FFFFFF0, s16;
	s0 =	sadd.s32 s3, s15  }
0xde: {  	[tilespmem:s18], [sflag:$0x2] =	stream.linear.gather [hbm4b:s0+s2], $0x80, $0x38;
	[tilespmem:$0x12000] =	vst v63  }
0xdf: {  	s19 =	sadd.s32 $0xA780, s28;
	s1 =	sadd.s32 s3, s17  }
0xe0: {  	[tilespmem:s19], [sflag:$0x2] =	stream.linear.gather [hbm4b:s1+s2], $0x80, $0x38;
	[tilespmem:$0x12000] =	vst v63  }
0xe1: {  	_ =	swait.ge [sflag:s20], $0x8000  }
0xe2: {  	s31 =	simm.s32 $0x2000;
	[sflag:s20] =	ssyncset.done $0x0  }
0xe3: {  	s21 =	simm.s32 $0x0;
	s24 =	rddreg [dreg:$0x4];
	[sflag:s20] =	ssyncadd.s32 $0xFFFF8000  }
0xe4: {  	[hbm4b:s24+s21] =	stream.linear.scatter [tilespmem:s31], [sflag:$0x3], $0x8000, $0x38;
	[tilespmem:$0x12000] =	vst v63  }
0xe5: {  	_ =	swait.ge [sflag:s22], $0x8000  }
0xe6: {  	[sflag:s22] =	ssyncset.done $0x0  }
0xe7: {  	s29 =	simm.s32 $0x1000;
	[sflag:s22] =	ssyncadd.s32 $0xFFFF8000  }
0xe8: {  	v0 =	vld [tilespmem:s29+$0x0];
	_ =	sdelay $0x4  }
0xe9: {  	v0 =	vshll.u32 v0, $0x4  }
0xea: {  	(v2sf) =	vpush v0, $0x0  }
0xeb: {  	(v2sf) =	vpush v0, $0x1  }
0xec: {  	(v2sf) =	vpush v0, $0x2;
	_ =	sdelay $0x1  }
0xed: {  	(v2sf) =	vpush v0, $0x4;
	_ =	sdelay $0x1  }
0xee: {  	(v2sf) =	vpush v0, $0x3  }
0xef: {  	(v2sf) =	vpush v0, $0x5  }
0xf0: {  	s30 =	simm.s32 $0x2000;
	s28 =	simm.s32 $0x0;
	(v2sf) =	vpush v0, $0x6  }
.LBB2_6:
0xf1: {  	p0 =	sne.s32 s30, $0x1E000  }
0xf2: {  	s13 =	sadd.s32 $0x2080, s28;
	s19 =	sadd.s32 $0x2580, s28;
	s0 =	smov.u32 s30  }
0xf3: {  	s30 =	sadd.s32 $0x2000, s30;
	s10 =	sadd.s32 $0x2380, s28;
	s1 =	sadd.s32 $0x2600, s28;
	(v2sf) =	vpush v0, $0x7  }
0xf4: {  	s12 =	sadd.s32 $0x2280, s28;
	s9 =	sadd.s32 $0x2400, s28;
	s7 =	sadd.s32 $0x2680, s28  }
0xf5: {  	s14 =	sadd.s32 $0x2000, s28;
	s15 =	sadd.s32 $0x2200, s28;
	(v2sf) =	vpush v0, $0x8  }
0xf6: {  	s16 =	sadd.s32 $0x2300, s28;
	s29 =	sadd.s32 $0x80, s29  }
0xf7: {  	s17 =	sadd.s32 $0x2100, s28;
	s8 =	sadd.s32 $0x2500, s28;
	s11 =	spop (v2sf);
	(v2sf) =	vpush v0, $0x9  }
0xf8: {  	s18 =	sand.u32 $0x1FFFFFF0, s11;
	s11 =	sadd.s32 $0x2480, s28;
	s21 =	spop (v2sf)  }
0xf9: {  	s18 =	sadd.s32 s4, s18;
	s21 =	sand.u32 $0x1FFFFFF0, s21;
	s24 =	spop (v2sf);
	(v2sf) =	vpush v0, $0xA  }
0xfa: {  	[tilespmem:s14], [sflag:$0x1] =	stream.linear.gather [hbm4b:s18+s2], $0x80, $0x38;
	[tilespmem:$0x12000] =	vst v63  }
0xfb: {  	s14 =	sadd.s32 s4, s21;
	s18 =	sadd.s32 $0x2180, s28;
	s21 =	spop (v2sf);
	(v2sf) =	vpush v0, $0xB  }
0xfc: {  	[tilespmem:s13], [sflag:$0x1] =	stream.linear.gather [hbm4b:s14+s2], $0x80, $0x38;
	[tilespmem:$0x12000] =	vst v63  }
0xfd: {  	s13 =	sand.u32 $0x1FFFFFF0, s24;
	s14 =	sand.u32 $0x1FFFFFF0, s21;
	s21 =	spop (v2sf);
	(v2sf) =	vpush v0, $0xC  }
0xfe: {  	s13 =	sadd.s32 s4, s13;
	s21 =	sand.u32 $0x1FFFFFF0, s21;
	s24 =	spop (v2sf)  }
0xff: {  	[tilespmem:s17], [sflag:$0x1] =	stream.linear.gather [hbm4b:s13+s2], $0x80, $0x38;
	(v2sf) =	vpush v0, $0xD;
	[tilespmem:$0x12000] =	vst v63  }
0x100: {  	s13 =	sadd.s32 s4, s21;
	s17 =	sand.u32 $0x1FFFFFF0, s24;
	s21 =	spop (v2sf)  }
0x101: {  	[tilespmem:s18], [sflag:$0x1] =	stream.linear.gather [hbm4b:s13+s2], $0x80, $0x38;
	(v2sf) =	vpush v0, $0xE;
	[tilespmem:$0x12000] =	vst v63  }
0x102: {  	s13 =	sadd.s32 s4, s14;
	s14 =	sand.u32 $0x1FFFFFF0, s21;
	s18 =	spop (v2sf)  }
0x103: {  	[tilespmem:s15], [sflag:$0x1] =	stream.linear.gather [hbm4b:s13+s2], $0x80, $0x38;
	(v2sf) =	vpush v0, $0xF;
	[tilespmem:$0x12000] =	vst v63  }
0x104: {  	s13 =	sadd.s32 s4, s17;
	s15 =	sand.u32 $0x1FFFFFF0, s18;
	s17 =	spop (v2sf)  }
0x105: {  	[tilespmem:s12], [sflag:$0x1] =	stream.linear.gather [hbm4b:s13+s2], $0x80, $0x38;
	[tilespmem:$0x12000] =	vst v63  }
0x106: {  	s12 =	sadd.s32 s4, s14;
	s13 =	sand.u32 $0x1FFFFFF0, s17;
	s14 =	spop (v2sf)  }
0x107: {  	[tilespmem:s16], [sflag:$0x1] =	stream.linear.gather [hbm4b:s12+s2], $0x80, $0x38;
	[tilespmem:$0x12000] =	vst v63  }
0x108: {  	s12 =	sadd.s32 s4, s15;
	s14 =	sand.u32 $0x1FFFFFF0, s14;
	s15 =	spop (v2sf)  }
0x109: {  	[tilespmem:s10], [sflag:$0x1] =	stream.linear.gather [hbm4b:s12+s2], $0x80, $0x38;
	[tilespmem:$0x12000] =	vst v63  }
0x10a: {  	s10 =	sadd.s32 s4, s13;
	s12 =	sand.u32 $0x1FFFFFF0, s15;
	s13 =	spop (v2sf)  }
0x10b: {  	[tilespmem:s9], [sflag:$0x1] =	stream.linear.gather [hbm4b:s10+s2], $0x80, $0x38;
	[tilespmem:$0x12000] =	vst v63  }
0x10c: {  	s9 =	sadd.s32 s4, s14;
	s10 =	sand.u32 $0x1FFFFFF0, s13;
	s13 =	spop (v2sf)  }
0x10d: {  	[tilespmem:s11], [sflag:$0x1] =	stream.linear.gather [hbm4b:s9+s2], $0x80, $0x38;
	[tilespmem:$0x12000] =	vst v63  }
0x10e: {  	s9 =	sadd.s32 s4, s12;
	s11 =	sand.u32 $0x1FFFFFF0, s13;
	s12 =	spop (v2sf)  }
0x10f: {  	[tilespmem:s8], [sflag:$0x1] =	stream.linear.gather [hbm4b:s9+s2], $0x80, $0x38;
	[tilespmem:$0x12000] =	vst v63  }
0x110: {  	s8 =	sadd.s32 s4, s10;
	s9 =	sand.u32 $0x1FFFFFF0, s12;
	s10 =	spop (v2sf)  }
0x111: {  	[tilespmem:s19], [sflag:$0x1] =	stream.linear.gather [hbm4b:s8+s2], $0x80, $0x38;
	[tilespmem:$0x12000] =	vst v63  }
0x112: {  	s8 =	sadd.s32 s4, s11;
	s10 =	sand.u32 $0x1FFFFFF0, s10;
	s11 =	spop (v2sf)  }
0x113: {  	[tilespmem:s1], [sflag:$0x1] =	stream.linear.gather [hbm4b:s8+s2], $0x80, $0x38;
	[tilespmem:$0x12000] =	vst v63  }
0x114: {  	s1 =	sadd.s32 s4, s9;
	s8 =	sand.u32 $0x1FFFFFF0, s11  }
0x115: {  	[tilespmem:s7], [sflag:$0x1] =	stream.linear.gather [hbm4b:s1+s2], $0x80, $0x38;
	[tilespmem:$0x12000] =	vst v63  }
0x116: {  	s1 =	sadd.s32 $0x2700, s28;
	s7 =	sadd.s32 s4, s10  }
0x117: {  	[tilespmem:s1], [sflag:$0x1] =	stream.linear.gather [hbm4b:s7+s2], $0x80, $0x38;
	[tilespmem:$0x12000] =	vst v63  }
0x118: {  	s1 =	sadd.s32 $0x2780, s28;
	s7 =	sadd.s32 s4, s8  }
0x119: {  	[tilespmem:s1], [sflag:$0x1] =	stream.linear.gather [hbm4b:s7+s2], $0x80, $0x38;
	[tilespmem:$0x12000] =	vst v63  }
0x11a: {  	v0 =	vld [tilespmem:s29+$0x0];
	_ =	sdelay $0x4  }
0x11b: {  	v0 =	vshll.u32 v0, $0x4  }
0x11c: {  	(v2sf) =	vpush v0, $0x0  }
0x11d: {  	(v2sf) =	vpush v0, $0x1  }
0x11e: {  	(v2sf) =	vpush v0, $0x2;
	_ =	sdelay $0x1  }
0x11f: {  	(v2sf) =	vpush v0, $0x4  }
.Ltmp2:
0x120: {  	(pc) =	sbr.rel @p0 .LBB2_6-.Ltmp2, $3  }
0x121: {  	(v2sf) =	vpush v0, $0x3  }
0x122: {  	(v2sf) =	vpush v0, $0x5;
	_ =	sdelay $0x1  }
0x123: {  	s28 =	sshra.s32 s0, $0x2;
	(v2sf) =	vpush v0, $0x6  }
0x124: {  	_ =	sdelay $0x1  }
0x125: {  	s8 =	sadd.s32 $0x2080, s28;
	s7 =	sadd.s32 $0x2580, s28  }
0x126: {  	s9 =	sadd.s32 $0x2380, s28;
	s0 =	sadd.s32 $0x2600, s28;
	(v2sf) =	vpush v0, $0x7;
	s10 =	sadd.s32 $0x2280, s28  }
0x127: {  	s11 =	sadd.s32 $0x2400, s28;
	s1 =	sadd.s32 $0x2680, s28;
	s12 =	sadd.s32 $0x2000, s28  }
0x128: {  	s13 =	sadd.s32 $0x2200, s28;
	s14 =	sadd.s32 $0x2300, s28;
	(v2sf) =	vpush v0, $0x8;
	s15 =	spop (v2sf)  }
0x129: {  	s16 =	sadd.s32 $0x2100, s28;
	s15 =	sand.u32 $0x1FFFFFF0, s15;
	s17 =	spop (v2sf)  }
0x12a: {  	(v2sf) =	vpush v0, $0x9;
	s15 =	sadd.s32 s4, s15;
	s17 =	sand.u32 $0x1FFFFFF0, s17;
	s18 =	spop (v2sf)  }
0x12b: {  	[tilespmem:s12], [sflag:$0x1] =	stream.linear.gather [hbm4b:s15+s2], $0x80, $0x38;
	[tilespmem:$0x12000] =	vst v63  }
0x12c: {  	s19 =	sadd.s32 $0x2180, s28;
	(v2sf) =	vpush v0, $0xA;
	s21 =	sadd.s32 s4, s17;
	s24 =	spop (v2sf)  }
0x12d: {  	[tilespmem:s8], [sflag:$0x1] =	stream.linear.gather [hbm4b:s21+s2], $0x80, $0x38;
	[tilespmem:$0x12000] =	vst v63  }
0x12e: {  	s12 =	sadd.s32 $0x2500, s28;
	s18 =	sand.u32 $0x1FFFFFF0, s18;
	(v2sf) =	vpush v0, $0xB;
	s21 =	spop (v2sf)  }
0x12f: {  	s15 =	sadd.s32 s4, s18;
	s8 =	sadd.s32 $0x2480, s28;
	s18 =	sand.u32 $0x1FFFFFF0, s21  }
0x130: {  	(v2sf) =	vpush v0, $0xC;
	[tilespmem:s16], [sflag:$0x1] =	stream.linear.gather [hbm4b:s15+s2], $0x80, $0x38;
	[tilespmem:$0x12000] =	vst v63  }
0x131: {  	s15 =	sand.u32 $0x1FFFFFF0, s24;
	s24 =	spop (v2sf);
	s21 =	sadd.s32 s4, s18  }
0x132: {  	(v2sf) =	vpush v0, $0xD;
	[tilespmem:s19], [sflag:$0x1] =	stream.linear.gather [hbm4b:s21+s2], $0x80, $0x38;
	[tilespmem:$0x12000] =	vst v63  }
0x133: {  	s16 =	sand.u32 $0x1FFFFFF0, s24;
	s15 =	sadd.s32 s4, s15;
	s24 =	spop (v2sf)  }
0x134: {  	(v2sf) =	vpush v0, $0xE;
	[tilespmem:s13], [sflag:$0x1] =	stream.linear.gather [hbm4b:s15+s2], $0x80, $0x38;
	[tilespmem:$0x12000] =	vst v63  }
0x135: {  	s16 =	sadd.s32 s4, s16;
	s18 =	sand.u32 $0x1FFFFFF0, s24;
	s19 =	spop (v2sf)  }
0x136: {  	(v2sf) =	vpush v0, $0xF;
	[tilespmem:s10], [sflag:$0x1] =	stream.linear.gather [hbm4b:s16+s2], $0x80, $0x38;
	[tilespmem:$0x12000] =	vst v63  }
0x137: {  	s21 =	sand.u32 $0x1FFFFFF0, s19;
	s24 =	spop (v2sf);
	s13 =	sadd.s32 s4, s18  }
0x138: {  	[tilespmem:s14], [sflag:$0x1] =	stream.linear.gather [hbm4b:s13+s2], $0x80, $0x38;
	[tilespmem:$0x12000] =	vst v63  }
0x139: {  	s15 =	sand.u32 $0x1FFFFFF0, s24;
	s10 =	sadd.s32 s4, s21;
	s16 =	spop (v2sf)  }
0x13a: {  	[tilespmem:s9], [sflag:$0x1] =	stream.linear.gather [hbm4b:s10+s2], $0x80, $0x38;
	[tilespmem:$0x12000] =	vst v63  }
0x13b: {  	s13 =	sadd.s32 s4, s15;
	s17 =	sand.u32 $0x1FFFFFF0, s16;
	s18 =	spop (v2sf)  }
0x13c: {  	[tilespmem:s11], [sflag:$0x1] =	stream.linear.gather [hbm4b:s13+s2], $0x80, $0x38;
	[tilespmem:$0x12000] =	vst v63  }
0x13d: {  	s10 =	sand.u32 $0x1FFFFFF0, s18;
	s9 =	sadd.s32 s4, s17;
	s19 =	spop (v2sf)  }
0x13e: {  	[tilespmem:s8], [sflag:$0x1] =	stream.linear.gather [hbm4b:s9+s2], $0x80, $0x38;
	[tilespmem:$0x12000] =	vst v63  }
0x13f: {  	s10 =	sadd.s32 s4, s10;
	s21 =	sand.u32 $0x1FFFFFF0, s19;
	s24 =	spop (v2sf)  }
0x140: {  	[tilespmem:s12], [sflag:$0x1] =	stream.linear.gather [hbm4b:s10+s2], $0x80, $0x38;
	[tilespmem:$0x12000] =	vst v63  }
0x141: {  	s8 =	sadd.s32 s4, s21;
	s9 =	sand.u32 $0x1FFFFFF0, s24;
	s11 =	spop (v2sf)  }
0x142: {  	[tilespmem:s7], [sflag:$0x1] =	stream.linear.gather [hbm4b:s8+s2], $0x80, $0x38;
	[tilespmem:$0x12000] =	vst v63  }
0x143: {  	s12 =	sand.u32 $0x1FFFFFF0, s11;
	s9 =	sadd.s32 s4, s9;
	s13 =	spop (v2sf)  }
0x144: {  	[tilespmem:s0], [sflag:$0x1] =	stream.linear.gather [hbm4b:s9+s2], $0x80, $0x38;
	[tilespmem:$0x12000] =	vst v63  }
0x145: {  	s14 =	sand.u32 $0x1FFFFFF0, s13;
	s15 =	spop (v2sf);
	s7 =	sadd.s32 s4, s12  }
0x146: {  	[tilespmem:s1], [sflag:$0x1] =	stream.linear.gather [hbm4b:s7+s2], $0x80, $0x38;
	[tilespmem:$0x12000] =	vst v63  }
0x147: {  	s17 =	sadd.s32 $0x2700, s28;
	s16 =	sand.u32 $0x1FFFFFF0, s15;
	s0 =	sadd.s32 s4, s14  }
0x148: {  	[tilespmem:s17], [sflag:$0x1] =	stream.linear.gather [hbm4b:s0+s2], $0x80, $0x38;
	[tilespmem:$0x12000] =	vst v63  }
0x149: {  	s18 =	sadd.s32 $0x2780, s28;
	s1 =	sadd.s32 s4, s16  }
0x14a: {  	[tilespmem:s18], [sflag:$0x1] =	stream.linear.gather [hbm4b:s1+s2], $0x80, $0x38;
	[tilespmem:$0x12000] =	vst v63  }
0x14b: {  	_ =	swait.ge [sflag:s23], $0x8000  }
0x14c: {  	s19 =	simm.s32 $0x0;
	[sflag:s23] =	ssyncset.done $0x0  }
0x14d: {  	s24 =	simm.s32 $0xA000;
	s21 =	rddreg [dreg:$0x5];
	[sflag:s23] =	ssyncadd.s32 $0xFFFF8000  }
0x14e: {  	[hbm4b:s21+s19] =	stream.linear.scatter [tilespmem:s24], [sflag:$0x4], $0x8000, $0x38;
	[tilespmem:$0x12000] =	vst v63  }
0x14f: {  	_ =	swait.ge [sflag:s25], $0x8000  }
0x150: {  	[sflag:s25] =	ssyncset.done $0x0  }
0x151: {  	s29 =	simm.s32 $0x1800;
	[sflag:s25] =	ssyncadd.s32 $0xFFFF8000  }
0x152: {  	v0 =	vld [tilespmem:s29+$0x0];
	_ =	sdelay $0x4  }
0x153: {  	v0 =	vshll.u32 v0, $0x4  }
0x154: {  	(v2sf) =	vpush v0, $0x0  }
0x155: {  	(v2sf) =	vpush v0, $0x1  }
0x156: {  	(v2sf) =	vpush v0, $0x2;
	_ =	sdelay $0x1  }
0x157: {  	(v2sf) =	vpush v0, $0x4;
	_ =	sdelay $0x1  }
0x158: {  	(v2sf) =	vpush v0, $0x3  }
0x159: {  	(v2sf) =	vpush v0, $0x5  }
0x15a: {  	s30 =	simm.s32 $0x2000;
	s28 =	simm.s32 $0x0;
	(v2sf) =	vpush v0, $0x6  }
.LBB2_8:
0x15b: {  	p0 =	sne.s32 s30, $0x1E000  }
0x15c: {  	s13 =	sadd.s32 $0xA080, s28;
	s19 =	sadd.s32 $0xA580, s28;
	s0 =	smov.u32 s30  }
0x15d: {  	s30 =	sadd.s32 $0x2000, s30;
	s10 =	sadd.s32 $0xA380, s28;
	s1 =	sadd.s32 $0xA600, s28;
	(v2sf) =	vpush v0, $0x7  }
0x15e: {  	s12 =	sadd.s32 $0xA280, s28;
	s9 =	sadd.s32 $0xA400, s28;
	s7 =	sadd.s32 $0xA680, s28  }
0x15f: {  	s14 =	sadd.s32 $0xA000, s28;
	s15 =	sadd.s32 $0xA200, s28;
	(v2sf) =	vpush v0, $0x8  }
0x160: {  	s16 =	sadd.s32 $0xA300, s28;
	s29 =	sadd.s32 $0x80, s29  }
0x161: {  	s17 =	sadd.s32 $0xA100, s28;
	s8 =	sadd.s32 $0xA500, s28;
	s11 =	spop (v2sf);
	(v2sf) =	vpush v0, $0x9  }
0x162: {  	s18 =	sand.u32 $0x1FFFFFF0, s11;
	s11 =	sadd.s32 $0xA480, s28;
	s21 =	spop (v2sf)  }
0x163: {  	s18 =	sadd.s32 s4, s18;
	s21 =	sand.u32 $0x1FFFFFF0, s21;
	s24 =	spop (v2sf);
	(v2sf) =	vpush v0, $0xA  }
0x164: {  	[tilespmem:s14], [sflag:$0x2] =	stream.linear.gather [hbm4b:s18+s2], $0x80, $0x38;
	[tilespmem:$0x12000] =	vst v63  }
0x165: {  	s14 =	sadd.s32 s4, s21;
	s18 =	sadd.s32 $0xA180, s28;
	s21 =	spop (v2sf);
	(v2sf) =	vpush v0, $0xB  }
0x166: {  	[tilespmem:s13], [sflag:$0x2] =	stream.linear.gather [hbm4b:s14+s2], $0x80, $0x38;
	[tilespmem:$0x12000] =	vst v63  }
0x167: {  	s13 =	sand.u32 $0x1FFFFFF0, s24;
	s14 =	sand.u32 $0x1FFFFFF0, s21;
	s21 =	spop (v2sf);
	(v2sf) =	vpush v0, $0xC  }
0x168: {  	s13 =	sadd.s32 s4, s13;
	s21 =	sand.u32 $0x1FFFFFF0, s21;
	s24 =	spop (v2sf)  }
0x169: {  	[tilespmem:s17], [sflag:$0x2] =	stream.linear.gather [hbm4b:s13+s2], $0x80, $0x38;
	(v2sf) =	vpush v0, $0xD;
	[tilespmem:$0x12000] =	vst v63  }
0x16a: {  	s13 =	sadd.s32 s4, s21;
	s17 =	sand.u32 $0x1FFFFFF0, s24;
	s21 =	spop (v2sf)  }
0x16b: {  	[tilespmem:s18], [sflag:$0x2] =	stream.linear.gather [hbm4b:s13+s2], $0x80, $0x38;
	(v2sf) =	vpush v0, $0xE;
	[tilespmem:$0x12000] =	vst v63  }
0x16c: {  	s13 =	sadd.s32 s4, s14;
	s14 =	sand.u32 $0x1FFFFFF0, s21;
	s18 =	spop (v2sf)  }
0x16d: {  	[tilespmem:s15], [sflag:$0x2] =	stream.linear.gather [hbm4b:s13+s2], $0x80, $0x38;
	(v2sf) =	vpush v0, $0xF;
	[tilespmem:$0x12000] =	vst v63  }
0x16e: {  	s13 =	sadd.s32 s4, s17;
	s15 =	sand.u32 $0x1FFFFFF0, s18;
	s17 =	spop (v2sf)  }
0x16f: {  	[tilespmem:s12], [sflag:$0x2] =	stream.linear.gather [hbm4b:s13+s2], $0x80, $0x38;
	[tilespmem:$0x12000] =	vst v63  }
0x170: {  	s12 =	sadd.s32 s4, s14;
	s13 =	sand.u32 $0x1FFFFFF0, s17;
	s14 =	spop (v2sf)  }
0x171: {  	[tilespmem:s16], [sflag:$0x2] =	stream.linear.gather [hbm4b:s12+s2], $0x80, $0x38;
	[tilespmem:$0x12000] =	vst v63  }
0x172: {  	s12 =	sadd.s32 s4, s15;
	s14 =	sand.u32 $0x1FFFFFF0, s14;
	s15 =	spop (v2sf)  }
0x173: {  	[tilespmem:s10], [sflag:$0x2] =	stream.linear.gather [hbm4b:s12+s2], $0x80, $0x38;
	[tilespmem:$0x12000] =	vst v63  }
0x174: {  	s10 =	sadd.s32 s4, s13;
	s12 =	sand.u32 $0x1FFFFFF0, s15;
	s13 =	spop (v2sf)  }
0x175: {  	[tilespmem:s9], [sflag:$0x2] =	stream.linear.gather [hbm4b:s10+s2], $0x80, $0x38;
	[tilespmem:$0x12000] =	vst v63  }
0x176: {  	s9 =	sadd.s32 s4, s14;
	s10 =	sand.u32 $0x1FFFFFF0, s13;
	s13 =	spop (v2sf)  }
0x177: {  	[tilespmem:s11], [sflag:$0x2] =	stream.linear.gather [hbm4b:s9+s2], $0x80, $0x38;
	[tilespmem:$0x12000] =	vst v63  }
0x178: {  	s9 =	sadd.s32 s4, s12;
	s11 =	sand.u32 $0x1FFFFFF0, s13;
	s12 =	spop (v2sf)  }
0x179: {  	[tilespmem:s8], [sflag:$0x2] =	stream.linear.gather [hbm4b:s9+s2], $0x80, $0x38;
	[tilespmem:$0x12000] =	vst v63  }
0x17a: {  	s8 =	sadd.s32 s4, s10;
	s9 =	sand.u32 $0x1FFFFFF0, s12;
	s10 =	spop (v2sf)  }
0x17b: {  	[tilespmem:s19], [sflag:$0x2] =	stream.linear.gather [hbm4b:s8+s2], $0x80, $0x38;
	[tilespmem:$0x12000] =	vst v63  }
0x17c: {  	s8 =	sadd.s32 s4, s11;
	s10 =	sand.u32 $0x1FFFFFF0, s10;
	s11 =	spop (v2sf)  }
0x17d: {  	[tilespmem:s1], [sflag:$0x2] =	stream.linear.gather [hbm4b:s8+s2], $0x80, $0x38;
	[tilespmem:$0x12000] =	vst v63  }
0x17e: {  	s1 =	sadd.s32 s4, s9;
	s8 =	sand.u32 $0x1FFFFFF0, s11  }
0x17f: {  	[tilespmem:s7], [sflag:$0x2] =	stream.linear.gather [hbm4b:s1+s2], $0x80, $0x38;
	[tilespmem:$0x12000] =	vst v63  }
0x180: {  	s1 =	sadd.s32 $0xA700, s28;
	s7 =	sadd.s32 s4, s10  }
0x181: {  	[tilespmem:s1], [sflag:$0x2] =	stream.linear.gather [hbm4b:s7+s2], $0x80, $0x38;
	[tilespmem:$0x12000] =	vst v63  }
0x182: {  	s1 =	sadd.s32 $0xA780, s28;
	s7 =	sadd.s32 s4, s8  }
0x183: {  	[tilespmem:s1], [sflag:$0x2] =	stream.linear.gather [hbm4b:s7+s2], $0x80, $0x38;
	[tilespmem:$0x12000] =	vst v63  }
0x184: {  	v0 =	vld [tilespmem:s29+$0x0];
	_ =	sdelay $0x4  }
0x185: {  	v0 =	vshll.u32 v0, $0x4  }
0x186: {  	(v2sf) =	vpush v0, $0x0  }
0x187: {  	(v2sf) =	vpush v0, $0x1  }
0x188: {  	(v2sf) =	vpush v0, $0x2;
	_ =	sdelay $0x1  }
0x189: {  	(v2sf) =	vpush v0, $0x4  }
.Ltmp3:
0x18a: {  	(pc) =	sbr.rel @p0 .LBB2_8-.Ltmp3, $3  }
0x18b: {  	(v2sf) =	vpush v0, $0x3  }
0x18c: {  	(v2sf) =	vpush v0, $0x5;
	_ =	sdelay $0x1  }
0x18d: {  	s28 =	sshra.s32 s0, $0x2;
	(v2sf) =	vpush v0, $0x6  }
0x18e: {  	_ =	sdelay $0x1  }
0x18f: {  	s8 =	sadd.s32 $0xA080, s28;
	s7 =	sadd.s32 $0xA580, s28  }
0x190: {  	s9 =	sadd.s32 $0xA380, s28;
	s0 =	sadd.s32 $0xA600, s28;
	(v2sf) =	vpush v0, $0x7;
	s10 =	sadd.s32 $0xA280, s28  }
0x191: {  	s11 =	sadd.s32 $0xA400, s28;
	s1 =	sadd.s32 $0xA680, s28;
	s12 =	sadd.s32 $0xA000, s28  }
0x192: {  	s13 =	sadd.s32 $0xA200, s28;
	s14 =	sadd.s32 $0xA300, s28;
	(v2sf) =	vpush v0, $0x8;
	s15 =	spop (v2sf)  }
0x193: {  	s16 =	sadd.s32 $0xA100, s28;
	s15 =	sand.u32 $0x1FFFFFF0, s15;
	s17 =	spop (v2sf)  }
0x194: {  	(v2sf) =	vpush v0, $0x9;
	s15 =	sadd.s32 s4, s15;
	s17 =	sand.u32 $0x1FFFFFF0, s17;
	s18 =	spop (v2sf)  }
0x195: {  	[tilespmem:s12], [sflag:$0x2] =	stream.linear.gather [hbm4b:s15+s2], $0x80, $0x38;
	[tilespmem:$0x12000] =	vst v63  }
0x196: {  	s19 =	sadd.s32 $0xA180, s28;
	(v2sf) =	vpush v0, $0xA;
	s21 =	sadd.s32 s4, s17;
	s24 =	spop (v2sf)  }
0x197: {  	[tilespmem:s8], [sflag:$0x2] =	stream.linear.gather [hbm4b:s21+s2], $0x80, $0x38;
	[tilespmem:$0x12000] =	vst v63  }
0x198: {  	s12 =	sadd.s32 $0xA500, s28;
	s18 =	sand.u32 $0x1FFFFFF0, s18;
	(v2sf) =	vpush v0, $0xB;
	s21 =	spop (v2sf)  }
0x199: {  	s15 =	sadd.s32 s4, s18;
	s8 =	sadd.s32 $0xA480, s28;
	s18 =	sand.u32 $0x1FFFFFF0, s21  }
0x19a: {  	(v2sf) =	vpush v0, $0xC;
	[tilespmem:s16], [sflag:$0x2] =	stream.linear.gather [hbm4b:s15+s2], $0x80, $0x38;
	[tilespmem:$0x12000] =	vst v63  }
0x19b: {  	s15 =	sand.u32 $0x1FFFFFF0, s24;
	s24 =	spop (v2sf);
	s21 =	sadd.s32 s4, s18  }
0x19c: {  	(v2sf) =	vpush v0, $0xD;
	[tilespmem:s19], [sflag:$0x2] =	stream.linear.gather [hbm4b:s21+s2], $0x80, $0x38;
	[tilespmem:$0x12000] =	vst v63  }
0x19d: {  	s16 =	sand.u32 $0x1FFFFFF0, s24;
	s15 =	sadd.s32 s4, s15;
	s24 =	spop (v2sf)  }
0x19e: {  	(v2sf) =	vpush v0, $0xE;
	[tilespmem:s13], [sflag:$0x2] =	stream.linear.gather [hbm4b:s15+s2], $0x80, $0x38;
	[tilespmem:$0x12000] =	vst v63  }
0x19f: {  	s16 =	sadd.s32 s4, s16;
	s18 =	sand.u32 $0x1FFFFFF0, s24;
	s19 =	spop (v2sf)  }
0x1a0: {  	(v2sf) =	vpush v0, $0xF;
	[tilespmem:s10], [sflag:$0x2] =	stream.linear.gather [hbm4b:s16+s2], $0x80, $0x38;
	[tilespmem:$0x12000] =	vst v63  }
0x1a1: {  	s21 =	sand.u32 $0x1FFFFFF0, s19;
	s24 =	spop (v2sf);
	s13 =	sadd.s32 s4, s18  }
0x1a2: {  	[tilespmem:s14], [sflag:$0x2] =	stream.linear.gather [hbm4b:s13+s2], $0x80, $0x38;
	[tilespmem:$0x12000] =	vst v63  }
0x1a3: {  	s16 =	sand.u32 $0x1FFFFFF0, s24;
	s10 =	sadd.s32 s4, s21;
	s17 =	spop (v2sf)  }
0x1a4: {  	[tilespmem:s9], [sflag:$0x2] =	stream.linear.gather [hbm4b:s10+s2], $0x80, $0x38;
	[tilespmem:$0x12000] =	vst v63  }
0x1a5: {  	s13 =	sadd.s32 s4, s16;
	s18 =	sand.u32 $0x1FFFFFF0, s17;
	s19 =	spop (v2sf)  }
0x1a6: {  	[tilespmem:s11], [sflag:$0x2] =	stream.linear.gather [hbm4b:s13+s2], $0x80, $0x38;
	[tilespmem:$0x12000] =	vst v63  }
0x1a7: {  	s10 =	sand.u32 $0x1FFFFFF0, s19;
	s9 =	sadd.s32 s4, s18;
	s21 =	spop (v2sf)  }
0x1a8: {  	[tilespmem:s8], [sflag:$0x2] =	stream.linear.gather [hbm4b:s9+s2], $0x80, $0x38;
	[tilespmem:$0x12000] =	vst v63  }
0x1a9: {  	s10 =	sadd.s32 s4, s10;
	s24 =	sand.u32 $0x1FFFFFF0, s21;
	s11 =	spop (v2sf)  }
0x1aa: {  	[tilespmem:s12], [sflag:$0x2] =	stream.linear.gather [hbm4b:s10+s2], $0x80, $0x38;
	[tilespmem:$0x12000] =	vst v63  }
0x1ab: {  	s8 =	sadd.s32 s4, s24;
	s9 =	sand.u32 $0x1FFFFFF0, s11;
	s13 =	spop (v2sf)  }
0x1ac: {  	[tilespmem:s7], [sflag:$0x2] =	stream.linear.gather [hbm4b:s8+s2], $0x80, $0x38;
	[tilespmem:$0x12000] =	vst v63  }
0x1ad: {  	s14 =	sand.u32 $0x1FFFFFF0, s13;
	s9 =	sadd.s32 s4, s9;
	s15 =	spop (v2sf)  }
0x1ae: {  	[tilespmem:s0], [sflag:$0x2] =	stream.linear.gather [hbm4b:s9+s2], $0x80, $0x38;
	[tilespmem:$0x12000] =	vst v63  }
0x1af: {  	s16 =	sand.u32 $0x1FFFFFF0, s15;
	s17 =	spop (v2sf);
	s7 =	sadd.s32 s4, s14  }
0x1b0: {  	[tilespmem:s1], [sflag:$0x2] =	stream.linear.gather [hbm4b:s7+s2], $0x80, $0x38;
	[tilespmem:$0x12000] =	vst v63  }
0x1b1: {  	s19 =	sadd.s32 $0xA700, s28;
	s18 =	sand.u32 $0x1FFFFFF0, s17;
	s0 =	sadd.s32 s4, s16  }
0x1b2: {  	[tilespmem:s19], [sflag:$0x2] =	stream.linear.gather [hbm4b:s0+s2], $0x80, $0x38;
	[tilespmem:$0x12000] =	vst v63  }
0x1b3: {  	s21 =	sadd.s32 $0xA780, s28;
	s1 =	sadd.s32 s4, s18  }
0x1b4: {  	[tilespmem:s21], [sflag:$0x2] =	stream.linear.gather [hbm4b:s1+s2], $0x80, $0x38;
	[tilespmem:$0x12000] =	vst v63  }
0x1b5: {  	_ =	swait.ge [sflag:s20], $0x8000  }
0x1b6: {  	[sflag:s20] =	ssyncset.done $0x0  }
0x1b7: {  	s29 =	simm.s32 $0x0;
	s24 =	rddreg [dreg:$0x6];
	[sflag:s20] =	ssyncadd.s32 $0xFFFF8000  }
0x1b8: {  	[hbm4b:s24+s29] =	stream.linear.scatter [tilespmem:s31], [sflag:$0x3], $0x8000, $0x38;
	[tilespmem:$0x12000] =	vst v63  }
0x1b9: {  	_ =	swait.ge [sflag:s22], $0x8000  }
0x1ba: {  	[sflag:s22] =	ssyncset.done $0x0  }
0x1bb: {  	[sflag:s22] =	ssyncadd.s32 $0xFFFF8000  }
0x1bc: {  	v0 =	vld [tilespmem:s29+$0x0];
	_ =	sdelay $0x4  }
0x1bd: {  	v0 =	vshll.u32 v0, $0x4  }
0x1be: {  	(v2sf) =	vpush v0, $0x0  }
0x1bf: {  	(v2sf) =	vpush v0, $0x1  }
0x1c0: {  	(v2sf) =	vpush v0, $0x2;
	_ =	sdelay $0x1  }
0x1c1: {  	(v2sf) =	vpush v0, $0x4;
	_ =	sdelay $0x1  }
0x1c2: {  	(v2sf) =	vpush v0, $0x3  }
0x1c3: {  	(v2sf) =	vpush v0, $0x5  }
0x1c4: {  	s30 =	simm.s32 $0x2000;
	s28 =	simm.s32 $0x0;
	(v2sf) =	vpush v0, $0x6  }
.LBB2_10:
0x1c5: {  	p0 =	sne.s32 s30, $0x1E000  }
0x1c6: {  	s13 =	sadd.s32 $0x2080, s28;
	s19 =	sadd.s32 $0x2580, s28;
	s0 =	smov.u32 s30  }
0x1c7: {  	s30 =	sadd.s32 $0x2000, s30;
	s10 =	sadd.s32 $0x2380, s28;
	s1 =	sadd.s32 $0x2600, s28;
	(v2sf) =	vpush v0, $0x7  }
0x1c8: {  	s12 =	sadd.s32 $0x2280, s28;
	s9 =	sadd.s32 $0x2400, s28;
	s7 =	sadd.s32 $0x2680, s28  }
0x1c9: {  	s14 =	sadd.s32 $0x2000, s28;
	s15 =	sadd.s32 $0x2200, s28;
	(v2sf) =	vpush v0, $0x8  }
0x1ca: {  	s16 =	sadd.s32 $0x2300, s28;
	s29 =	sadd.s32 $0x80, s29  }
0x1cb: {  	s17 =	sadd.s32 $0x2100, s28;
	s8 =	sadd.s32 $0x2500, s28;
	s11 =	spop (v2sf);
	(v2sf) =	vpush v0, $0x9  }
0x1cc: {  	s18 =	sand.u32 $0x1FFFFFF0, s11;
	s11 =	sadd.s32 $0x2480, s28;
	s21 =	spop (v2sf)  }
0x1cd: {  	s18 =	sadd.s32 s5, s18;
	s21 =	sand.u32 $0x1FFFFFF0, s21;
	s24 =	spop (v2sf);
	(v2sf) =	vpush v0, $0xA  }
0x1ce: {  	[tilespmem:s14], [sflag:$0x1] =	stream.linear.gather [hbm4b:s18+s2], $0x80, $0x38;
	[tilespmem:$0x12000] =	vst v63  }
0x1cf: {  	s14 =	sadd.s32 s5, s21;
	s18 =	sadd.s32 $0x2180, s28;
	s21 =	spop (v2sf);
	(v2sf) =	vpush v0, $0xB  }
0x1d0: {  	[tilespmem:s13], [sflag:$0x1] =	stream.linear.gather [hbm4b:s14+s2], $0x80, $0x38;
	[tilespmem:$0x12000] =	vst v63  }
0x1d1: {  	s13 =	sand.u32 $0x1FFFFFF0, s24;
	s14 =	sand.u32 $0x1FFFFFF0, s21;
	s21 =	spop (v2sf);
	(v2sf) =	vpush v0, $0xC  }
0x1d2: {  	s13 =	sadd.s32 s5, s13;
	s21 =	sand.u32 $0x1FFFFFF0, s21;
	s24 =	spop (v2sf)  }
0x1d3: {  	[tilespmem:s17], [sflag:$0x1] =	stream.linear.gather [hbm4b:s13+s2], $0x80, $0x38;
	(v2sf) =	vpush v0, $0xD;
	[tilespmem:$0x12000] =	vst v63  }
0x1d4: {  	s13 =	sadd.s32 s5, s21;
	s17 =	sand.u32 $0x1FFFFFF0, s24;
	s21 =	spop (v2sf)  }
0x1d5: {  	[tilespmem:s18], [sflag:$0x1] =	stream.linear.gather [hbm4b:s13+s2], $0x80, $0x38;
	(v2sf) =	vpush v0, $0xE;
	[tilespmem:$0x12000] =	vst v63  }
0x1d6: {  	s13 =	sadd.s32 s5, s14;
	s14 =	sand.u32 $0x1FFFFFF0, s21;
	s18 =	spop (v2sf)  }
0x1d7: {  	[tilespmem:s15], [sflag:$0x1] =	stream.linear.gather [hbm4b:s13+s2], $0x80, $0x38;
	(v2sf) =	vpush v0, $0xF;
	[tilespmem:$0x12000] =	vst v63  }
0x1d8: {  	s13 =	sadd.s32 s5, s17;
	s15 =	sand.u32 $0x1FFFFFF0, s18;
	s17 =	spop (v2sf)  }
0x1d9: {  	[tilespmem:s12], [sflag:$0x1] =	stream.linear.gather [hbm4b:s13+s2], $0x80, $0x38;
	[tilespmem:$0x12000] =	vst v63  }
0x1da: {  	s12 =	sadd.s32 s5, s14;
	s13 =	sand.u32 $0x1FFFFFF0, s17;
	s14 =	spop (v2sf)  }
0x1db: {  	[tilespmem:s16], [sflag:$0x1] =	stream.linear.gather [hbm4b:s12+s2], $0x80, $0x38;
	[tilespmem:$0x12000] =	vst v63  }
0x1dc: {  	s12 =	sadd.s32 s5, s15;
	s14 =	sand.u32 $0x1FFFFFF0, s14;
	s15 =	spop (v2sf)  }
0x1dd: {  	[tilespmem:s10], [sflag:$0x1] =	stream.linear.gather [hbm4b:s12+s2], $0x80, $0x38;
	[tilespmem:$0x12000] =	vst v63  }
0x1de: {  	s10 =	sadd.s32 s5, s13;
	s12 =	sand.u32 $0x1FFFFFF0, s15;
	s13 =	spop (v2sf)  }
0x1df: {  	[tilespmem:s9], [sflag:$0x1] =	stream.linear.gather [hbm4b:s10+s2], $0x80, $0x38;
	[tilespmem:$0x12000] =	vst v63  }
0x1e0: {  	s9 =	sadd.s32 s5, s14;
	s10 =	sand.u32 $0x1FFFFFF0, s13;
	s13 =	spop (v2sf)  }
0x1e1: {  	[tilespmem:s11], [sflag:$0x1] =	stream.linear.gather [hbm4b:s9+s2], $0x80, $0x38;
	[tilespmem:$0x12000] =	vst v63  }
0x1e2: {  	s9 =	sadd.s32 s5, s12;
	s11 =	sand.u32 $0x1FFFFFF0, s13;
	s12 =	spop (v2sf)  }
0x1e3: {  	[tilespmem:s8], [sflag:$0x1] =	stream.linear.gather [hbm4b:s9+s2], $0x80, $0x38;
	[tilespmem:$0x12000] =	vst v63  }
0x1e4: {  	s8 =	sadd.s32 s5, s10;
	s9 =	sand.u32 $0x1FFFFFF0, s12;
	s10 =	spop (v2sf)  }
0x1e5: {  	[tilespmem:s19], [sflag:$0x1] =	stream.linear.gather [hbm4b:s8+s2], $0x80, $0x38;
	[tilespmem:$0x12000] =	vst v63  }
0x1e6: {  	s8 =	sadd.s32 s5, s11;
	s10 =	sand.u32 $0x1FFFFFF0, s10;
	s11 =	spop (v2sf)  }
0x1e7: {  	[tilespmem:s1], [sflag:$0x1] =	stream.linear.gather [hbm4b:s8+s2], $0x80, $0x38;
	[tilespmem:$0x12000] =	vst v63  }
0x1e8: {  	s1 =	sadd.s32 s5, s9;
	s8 =	sand.u32 $0x1FFFFFF0, s11  }
0x1e9: {  	[tilespmem:s7], [sflag:$0x1] =	stream.linear.gather [hbm4b:s1+s2], $0x80, $0x38;
	[tilespmem:$0x12000] =	vst v63  }
0x1ea: {  	s1 =	sadd.s32 $0x2700, s28;
	s7 =	sadd.s32 s5, s10  }
0x1eb: {  	[tilespmem:s1], [sflag:$0x1] =	stream.linear.gather [hbm4b:s7+s2], $0x80, $0x38;
	[tilespmem:$0x12000] =	vst v63  }
0x1ec: {  	s1 =	sadd.s32 $0x2780, s28;
	s7 =	sadd.s32 s5, s8  }
0x1ed: {  	[tilespmem:s1], [sflag:$0x1] =	stream.linear.gather [hbm4b:s7+s2], $0x80, $0x38;
	[tilespmem:$0x12000] =	vst v63  }
0x1ee: {  	v0 =	vld [tilespmem:s29+$0x0];
	_ =	sdelay $0x4  }
0x1ef: {  	v0 =	vshll.u32 v0, $0x4  }
0x1f0: {  	(v2sf) =	vpush v0, $0x0  }
0x1f1: {  	(v2sf) =	vpush v0, $0x1  }
0x1f2: {  	(v2sf) =	vpush v0, $0x2;
	_ =	sdelay $0x1  }
0x1f3: {  	(v2sf) =	vpush v0, $0x4  }
.Ltmp4:
0x1f4: {  	(pc) =	sbr.rel @p0 .LBB2_10-.Ltmp4, $3  }
0x1f5: {  	(v2sf) =	vpush v0, $0x3  }
0x1f6: {  	(v2sf) =	vpush v0, $0x5;
	_ =	sdelay $0x1  }
0x1f7: {  	s28 =	sshra.s32 s0, $0x2;
	(v2sf) =	vpush v0, $0x6  }
0x1f8: {  	_ =	sdelay $0x1  }
0x1f9: {  	s8 =	sadd.s32 $0x2080, s28;
	s7 =	sadd.s32 $0x2580, s28  }
0x1fa: {  	s9 =	sadd.s32 $0x2380, s28;
	s0 =	sadd.s32 $0x2600, s28;
	(v2sf) =	vpush v0, $0x7;
	s10 =	sadd.s32 $0x2280, s28  }
0x1fb: {  	s11 =	sadd.s32 $0x2400, s28;
	s1 =	sadd.s32 $0x2680, s28;
	s12 =	sadd.s32 $0x2000, s28  }
0x1fc: {  	s13 =	sadd.s32 $0x2200, s28;
	s14 =	sadd.s32 $0x2300, s28;
	(v2sf) =	vpush v0, $0x8;
	s15 =	spop (v2sf)  }
0x1fd: {  	s16 =	sadd.s32 $0x2100, s28;
	s15 =	sand.u32 $0x1FFFFFF0, s15;
	s17 =	spop (v2sf)  }
0x1fe: {  	(v2sf) =	vpush v0, $0x9;
	s15 =	sadd.s32 s5, s15;
	s17 =	sand.u32 $0x1FFFFFF0, s17;
	s18 =	spop (v2sf)  }
0x1ff: {  	[tilespmem:s12], [sflag:$0x1] =	stream.linear.gather [hbm4b:s15+s2], $0x80, $0x38;
	[tilespmem:$0x12000] =	vst v63  }
0x200: {  	s19 =	sadd.s32 $0x2180, s28;
	(v2sf) =	vpush v0, $0xA;
	s21 =	sadd.s32 s5, s17;
	s24 =	spop (v2sf)  }
0x201: {  	[tilespmem:s8], [sflag:$0x1] =	stream.linear.gather [hbm4b:s21+s2], $0x80, $0x38;
	[tilespmem:$0x12000] =	vst v63  }
0x202: {  	s12 =	sadd.s32 $0x2500, s28;
	s18 =	sand.u32 $0x1FFFFFF0, s18;
	(v2sf) =	vpush v0, $0xB;
	s21 =	spop (v2sf)  }
0x203: {  	s15 =	sadd.s32 s5, s18;
	s8 =	sadd.s32 $0x2480, s28;
	s18 =	sand.u32 $0x1FFFFFF0, s21  }
0x204: {  	(v2sf) =	vpush v0, $0xC;
	[tilespmem:s16], [sflag:$0x1] =	stream.linear.gather [hbm4b:s15+s2], $0x80, $0x38;
	[tilespmem:$0x12000] =	vst v63  }
0x205: {  	s15 =	sand.u32 $0x1FFFFFF0, s24;
	s24 =	spop (v2sf);
	s21 =	sadd.s32 s5, s18  }
0x206: {  	(v2sf) =	vpush v0, $0xD;
	[tilespmem:s19], [sflag:$0x1] =	stream.linear.gather [hbm4b:s21+s2], $0x80, $0x38;
	[tilespmem:$0x12000] =	vst v63  }
0x207: {  	s16 =	sand.u32 $0x1FFFFFF0, s24;
	s15 =	sadd.s32 s5, s15;
	s24 =	spop (v2sf)  }
0x208: {  	(v2sf) =	vpush v0, $0xE;
	[tilespmem:s13], [sflag:$0x1] =	stream.linear.gather [hbm4b:s15+s2], $0x80, $0x38;
	[tilespmem:$0x12000] =	vst v63  }
0x209: {  	s16 =	sadd.s32 s5, s16;
	s18 =	sand.u32 $0x1FFFFFF0, s24;
	s19 =	spop (v2sf)  }
0x20a: {  	(v2sf) =	vpush v0, $0xF;
	[tilespmem:s10], [sflag:$0x1] =	stream.linear.gather [hbm4b:s16+s2], $0x80, $0x38;
	[tilespmem:$0x12000] =	vst v63  }
0x20b: {  	s21 =	sand.u32 $0x1FFFFFF0, s19;
	s24 =	spop (v2sf);
	s13 =	sadd.s32 s5, s18  }
0x20c: {  	[tilespmem:s14], [sflag:$0x1] =	stream.linear.gather [hbm4b:s13+s2], $0x80, $0x38;
	[tilespmem:$0x12000] =	vst v63  }
0x20d: {  	s15 =	sand.u32 $0x1FFFFFF0, s24;
	s10 =	sadd.s32 s5, s21;
	s16 =	spop (v2sf)  }
0x20e: {  	[tilespmem:s9], [sflag:$0x1] =	stream.linear.gather [hbm4b:s10+s2], $0x80, $0x38;
	[tilespmem:$0x12000] =	vst v63  }
0x20f: {  	s13 =	sadd.s32 s5, s15;
	s17 =	sand.u32 $0x1FFFFFF0, s16;
	s18 =	spop (v2sf)  }
0x210: {  	[tilespmem:s11], [sflag:$0x1] =	stream.linear.gather [hbm4b:s13+s2], $0x80, $0x38;
	[tilespmem:$0x12000] =	vst v63  }
0x211: {  	s10 =	sand.u32 $0x1FFFFFF0, s18;
	s9 =	sadd.s32 s5, s17;
	s19 =	spop (v2sf)  }
0x212: {  	[tilespmem:s8], [sflag:$0x1] =	stream.linear.gather [hbm4b:s9+s2], $0x80, $0x38;
	[tilespmem:$0x12000] =	vst v63  }
0x213: {  	s10 =	sadd.s32 s5, s10;
	s21 =	sand.u32 $0x1FFFFFF0, s19;
	s24 =	spop (v2sf)  }
0x214: {  	[tilespmem:s12], [sflag:$0x1] =	stream.linear.gather [hbm4b:s10+s2], $0x80, $0x38;
	[tilespmem:$0x12000] =	vst v63  }
0x215: {  	s8 =	sadd.s32 s5, s21;
	s9 =	sand.u32 $0x1FFFFFF0, s24;
	s11 =	spop (v2sf)  }
0x216: {  	[tilespmem:s7], [sflag:$0x1] =	stream.linear.gather [hbm4b:s8+s2], $0x80, $0x38;
	[tilespmem:$0x12000] =	vst v63  }
0x217: {  	s12 =	sand.u32 $0x1FFFFFF0, s11;
	s9 =	sadd.s32 s5, s9;
	s13 =	spop (v2sf)  }
0x218: {  	[tilespmem:s0], [sflag:$0x1] =	stream.linear.gather [hbm4b:s9+s2], $0x80, $0x38;
	[tilespmem:$0x12000] =	vst v63  }
0x219: {  	s14 =	sand.u32 $0x1FFFFFF0, s13;
	s15 =	spop (v2sf);
	s7 =	sadd.s32 s5, s12  }
0x21a: {  	[tilespmem:s1], [sflag:$0x1] =	stream.linear.gather [hbm4b:s7+s2], $0x80, $0x38;
	[tilespmem:$0x12000] =	vst v63  }
0x21b: {  	s17 =	sadd.s32 $0x2700, s28;
	s16 =	sand.u32 $0x1FFFFFF0, s15;
	s0 =	sadd.s32 s5, s14  }
0x21c: {  	[tilespmem:s17], [sflag:$0x1] =	stream.linear.gather [hbm4b:s0+s2], $0x80, $0x38;
	[tilespmem:$0x12000] =	vst v63  }
0x21d: {  	s18 =	sadd.s32 $0x2780, s28;
	s1 =	sadd.s32 s5, s16  }
0x21e: {  	[tilespmem:s18], [sflag:$0x1] =	stream.linear.gather [hbm4b:s1+s2], $0x80, $0x38;
	[tilespmem:$0x12000] =	vst v63  }
0x21f: {  	_ =	swait.ge [sflag:s23], $0x8000  }
0x220: {  	s19 =	simm.s32 $0x0;
	[sflag:s23] =	ssyncset.done $0x0  }
0x221: {  	s24 =	simm.s32 $0xA000;
	s21 =	rddreg [dreg:$0x7];
	[sflag:s23] =	ssyncadd.s32 $0xFFFF8000  }
0x222: {  	[hbm4b:s21+s19] =	stream.linear.scatter [tilespmem:s24], [sflag:$0x4], $0x8000, $0x38;
	[tilespmem:$0x12000] =	vst v63  }
0x223: {  	_ =	swait.ge [sflag:s25], $0x8000  }
0x224: {  	[sflag:s25] =	ssyncset.done $0x0  }
0x225: {  	s29 =	simm.s32 $0x800;
	[sflag:s25] =	ssyncadd.s32 $0xFFFF8000  }
0x226: {  	v0 =	vld [tilespmem:s29+$0x0];
	_ =	sdelay $0x4  }
0x227: {  	v0 =	vshll.u32 v0, $0x4  }
0x228: {  	(v2sf) =	vpush v0, $0x0  }
0x229: {  	(v2sf) =	vpush v0, $0x1  }
0x22a: {  	(v2sf) =	vpush v0, $0x2;
	_ =	sdelay $0x1  }
0x22b: {  	(v2sf) =	vpush v0, $0x4;
	_ =	sdelay $0x1  }
0x22c: {  	(v2sf) =	vpush v0, $0x3  }
0x22d: {  	(v2sf) =	vpush v0, $0x5  }
0x22e: {  	s30 =	simm.s32 $0x2000;
	s28 =	simm.s32 $0x0;
	(v2sf) =	vpush v0, $0x6  }
.LBB2_12:
0x22f: {  	p0 =	sne.s32 s30, $0x1E000  }
0x230: {  	s13 =	sadd.s32 $0xA080, s28;
	s19 =	sadd.s32 $0xA580, s28;
	s0 =	smov.u32 s30  }
0x231: {  	s30 =	sadd.s32 $0x2000, s30;
	s10 =	sadd.s32 $0xA380, s28;
	s1 =	sadd.s32 $0xA600, s28;
	(v2sf) =	vpush v0, $0x7  }
0x232: {  	s12 =	sadd.s32 $0xA280, s28;
	s9 =	sadd.s32 $0xA400, s28;
	s7 =	sadd.s32 $0xA680, s28  }
0x233: {  	s14 =	sadd.s32 $0xA000, s28;
	s15 =	sadd.s32 $0xA200, s28;
	(v2sf) =	vpush v0, $0x8  }
0x234: {  	s16 =	sadd.s32 $0xA300, s28;
	s29 =	sadd.s32 $0x80, s29  }
0x235: {  	s17 =	sadd.s32 $0xA100, s28;
	s8 =	sadd.s32 $0xA500, s28;
	s11 =	spop (v2sf);
	(v2sf) =	vpush v0, $0x9  }
0x236: {  	s18 =	sand.u32 $0x1FFFFFF0, s11;
	s11 =	sadd.s32 $0xA480, s28;
	s21 =	spop (v2sf)  }
0x237: {  	s18 =	sadd.s32 s5, s18;
	s21 =	sand.u32 $0x1FFFFFF0, s21;
	s24 =	spop (v2sf);
	(v2sf) =	vpush v0, $0xA  }
0x238: {  	[tilespmem:s14], [sflag:$0x2] =	stream.linear.gather [hbm4b:s18+s2], $0x80, $0x38;
	[tilespmem:$0x12000] =	vst v63  }
0x239: {  	s14 =	sadd.s32 s5, s21;
	s18 =	sadd.s32 $0xA180, s28;
	s21 =	spop (v2sf);
	(v2sf) =	vpush v0, $0xB  }
0x23a: {  	[tilespmem:s13], [sflag:$0x2] =	stream.linear.gather [hbm4b:s14+s2], $0x80, $0x38;
	[tilespmem:$0x12000] =	vst v63  }
0x23b: {  	s13 =	sand.u32 $0x1FFFFFF0, s24;
	s14 =	sand.u32 $0x1FFFFFF0, s21;
	s21 =	spop (v2sf);
	(v2sf) =	vpush v0, $0xC  }
0x23c: {  	s13 =	sadd.s32 s5, s13;
	s21 =	sand.u32 $0x1FFFFFF0, s21;
	s24 =	spop (v2sf)  }
0x23d: {  	[tilespmem:s17], [sflag:$0x2] =	stream.linear.gather [hbm4b:s13+s2], $0x80, $0x38;
	(v2sf) =	vpush v0, $0xD;
	[tilespmem:$0x12000] =	vst v63  }
0x23e: {  	s13 =	sadd.s32 s5, s21;
	s17 =	sand.u32 $0x1FFFFFF0, s24;
	s21 =	spop (v2sf)  }
0x23f: {  	[tilespmem:s18], [sflag:$0x2] =	stream.linear.gather [hbm4b:s13+s2], $0x80, $0x38;
	(v2sf) =	vpush v0, $0xE;
	[tilespmem:$0x12000] =	vst v63  }
0x240: {  	s13 =	sadd.s32 s5, s14;
	s14 =	sand.u32 $0x1FFFFFF0, s21;
	s18 =	spop (v2sf)  }
0x241: {  	[tilespmem:s15], [sflag:$0x2] =	stream.linear.gather [hbm4b:s13+s2], $0x80, $0x38;
	(v2sf) =	vpush v0, $0xF;
	[tilespmem:$0x12000] =	vst v63  }
0x242: {  	s13 =	sadd.s32 s5, s17;
	s15 =	sand.u32 $0x1FFFFFF0, s18;
	s17 =	spop (v2sf)  }
0x243: {  	[tilespmem:s12], [sflag:$0x2] =	stream.linear.gather [hbm4b:s13+s2], $0x80, $0x38;
	[tilespmem:$0x12000] =	vst v63  }
0x244: {  	s12 =	sadd.s32 s5, s14;
	s13 =	sand.u32 $0x1FFFFFF0, s17;
	s14 =	spop (v2sf)  }
0x245: {  	[tilespmem:s16], [sflag:$0x2] =	stream.linear.gather [hbm4b:s12+s2], $0x80, $0x38;
	[tilespmem:$0x12000] =	vst v63  }
0x246: {  	s12 =	sadd.s32 s5, s15;
	s14 =	sand.u32 $0x1FFFFFF0, s14;
	s15 =	spop (v2sf)  }
0x247: {  	[tilespmem:s10], [sflag:$0x2] =	stream.linear.gather [hbm4b:s12+s2], $0x80, $0x38;
	[tilespmem:$0x12000] =	vst v63  }
0x248: {  	s10 =	sadd.s32 s5, s13;
	s12 =	sand.u32 $0x1FFFFFF0, s15;
	s13 =	spop (v2sf)  }
0x249: {  	[tilespmem:s9], [sflag:$0x2] =	stream.linear.gather [hbm4b:s10+s2], $0x80, $0x38;
	[tilespmem:$0x12000] =	vst v63  }
0x24a: {  	s9 =	sadd.s32 s5, s14;
	s10 =	sand.u32 $0x1FFFFFF0, s13;
	s13 =	spop (v2sf)  }
0x24b: {  	[tilespmem:s11], [sflag:$0x2] =	stream.linear.gather [hbm4b:s9+s2], $0x80, $0x38;
	[tilespmem:$0x12000] =	vst v63  }
0x24c: {  	s9 =	sadd.s32 s5, s12;
	s11 =	sand.u32 $0x1FFFFFF0, s13;
	s12 =	spop (v2sf)  }
0x24d: {  	[tilespmem:s8], [sflag:$0x2] =	stream.linear.gather [hbm4b:s9+s2], $0x80, $0x38;
	[tilespmem:$0x12000] =	vst v63  }
0x24e: {  	s8 =	sadd.s32 s5, s10;
	s9 =	sand.u32 $0x1FFFFFF0, s12;
	s10 =	spop (v2sf)  }
0x24f: {  	[tilespmem:s19], [sflag:$0x2] =	stream.linear.gather [hbm4b:s8+s2], $0x80, $0x38;
	[tilespmem:$0x12000] =	vst v63  }
0x250: {  	s8 =	sadd.s32 s5, s11;
	s10 =	sand.u32 $0x1FFFFFF0, s10;
	s11 =	spop (v2sf)  }
0x251: {  	[tilespmem:s1], [sflag:$0x2] =	stream.linear.gather [hbm4b:s8+s2], $0x80, $0x38;
	[tilespmem:$0x12000] =	vst v63  }
0x252: {  	s1 =	sadd.s32 s5, s9;
	s8 =	sand.u32 $0x1FFFFFF0, s11  }
0x253: {  	[tilespmem:s7], [sflag:$0x2] =	stream.linear.gather [hbm4b:s1+s2], $0x80, $0x38;
	[tilespmem:$0x12000] =	vst v63  }
0x254: {  	s1 =	sadd.s32 $0xA700, s28;
	s7 =	sadd.s32 s5, s10  }
0x255: {  	[tilespmem:s1], [sflag:$0x2] =	stream.linear.gather [hbm4b:s7+s2], $0x80, $0x38;
	[tilespmem:$0x12000] =	vst v63  }
0x256: {  	s1 =	sadd.s32 $0xA780, s28;
	s7 =	sadd.s32 s5, s8  }
0x257: {  	[tilespmem:s1], [sflag:$0x2] =	stream.linear.gather [hbm4b:s7+s2], $0x80, $0x38;
	[tilespmem:$0x12000] =	vst v63  }
0x258: {  	v0 =	vld [tilespmem:s29+$0x0];
	_ =	sdelay $0x4  }
0x259: {  	v0 =	vshll.u32 v0, $0x4  }
0x25a: {  	(v2sf) =	vpush v0, $0x0  }
0x25b: {  	(v2sf) =	vpush v0, $0x1  }
0x25c: {  	(v2sf) =	vpush v0, $0x2;
	_ =	sdelay $0x1  }
0x25d: {  	(v2sf) =	vpush v0, $0x4  }
.Ltmp5:
0x25e: {  	(pc) =	sbr.rel @p0 .LBB2_12-.Ltmp5, $3  }
0x25f: {  	(v2sf) =	vpush v0, $0x3  }
0x260: {  	(v2sf) =	vpush v0, $0x5;
	_ =	sdelay $0x1  }
0x261: {  	s28 =	sshra.s32 s0, $0x2;
	(v2sf) =	vpush v0, $0x6  }
0x262: {  	_ =	sdelay $0x1  }
0x263: {  	s8 =	sadd.s32 $0xA080, s28;
	s7 =	sadd.s32 $0xA580, s28  }
0x264: {  	s9 =	sadd.s32 $0xA380, s28;
	s0 =	sadd.s32 $0xA600, s28;
	(v2sf) =	vpush v0, $0x7;
	s10 =	sadd.s32 $0xA280, s28  }
0x265: {  	s11 =	sadd.s32 $0xA400, s28;
	s1 =	sadd.s32 $0xA680, s28;
	s12 =	sadd.s32 $0xA000, s28  }
0x266: {  	s13 =	sadd.s32 $0xA200, s28;
	s14 =	sadd.s32 $0xA300, s28;
	(v2sf) =	vpush v0, $0x8;
	s15 =	spop (v2sf)  }
0x267: {  	s16 =	sadd.s32 $0xA100, s28;
	s15 =	sand.u32 $0x1FFFFFF0, s15;
	s17 =	spop (v2sf)  }
0x268: {  	(v2sf) =	vpush v0, $0x9;
	s15 =	sadd.s32 s5, s15;
	s17 =	sand.u32 $0x1FFFFFF0, s17;
	s18 =	spop (v2sf)  }
0x269: {  	[tilespmem:s12], [sflag:$0x2] =	stream.linear.gather [hbm4b:s15+s2], $0x80, $0x38;
	[tilespmem:$0x12000] =	vst v63  }
0x26a: {  	s19 =	sadd.s32 $0xA180, s28;
	(v2sf) =	vpush v0, $0xA;
	s21 =	sadd.s32 s5, s17;
	s24 =	spop (v2sf)  }
0x26b: {  	[tilespmem:s8], [sflag:$0x2] =	stream.linear.gather [hbm4b:s21+s2], $0x80, $0x38;
	[tilespmem:$0x12000] =	vst v63  }
0x26c: {  	s12 =	sadd.s32 $0xA500, s28;
	s18 =	sand.u32 $0x1FFFFFF0, s18;
	(v2sf) =	vpush v0, $0xB;
	s21 =	spop (v2sf)  }
0x26d: {  	s15 =	sadd.s32 s5, s18;
	s8 =	sadd.s32 $0xA480, s28;
	s18 =	sand.u32 $0x1FFFFFF0, s21  }
0x26e: {  	(v2sf) =	vpush v0, $0xC;
	[tilespmem:s16], [sflag:$0x2] =	stream.linear.gather [hbm4b:s15+s2], $0x80, $0x38;
	[tilespmem:$0x12000] =	vst v63  }
0x26f: {  	s15 =	sand.u32 $0x1FFFFFF0, s24;
	s24 =	spop (v2sf);
	s21 =	sadd.s32 s5, s18  }
0x270: {  	(v2sf) =	vpush v0, $0xD;
	[tilespmem:s19], [sflag:$0x2] =	stream.linear.gather [hbm4b:s21+s2], $0x80, $0x38;
	[tilespmem:$0x12000] =	vst v63  }
0x271: {  	s16 =	sand.u32 $0x1FFFFFF0, s24;
	s15 =	sadd.s32 s5, s15;
	s24 =	spop (v2sf)  }
0x272: {  	(v2sf) =	vpush v0, $0xE;
	[tilespmem:s13], [sflag:$0x2] =	stream.linear.gather [hbm4b:s15+s2], $0x80, $0x38;
	[tilespmem:$0x12000] =	vst v63  }
0x273: {  	s16 =	sadd.s32 s5, s16;
	s18 =	sand.u32 $0x1FFFFFF0, s24;
	s19 =	spop (v2sf)  }
0x274: {  	(v2sf) =	vpush v0, $0xF;
	[tilespmem:s10], [sflag:$0x2] =	stream.linear.gather [hbm4b:s16+s2], $0x80, $0x38;
	[tilespmem:$0x12000] =	vst v63  }
0x275: {  	s21 =	sand.u32 $0x1FFFFFF0, s19;
	s24 =	spop (v2sf);
	s13 =	sadd.s32 s5, s18  }
0x276: {  	[tilespmem:s14], [sflag:$0x2] =	stream.linear.gather [hbm4b:s13+s2], $0x80, $0x38;
	[tilespmem:$0x12000] =	vst v63  }
0x277: {  	s16 =	sand.u32 $0x1FFFFFF0, s24;
	s10 =	sadd.s32 s5, s21;
	s17 =	spop (v2sf)  }
0x278: {  	[tilespmem:s9], [sflag:$0x2] =	stream.linear.gather [hbm4b:s10+s2], $0x80, $0x38;
	[tilespmem:$0x12000] =	vst v63  }
0x279: {  	s13 =	sadd.s32 s5, s16;
	s18 =	sand.u32 $0x1FFFFFF0, s17;
	s19 =	spop (v2sf)  }
0x27a: {  	[tilespmem:s11], [sflag:$0x2] =	stream.linear.gather [hbm4b:s13+s2], $0x80, $0x38;
	[tilespmem:$0x12000] =	vst v63  }
0x27b: {  	s10 =	sand.u32 $0x1FFFFFF0, s19;
	s9 =	sadd.s32 s5, s18;
	s21 =	spop (v2sf)  }
0x27c: {  	[tilespmem:s8], [sflag:$0x2] =	stream.linear.gather [hbm4b:s9+s2], $0x80, $0x38;
	[tilespmem:$0x12000] =	vst v63  }
0x27d: {  	s10 =	sadd.s32 s5, s10;
	s24 =	sand.u32 $0x1FFFFFF0, s21;
	s11 =	spop (v2sf)  }
0x27e: {  	[tilespmem:s12], [sflag:$0x2] =	stream.linear.gather [hbm4b:s10+s2], $0x80, $0x38;
	[tilespmem:$0x12000] =	vst v63  }
0x27f: {  	s8 =	sadd.s32 s5, s24;
	s9 =	sand.u32 $0x1FFFFFF0, s11;
	s12 =	spop (v2sf)  }
0x280: {  	[tilespmem:s7], [sflag:$0x2] =	stream.linear.gather [hbm4b:s8+s2], $0x80, $0x38;
	[tilespmem:$0x12000] =	vst v63  }
0x281: {  	s9 =	sadd.s32 s5, s9;
	s13 =	sand.u32 $0x1FFFFFF0, s12;
	s14 =	spop (v2sf)  }
0x282: {  	[tilespmem:s0], [sflag:$0x2] =	stream.linear.gather [hbm4b:s9+s2], $0x80, $0x38;
	[tilespmem:$0x12000] =	vst v63  }
0x283: {  	s15 =	sand.u32 $0x1FFFFFF0, s14;
	s16 =	spop (v2sf);
	s7 =	sadd.s32 s5, s13  }
0x284: {  	[tilespmem:s1], [sflag:$0x2] =	stream.linear.gather [hbm4b:s7+s2], $0x80, $0x38;
	[tilespmem:$0x12000] =	vst v63  }
0x285: {  	s18 =	sadd.s32 $0xA700, s28;
	s17 =	sand.u32 $0x1FFFFFF0, s16;
	s0 =	sadd.s32 s5, s15  }
0x286: {  	[tilespmem:s18], [sflag:$0x2] =	stream.linear.gather [hbm4b:s0+s2], $0x80, $0x38;
	[tilespmem:$0x12000] =	vst v63  }
0x287: {  	s19 =	sadd.s32 $0xA780, s28;
	s1 =	sadd.s32 s5, s17  }
0x288: {  	[tilespmem:s19], [sflag:$0x2] =	stream.linear.gather [hbm4b:s1+s2], $0x80, $0x38;
	[tilespmem:$0x12000] =	vst v63  }
0x289: {  	_ =	swait.ge [sflag:s20], $0x8000  }
0x28a: {  	[sflag:s20] =	ssyncset.done $0x0  }
0x28b: {  	s21 =	simm.s32 $0x0;
	s24 =	rddreg [dreg:$0x8];
	[sflag:s20] =	ssyncadd.s32 $0xFFFF8000  }
0x28c: {  	[hbm4b:s24+s21] =	stream.linear.scatter [tilespmem:s31], [sflag:$0x3], $0x8000, $0x38;
	[tilespmem:$0x12000] =	vst v63  }
0x28d: {  	_ =	swait.ge [sflag:s22], $0x8000  }
0x28e: {  	[sflag:s22] =	ssyncset.done $0x0  }
0x28f: {  	s29 =	simm.s32 $0x1000;
	[sflag:s22] =	ssyncadd.s32 $0xFFFF8000  }
0x290: {  	v0 =	vld [tilespmem:s29+$0x0];
	_ =	sdelay $0x4  }
0x291: {  	v0 =	vshll.u32 v0, $0x4  }
0x292: {  	(v2sf) =	vpush v0, $0x0  }
0x293: {  	(v2sf) =	vpush v0, $0x1  }
0x294: {  	(v2sf) =	vpush v0, $0x2;
	_ =	sdelay $0x1  }
0x295: {  	(v2sf) =	vpush v0, $0x4;
	_ =	sdelay $0x1  }
0x296: {  	(v2sf) =	vpush v0, $0x3  }
0x297: {  	(v2sf) =	vpush v0, $0x5  }
0x298: {  	s30 =	simm.s32 $0x2000;
	s28 =	simm.s32 $0x0;
	(v2sf) =	vpush v0, $0x6  }
.LBB2_14:
0x299: {  	p0 =	sne.s32 s30, $0x1E000  }
0x29a: {  	s13 =	sadd.s32 $0x2080, s28;
	s19 =	sadd.s32 $0x2580, s28;
	s0 =	smov.u32 s30  }
0x29b: {  	s30 =	sadd.s32 $0x2000, s30;
	s10 =	sadd.s32 $0x2380, s28;
	s1 =	sadd.s32 $0x2600, s28;
	(v2sf) =	vpush v0, $0x7  }
0x29c: {  	s12 =	sadd.s32 $0x2280, s28;
	s9 =	sadd.s32 $0x2400, s28;
	s7 =	sadd.s32 $0x2680, s28  }
0x29d: {  	s14 =	sadd.s32 $0x2000, s28;
	s15 =	sadd.s32 $0x2200, s28;
	(v2sf) =	vpush v0, $0x8  }
0x29e: {  	s16 =	sadd.s32 $0x2300, s28;
	s29 =	sadd.s32 $0x80, s29  }
0x29f: {  	s17 =	sadd.s32 $0x2100, s28;
	s8 =	sadd.s32 $0x2500, s28;
	s11 =	spop (v2sf);
	(v2sf) =	vpush v0, $0x9  }
0x2a0: {  	s18 =	sand.u32 $0x1FFFFFF0, s11;
	s11 =	sadd.s32 $0x2480, s28;
	s21 =	spop (v2sf)  }
0x2a1: {  	s18 =	sadd.s32 s6, s18;
	s21 =	sand.u32 $0x1FFFFFF0, s21;
	s24 =	spop (v2sf);
	(v2sf) =	vpush v0, $0xA  }
0x2a2: {  	[tilespmem:s14], [sflag:$0x1] =	stream.linear.gather [hbm4b:s18+s2], $0x80, $0x38;
	[tilespmem:$0x12000] =	vst v63  }
0x2a3: {  	s14 =	sadd.s32 s6, s21;
	s18 =	sadd.s32 $0x2180, s28;
	s21 =	spop (v2sf);
	(v2sf) =	vpush v0, $0xB  }
0x2a4: {  	[tilespmem:s13], [sflag:$0x1] =	stream.linear.gather [hbm4b:s14+s2], $0x80, $0x38;
	[tilespmem:$0x12000] =	vst v63  }
0x2a5: {  	s13 =	sand.u32 $0x1FFFFFF0, s24;
	s14 =	sand.u32 $0x1FFFFFF0, s21;
	s21 =	spop (v2sf);
	(v2sf) =	vpush v0, $0xC  }
0x2a6: {  	s13 =	sadd.s32 s6, s13;
	s21 =	sand.u32 $0x1FFFFFF0, s21;
	s24 =	spop (v2sf)  }
0x2a7: {  	[tilespmem:s17], [sflag:$0x1] =	stream.linear.gather [hbm4b:s13+s2], $0x80, $0x38;
	(v2sf) =	vpush v0, $0xD;
	[tilespmem:$0x12000] =	vst v63  }
0x2a8: {  	s13 =	sadd.s32 s6, s21;
	s17 =	sand.u32 $0x1FFFFFF0, s24;
	s21 =	spop (v2sf)  }
0x2a9: {  	[tilespmem:s18], [sflag:$0x1] =	stream.linear.gather [hbm4b:s13+s2], $0x80, $0x38;
	(v2sf) =	vpush v0, $0xE;
	[tilespmem:$0x12000] =	vst v63  }
0x2aa: {  	s13 =	sadd.s32 s6, s14;
	s14 =	sand.u32 $0x1FFFFFF0, s21;
	s18 =	spop (v2sf)  }
0x2ab: {  	[tilespmem:s15], [sflag:$0x1] =	stream.linear.gather [hbm4b:s13+s2], $0x80, $0x38;
	(v2sf) =	vpush v0, $0xF;
	[tilespmem:$0x12000] =	vst v63  }
0x2ac: {  	s13 =	sadd.s32 s6, s17;
	s15 =	sand.u32 $0x1FFFFFF0, s18;
	s17 =	spop (v2sf)  }
0x2ad: {  	[tilespmem:s12], [sflag:$0x1] =	stream.linear.gather [hbm4b:s13+s2], $0x80, $0x38;
	[tilespmem:$0x12000] =	vst v63  }
0x2ae: {  	s12 =	sadd.s32 s6, s14;
	s13 =	sand.u32 $0x1FFFFFF0, s17;
	s14 =	spop (v2sf)  }
0x2af: {  	[tilespmem:s16], [sflag:$0x1] =	stream.linear.gather [hbm4b:s12+s2], $0x80, $0x38;
	[tilespmem:$0x12000] =	vst v63  }
0x2b0: {  	s12 =	sadd.s32 s6, s15;
	s14 =	sand.u32 $0x1FFFFFF0, s14;
	s15 =	spop (v2sf)  }
0x2b1: {  	[tilespmem:s10], [sflag:$0x1] =	stream.linear.gather [hbm4b:s12+s2], $0x80, $0x38;
	[tilespmem:$0x12000] =	vst v63  }
0x2b2: {  	s10 =	sadd.s32 s6, s13;
	s12 =	sand.u32 $0x1FFFFFF0, s15;
	s13 =	spop (v2sf)  }
0x2b3: {  	[tilespmem:s9], [sflag:$0x1] =	stream.linear.gather [hbm4b:s10+s2], $0x80, $0x38;
	[tilespmem:$0x12000] =	vst v63  }
0x2b4: {  	s9 =	sadd.s32 s6, s14;
	s10 =	sand.u32 $0x1FFFFFF0, s13;
	s13 =	spop (v2sf)  }
0x2b5: {  	[tilespmem:s11], [sflag:$0x1] =	stream.linear.gather [hbm4b:s9+s2], $0x80, $0x38;
	[tilespmem:$0x12000] =	vst v63  }
0x2b6: {  	s9 =	sadd.s32 s6, s12;
	s11 =	sand.u32 $0x1FFFFFF0, s13;
	s12 =	spop (v2sf)  }
0x2b7: {  	[tilespmem:s8], [sflag:$0x1] =	stream.linear.gather [hbm4b:s9+s2], $0x80, $0x38;
	[tilespmem:$0x12000] =	vst v63  }
0x2b8: {  	s8 =	sadd.s32 s6, s10;
	s9 =	sand.u32 $0x1FFFFFF0, s12;
	s10 =	spop (v2sf)  }
0x2b9: {  	[tilespmem:s19], [sflag:$0x1] =	stream.linear.gather [hbm4b:s8+s2], $0x80, $0x38;
	[tilespmem:$0x12000] =	vst v63  }
0x2ba: {  	s8 =	sadd.s32 s6, s11;
	s10 =	sand.u32 $0x1FFFFFF0, s10;
	s11 =	spop (v2sf)  }
0x2bb: {  	[tilespmem:s1], [sflag:$0x1] =	stream.linear.gather [hbm4b:s8+s2], $0x80, $0x38;
	[tilespmem:$0x12000] =	vst v63  }
0x2bc: {  	s1 =	sadd.s32 s6, s9;
	s8 =	sand.u32 $0x1FFFFFF0, s11  }
0x2bd: {  	[tilespmem:s7], [sflag:$0x1] =	stream.linear.gather [hbm4b:s1+s2], $0x80, $0x38;
	[tilespmem:$0x12000] =	vst v63  }
0x2be: {  	s1 =	sadd.s32 $0x2700, s28;
	s7 =	sadd.s32 s6, s10  }
0x2bf: {  	[tilespmem:s1], [sflag:$0x1] =	stream.linear.gather [hbm4b:s7+s2], $0x80, $0x38;
	[tilespmem:$0x12000] =	vst v63  }
0x2c0: {  	s1 =	sadd.s32 $0x2780, s28;
	s7 =	sadd.s32 s6, s8  }
0x2c1: {  	[tilespmem:s1], [sflag:$0x1] =	stream.linear.gather [hbm4b:s7+s2], $0x80, $0x38;
	[tilespmem:$0x12000] =	vst v63  }
0x2c2: {  	v0 =	vld [tilespmem:s29+$0x0];
	_ =	sdelay $0x4  }
0x2c3: {  	v0 =	vshll.u32 v0, $0x4  }
0x2c4: {  	(v2sf) =	vpush v0, $0x0  }
0x2c5: {  	(v2sf) =	vpush v0, $0x1  }
0x2c6: {  	(v2sf) =	vpush v0, $0x2;
	_ =	sdelay $0x1  }
0x2c7: {  	(v2sf) =	vpush v0, $0x4  }
.Ltmp6:
0x2c8: {  	(pc) =	sbr.rel @p0 .LBB2_14-.Ltmp6, $3  }
0x2c9: {  	(v2sf) =	vpush v0, $0x3  }
0x2ca: {  	(v2sf) =	vpush v0, $0x5;
	_ =	sdelay $0x1  }
0x2cb: {  	s28 =	sshra.s32 s0, $0x2;
	(v2sf) =	vpush v0, $0x6  }
0x2cc: {  	_ =	sdelay $0x1  }
0x2cd: {  	s8 =	sadd.s32 $0x2080, s28;
	s7 =	sadd.s32 $0x2580, s28  }
0x2ce: {  	s9 =	sadd.s32 $0x2380, s28;
	s0 =	sadd.s32 $0x2600, s28;
	(v2sf) =	vpush v0, $0x7;
	s10 =	sadd.s32 $0x2280, s28  }
0x2cf: {  	s11 =	sadd.s32 $0x2400, s28;
	s1 =	sadd.s32 $0x2680, s28;
	s12 =	sadd.s32 $0x2000, s28  }
0x2d0: {  	s13 =	sadd.s32 $0x2200, s28;
	s14 =	sadd.s32 $0x2300, s28;
	(v2sf) =	vpush v0, $0x8;
	s15 =	spop (v2sf)  }
0x2d1: {  	s16 =	sadd.s32 $0x2100, s28;
	s15 =	sand.u32 $0x1FFFFFF0, s15;
	s17 =	spop (v2sf)  }
0x2d2: {  	(v2sf) =	vpush v0, $0x9;
	s15 =	sadd.s32 s6, s15;
	s17 =	sand.u32 $0x1FFFFFF0, s17;
	s18 =	spop (v2sf)  }
0x2d3: {  	[tilespmem:s12], [sflag:$0x1] =	stream.linear.gather [hbm4b:s15+s2], $0x80, $0x38;
	[tilespmem:$0x12000] =	vst v63  }
0x2d4: {  	s19 =	sadd.s32 $0x2180, s28;
	(v2sf) =	vpush v0, $0xA;
	s21 =	sadd.s32 s6, s17;
	s24 =	spop (v2sf)  }
0x2d5: {  	[tilespmem:s8], [sflag:$0x1] =	stream.linear.gather [hbm4b:s21+s2], $0x80, $0x38;
	[tilespmem:$0x12000] =	vst v63  }
0x2d6: {  	s12 =	sadd.s32 $0x2500, s28;
	s18 =	sand.u32 $0x1FFFFFF0, s18;
	(v2sf) =	vpush v0, $0xB;
	s21 =	spop (v2sf)  }
0x2d7: {  	s15 =	sadd.s32 s6, s18;
	s8 =	sadd.s32 $0x2480, s28;
	s18 =	sand.u32 $0x1FFFFFF0, s21  }
0x2d8: {  	(v2sf) =	vpush v0, $0xC;
	[tilespmem:s16], [sflag:$0x1] =	stream.linear.gather [hbm4b:s15+s2], $0x80, $0x38;
	[tilespmem:$0x12000] =	vst v63  }
0x2d9: {  	s15 =	sand.u32 $0x1FFFFFF0, s24;
	s24 =	spop (v2sf);
	s21 =	sadd.s32 s6, s18  }
0x2da: {  	(v2sf) =	vpush v0, $0xD;
	[tilespmem:s19], [sflag:$0x1] =	stream.linear.gather [hbm4b:s21+s2], $0x80, $0x38;
	[tilespmem:$0x12000] =	vst v63  }
0x2db: {  	s16 =	sand.u32 $0x1FFFFFF0, s24;
	s15 =	sadd.s32 s6, s15;
	s24 =	spop (v2sf)  }
0x2dc: {  	(v2sf) =	vpush v0, $0xE;
	[tilespmem:s13], [sflag:$0x1] =	stream.linear.gather [hbm4b:s15+s2], $0x80, $0x38;
	[tilespmem:$0x12000] =	vst v63  }
0x2dd: {  	s16 =	sadd.s32 s6, s16;
	s18 =	sand.u32 $0x1FFFFFF0, s24;
	s19 =	spop (v2sf)  }
0x2de: {  	(v2sf) =	vpush v0, $0xF;
	[tilespmem:s10], [sflag:$0x1] =	stream.linear.gather [hbm4b:s16+s2], $0x80, $0x38;
	[tilespmem:$0x12000] =	vst v63  }
0x2df: {  	s21 =	sand.u32 $0x1FFFFFF0, s19;
	s24 =	spop (v2sf);
	s13 =	sadd.s32 s6, s18  }
0x2e0: {  	[tilespmem:s14], [sflag:$0x1] =	stream.linear.gather [hbm4b:s13+s2], $0x80, $0x38;
	[tilespmem:$0x12000] =	vst v63  }
0x2e1: {  	s15 =	sand.u32 $0x1FFFFFF0, s24;
	s10 =	sadd.s32 s6, s21;
	s16 =	spop (v2sf)  }
0x2e2: {  	[tilespmem:s9], [sflag:$0x1] =	stream.linear.gather [hbm4b:s10+s2], $0x80, $0x38;
	[tilespmem:$0x12000] =	vst v63  }
0x2e3: {  	s13 =	sadd.s32 s6, s15;
	s17 =	sand.u32 $0x1FFFFFF0, s16;
	s18 =	spop (v2sf)  }
0x2e4: {  	[tilespmem:s11], [sflag:$0x1] =	stream.linear.gather [hbm4b:s13+s2], $0x80, $0x38;
	[tilespmem:$0x12000] =	vst v63  }
0x2e5: {  	s10 =	sand.u32 $0x1FFFFFF0, s18;
	s9 =	sadd.s32 s6, s17;
	s19 =	spop (v2sf)  }
0x2e6: {  	[tilespmem:s8], [sflag:$0x1] =	stream.linear.gather [hbm4b:s9+s2], $0x80, $0x38;
	[tilespmem:$0x12000] =	vst v63  }
0x2e7: {  	s10 =	sadd.s32 s6, s10;
	s21 =	sand.u32 $0x1FFFFFF0, s19;
	s24 =	spop (v2sf)  }
0x2e8: {  	[tilespmem:s12], [sflag:$0x1] =	stream.linear.gather [hbm4b:s10+s2], $0x80, $0x38;
	[tilespmem:$0x12000] =	vst v63  }
0x2e9: {  	s8 =	sadd.s32 s6, s21;
	s9 =	sand.u32 $0x1FFFFFF0, s24;
	s11 =	spop (v2sf)  }
0x2ea: {  	[tilespmem:s7], [sflag:$0x1] =	stream.linear.gather [hbm4b:s8+s2], $0x80, $0x38;
	[tilespmem:$0x12000] =	vst v63  }
0x2eb: {  	s12 =	sand.u32 $0x1FFFFFF0, s11;
	s9 =	sadd.s32 s6, s9;
	s13 =	spop (v2sf)  }
0x2ec: {  	[tilespmem:s0], [sflag:$0x1] =	stream.linear.gather [hbm4b:s9+s2], $0x80, $0x38;
	[tilespmem:$0x12000] =	vst v63  }
0x2ed: {  	s14 =	sand.u32 $0x1FFFFFF0, s13;
	s15 =	spop (v2sf);
	s7 =	sadd.s32 s6, s12  }
0x2ee: {  	[tilespmem:s1], [sflag:$0x1] =	stream.linear.gather [hbm4b:s7+s2], $0x80, $0x38;
	[tilespmem:$0x12000] =	vst v63  }
0x2ef: {  	s17 =	sadd.s32 $0x2700, s28;
	s16 =	sand.u32 $0x1FFFFFF0, s15;
	s0 =	sadd.s32 s6, s14  }
0x2f0: {  	[tilespmem:s17], [sflag:$0x1] =	stream.linear.gather [hbm4b:s0+s2], $0x80, $0x38;
	[tilespmem:$0x12000] =	vst v63  }
0x2f1: {  	s18 =	sadd.s32 $0x2780, s28;
	s1 =	sadd.s32 s6, s16  }
0x2f2: {  	[tilespmem:s18], [sflag:$0x1] =	stream.linear.gather [hbm4b:s1+s2], $0x80, $0x38;
	[tilespmem:$0x12000] =	vst v63  }
0x2f3: {  	_ =	swait.ge [sflag:s23], $0x8000  }
0x2f4: {  	s19 =	simm.s32 $0x0;
	[sflag:s23] =	ssyncset.done $0x0  }
0x2f5: {  	s24 =	simm.s32 $0xA000;
	s21 =	rddreg [dreg:$0x9];
	[sflag:s23] =	ssyncadd.s32 $0xFFFF8000  }
0x2f6: {  	[hbm4b:s21+s19] =	stream.linear.scatter [tilespmem:s24], [sflag:$0x4], $0x8000, $0x38;
	[tilespmem:$0x12000] =	vst v63  }
0x2f7: {  	_ =	swait.ge [sflag:s25], $0x8000  }
0x2f8: {  	[sflag:s25] =	ssyncset.done $0x0  }
0x2f9: {  	s29 =	simm.s32 $0x1800;
	[sflag:s25] =	ssyncadd.s32 $0xFFFF8000  }
0x2fa: {  	v0 =	vld [tilespmem:s29+$0x0];
	_ =	sdelay $0x4  }
0x2fb: {  	v0 =	vshll.u32 v0, $0x4  }
0x2fc: {  	(v2sf) =	vpush v0, $0x0  }
0x2fd: {  	(v2sf) =	vpush v0, $0x1  }
0x2fe: {  	(v2sf) =	vpush v0, $0x2;
	_ =	sdelay $0x1  }
0x2ff: {  	(v2sf) =	vpush v0, $0x4;
	_ =	sdelay $0x1  }
0x300: {  	(v2sf) =	vpush v0, $0x3  }
0x301: {  	(v2sf) =	vpush v0, $0x5  }
0x302: {  	s30 =	simm.s32 $0x2000;
	s28 =	simm.s32 $0x0;
	(v2sf) =	vpush v0, $0x6  }
.LBB2_16:
0x303: {  	p0 =	sne.s32 s30, $0x1E000  }
0x304: {  	s13 =	sadd.s32 $0xA080, s28;
	s19 =	sadd.s32 $0xA580, s28;
	s0 =	smov.u32 s30  }
0x305: {  	s30 =	sadd.s32 $0x2000, s30;
	s10 =	sadd.s32 $0xA380, s28;
	s1 =	sadd.s32 $0xA600, s28;
	(v2sf) =	vpush v0, $0x7  }
0x306: {  	s12 =	sadd.s32 $0xA280, s28;
	s9 =	sadd.s32 $0xA400, s28;
	s7 =	sadd.s32 $0xA680, s28  }
0x307: {  	s14 =	sadd.s32 $0xA000, s28;
	s15 =	sadd.s32 $0xA200, s28;
	(v2sf) =	vpush v0, $0x8  }
0x308: {  	s16 =	sadd.s32 $0xA300, s28;
	s29 =	sadd.s32 $0x80, s29  }
0x309: {  	s17 =	sadd.s32 $0xA100, s28;
	s8 =	sadd.s32 $0xA500, s28;
	s11 =	spop (v2sf);
	(v2sf) =	vpush v0, $0x9  }
0x30a: {  	s18 =	sand.u32 $0x1FFFFFF0, s11;
	s11 =	sadd.s32 $0xA480, s28;
	s21 =	spop (v2sf)  }
0x30b: {  	s18 =	sadd.s32 s6, s18;
	s21 =	sand.u32 $0x1FFFFFF0, s21;
	s24 =	spop (v2sf);
	(v2sf) =	vpush v0, $0xA  }
0x30c: {  	[tilespmem:s14], [sflag:$0x2] =	stream.linear.gather [hbm4b:s18+s2], $0x80, $0x38;
	[tilespmem:$0x12000] =	vst v63  }
0x30d: {  	s14 =	sadd.s32 s6, s21;
	s18 =	sadd.s32 $0xA180, s28;
	s21 =	spop (v2sf);
	(v2sf) =	vpush v0, $0xB  }
0x30e: {  	[tilespmem:s13], [sflag:$0x2] =	stream.linear.gather [hbm4b:s14+s2], $0x80, $0x38;
	[tilespmem:$0x12000] =	vst v63  }
0x30f: {  	s13 =	sand.u32 $0x1FFFFFF0, s24;
	s14 =	sand.u32 $0x1FFFFFF0, s21;
	s21 =	spop (v2sf);
	(v2sf) =	vpush v0, $0xC  }
0x310: {  	s13 =	sadd.s32 s6, s13;
	s21 =	sand.u32 $0x1FFFFFF0, s21;
	s24 =	spop (v2sf)  }
0x311: {  	[tilespmem:s17], [sflag:$0x2] =	stream.linear.gather [hbm4b:s13+s2], $0x80, $0x38;
	(v2sf) =	vpush v0, $0xD;
	[tilespmem:$0x12000] =	vst v63  }
0x312: {  	s13 =	sadd.s32 s6, s21;
	s17 =	sand.u32 $0x1FFFFFF0, s24;
	s21 =	spop (v2sf)  }
0x313: {  	[tilespmem:s18], [sflag:$0x2] =	stream.linear.gather [hbm4b:s13+s2], $0x80, $0x38;
	(v2sf) =	vpush v0, $0xE;
	[tilespmem:$0x12000] =	vst v63  }
0x314: {  	s13 =	sadd.s32 s6, s14;
	s14 =	sand.u32 $0x1FFFFFF0, s21;
	s18 =	spop (v2sf)  }
0x315: {  	[tilespmem:s15], [sflag:$0x2] =	stream.linear.gather [hbm4b:s13+s2], $0x80, $0x38;
	(v2sf) =	vpush v0, $0xF;
	[tilespmem:$0x12000] =	vst v63  }
0x316: {  	s13 =	sadd.s32 s6, s17;
	s15 =	sand.u32 $0x1FFFFFF0, s18;
	s17 =	spop (v2sf)  }
0x317: {  	[tilespmem:s12], [sflag:$0x2] =	stream.linear.gather [hbm4b:s13+s2], $0x80, $0x38;
	[tilespmem:$0x12000] =	vst v63  }
0x318: {  	s12 =	sadd.s32 s6, s14;
	s13 =	sand.u32 $0x1FFFFFF0, s17;
	s14 =	spop (v2sf)  }
0x319: {  	[tilespmem:s16], [sflag:$0x2] =	stream.linear.gather [hbm4b:s12+s2], $0x80, $0x38;
	[tilespmem:$0x12000] =	vst v63  }
0x31a: {  	s12 =	sadd.s32 s6, s15;
	s14 =	sand.u32 $0x1FFFFFF0, s14;
	s15 =	spop (v2sf)  }
0x31b: {  	[tilespmem:s10], [sflag:$0x2] =	stream.linear.gather [hbm4b:s12+s2], $0x80, $0x38;
	[tilespmem:$0x12000] =	vst v63  }
0x31c: {  	s10 =	sadd.s32 s6, s13;
	s12 =	sand.u32 $0x1FFFFFF0, s15;
	s13 =	spop (v2sf)  }
0x31d: {  	[tilespmem:s9], [sflag:$0x2] =	stream.linear.gather [hbm4b:s10+s2], $0x80, $0x38;
	[tilespmem:$0x12000] =	vst v63  }
0x31e: {  	s9 =	sadd.s32 s6, s14;
	s10 =	sand.u32 $0x1FFFFFF0, s13;
	s13 =	spop (v2sf)  }
0x31f: {  	[tilespmem:s11], [sflag:$0x2] =	stream.linear.gather [hbm4b:s9+s2], $0x80, $0x38;
	[tilespmem:$0x12000] =	vst v63  }
0x320: {  	s9 =	sadd.s32 s6, s12;
	s11 =	sand.u32 $0x1FFFFFF0, s13;
	s12 =	spop (v2sf)  }
0x321: {  	[tilespmem:s8], [sflag:$0x2] =	stream.linear.gather [hbm4b:s9+s2], $0x80, $0x38;
	[tilespmem:$0x12000] =	vst v63  }
0x322: {  	s8 =	sadd.s32 s6, s10;
	s9 =	sand.u32 $0x1FFFFFF0, s12;
	s10 =	spop (v2sf)  }
0x323: {  	[tilespmem:s19], [sflag:$0x2] =	stream.linear.gather [hbm4b:s8+s2], $0x80, $0x38;
	[tilespmem:$0x12000] =	vst v63  }
0x324: {  	s8 =	sadd.s32 s6, s11;
	s10 =	sand.u32 $0x1FFFFFF0, s10;
	s11 =	spop (v2sf)  }
0x325: {  	[tilespmem:s1], [sflag:$0x2] =	stream.linear.gather [hbm4b:s8+s2], $0x80, $0x38;
	[tilespmem:$0x12000] =	vst v63  }
0x326: {  	s1 =	sadd.s32 s6, s9;
	s8 =	sand.u32 $0x1FFFFFF0, s11  }
0x327: {  	[tilespmem:s7], [sflag:$0x2] =	stream.linear.gather [hbm4b:s1+s2], $0x80, $0x38;
	[tilespmem:$0x12000] =	vst v63  }
0x328: {  	s1 =	sadd.s32 $0xA700, s28;
	s7 =	sadd.s32 s6, s10  }
0x329: {  	[tilespmem:s1], [sflag:$0x2] =	stream.linear.gather [hbm4b:s7+s2], $0x80, $0x38;
	[tilespmem:$0x12000] =	vst v63  }
0x32a: {  	s1 =	sadd.s32 $0xA780, s28;
	s7 =	sadd.s32 s6, s8  }
0x32b: {  	[tilespmem:s1], [sflag:$0x2] =	stream.linear.gather [hbm4b:s7+s2], $0x80, $0x38;
	[tilespmem:$0x12000] =	vst v63  }
0x32c: {  	v0 =	vld [tilespmem:s29+$0x0];
	_ =	sdelay $0x4  }
0x32d: {  	v0 =	vshll.u32 v0, $0x4  }
0x32e: {  	(v2sf) =	vpush v0, $0x0  }
0x32f: {  	(v2sf) =	vpush v0, $0x1  }
0x330: {  	(v2sf) =	vpush v0, $0x2;
	_ =	sdelay $0x1  }
0x331: {  	(v2sf) =	vpush v0, $0x4  }
.Ltmp7:
0x332: {  	(pc) =	sbr.rel @p0 .LBB2_16-.Ltmp7, $3  }
0x333: {  	(v2sf) =	vpush v0, $0x3  }
0x334: {  	(v2sf) =	vpush v0, $0x5;
	_ =	sdelay $0x1  }
0x335: {  	s28 =	sshra.s32 s0, $0x2;
	(v2sf) =	vpush v0, $0x6  }
0x336: {  	_ =	sdelay $0x5  }
0x337: {  	s0 =	spop (v2sf)  }
0x338: {  	s1 =	spop (v2sf)  }
0x339: {  	s10 =	spop (v2sf)  }
0x33a: {  	s13 =	spop (v2sf);
	(v2sf) =	vpush v0, $0x7  }
0x33b: {  	s0 =	sand.u32 $0x1FFFFFF0, s0  }
0x33c: {  	s7 =	sadd.s32 $0xA000, s28;
	s0 =	sadd.s32 s6, s0  }
0x33d: {  	[tilespmem:s7], [sflag:$0x2] =	stream.linear.gather [hbm4b:s0+s2], $0x80, $0x38;
	[tilespmem:$0x12000] =	vst v63  }
0x33e: {  	s1 =	sand.u32 $0x1FFFFFF0, s1;
	s14 =	spop (v2sf);
	(v2sf) =	vpush v0, $0x8  }
0x33f: {  	s9 =	sadd.s32 $0xA080, s28;
	s1 =	sadd.s32 s6, s1  }
0x340: {  	[tilespmem:s9], [sflag:$0x2] =	stream.linear.gather [hbm4b:s1+s2], $0x80, $0x38;
	[tilespmem:$0x12000] =	vst v63  }
0x341: {  	s11 =	sand.u32 $0x1FFFFFF0, s10;
	s18 =	spop (v2sf);
	(v2sf) =	vpush v0, $0x9  }
0x342: {  	s12 =	sadd.s32 $0xA100, s28;
	s0 =	sadd.s32 s6, s11  }
0x343: {  	[tilespmem:s12], [sflag:$0x2] =	stream.linear.gather [hbm4b:s0+s2], $0x80, $0x38;
	[tilespmem:$0x12000] =	vst v63  }
0x344: {  	s0 =	sand.u32 $0x1FFFFFF0, s14;
	s21 =	spop (v2sf);
	(v2sf) =	vpush v0, $0xA  }
0x345: {  	s15 =	sadd.s32 $0xA180, s28;
	s16 =	sand.u32 $0x1FFFFFF0, s13;
	s0 =	sadd.s32 s6, s0  }
0x346: {  	[tilespmem:s15], [sflag:$0x2] =	stream.linear.gather [hbm4b:s0+s2], $0x80, $0x38;
	[tilespmem:$0x12000] =	vst v63  }
0x347: {  	s17 =	sadd.s32 $0xA200, s28;
	s0 =	sadd.s32 s6, s16  }
0x348: {  	[tilespmem:s17], [sflag:$0x2] =	stream.linear.gather [hbm4b:s0+s2], $0x80, $0x38;
	[tilespmem:$0x12000] =	vst v63  }
0x349: {  	s0 =	sand.u32 $0x1FFFFFF0, s18;
	s29 =	spop (v2sf);
	(v2sf) =	vpush v0, $0xB  }
0x34a: {  	s19 =	sadd.s32 $0xA280, s28;
	s0 =	sadd.s32 s6, s0  }
0x34b: {  	[tilespmem:s19], [sflag:$0x2] =	stream.linear.gather [hbm4b:s0+s2], $0x80, $0x38;
	[tilespmem:$0x12000] =	vst v63  }
0x34c: {  	s0 =	sand.u32 $0x1FFFFFF0, s21  }
0x34d: {  	s24 =	sadd.s32 $0xA300, s28;
	s0 =	sadd.s32 s6, s0;
	s1 =	spop (v2sf);
	(v2sf) =	vpush v0, $0xC  }
0x34e: {  	[tilespmem:s24], [sflag:$0x2] =	stream.linear.gather [hbm4b:s0+s2], $0x80, $0x38;
	[tilespmem:$0x12000] =	vst v63  }
0x34f: {  	s0 =	sand.u32 $0x1FFFFFF0, s29  }
0x350: {  	s30 =	sadd.s32 $0xA380, s28;
	s0 =	sadd.s32 s6, s0;
	s8 =	spop (v2sf);
	(v2sf) =	vpush v0, $0xD  }
0x351: {  	[tilespmem:s30], [sflag:$0x2] =	stream.linear.gather [hbm4b:s0+s2], $0x80, $0x38;
	[tilespmem:$0x12000] =	vst v63  }
0x352: {  	s0 =	sand.u32 $0x1FFFFFF0, s1  }
0x353: {  	s7 =	sadd.s32 $0xA400, s28;
	s0 =	sadd.s32 s6, s0;
	s10 =	spop (v2sf);
	(v2sf) =	vpush v0, $0xE  }
0x354: {  	[tilespmem:s7], [sflag:$0x2] =	stream.linear.gather [hbm4b:s0+s2], $0x80, $0x38;
	[tilespmem:$0x12000] =	vst v63  }
0x355: {  	s0 =	sand.u32 $0x1FFFFFF0, s8  }
0x356: {  	s9 =	sadd.s32 $0xA480, s28;
	s0 =	sadd.s32 s6, s0  }
0x357: {  	[tilespmem:s9], [sflag:$0x2] =	stream.linear.gather [hbm4b:s0+s2], $0x80, $0x38;
	[tilespmem:$0x12000] =	vst v63  }
0x358: {  	s0 =	sand.u32 $0x1FFFFFF0, s10;
	s12 =	spop (v2sf);
	(v2sf) =	vpush v0, $0xF  }
0x359: {  	s11 =	sadd.s32 $0xA500, s28;
	s0 =	sadd.s32 s6, s0  }
0x35a: {  	[tilespmem:s11], [sflag:$0x2] =	stream.linear.gather [hbm4b:s0+s2], $0x80, $0x38;
	[tilespmem:$0x12000] =	vst v63  }
0x35b: {  	s0 =	sand.u32 $0x1FFFFFF0, s12  }
0x35c: {  	s13 =	sadd.s32 $0xA580, s28;
	s0 =	sadd.s32 s6, s0;
	s14 =	spop (v2sf)  }
0x35d: {  	[tilespmem:s13], [sflag:$0x2] =	stream.linear.gather [hbm4b:s0+s2], $0x80, $0x38;
	[tilespmem:$0x12000] =	vst v63  }
0x35e: {  	s0 =	sand.u32 $0x1FFFFFF0, s14  }
0x35f: {  	s15 =	sadd.s32 $0xA600, s28;
	s16 =	spop (v2sf);
	s0 =	sadd.s32 s6, s0  }
0x360: {  	[tilespmem:s15], [sflag:$0x2] =	stream.linear.gather [hbm4b:s0+s2], $0x80, $0x38;
	[tilespmem:$0x12000] =	vst v63  }
0x361: {  	s0 =	sand.u32 $0x1FFFFFF0, s16  }
0x362: {  	s17 =	sadd.s32 $0xA680, s28;
	s18 =	spop (v2sf);
	s0 =	sadd.s32 s6, s0  }
0x363: {  	[tilespmem:s17], [sflag:$0x2] =	stream.linear.gather [hbm4b:s0+s2], $0x80, $0x38;
	[tilespmem:$0x12000] =	vst v63  }
0x364: {  	s0 =	sand.u32 $0x1FFFFFF0, s18  }
0x365: {  	s19 =	sadd.s32 $0xA700, s28;
	s0 =	sadd.s32 s6, s0  }
0x366: {  	[tilespmem:s19], [sflag:$0x2] =	stream.linear.gather [hbm4b:s0+s2], $0x80, $0x38;
	[tilespmem:$0x12000] =	vst v63  }
0x367: {  	s21 =	spop (v2sf)  }
0x368: {  	s0 =	sand.u32 $0x1FFFFFF0, s21  }
0x369: {  	s24 =	sadd.s32 $0xA780, s28;
	s0 =	sadd.s32 s6, s0  }
0x36a: {  	[tilespmem:s24], [sflag:$0x2] =	stream.linear.gather [hbm4b:s0+s2], $0x80, $0x38;
	[tilespmem:$0x12000] =	vst v63  }
0x36b: {  	_ =	swait.ge [sflag:s20], $0x8000  }
0x36c: {  	[sflag:s20] =	ssyncset.done $0x0  }
0x36d: {  	s28 =	rddreg [dreg:$0xa];
	[sflag:s20] =	ssyncadd.s32 $0xFFFF8000  }
0x36e: {  	[hbm4b:s28+s2] =	stream.linear.scatter [tilespmem:s31], [sflag:$0x3], $0x8000, $0x38;
	[tilespmem:$0x12000] =	vst v63  }
0x36f: {  	_ =	swait.ge [sflag:s23], $0x8000  }
0x370: {  	[sflag:s23] =	ssyncset.done $0x0  }
0x371: {  	s30 =	simm.s32 $0xA000;
	s29 =	rddreg [dreg:$0xb];
	[sflag:s23] =	ssyncadd.s32 $0xFFFF8000  }
0x372: {  	[hbm4b:s29+s2] =	stream.linear.scatter [tilespmem:s30], [sflag:$0x4], $0x8000, $0x38;
	[tilespmem:$0x12000] =	vst v63  }
0x373: {  	_ =	swait.ge [sflag:s25], $0x8000  }
0x374: {  	[sflag:s25] =	ssyncset.done $0x0  }
0x375: {  	[sflag:s25] =	ssyncadd.s32 $0xFFFF8000  }
0x376: {  	_ =	swait.ge [sflag:s22], $0x8000  }
0x377: {  	s26 =	sadd.s32 $0x1, s26;
	s31 =	rddreg [dreg:$0xc]  }
0x378: {  	p0 =	sne.s32 s26, s31  }
.Ltmp8:
0x379: {  	_ = 	snop;
	(pc) =	sbr.rel @p0 .LBB2_1-.Ltmp8, $3  }
0x37a: {  	_ =	sdelay $0x1  }
0x37b: {  	[sflag:s22] =	ssyncset.done $0x0  }
0x37c: {  	[sflag:s22] =	ssyncadd.s32 $0xFFFF8000  }
0x37d: {  	_ =	sfence.sel $0x180000  }
0x37e: {  	[bflag:$0x0] =	sbarrier.arrive $0xFFFF  }
0x37f: {  	_ =	strace $0x90000047  }
0x380: {  	s0 =	stileid.u32;
	[bflag:$0x2] =	sbarrier.arrive $0xFFFF  }
0x381: {  	p0 =	sne.s32 s0, $0x0;
	s0 =	rddreg [dreg:$0x1]  }
0x382: {  	s0 =	sadd.s32 @!p0 $0x100000, s0  }
0x383: {  	[sflag:s0] =	ssyncadd.tile.s32 @!p0 $0x1;
	_ =	shalt  }
.Lfunc_end2:
_tile_overlayer_lowered:
.L_overlay_start_2:
0x384: {  	(tag) =	ssettag $0x2  }
0x385: {  	s0 =	rddreg [dreg:$0x0];
	s2 =	stileid.u32  }
0x386: {  	s1 =	rddreg [dreg:$0x1];
	p0 =	sne.s32 s2, $0x0  }
0x387: {  	s3 =	rddreg [dreg:$0x2];
	[bflag:$0x3] =	sbarrier.arrive $0xFFFF;
	s2 =	simm.s32 @!p0 $0x1C05  }
0x388: {  	[timem:s3], [sflag:s2] =	dma.local @!p0 [hbm:s0], s1  }
0x389: {  	s0 =	simm.s32 @!p0 $0x5  }
0x38a: {  	_ =	swait.ge @!p0 [sflag:s0], s1  }
0x38b: {  	s1 =	ssub.s32 @!p0 $0x0, s1;
	[sflag:s0] =	ssyncset.done @!p0 $0x0  }
0x38c: {  	[sflag:s0] =	ssyncadd.s32 @!p0 s1  }
0x38d: {  	[bflag:$0x3] =	sbarrier.arrive $0xFFFF  }
0x38e: {  	_ =	shalt  }

</sc_bundles>
